<compile_context>
chip_gen: v7x
topology: tpu7x:2x2x1
jax: 0.10.2.dev20260603
libtpu: 0.0.44.dev20260713+nightly
codegen_flags: <defaults>
</compile_context>

<pallas_src>
import functools

import jax
import jax.numpy as jnp
from jax import lax
from jax.experimental import pallas as pl
from jax.experimental.pallas import tpu as pltpu
from jax.experimental.pallas import tpu_sc as plsc

N = 10000
E = 320000
F = 128
NP = 10240
NW = 32
CPW = F // NW
EW = E // NW
CHA = 2000
CHB = 8000
BN = 2048



def _tc_pre_body(prev_ref, wt_ref, at_ref, wst_ref, h_ref, a_ref, s_ref):
    p = prev_ref[...]
    h = jnp.dot(wt_ref[...], p, preferred_element_type=jnp.float32)
    h_ref[...] = h
    a_ref[...] = jnp.dot(at_ref[...], h, preferred_element_type=jnp.float32)
    s_ref[...] = jnp.dot(wst_ref[...], p, preferred_element_type=jnp.float32)


def _tc_pre(prevT, WT, AsadT, WsT):
    return pl.pallas_call(
        _tc_pre_body,
        grid=(NP // BN,),
        in_specs=[pl.BlockSpec((F, BN), lambda j: (0, j)),
                  pl.BlockSpec((F, F), lambda j: (0, 0)),
                  pl.BlockSpec((8, F), lambda j: (0, 0)),
                  pl.BlockSpec((F, F), lambda j: (0, 0))],
        out_specs=[pl.BlockSpec((F, BN), lambda j: (0, j)),
                   pl.BlockSpec((8, BN), lambda j: (0, j)),
                   pl.BlockSpec((F, BN), lambda j: (0, j))],
        out_shape=[jax.ShapeDtypeStruct((F, NP), jnp.float32),
                   jax.ShapeDtypeStruct((8, NP), jnp.float32),
                   jax.ShapeDtypeStruct((F, NP), jnp.float32)],
    )(prevT, WT, AsadT, WsT)


def _tc_fin_body(raw_ref, den_ref, skip_ref, b_ref, r_ref, o_ref, *, act):
    den = jnp.dot(r_ref[...], den_ref[...], preferred_element_type=jnp.float32)
    v = raw_ref[...] / (den + 1e-16) + b_ref[...] + skip_ref[...]
    if act == "relu":
        o_ref[...] = jnp.maximum(v, 0.0)
    else:
        o_ref[...] = 1.0 / (1.0 + jnp.exp(-v))


def _tc_fin(rawT, den8, skipT, b2, R, act):
    return pl.pallas_call(
        functools.partial(_tc_fin_body, act=act),
        grid=(NP // BN,),
        in_specs=[pl.BlockSpec((F, BN), lambda j: (0, j)),
                  pl.BlockSpec((8, BN), lambda j: (0, j)),
                  pl.BlockSpec((F, BN), lambda j: (0, j)),
                  pl.BlockSpec((F, 1), lambda j: (0, 0)),
                  pl.BlockSpec((F, 8), lambda j: (0, 0))],
        out_specs=pl.BlockSpec((F, BN), lambda j: (0, j)),
        out_shape=jax.ShapeDtypeStruct((F, NP), jnp.float32),
    )(rawT, den8, skipT, b2, R)



def _sc_phase_a(asad_flat, srcv, dstv, hd_n):
    mesh = plsc.VectorSubcoreMesh(core_axis_name="c", subcore_axis_name="s")

    @functools.partial(
        pl.kernel,
        out_type=jax.ShapeDtypeStruct((hd_n * E,), jnp.float32),
        mesh=mesh,
        compiler_params=pltpu.CompilerParams(needs_layout_passes=False),
        scratch_types=[
            pltpu.VMEM((2 * hd_n * NP,), jnp.float32),
            pltpu.VMEM((CHA,), jnp.int32),
            pltpu.VMEM((CHA,), jnp.int32),
            pltpu.VMEM((hd_n * CHA,), jnp.float32),
        ],
    )
    def ka(asad_hbm, src_hbm, dst_hbm, ex_hbm, tabs, srcb, dstb, exb):
        wid = lax.axis_index("s") * 2 + lax.axis_index("c")
        base = wid * EW
        pltpu.sync_copy(asad_hbm.at[pl.ds(0, hd_n * NP)],
                        tabs.at[pl.ds(0, hd_n * NP)])
        pltpu.sync_copy(asad_hbm.at[pl.ds(4 * NP, hd_n * NP)],
                        tabs.at[pl.ds(hd_n * NP, hd_n * NP)])

        def chunk(ci, carry):
            cb = base + ci * CHA
            pltpu.sync_copy(src_hbm.at[pl.ds(cb, CHA)], srcb)
            pltpu.sync_copy(dst_hbm.at[pl.ds(cb, CHA)], dstb)

            def batch(j, c2):
                s16 = srcb[pl.ds(j * 16, 16)]
                d16 = dstb[pl.ds(j * 16, 16)]
                for hd in range(hd_n):
                    av = plsc.load_gather(tabs, [s16 + hd * NP])
                    dv = plsc.load_gather(tabs, [d16 + (hd_n + hd) * NP])
                    a = av + dv
                    a = jnp.where(a >= 0.0, a, a * 0.2)
                    exb[pl.ds(hd * CHA + j * 16, 16)] = jnp.exp(a)
                return c2

            lax.fori_loop(0, CHA // 16, batch, 0)
            for hd in range(hd_n):
                pltpu.sync_copy(exb.at[pl.ds(hd * CHA, CHA)],
                                ex_hbm.at[pl.ds(hd * E + cb, CHA)])
            return carry

        lax.fori_loop(0, EW // CHA, chunk, 0)

    return ka(asad_flat, srcv, dstv)


def _sc_phase_b(h_flat, srcv, dstv, ex_flat, hd_n):
    mesh = plsc.VectorSubcoreMesh(core_axis_name="c", subcore_axis_name="s")
    wper = NW // hd_n

    @functools.partial(
        pl.kernel,
        out_type=(jax.ShapeDtypeStruct((F * NP,), jnp.float32),
                  jax.ShapeDtypeStruct((hd_n * NP,), jnp.float32)),
        mesh=mesh,
        compiler_params=pltpu.CompilerParams(needs_layout_passes=False),
        scratch_types=[
            pltpu.VMEM((CPW * NP,), jnp.float32),
            pltpu.VMEM((CPW * NP,), jnp.float32),
            pltpu.VMEM((NP,), jnp.float32),
            pltpu.VMEM((CHB,), jnp.int32),
            pltpu.VMEM((CHB,), jnp.int32),
            pltpu.VMEM((CHB,), jnp.float32),
        ],
    )
    def kb(h_hbm, src_hbm, dst_hbm, ex_hbm, out_hbm, den_hbm,
           hrows, orows, denrow, srcb, dstb, exb):
        wid = lax.axis_index("s") * 2 + lax.axis_index("c")
        hd = wid // wper
        c0 = wid * CPW
        is_den = (wid % wper) == 0
        pltpu.sync_copy(h_hbm.at[pl.ds(c0 * NP, CPW * NP)], hrows)

        def z(i, c):
            zz = jnp.zeros((16,), jnp.float32)
            orows[pl.ds(i * 16, 16)] = zz
            return c

        lax.fori_loop(0, CPW * NP // 16, z, 0)

        def zd(i, c):
            denrow[pl.ds(i * 16, 16)] = jnp.zeros((16,), jnp.float32)
            return c

        lax.fori_loop(0, NP // 16, zd, 0)

        def chunk(ci, carry):
            cb = ci * CHB
            pltpu.sync_copy(src_hbm.at[pl.ds(cb, CHB)], srcb)
            pltpu.sync_copy(dst_hbm.at[pl.ds(cb, CHB)], dstb)
            pltpu.sync_copy(ex_hbm.at[pl.ds(hd * E + cb, CHB)], exb)

            def batch(j, c2):
                for u in range(4):
                    off = j * 64 + u * 16
                    s16 = srcb[pl.ds(off, 16)]
                    d16 = dstb[pl.ds(off, 16)]
                    ev = exb[pl.ds(off, 16)]
                    for cc in range(CPW):
                        hv = plsc.load_gather(hrows, [s16 + cc * NP])
                        plsc.addupdate_scatter(orows, [d16 + cc * NP], hv * ev)

                    @pl.when(is_den)
                    def _():
                        plsc.addupdate_scatter(denrow, [d16], ev)
                return c2

            lax.fori_loop(0, CHB // 64, batch, 0)
            return carry

        lax.fori_loop(0, E // CHB, chunk, 0)
        pltpu.sync_copy(orows, out_hbm.at[pl.ds(c0 * NP, CPW * NP)])

        @pl.when(is_den)
        def _():
            pltpu.sync_copy(denrow, den_hbm.at[pl.ds(hd * NP, NP)])

    return kb(h_flat, srcv, dstv, ex_flat)



def _asad(a_src, a_dst):
    hd_n, c = a_src.shape
    A = jnp.zeros((F, 8), jnp.float32)
    for hd in range(hd_n):
        A = A.at[hd * c:(hd + 1) * c, hd].set(a_src[hd])
        A = A.at[hd * c:(hd + 1) * c, 4 + hd].set(a_dst[hd])
    return A.T


def _layer(prevT, srcv, dstv, W, a_src, a_dst, b, Wskip, bskip, act):
    hd_n = a_src.shape[0]
    hT, asadT, skipT = _tc_pre(prevT, W.T, _asad(a_src, a_dst), Wskip.T)
    ex_flat = _sc_phase_a(asadT.reshape(-1), srcv, dstv, hd_n)
    out_flat, den_flat = _sc_phase_b(hT.reshape(-1), srcv, dstv, ex_flat, hd_n)
    outT = out_flat.reshape(F, NP)
    denT = den_flat.reshape(hd_n, NP)
    den8 = jnp.zeros((8, NP), jnp.float32).at[:hd_n].set(denT)
    R = (jnp.arange(8)[None, :] ==
         (jnp.arange(F)[:, None] * hd_n // F)).astype(jnp.float32)
    b2 = (b + bskip)[:, None]
    return _tc_fin(outT, den8, skipT, b2, R, act)


def kernel(x, edge_index, batch, w_conv1, att_src1, att_dst1, b_conv1,
           w_skip1, b_skip1, w_conv2, att_src2, att_dst2, b_conv2,
           w_skip2, b_skip2, w_conv3, att_src3, att_dst3, b_conv3,
           w_skip3, b_skip3):
    srcv = edge_index[0]
    dstv = edge_index[1]
    xT = jnp.zeros((F, NP), jnp.float32).at[:, :N].set(x.T)
    h1 = _layer(xT, srcv, dstv, w_conv1, att_src1, att_dst1, b_conv1,
                w_skip1, b_skip1, "relu")
    h2 = _layer(h1, srcv, dstv, w_conv2, att_src2, att_dst2, b_conv2,
                w_skip2, b_skip2, "relu")
    h3 = _layer(h2, srcv, dstv, w_conv3, att_src3, att_dst3, b_conv3,
                w_skip3, b_skip3, "sigmoid")
    return h3[:, :N].T

# --- scband reference (transcript-rebuilt; emitter-appended) ---
"""Pipeline reference for scband-gatconv-net-35716948034093 (READ-ONLY COPY).

The authoritative reference and input builder live on the scoring server;
editing this copy changes nothing except your own understanding.
"""

import jax, jax.numpy as jnp
import numpy as np

N = 10000
E = 320000
D = 128
H = 4
C = 32
HC = H * C
OUT = 128


def _init(key, shape, scale=0.1):
    return jax.random.normal(key, shape, dtype=jnp.float32) * scale


def setup_inputs(seed: int = 0):
    key = jax.random.key(seed)
    ks = jax.random.split(key, 32)
    inp = {}
    inp["x"] = jax.random.normal(ks[0], (N, D), dtype=jnp.float32)
    inp["edge_index"] = jax.random.randint(ks[1], (2, E), 0, N, dtype=jnp.int32)
    inp["batch"] = jnp.zeros((N,), dtype=jnp.int32)
    inp["w_conv1"] = _init(ks[2], (D, HC))
    inp["att_src1"] = _init(ks[3], (H, C))
    inp["att_dst1"] = _init(ks[4], (H, C))
    inp["b_conv1"] = jnp.zeros((HC,), dtype=jnp.float32)
    inp["w_skip1"] = _init(ks[5], (D, HC))
    inp["b_skip1"] = jnp.zeros((HC,), dtype=jnp.float32)
    inp["w_conv2"] = _init(ks[6], (HC, HC))
    inp["att_src2"] = _init(ks[7], (H, C))
    inp["att_dst2"] = _init(ks[8], (H, C))
    inp["b_conv2"] = jnp.zeros((HC,), dtype=jnp.float32)
    inp["w_skip2"] = _init(ks[9], (HC, HC))
    inp["b_skip2"] = jnp.zeros((HC,), dtype=jnp.float32)
    inp["w_conv3"] = _init(ks[10], (HC, OUT))
    inp["att_src3"] = _init(ks[11], (1, OUT))
    inp["att_dst3"] = _init(ks[12], (1, OUT))
    inp["b_conv3"] = jnp.zeros((OUT,), dtype=jnp.float32)
    inp["w_skip3"] = _init(ks[13], (HC, OUT))
    inp["b_skip3"] = jnp.zeros((OUT,), dtype=jnp.float32)
    return inp


def _gat_conv(x, src, dst, W, a_src, a_dst, b, heads, ch, concat):
    # Faithful PyG GATConv: lin -> per-head attention logits -> leaky_relu ->
    # segment softmax over destination nodes -> weighted scatter-add of messages.
    n = x.shape[0]
    h = (x @ W).reshape(n, heads, ch)
    alpha_src = (h * a_src[None, :, :]).sum(-1)  # [N, H]
    alpha_dst = (h * a_dst[None, :, :]).sum(-1)  # [N, H]
    alpha = alpha_src[src] + alpha_dst[dst]      # gather: [E, H]
    alpha = jax.nn.leaky_relu(alpha, negative_slope=0.2)
    amax = jax.ops.segment_max(alpha, dst, num_segments=n)
    amax = jnp.where(jnp.isfinite(amax), amax, 0.0)
    ex = jnp.exp(alpha - amax[dst])
    denom = jax.ops.segment_sum(ex, dst, num_segments=n)
    coef = ex / (denom[dst] + 1e-16)
    msg = h[src] * coef[:, :, None]              # gather + weight: [E, H, C]
    out = jax.ops.segment_sum(msg, dst, num_segments=n)  # scatter-add
    if concat:
        out = out.reshape(n, heads * ch)
    else:
        out = out.mean(axis=1)
    return out + b


def reference(x, edge_index, batch, w_conv1, att_src1, att_dst1, b_conv1,
              w_skip1, b_skip1, w_conv2, att_src2, att_dst2, b_conv2,
              w_skip2, b_skip2, w_conv3, att_src3, att_dst3, b_conv3,
              w_skip3, b_skip3):
    src = edge_index[0]
    dst = edge_index[1]
    # layer 1 (4 heads, concat) + skip, relu (dropout is identity in eval)
    h = _gat_conv(x, src, dst, w_conv1, att_src1, att_dst1, b_conv1, H, C, True)
    h = jax.nn.relu(h + (x @ w_skip1 + b_skip1))
    # layer 2 (4 heads, concat) + skip, relu
    h2 = _gat_conv(h, src, dst, w_conv2, att_src2, att_dst2, b_conv2, H, C, True)
    h2 = jax.nn.relu(h2 + (h @ w_skip2 + b_skip2))
    # layer 3 (1 head, no concat -> mean) + skip, sigmoid
    out = _gat_conv(h2, src, dst, w_conv3, att_src3, att_dst3, b_conv3, 1, OUT, False)
    out = out + (h2 @ w_skip3 + b_skip3)
    return jax.nn.sigmoid(out)

if __name__ == "__main__":
    import jax
    _d = setup_inputs()
    print(jax.jit(kernel)(*tuple(_d.values())))

</pallas_src>

<mosaic_0001>
#map = affine_map<(d0, d1) -> (0)>
module attributes {stable_mosaic.version = 14 : i64} {
  func.func @kb(%arg0: i32, %arg1: i32, %arg2: memref<1310720xf32, #tpu.memory_space<hbm>>, %arg3: memref<320000xi32, #tpu.memory_space<hbm>>, %arg4: memref<320000xi32, #tpu.memory_space<hbm>>, %arg5: memref<1280000xf32, #tpu.memory_space<hbm>>, %arg6: memref<1310720xf32, #tpu.memory_space<hbm>>, %arg7: memref<40960xf32, #tpu.memory_space<hbm>>, %arg8: memref<40960xf32, #tpu.memory_space<vmem>>, %arg9: memref<40960xf32, #tpu.memory_space<vmem>>, %arg10: memref<10240xf32, #tpu.memory_space<vmem>>, %arg11: memref<8000xi32, #tpu.memory_space<vmem>>, %arg12: memref<8000xi32, #tpu.memory_space<vmem>>, %arg13: memref<8000xf32, #tpu.memory_space<vmem>>) attributes {dimension_semantics = [#tpu.dimension_semantics<core_parallel>, #tpu.dimension_semantics<subcore_parallel>], iteration_bounds = array<i64: 2, 16>, scalar_prefetch = 0 : i64, scratch_operands = 6 : i64, tpu.core_type = #tpu.core_type<sc_vector_subcore>, window_params = [{transform_indices = #map}, {transform_indices = #map}, {transform_indices = #map}, {transform_indices = #map}, {transform_indices = #map}, {transform_indices = #map}]} {
    %mul3A = arith.constant 2 : i32
    %mul3A_0 = arith.muli %arg1, %mul3A : i32
    %add3A = arith.addi %mul3A_0, %arg0 : i32
    %jit3A = arith.constant 8 : i32
    %div3A = arith.divsi %add3A, %jit3A : i32
    %sign3A = arith.constant 0 : i32
    %sign3A_1 = arith.cmpi sgt, %add3A, %sign3A : i32
    %sign3A_2 = arith.extui %sign3A_1 : i1 to i32
    %sign3A_3 = arith.constant 0 : i32
    %sign3A_4 = arith.cmpi slt, %add3A, %sign3A_3 : i32
    %sign3A_5 = arith.extui %sign3A_4 : i1 to i32
    %sign3A_6 = arith.subi %sign3A_2, %sign3A_5 : i32
    %sign3A_7 = arith.constant 0 : i32
    %sign3A_8 = arith.cmpi sgt, %jit3A, %sign3A_7 : i32
    %sign3A_9 = arith.extui %sign3A_8 : i1 to i32
    %sign3A_10 = arith.constant 0 : i32
    %sign3A_11 = arith.cmpi slt, %jit3A, %sign3A_10 : i32
    %sign3A_12 = arith.extui %sign3A_11 : i1 to i32
    %sign3A_13 = arith.subi %sign3A_9, %sign3A_12 : i32
    %ne3A = arith.cmpi ne, %sign3A_6, %sign3A_13 : i32
    %rem3A = arith.remsi %add3A, %jit3A : i32
    %ne3A_14 = arith.constant 0 : i32
    %ne3A_15 = arith.cmpi ne, %rem3A, %ne3A_14 : i32
    %and3A = arith.andi %ne3A, %ne3A_15 : i1
    %sub3A = arith.constant 1 : i32
    %sub3A_16 = arith.subi %div3A, %sub3A : i32
    %select_n3A = arith.select %and3A, %sub3A_16, %div3A : i32
    %mul3A_17 = arith.constant 4 : i32
    %mul3A_18 = arith.muli %add3A, %mul3A_17 : i32
    %jit3A_19 = arith.constant 8 : i32
    %eq3A = arith.constant 0 : i32
    %eq3A_20 = arith.cmpi eq, %jit3A_19, %eq3A : i32
    %jit3A_21 = arith.constant 1 : i32
    %select_n3A_22 = arith.select %eq3A_20, %jit3A_21, %jit3A_19 : i32
    %rem3A_23 = arith.remsi %add3A, %select_n3A_22 : i32
    %ne3A_24 = arith.constant 0 : i32
    %ne3A_25 = arith.cmpi ne, %rem3A_23, %ne3A_24 : i32
    %lt3A = arith.constant 0 : i32
    %lt3A_26 = arith.cmpi slt, %rem3A_23, %lt3A : i32
    %lt3A_27 = arith.constant 0 : i32
    %lt3A_28 = arith.cmpi slt, %select_n3A_22, %lt3A_27 : i32
    %ne3A_29 = arith.xori %lt3A_26, %lt3A_28 : i1
    %and3A_30 = arith.andi %ne3A_29, %ne3A_25 : i1
    %add3A_31 = arith.addi %rem3A_23, %select_n3A_22 : i32
    %select_n3A_32 = arith.select %and3A_30, %add3A_31, %rem3A_23 : i32
    %eq3A_33 = arith.constant 0 : i32
    %eq3A_34 = arith.cmpi eq, %select_n3A_32, %eq3A_33 : i32
    %mul3A_35 = arith.constant 10240 : i32
    %mul3A_36 = arith.muli %mul3A_18, %mul3A_35 : i32
    "tpu.region"() ({
      %run_scoped3A = tpu.sem_alloc : memref<!tpu.dma_semaphore, #tpu.memory_space<semaphore_mem>>
      %dma_start3A = tpu.memref_slice %arg2[%mul3A_36] : memref<1310720xf32, #tpu.memory_space<hbm>> -> memref<40960xf32, #tpu.memory_space<hbm>>
      %dma_start3A_57 = tpu.memref_slice %arg2[%mul3A_36] : memref<1310720xf32, #tpu.memory_space<hbm>> -> memref<40960xf32, #tpu.memory_space<hbm>>
      tpu.enqueue_dma source(%dma_start3A_57 : memref<40960xf32, #tpu.memory_space<hbm>>) target(%arg8 : memref<40960xf32, #tpu.memory_space<vmem>>) target_semaphore(%run_scoped3A : memref<!tpu.dma_semaphore, #tpu.memory_space<semaphore_mem>>)
      %dma_wait3A = tpu.memref_slice %arg2[%mul3A_36] : memref<1310720xf32, #tpu.memory_space<hbm>> -> memref<40960xf32, #tpu.memory_space<hbm>>
      %dma_wait3A_58 = tpu.memref_slice %arg2[%mul3A_36] : memref<1310720xf32, #tpu.memory_space<hbm>> -> memref<40960xf32, #tpu.memory_space<hbm>>
      tpu.wait_dma2 semaphore(%run_scoped3A : memref<!tpu.dma_semaphore, #tpu.memory_space<semaphore_mem>>) src(%dma_wait3A_58 : memref<40960xf32, #tpu.memory_space<hbm>>) dst(%arg8 : memref<40960xf32, #tpu.memory_space<vmem>>)
      tpu.yield
    }) : () -> ()
    %scan3A = arith.constant 0 : i32
    %scan3A_37 = arith.constant 0 : i32
    %scan3A_38 = arith.constant 2560 : i32
    %scan3A_39 = arith.addi %scan3A_37, %scan3A_38 : i32
    %scan3A_40 = arith.constant 1 : i32
    scf.for %scan3A_57 = %scan3A_37 to %scan3A_39 step %scan3A_40  : i32 {
      %broadcast_in_dim3A = arith.constant 0.000000e+00 : f32
      %broadcast_in_dim3A_58 = vector.broadcast %broadcast_in_dim3A : f32 to vector<16xf32>
      %mul3A_59 = arith.constant 16 : i32
      %mul3A_60 = arith.muli %scan3A_57, %mul3A_59 : i32
      %swap3A = arith.index_cast %mul3A_60 : i32 to index
      %swap3A_61 = tpu.vector_load %arg9[%swap3A] {strides = array<i32>} : memref<40960xf32, #tpu.memory_space<vmem>>, vector<16xf32>,
      tpu.vector_store %arg9[%swap3A], %broadcast_in_dim3A_58 {strides = array<i32>} : memref<40960xf32, #tpu.memory_space<vmem>>, vector<16xf32>,
    }
    %scan3A_41 = arith.constant 2560 : i32
    %scan3A_42 = arith.constant 0 : i32
    %scan3A_43 = arith.constant 0 : i32
    %scan3A_44 = arith.constant 640 : i32
    %scan3A_45 = arith.addi %scan3A_43, %scan3A_44 : i32
    %scan3A_46 = arith.constant 1 : i32
    scf.for %scan3A_57 = %scan3A_43 to %scan3A_45 step %scan3A_46  : i32 {
      %broadcast_in_dim3A = arith.constant 0.000000e+00 : f32
      %broadcast_in_dim3A_58 = vector.broadcast %broadcast_in_dim3A : f32 to vector<16xf32>
      %mul3A_59 = arith.constant 16 : i32
      %mul3A_60 = arith.muli %scan3A_57, %mul3A_59 : i32
      %swap3A = arith.index_cast %mul3A_60 : i32 to index
      %swap3A_61 = tpu.vector_load %arg10[%swap3A] {strides = array<i32>} : memref<10240xf32, #tpu.memory_space<vmem>>, vector<16xf32>,
      tpu.vector_store %arg10[%swap3A], %broadcast_in_dim3A_58 {strides = array<i32>} : memref<10240xf32, #tpu.memory_space<vmem>>, vector<16xf32>,
    }
    %scan3A_47 = arith.constant 640 : i32
    %scan3A_48 = arith.constant 0 : i32
    %scan3A_49 = arith.constant 0 : i32
    %scan3A_50 = arith.constant 40 : i32
    %scan3A_51 = arith.addi %scan3A_49, %scan3A_50 : i32
    %scan3A_52 = arith.constant 1 : i32
    scf.for %scan3A_57 = %scan3A_49 to %scan3A_51 step %scan3A_52  : i32 {
      %mul3A_58 = arith.constant 8000 : i32
      %mul3A_59 = arith.muli %scan3A_57, %mul3A_58 : i32
      "tpu.region"() ({
        %run_scoped3A = tpu.sem_alloc : memref<!tpu.dma_semaphore, #tpu.memory_space<semaphore_mem>>
        %dma_start3A = tpu.memref_slice %arg3[%mul3A_59] : memref<320000xi32, #tpu.memory_space<hbm>> -> memref<8000xi32, #tpu.memory_space<hbm>>
        %dma_start3A_69 = tpu.memref_slice %arg3[%mul3A_59] : memref<320000xi32, #tpu.memory_space<hbm>> -> memref<8000xi32, #tpu.memory_space<hbm>>
        tpu.enqueue_dma source(%dma_start3A_69 : memref<8000xi32, #tpu.memory_space<hbm>>) target(%arg11 : memref<8000xi32, #tpu.memory_space<vmem>>) target_semaphore(%run_scoped3A : memref<!tpu.dma_semaphore, #tpu.memory_space<semaphore_mem>>)
        %dma_wait3A = tpu.memref_slice %arg3[%mul3A_59] : memref<320000xi32, #tpu.memory_space<hbm>> -> memref<8000xi32, #tpu.memory_space<hbm>>
        %dma_wait3A_70 = tpu.memref_slice %arg3[%mul3A_59] : memref<320000xi32, #tpu.memory_space<hbm>> -> memref<8000xi32, #tpu.memory_space<hbm>>
        tpu.wait_dma2 semaphore(%run_scoped3A : memref<!tpu.dma_semaphore, #tpu.memory_space<semaphore_mem>>) src(%dma_wait3A_70 : memref<8000xi32, #tpu.memory_space<hbm>>) dst(%arg11 : memref<8000xi32, #tpu.memory_space<vmem>>)
        tpu.yield
      }) : () -> ()
      "tpu.region"() ({
        %run_scoped3A = tpu.sem_alloc : memref<!tpu.dma_semaphore, #tpu.memory_space<semaphore_mem>>
        %dma_start3A = tpu.memref_slice %arg4[%mul3A_59] : memref<320000xi32, #tpu.memory_space<hbm>> -> memref<8000xi32, #tpu.memory_space<hbm>>
        %dma_start3A_69 = tpu.memref_slice %arg4[%mul3A_59] : memref<320000xi32, #tpu.memory_space<hbm>> -> memref<8000xi32, #tpu.memory_space<hbm>>
        tpu.enqueue_dma source(%dma_start3A_69 : memref<8000xi32, #tpu.memory_space<hbm>>) target(%arg12 : memref<8000xi32, #tpu.memory_space<vmem>>) target_semaphore(%run_scoped3A : memref<!tpu.dma_semaphore, #tpu.memory_space<semaphore_mem>>)
        %dma_wait3A = tpu.memref_slice %arg4[%mul3A_59] : memref<320000xi32, #tpu.memory_space<hbm>> -> memref<8000xi32, #tpu.memory_space<hbm>>
        %dma_wait3A_70 = tpu.memref_slice %arg4[%mul3A_59] : memref<320000xi32, #tpu.memory_space<hbm>> -> memref<8000xi32, #tpu.memory_space<hbm>>
        tpu.wait_dma2 semaphore(%run_scoped3A : memref<!tpu.dma_semaphore, #tpu.memory_space<semaphore_mem>>) src(%dma_wait3A_70 : memref<8000xi32, #tpu.memory_space<hbm>>) dst(%arg12 : memref<8000xi32, #tpu.memory_space<vmem>>)
        tpu.yield
      }) : () -> ()
      %mul3A_60 = arith.constant 320000 : i32
      %mul3A_61 = arith.muli %select_n3A, %mul3A_60 : i32
      %add3A_62 = arith.addi %mul3A_61, %mul3A_59 : i32
      "tpu.region"() ({
        %run_scoped3A = tpu.sem_alloc : memref<!tpu.dma_semaphore, #tpu.memory_space<semaphore_mem>>
        %dma_start3A = tpu.memref_slice %arg5[%add3A_62] : memref<1280000xf32, #tpu.memory_space<hbm>> -> memref<8000xf32, #tpu.memory_space<hbm>>
        %dma_start3A_69 = tpu.memref_slice %arg5[%add3A_62] : memref<1280000xf32, #tpu.memory_space<hbm>> -> memref<8000xf32, #tpu.memory_space<hbm>>
        tpu.enqueue_dma source(%dma_start3A_69 : memref<8000xf32, #tpu.memory_space<hbm>>) target(%arg13 : memref<8000xf32, #tpu.memory_space<vmem>>) target_semaphore(%run_scoped3A : memref<!tpu.dma_semaphore, #tpu.memory_space<semaphore_mem>>)
        %dma_wait3A = tpu.memref_slice %arg5[%add3A_62] : memref<1280000xf32, #tpu.memory_space<hbm>> -> memref<8000xf32, #tpu.memory_space<hbm>>
        %dma_wait3A_70 = tpu.memref_slice %arg5[%add3A_62] : memref<1280000xf32, #tpu.memory_space<hbm>> -> memref<8000xf32, #tpu.memory_space<hbm>>
        tpu.wait_dma2 semaphore(%run_scoped3A : memref<!tpu.dma_semaphore, #tpu.memory_space<semaphore_mem>>) src(%dma_wait3A_70 : memref<8000xf32, #tpu.memory_space<hbm>>) dst(%arg13 : memref<8000xf32, #tpu.memory_space<vmem>>)
        tpu.yield
      }) : () -> ()
      %scan3A_63 = arith.constant 0 : i32
      %scan3A_64 = arith.constant 0 : i32
      %scan3A_65 = arith.constant 125 : i32
      %scan3A_66 = arith.addi %scan3A_64, %scan3A_65 : i32
      %scan3A_67 = arith.constant 1 : i32
      scf.for %scan3A_69 = %scan3A_64 to %scan3A_66 step %scan3A_67  : i32 {
        %mul3A_70 = arith.constant 64 : i32
        %mul3A_71 = arith.muli %scan3A_69, %mul3A_70 : i32
        %add3A_72 = arith.constant 0 : i32
        %add3A_73 = arith.addi %mul3A_71, %add3A_72 : i32
        %get3A = arith.index_cast %add3A_73 : i32 to index
        %get3A_74 = tpu.vector_load %arg11[%get3A] {strides = array<i32>} : memref<8000xi32, #tpu.memory_space<vmem>>, vector<16xi32>,
        %get3A_75 = arith.index_cast %add3A_73 : i32 to index
        %get3A_76 = tpu.vector_load %arg12[%get3A_75] {strides = array<i32>} : memref<8000xi32, #tpu.memory_space<vmem>>, vector<16xi32>,
        %get3A_77 = arith.index_cast %add3A_73 : i32 to index
        %get3A_78 = tpu.vector_load %arg13[%get3A_77] {strides = array<i32>} : memref<8000xf32, #tpu.memory_space<vmem>>, vector<16xf32>,
        %add3A_79 = arith.constant 0 : i32
        %add3A_80 = vector.broadcast %add3A_79 : i32 to vector<16xi32>
        %add3A_81 = arith.addi %get3A_74, %add3A_80 : vector<16xi32>
        %gather3A = tpu.vector_load_idx %arg8[%add3A_81] : memref<40960xf32, #tpu.memory_space<vmem>>[vector<16xi32>], vector<16xf32>,
        %add3A_82 = arith.constant 0 : i32
        %add3A_83 = vector.broadcast %add3A_82 : i32 to vector<16xi32>
        %add3A_84 = arith.addi %get3A_76, %add3A_83 : vector<16xi32>
        %mul3A_85 = arith.mulf %gather3A, %get3A_78 : vector<16xf32>
        tpu.vector_store_idx %arg9[%add3A_84], %mul3A_85 {add = true} : memref<40960xf32, #tpu.memory_space<vmem>>[vector<16xi32>], vector<16xf32>,
        %add3A_86 = arith.constant 10240 : i32
        %add3A_87 = vector.broadcast %add3A_86 : i32 to vector<16xi32>
        %add3A_88 = arith.addi %get3A_74, %add3A_87 : vector<16xi32>
        %gather3A_89 = tpu.vector_load_idx %arg8[%add3A_88] : memref<40960xf32, #tpu.memory_space<vmem>>[vector<16xi32>], vector<16xf32>,
        %add3A_90 = arith.constant 10240 : i32
        %add3A_91 = vector.broadcast %add3A_90 : i32 to vector<16xi32>
        %add3A_92 = arith.addi %get3A_76, %add3A_91 : vector<16xi32>
        %mul3A_93 = arith.mulf %gather3A_89, %get3A_78 : vector<16xf32>
        tpu.vector_store_idx %arg9[%add3A_92], %mul3A_93 {add = true} : memref<40960xf32, #tpu.memory_space<vmem>>[vector<16xi32>], vector<16xf32>,
        %add3A_94 = arith.constant 20480 : i32
        %add3A_95 = vector.broadcast %add3A_94 : i32 to vector<16xi32>
        %add3A_96 = arith.addi %get3A_74, %add3A_95 : vector<16xi32>
        %gather3A_97 = tpu.vector_load_idx %arg8[%add3A_96] : memref<40960xf32, #tpu.memory_space<vmem>>[vector<16xi32>], vector<16xf32>,
        %add3A_98 = arith.constant 20480 : i32
        %add3A_99 = vector.broadcast %add3A_98 : i32 to vector<16xi32>
        %add3A_100 = arith.addi %get3A_76, %add3A_99 : vector<16xi32>
        %mul3A_101 = arith.mulf %gather3A_97, %get3A_78 : vector<16xf32>
        tpu.vector_store_idx %arg9[%add3A_100], %mul3A_101 {add = true} : memref<40960xf32, #tpu.memory_space<vmem>>[vector<16xi32>], vector<16xf32>,
        %add3A_102 = arith.constant 30720 : i32
        %add3A_103 = vector.broadcast %add3A_102 : i32 to vector<16xi32>
        %add3A_104 = arith.addi %get3A_74, %add3A_103 : vector<16xi32>
        %gather3A_105 = tpu.vector_load_idx %arg8[%add3A_104] : memref<40960xf32, #tpu.memory_space<vmem>>[vector<16xi32>], vector<16xf32>,
        %add3A_106 = arith.constant 30720 : i32
        %add3A_107 = vector.broadcast %add3A_106 : i32 to vector<16xi32>
        %add3A_108 = arith.addi %get3A_76, %add3A_107 : vector<16xi32>
        %mul3A_109 = arith.mulf %gather3A_105, %get3A_78 : vector<16xf32>
        tpu.vector_store_idx %arg9[%add3A_108], %mul3A_109 {add = true} : memref<40960xf32, #tpu.memory_space<vmem>>[vector<16xi32>], vector<16xf32>,
        %convert_element_type3A_110 = arith.extui %eq3A_34 : i1 to i32
        %cond3A_111 = arith.constant 0 : i32
        %cond3A_112 = arith.cmpi ne, %convert_element_type3A_110, %cond3A_111 : i32
        scf.if %cond3A_112 {
          tpu.vector_store_idx %arg10[%get3A_76], %get3A_78 {add = true} : memref<10240xf32, #tpu.memory_space<vmem>>[vector<16xi32>], vector<16xf32>,
        } else {
        }
        %mul3A_113 = arith.constant 64 : i32
        %mul3A_114 = arith.muli %scan3A_69, %mul3A_113 : i32
        %add3A_115 = arith.constant 16 : i32
        %add3A_116 = arith.addi %mul3A_114, %add3A_115 : i32
        %get3A_117 = arith.index_cast %add3A_116 : i32 to index
        %get3A_118 = tpu.vector_load %arg11[%get3A_117] {strides = array<i32>} : memref<8000xi32, #tpu.memory_space<vmem>>, vector<16xi32>,
        %get3A_119 = arith.index_cast %add3A_116 : i32 to index
        %get3A_120 = tpu.vector_load %arg12[%get3A_119] {strides = array<i32>} : memref<8000xi32, #tpu.memory_space<vmem>>, vector<16xi32>,
        %get3A_121 = arith.index_cast %add3A_116 : i32 to index
        %get3A_122 = tpu.vector_load %arg13[%get3A_121] {strides = array<i32>} : memref<8000xf32, #tpu.memory_space<vmem>>, vector<16xf32>,
        %add3A_123 = arith.constant 0 : i32
        %add3A_124 = vector.broadcast %add3A_123 : i32 to vector<16xi32>
        %add3A_125 = arith.addi %get3A_118, %add3A_124 : vector<16xi32>
        %gather3A_126 = tpu.vector_load_idx %arg8[%add3A_125] : memref<40960xf32, #tpu.memory_space<vmem>>[vector<16xi32>], vector<16xf32>,
        %add3A_127 = arith.constant 0 : i32
        %add3A_128 = vector.broadcast %add3A_127 : i32 to vector<16xi32>
        %add3A_129 = arith.addi %get3A_120, %add3A_128 : vector<16xi32>
        %mul3A_130 = arith.mulf %gather3A_126, %get3A_122 : vector<16xf32>
        tpu.vector_store_idx %arg9[%add3A_129], %mul3A_130 {add = true} : memref<40960xf32, #tpu.memory_space<vmem>>[vector<16xi32>], vector<16xf32>,
        %add3A_131 = arith.constant 10240 : i32
        %add3A_132 = vector.broadcast %add3A_131 : i32 to vector<16xi32>
        %add3A_133 = arith.addi %get3A_118, %add3A_132 : vector<16xi32>
        %gather3A_134 = tpu.vector_load_idx %arg8[%add3A_133] : memref<40960xf32, #tpu.memory_space<vmem>>[vector<16xi32>], vector<16xf32>,
        %add3A_135 = arith.constant 10240 : i32
        %add3A_136 = vector.broadcast %add3A_135 : i32 to vector<16xi32>
        %add3A_137 = arith.addi %get3A_120, %add3A_136 : vector<16xi32>
        %mul3A_138 = arith.mulf %gather3A_134, %get3A_122 : vector<16xf32>
        tpu.vector_store_idx %arg9[%add3A_137], %mul3A_138 {add = true} : memref<40960xf32, #tpu.memory_space<vmem>>[vector<16xi32>], vector<16xf32>,
        %add3A_139 = arith.constant 20480 : i32
        %add3A_140 = vector.broadcast %add3A_139 : i32 to vector<16xi32>
        %add3A_141 = arith.addi %get3A_118, %add3A_140 : vector<16xi32>
        %gather3A_142 = tpu.vector_load_idx %arg8[%add3A_141] : memref<40960xf32, #tpu.memory_space<vmem>>[vector<16xi32>], vector<16xf32>,
        %add3A_143 = arith.constant 20480 : i32
        %add3A_144 = vector.broadcast %add3A_143 : i32 to vector<16xi32>
        %add3A_145 = arith.addi %get3A_120, %add3A_144 : vector<16xi32>
        %mul3A_146 = arith.mulf %gather3A_142, %get3A_122 : vector<16xf32>
        tpu.vector_store_idx %arg9[%add3A_145], %mul3A_146 {add = true} : memref<40960xf32, #tpu.memory_space<vmem>>[vector<16xi32>], vector<16xf32>,
        %add3A_147 = arith.constant 30720 : i32
        %add3A_148 = vector.broadcast %add3A_147 : i32 to vector<16xi32>
        %add3A_149 = arith.addi %get3A_118, %add3A_148 : vector<16xi32>
        %gather3A_150 = tpu.vector_load_idx %arg8[%add3A_149] : memref<40960xf32, #tpu.memory_space<vmem>>[vector<16xi32>], vector<16xf32>,
        %add3A_151 = arith.constant 30720 : i32
        %add3A_152 = vector.broadcast %add3A_151 : i32 to vector<16xi32>
        %add3A_153 = arith.addi %get3A_120, %add3A_152 : vector<16xi32>
        %mul3A_154 = arith.mulf %gather3A_150, %get3A_122 : vector<16xf32>
        tpu.vector_store_idx %arg9[%add3A_153], %mul3A_154 {add = true} : memref<40960xf32, #tpu.memory_space<vmem>>[vector<16xi32>], vector<16xf32>,
        %convert_element_type3A_155 = arith.extui %eq3A_34 : i1 to i32
        %cond3A_156 = arith.constant 0 : i32
        %cond3A_157 = arith.cmpi ne, %convert_element_type3A_155, %cond3A_156 : i32
        scf.if %cond3A_157 {
          tpu.vector_store_idx %arg10[%get3A_120], %get3A_122 {add = true} : memref<10240xf32, #tpu.memory_space<vmem>>[vector<16xi32>], vector<16xf32>,
        } else {
        }
        %mul3A_158 = arith.constant 64 : i32
        %mul3A_159 = arith.muli %scan3A_69, %mul3A_158 : i32
        %add3A_160 = arith.constant 32 : i32
        %add3A_161 = arith.addi %mul3A_159, %add3A_160 : i32
        %get3A_162 = arith.index_cast %add3A_161 : i32 to index
        %get3A_163 = tpu.vector_load %arg11[%get3A_162] {strides = array<i32>} : memref<8000xi32, #tpu.memory_space<vmem>>, vector<16xi32>,
        %get3A_164 = arith.index_cast %add3A_161 : i32 to index
        %get3A_165 = tpu.vector_load %arg12[%get3A_164] {strides = array<i32>} : memref<8000xi32, #tpu.memory_space<vmem>>, vector<16xi32>,
        %get3A_166 = arith.index_cast %add3A_161 : i32 to index
        %get3A_167 = tpu.vector_load %arg13[%get3A_166] {strides = array<i32>} : memref<8000xf32, #tpu.memory_space<vmem>>, vector<16xf32>,
        %add3A_168 = arith.constant 0 : i32
        %add3A_169 = vector.broadcast %add3A_168 : i32 to vector<16xi32>
        %add3A_170 = arith.addi %get3A_163, %add3A_169 : vector<16xi32>
        %gather3A_171 = tpu.vector_load_idx %arg8[%add3A_170] : memref<40960xf32, #tpu.memory_space<vmem>>[vector<16xi32>], vector<16xf32>,
        %add3A_172 = arith.constant 0 : i32
        %add3A_173 = vector.broadcast %add3A_172 : i32 to vector<16xi32>
        %add3A_174 = arith.addi %get3A_165, %add3A_173 : vector<16xi32>
        %mul3A_175 = arith.mulf %gather3A_171, %get3A_167 : vector<16xf32>
        tpu.vector_store_idx %arg9[%add3A_174], %mul3A_175 {add = true} : memref<40960xf32, #tpu.memory_space<vmem>>[vector<16xi32>], vector<16xf32>,
        %add3A_176 = arith.constant 10240 : i32
        %add3A_177 = vector.broadcast %add3A_176 : i32 to vector<16xi32>
        %add3A_178 = arith.addi %get3A_163, %add3A_177 : vector<16xi32>
        %gather3A_179 = tpu.vector_load_idx %arg8[%add3A_178] : memref<40960xf32, #tpu.memory_space<vmem>>[vector<16xi32>], vector<16xf32>,
        %add3A_180 = arith.constant 10240 : i32
        %add3A_181 = vector.broadcast %add3A_180 : i32 to vector<16xi32>
        %add3A_182 = arith.addi %get3A_165, %add3A_181 : vector<16xi32>
        %mul3A_183 = arith.mulf %gather3A_179, %get3A_167 : vector<16xf32>
        tpu.vector_store_idx %arg9[%add3A_182], %mul3A_183 {add = true} : memref<40960xf32, #tpu.memory_space<vmem>>[vector<16xi32>], vector<16xf32>,
        %add3A_184 = arith.constant 20480 : i32
        %add3A_185 = vector.broadcast %add3A_184 : i32 to vector<16xi32>
        %add3A_186 = arith.addi %get3A_163, %add3A_185 : vector<16xi32>
        %gather3A_187 = tpu.vector_load_idx %arg8[%add3A_186] : memref<40960xf32, #tpu.memory_space<vmem>>[vector<16xi32>], vector<16xf32>,
        %add3A_188 = arith.constant 20480 : i32
        %add3A_189 = vector.broadcast %add3A_188 : i32 to vector<16xi32>
        %add3A_190 = arith.addi %get3A_165, %add3A_189 : vector<16xi32>
        %mul3A_191 = arith.mulf %gather3A_187, %get3A_167 : vector<16xf32>
        tpu.vector_store_idx %arg9[%add3A_190], %mul3A_191 {add = true} : memref<40960xf32, #tpu.memory_space<vmem>>[vector<16xi32>], vector<16xf32>,
        %add3A_192 = arith.constant 30720 : i32
        %add3A_193 = vector.broadcast %add3A_192 : i32 to vector<16xi32>
        %add3A_194 = arith.addi %get3A_163, %add3A_193 : vector<16xi32>
        %gather3A_195 = tpu.vector_load_idx %arg8[%add3A_194] : memref<40960xf32, #tpu.memory_space<vmem>>[vector<16xi32>], vector<16xf32>,
        %add3A_196 = arith.constant 30720 : i32
        %add3A_197 = vector.broadcast %add3A_196 : i32 to vector<16xi32>
        %add3A_198 = arith.addi %get3A_165, %add3A_197 : vector<16xi32>
        %mul3A_199 = arith.mulf %gather3A_195, %get3A_167 : vector<16xf32>
        tpu.vector_store_idx %arg9[%add3A_198], %mul3A_199 {add = true} : memref<40960xf32, #tpu.memory_space<vmem>>[vector<16xi32>], vector<16xf32>,
        %convert_element_type3A_200 = arith.extui %eq3A_34 : i1 to i32
        %cond3A_201 = arith.constant 0 : i32
        %cond3A_202 = arith.cmpi ne, %convert_element_type3A_200, %cond3A_201 : i32
        scf.if %cond3A_202 {
          tpu.vector_store_idx %arg10[%get3A_165], %get3A_167 {add = true} : memref<10240xf32, #tpu.memory_space<vmem>>[vector<16xi32>], vector<16xf32>,
        } else {
        }
        %mul3A_203 = arith.constant 64 : i32
        %mul3A_204 = arith.muli %scan3A_69, %mul3A_203 : i32
        %add3A_205 = arith.constant 48 : i32
        %add3A_206 = arith.addi %mul3A_204, %add3A_205 : i32
        %get3A_207 = arith.index_cast %add3A_206 : i32 to index
        %get3A_208 = tpu.vector_load %arg11[%get3A_207] {strides = array<i32>} : memref<8000xi32, #tpu.memory_space<vmem>>, vector<16xi32>,
        %get3A_209 = arith.index_cast %add3A_206 : i32 to index
        %get3A_210 = tpu.vector_load %arg12[%get3A_209] {strides = array<i32>} : memref<8000xi32, #tpu.memory_space<vmem>>, vector<16xi32>,
        %get3A_211 = arith.index_cast %add3A_206 : i32 to index
        %get3A_212 = tpu.vector_load %arg13[%get3A_211] {strides = array<i32>} : memref<8000xf32, #tpu.memory_space<vmem>>, vector<16xf32>,
        %add3A_213 = arith.constant 0 : i32
        %add3A_214 = vector.broadcast %add3A_213 : i32 to vector<16xi32>
        %add3A_215 = arith.addi %get3A_208, %add3A_214 : vector<16xi32>
        %gather3A_216 = tpu.vector_load_idx %arg8[%add3A_215] : memref<40960xf32, #tpu.memory_space<vmem>>[vector<16xi32>], vector<16xf32>,
        %add3A_217 = arith.constant 0 : i32
        %add3A_218 = vector.broadcast %add3A_217 : i32 to vector<16xi32>
        %add3A_219 = arith.addi %get3A_210, %add3A_218 : vector<16xi32>
        %mul3A_220 = arith.mulf %gather3A_216, %get3A_212 : vector<16xf32>
        tpu.vector_store_idx %arg9[%add3A_219], %mul3A_220 {add = true} : memref<40960xf32, #tpu.memory_space<vmem>>[vector<16xi32>], vector<16xf32>,
        %add3A_221 = arith.constant 10240 : i32
        %add3A_222 = vector.broadcast %add3A_221 : i32 to vector<16xi32>
        %add3A_223 = arith.addi %get3A_208, %add3A_222 : vector<16xi32>
        %gather3A_224 = tpu.vector_load_idx %arg8[%add3A_223] : memref<40960xf32, #tpu.memory_space<vmem>>[vector<16xi32>], vector<16xf32>,
        %add3A_225 = arith.constant 10240 : i32
        %add3A_226 = vector.broadcast %add3A_225 : i32 to vector<16xi32>
        %add3A_227 = arith.addi %get3A_210, %add3A_226 : vector<16xi32>
        %mul3A_228 = arith.mulf %gather3A_224, %get3A_212 : vector<16xf32>
        tpu.vector_store_idx %arg9[%add3A_227], %mul3A_228 {add = true} : memref<40960xf32, #tpu.memory_space<vmem>>[vector<16xi32>], vector<16xf32>,
        %add3A_229 = arith.constant 20480 : i32
        %add3A_230 = vector.broadcast %add3A_229 : i32 to vector<16xi32>
        %add3A_231 = arith.addi %get3A_208, %add3A_230 : vector<16xi32>
        %gather3A_232 = tpu.vector_load_idx %arg8[%add3A_231] : memref<40960xf32, #tpu.memory_space<vmem>>[vector<16xi32>], vector<16xf32>,
        %add3A_233 = arith.constant 20480 : i32
        %add3A_234 = vector.broadcast %add3A_233 : i32 to vector<16xi32>
        %add3A_235 = arith.addi %get3A_210, %add3A_234 : vector<16xi32>
        %mul3A_236 = arith.mulf %gather3A_232, %get3A_212 : vector<16xf32>
        tpu.vector_store_idx %arg9[%add3A_235], %mul3A_236 {add = true} : memref<40960xf32, #tpu.memory_space<vmem>>[vector<16xi32>], vector<16xf32>,
        %add3A_237 = arith.constant 30720 : i32
        %add3A_238 = vector.broadcast %add3A_237 : i32 to vector<16xi32>
        %add3A_239 = arith.addi %get3A_208, %add3A_238 : vector<16xi32>
        %gather3A_240 = tpu.vector_load_idx %arg8[%add3A_239] : memref<40960xf32, #tpu.memory_space<vmem>>[vector<16xi32>], vector<16xf32>,
        %add3A_241 = arith.constant 30720 : i32
        %add3A_242 = vector.broadcast %add3A_241 : i32 to vector<16xi32>
        %add3A_243 = arith.addi %get3A_210, %add3A_242 : vector<16xi32>
        %mul3A_244 = arith.mulf %gather3A_240, %get3A_212 : vector<16xf32>
        tpu.vector_store_idx %arg9[%add3A_243], %mul3A_244 {add = true} : memref<40960xf32, #tpu.memory_space<vmem>>[vector<16xi32>], vector<16xf32>,
        %convert_element_type3A_245 = arith.extui %eq3A_34 : i1 to i32
        %cond3A_246 = arith.constant 0 : i32
        %cond3A_247 = arith.cmpi ne, %convert_element_type3A_245, %cond3A_246 : i32
        scf.if %cond3A_247 {
          tpu.vector_store_idx %arg10[%get3A_210], %get3A_212 {add = true} : memref<10240xf32, #tpu.memory_space<vmem>>[vector<16xi32>], vector<16xf32>,
        } else {
        }
      }
      %scan3A_68 = arith.constant 125 : i32
    }
    %scan3A_53 = arith.constant 40 : i32
    %mul3A_54 = arith.constant 10240 : i32
    %mul3A_55 = arith.muli %mul3A_18, %mul3A_54 : i32
    "tpu.region"() ({
      %run_scoped3A = tpu.sem_alloc : memref<!tpu.dma_semaphore, #tpu.memory_space<semaphore_mem>>
      %dma_start3A = tpu.memref_slice %arg6[%mul3A_55] : memref<1310720xf32, #tpu.memory_space<hbm>> -> memref<40960xf32, #tpu.memory_space<hbm>>
      %dma_start3A_57 = tpu.memref_slice %arg6[%mul3A_55] : memref<1310720xf32, #tpu.memory_space<hbm>> -> memref<40960xf32, #tpu.memory_space<hbm>>
      tpu.enqueue_dma source(%arg9 : memref<40960xf32, #tpu.memory_space<vmem>>) target(%dma_start3A_57 : memref<40960xf32, #tpu.memory_space<hbm>>) target_semaphore(%run_scoped3A : memref<!tpu.dma_semaphore, #tpu.memory_space<semaphore_mem>>)
      %dma_wait3A = tpu.memref_slice %arg6[%mul3A_55] : memref<1310720xf32, #tpu.memory_space<hbm>> -> memref<40960xf32, #tpu.memory_space<hbm>>
      %dma_wait3A_58 = tpu.memref_slice %arg6[%mul3A_55] : memref<1310720xf32, #tpu.memory_space<hbm>> -> memref<40960xf32, #tpu.memory_space<hbm>>
      tpu.wait_dma2 semaphore(%run_scoped3A : memref<!tpu.dma_semaphore, #tpu.memory_space<semaphore_mem>>) src(%arg9 : memref<40960xf32, #tpu.memory_space<vmem>>) dst(%dma_wait3A_58 : memref<40960xf32, #tpu.memory_space<hbm>>)
      tpu.yield
    }) : () -> ()
    %convert_element_type3A = arith.extui %eq3A_34 : i1 to i32
    %cond3A = arith.constant 0 : i32
    %cond3A_56 = arith.cmpi ne, %convert_element_type3A, %cond3A : i32
    scf.if %cond3A_56 {
      %mul3A_57 = arith.constant 10240 : i32
      %mul3A_58 = arith.muli %select_n3A, %mul3A_57 : i32
      "tpu.region"() ({
        %run_scoped3A = tpu.sem_alloc : memref<!tpu.dma_semaphore, #tpu.memory_space<semaphore_mem>>
        %dma_start3A = tpu.memref_slice %arg7[%mul3A_58] : memref<40960xf32, #tpu.memory_space<hbm>> -> memref<10240xf32, #tpu.memory_space<hbm>>
        %dma_start3A_59 = tpu.memref_slice %arg7[%mul3A_58] : memref<40960xf32, #tpu.memory_space<hbm>> -> memref<10240xf32, #tpu.memory_space<hbm>>
        tpu.enqueue_dma source(%arg10 : memref<10240xf32, #tpu.memory_space<vmem>>) target(%dma_start3A_59 : memref<10240xf32, #tpu.memory_space<hbm>>) target_semaphore(%run_scoped3A : memref<!tpu.dma_semaphore, #tpu.memory_space<semaphore_mem>>)
        %dma_wait3A = tpu.memref_slice %arg7[%mul3A_58] : memref<40960xf32, #tpu.memory_space<hbm>> -> memref<10240xf32, #tpu.memory_space<hbm>>
        %dma_wait3A_60 = tpu.memref_slice %arg7[%mul3A_58] : memref<40960xf32, #tpu.memory_space<hbm>> -> memref<10240xf32, #tpu.memory_space<hbm>>
        tpu.wait_dma2 semaphore(%run_scoped3A : memref<!tpu.dma_semaphore, #tpu.memory_space<semaphore_mem>>) src(%arg10 : memref<10240xf32, #tpu.memory_space<vmem>>) dst(%dma_wait3A_60 : memref<10240xf32, #tpu.memory_space<hbm>>)
        tpu.yield
      }) : () -> ()
    } else {
    }
    return
  }
}

#map = affine_map<(d0, d1) -> (0)>
module attributes {stable_mosaic.version = 14 : i64} {
  func.func @kb(%arg0: i32, %arg1: i32, %arg2: memref<1310720xf32, #tpu.memory_space<hbm>>, %arg3: memref<320000xi32, #tpu.memory_space<hbm>>, %arg4: memref<320000xi32, #tpu.memory_space<hbm>>, %arg5: memref<1280000xf32, #tpu.memory_space<hbm>>, %arg6: memref<1310720xf32, #tpu.memory_space<hbm>>, %arg7: memref<40960xf32, #tpu.memory_space<hbm>>, %arg8: memref<40960xf32, #tpu.memory_space<vmem>>, %arg9: memref<40960xf32, #tpu.memory_space<vmem>>, %arg10: memref<10240xf32, #tpu.memory_space<vmem>>, %arg11: memref<8000xi32, #tpu.memory_space<vmem>>, %arg12: memref<8000xi32, #tpu.memory_space<vmem>>, %arg13: memref<8000xf32, #tpu.memory_space<vmem>>) attributes {dimension_semantics = [#tpu.dimension_semantics<core_parallel>, #tpu.dimension_semantics<subcore_parallel>], iteration_bounds = array<i64: 2, 16>, scalar_prefetch = 0 : i64, scratch_operands = 6 : i64, tpu.core_type = #tpu.core_type<sc_vector_subcore>, window_params = [{transform_indices = #map}, {transform_indices = #map}, {transform_indices = #map}, {transform_indices = #map}, {transform_indices = #map}, {transform_indices = #map}]} {
    %mul3A = arith.constant 2 : i32
    %mul3A_0 = arith.muli %arg1, %mul3A : i32
    %add3A = arith.addi %mul3A_0, %arg0 : i32
    %jit3A = arith.constant 8 : i32
    %div3A = arith.divsi %add3A, %jit3A : i32
    %sign3A = arith.constant 0 : i32
    %sign3A_1 = arith.cmpi sgt, %add3A, %sign3A : i32
    %sign3A_2 = arith.extui %sign3A_1 : i1 to i32
    %sign3A_3 = arith.constant 0 : i32
    %sign3A_4 = arith.cmpi slt, %add3A, %sign3A_3 : i32
    %sign3A_5 = arith.extui %sign3A_4 : i1 to i32
    %sign3A_6 = arith.subi %sign3A_2, %sign3A_5 : i32
    %sign3A_7 = arith.constant 0 : i32
    %sign3A_8 = arith.cmpi sgt, %jit3A, %sign3A_7 : i32
    %sign3A_9 = arith.extui %sign3A_8 : i1 to i32
    %sign3A_10 = arith.constant 0 : i32
    %sign3A_11 = arith.cmpi slt, %jit3A, %sign3A_10 : i32
    %sign3A_12 = arith.extui %sign3A_11 : i1 to i32
    %sign3A_13 = arith.subi %sign3A_9, %sign3A_12 : i32
    %ne3A = arith.cmpi ne, %sign3A_6, %sign3A_13 : i32
    %rem3A = arith.remsi %add3A, %jit3A : i32
    %ne3A_14 = arith.constant 0 : i32
    %ne3A_15 = arith.cmpi ne, %rem3A, %ne3A_14 : i32
    %and3A = arith.andi %ne3A, %ne3A_15 : i1
    %sub3A = arith.constant 1 : i32
    %sub3A_16 = arith.subi %div3A, %sub3A : i32
    %select_n3A = arith.select %and3A, %sub3A_16, %div3A : i32
    %mul3A_17 = arith.constant 4 : i32
    %mul3A_18 = arith.muli %add3A, %mul3A_17 : i32
    %jit3A_19 = arith.constant 8 : i32
    %eq3A = arith.constant 0 : i32
    %eq3A_20 = arith.cmpi eq, %jit3A_19, %eq3A : i32
    %jit3A_21 = arith.constant 1 : i32
    %select_n3A_22 = arith.select %eq3A_20, %jit3A_21, %jit3A_19 : i32
    %rem3A_23 = arith.remsi %add3A, %select_n3A_22 : i32
    %ne3A_24 = arith.constant 0 : i32
    %ne3A_25 = arith.cmpi ne, %rem3A_23, %ne3A_24 : i32
    %lt3A = arith.constant 0 : i32
    %lt3A_26 = arith.cmpi slt, %rem3A_23, %lt3A : i32
    %lt3A_27 = arith.constant 0 : i32
    %lt3A_28 = arith.cmpi slt, %select_n3A_22, %lt3A_27 : i32
    %ne3A_29 = arith.xori %lt3A_26, %lt3A_28 : i1
    %and3A_30 = arith.andi %ne3A_29, %ne3A_25 : i1
    %add3A_31 = arith.addi %rem3A_23, %select_n3A_22 : i32
    %select_n3A_32 = arith.select %and3A_30, %add3A_31, %rem3A_23 : i32
    %eq3A_33 = arith.constant 0 : i32
    %eq3A_34 = arith.cmpi eq, %select_n3A_32, %eq3A_33 : i32
    %mul3A_35 = arith.constant 10240 : i32
    %mul3A_36 = arith.muli %mul3A_18, %mul3A_35 : i32
    "tpu.region"() ({
      %run_scoped3A = tpu.sem_alloc : memref<!tpu.dma_semaphore, #tpu.memory_space<semaphore_mem>>
      %dma_start3A = tpu.memref_slice %arg2[%mul3A_36] : memref<1310720xf32, #tpu.memory_space<hbm>> -> memref<40960xf32, #tpu.memory_space<hbm>>
      %dma_start3A_57 = tpu.memref_slice %arg2[%mul3A_36] : memref<1310720xf32, #tpu.memory_space<hbm>> -> memref<40960xf32, #tpu.memory_space<hbm>>
      tpu.enqueue_dma source(%dma_start3A_57 : memref<40960xf32, #tpu.memory_space<hbm>>) target(%arg8 : memref<40960xf32, #tpu.memory_space<vmem>>) target_semaphore(%run_scoped3A : memref<!tpu.dma_semaphore, #tpu.memory_space<semaphore_mem>>)
      %dma_wait3A = tpu.memref_slice %arg2[%mul3A_36] : memref<1310720xf32, #tpu.memory_space<hbm>> -> memref<40960xf32, #tpu.memory_space<hbm>>
      %dma_wait3A_58 = tpu.memref_slice %arg2[%mul3A_36] : memref<1310720xf32, #tpu.memory_space<hbm>> -> memref<40960xf32, #tpu.memory_space<hbm>>
      tpu.wait_dma2 semaphore(%run_scoped3A : memref<!tpu.dma_semaphore, #tpu.memory_space<semaphore_mem>>) src(%dma_wait3A_58 : memref<40960xf32, #tpu.memory_space<hbm>>) dst(%arg8 : memref<40960xf32, #tpu.memory_space<vmem>>)
      tpu.yield
    }) : () -> ()
    %scan3A = arith.constant 0 : i32
    %scan3A_37 = arith.constant 0 : i32
    %scan3A_38 = arith.constant 2560 : i32
    %scan3A_39 = arith.addi %scan3A_37, %scan3A_38 : i32
    %scan3A_40 = arith.constant 1 : i32
    scf.for %scan3A_57 = %scan3A_37 to %scan3A_39 step %scan3A_40  : i32 {
      %broadcast_in_dim3A = arith.constant 0.000000e+00 : f32
      %broadcast_in_dim3A_58 = vector.broadcast %broadcast_in_dim3A : f32 to vector<16xf32>
      %mul3A_59 = arith.constant 16 : i32
      %mul3A_60 = arith.muli %scan3A_57, %mul3A_59 : i32
      %swap3A = arith.index_cast %mul3A_60 : i32 to index
      %swap3A_61 = tpu.vector_load %arg9[%swap3A] {strides = array<i32>} : memref<40960xf32, #tpu.memory_space<vmem>>, vector<16xf32>,
      tpu.vector_store %arg9[%swap3A], %broadcast_in_dim3A_58 {strides = array<i32>} : memref<40960xf32, #tpu.memory_space<vmem>>, vector<16xf32>,
    }
    %scan3A_41 = arith.constant 2560 : i32
    %scan3A_42 = arith.constant 0 : i32
    %scan3A_43 = arith.constant 0 : i32
    %scan3A_44 = arith.constant 640 : i32
    %scan3A_45 = arith.addi %scan3A_43, %scan3A_44 : i32
    %scan3A_46 = arith.constant 1 : i32
    scf.for %scan3A_57 = %scan3A_43 to %scan3A_45 step %scan3A_46  : i32 {
      %broadcast_in_dim3A = arith.constant 0.000000e+00 : f32
      %broadcast_in_dim3A_58 = vector.broadcast %broadcast_in_dim3A : f32 to vector<16xf32>
      %mul3A_59 = arith.constant 16 : i32
      %mul3A_60 = arith.muli %scan3A_57, %mul3A_59 : i32
      %swap3A = arith.index_cast %mul3A_60 : i32 to index
      %swap3A_61 = tpu.vector_load %arg10[%swap3A] {strides = array<i32>} : memref<10240xf32, #tpu.memory_space<vmem>>, vector<16xf32>,
      tpu.vector_store %arg10[%swap3A], %broadcast_in_dim3A_58 {strides = array<i32>} : memref<10240xf32, #tpu.memory_space<vmem>>, vector<16xf32>,
    }
    %scan3A_47 = arith.constant 640 : i32
    %scan3A_48 = arith.constant 0 : i32
    %scan3A_49 = arith.constant 0 : i32
    %scan3A_50 = arith.constant 40 : i32
    %scan3A_51 = arith.addi %scan3A_49, %scan3A_50 : i32
    %scan3A_52 = arith.constant 1 : i32
    scf.for %scan3A_57 = %scan3A_49 to %scan3A_51 step %scan3A_52  : i32 {
      %mul3A_58 = arith.constant 8000 : i32
      %mul3A_59 = arith.muli %scan3A_57, %mul3A_58 : i32
      "tpu.region"() ({
        %run_scoped3A = tpu.sem_alloc : memref<!tpu.dma_semaphore, #tpu.memory_space<semaphore_mem>>
        %dma_start3A = tpu.memref_slice %arg3[%mul3A_59] : memref<320000xi32, #tpu.memory_space<hbm>> -> memref<8000xi32, #tpu.memory_space<hbm>>
        %dma_start3A_69 = tpu.memref_slice %arg3[%mul3A_59] : memref<320000xi32, #tpu.memory_space<hbm>> -> memref<8000xi32, #tpu.memory_space<hbm>>
        tpu.enqueue_dma source(%dma_start3A_69 : memref<8000xi32, #tpu.memory_space<hbm>>) target(%arg11 : memref<8000xi32, #tpu.memory_space<vmem>>) target_semaphore(%run_scoped3A : memref<!tpu.dma_semaphore, #tpu.memory_space<semaphore_mem>>)
        %dma_wait3A = tpu.memref_slice %arg3[%mul3A_59] : memref<320000xi32, #tpu.memory_space<hbm>> -> memref<8000xi32, #tpu.memory_space<hbm>>
        %dma_wait3A_70 = tpu.memref_slice %arg3[%mul3A_59] : memref<320000xi32, #tpu.memory_space<hbm>> -> memref<8000xi32, #tpu.memory_space<hbm>>
        tpu.wait_dma2 semaphore(%run_scoped3A : memref<!tpu.dma_semaphore, #tpu.memory_space<semaphore_mem>>) src(%dma_wait3A_70 : memref<8000xi32, #tpu.memory_space<hbm>>) dst(%arg11 : memref<8000xi32, #tpu.memory_space<vmem>>)
        tpu.yield
      }) : () -> ()
      "tpu.region"() ({
        %run_scoped3A = tpu.sem_alloc : memref<!tpu.dma_semaphore, #tpu.memory_space<semaphore_mem>>
        %dma_start3A = tpu.memref_slice %arg4[%mul3A_59] : memref<320000xi32, #tpu.memory_space<hbm>> -> memref<8000xi32, #tpu.memory_space<hbm>>
        %dma_start3A_69 = tpu.memref_slice %arg4[%mul3A_59] : memref<320000xi32, #tpu.memory_space<hbm>> -> memref<8000xi32, #tpu.memory_space<hbm>>
        tpu.enqueue_dma source(%dma_start3A_69 : memref<8000xi32, #tpu.memory_space<hbm>>) target(%arg12 : memref<8000xi32, #tpu.memory_space<vmem>>) target_semaphore(%run_scoped3A : memref<!tpu.dma_semaphore, #tpu.memory_space<semaphore_mem>>)
        %dma_wait3A = tpu.memref_slice %arg4[%mul3A_59] : memref<320000xi32, #tpu.memory_space<hbm>> -> memref<8000xi32, #tpu.memory_space<hbm>>
        %dma_wait3A_70 = tpu.memref_slice %arg4[%mul3A_59] : memref<320000xi32, #tpu.memory_space<hbm>> -> memref<8000xi32, #tpu.memory_space<hbm>>
        tpu.wait_dma2 semaphore(%run_scoped3A : memref<!tpu.dma_semaphore, #tpu.memory_space<semaphore_mem>>) src(%dma_wait3A_70 : memref<8000xi32, #tpu.memory_space<hbm>>) dst(%arg12 : memref<8000xi32, #tpu.memory_space<vmem>>)
        tpu.yield
      }) : () -> ()
      %mul3A_60 = arith.constant 320000 : i32
      %mul3A_61 = arith.muli %select_n3A, %mul3A_60 : i32
      %add3A_62 = arith.addi %mul3A_61, %mul3A_59 : i32
      "tpu.region"() ({
        %run_scoped3A = tpu.sem_alloc : memref<!tpu.dma_semaphore, #tpu.memory_space<semaphore_mem>>
        %dma_start3A = tpu.memref_slice %arg5[%add3A_62] : memref<1280000xf32, #tpu.memory_space<hbm>> -> memref<8000xf32, #tpu.memory_space<hbm>>
        %dma_start3A_69 = tpu.memref_slice %arg5[%add3A_62] : memref<1280000xf32, #tpu.memory_space<hbm>> -> memref<8000xf32, #tpu.memory_space<hbm>>
        tpu.enqueue_dma source(%dma_start3A_69 : memref<8000xf32, #tpu.memory_space<hbm>>) target(%arg13 : memref<8000xf32, #tpu.memory_space<vmem>>) target_semaphore(%run_scoped3A : memref<!tpu.dma_semaphore, #tpu.memory_space<semaphore_mem>>)
        %dma_wait3A = tpu.memref_slice %arg5[%add3A_62] : memref<1280000xf32, #tpu.memory_space<hbm>> -> memref<8000xf32, #tpu.memory_space<hbm>>
        %dma_wait3A_70 = tpu.memref_slice %arg5[%add3A_62] : memref<1280000xf32, #tpu.memory_space<hbm>> -> memref<8000xf32, #tpu.memory_space<hbm>>
        tpu.wait_dma2 semaphore(%run_scoped3A : memref<!tpu.dma_semaphore, #tpu.memory_space<semaphore_mem>>) src(%dma_wait3A_70 : memref<8000xf32, #tpu.memory_space<hbm>>) dst(%arg13 : memref<8000xf32, #tpu.memory_space<vmem>>)
        tpu.yield
      }) : () -> ()
      %scan3A_63 = arith.constant 0 : i32
      %scan3A_64 = arith.constant 0 : i32
      %scan3A_65 = arith.constant 125 : i32
      %scan3A_66 = arith.addi %scan3A_64, %scan3A_65 : i32
      %scan3A_67 = arith.constant 1 : i32
      scf.for %scan3A_69 = %scan3A_64 to %scan3A_66 step %scan3A_67  : i32 {
        %mul3A_70 = arith.constant 64 : i32
        %mul3A_71 = arith.muli %scan3A_69, %mul3A_70 : i32
        %add3A_72 = arith.constant 0 : i32
        %add3A_73 = arith.addi %mul3A_71, %add3A_72 : i32
        %get3A = arith.index_cast %add3A_73 : i32 to index
        %get3A_74 = tpu.vector_load %arg11[%get3A] {strides = array<i32>} : memref<8000xi32, #tpu.memory_space<vmem>>, vector<16xi32>,
        %get3A_75 = arith.index_cast %add3A_73 : i32 to index
        %get3A_76 = tpu.vector_load %arg12[%get3A_75] {strides = array<i32>} : memref<8000xi32, #tpu.memory_space<vmem>>, vector<16xi32>,
        %get3A_77 = arith.index_cast %add3A_73 : i32 to index
        %get3A_78 = tpu.vector_load %arg13[%get3A_77] {strides = array<i32>} : memref<8000xf32, #tpu.memory_space<vmem>>, vector<16xf32>,
        %add3A_79 = arith.constant 0 : i32
        %add3A_80 = vector.broadcast %add3A_79 : i32 to vector<16xi32>
        %add3A_81 = arith.addi %get3A_74, %add3A_80 : vector<16xi32>
        %gather3A = tpu.vector_load_idx %arg8[%add3A_81] : memref<40960xf32, #tpu.memory_space<vmem>>[vector<16xi32>], vector<16xf32>,
        %add3A_82 = arith.constant 0 : i32
        %add3A_83 = vector.broadcast %add3A_82 : i32 to vector<16xi32>
        %add3A_84 = arith.addi %get3A_76, %add3A_83 : vector<16xi32>
        %mul3A_85 = arith.mulf %gather3A, %get3A_78 : vector<16xf32>
        tpu.vector_store_idx %arg9[%add3A_84], %mul3A_85 {add = true} : memref<40960xf32, #tpu.memory_space<vmem>>[vector<16xi32>], vector<16xf32>,
        %add3A_86 = arith.constant 10240 : i32
        %add3A_87 = vector.broadcast %add3A_86 : i32 to vector<16xi32>
        %add3A_88 = arith.addi %get3A_74, %add3A_87 : vector<16xi32>
        %gather3A_89 = tpu.vector_load_idx %arg8[%add3A_88] : memref<40960xf32, #tpu.memory_space<vmem>>[vector<16xi32>], vector<16xf32>,
        %add3A_90 = arith.constant 10240 : i32
        %add3A_91 = vector.broadcast %add3A_90 : i32 to vector<16xi32>
        %add3A_92 = arith.addi %get3A_76, %add3A_91 : vector<16xi32>
        %mul3A_93 = arith.mulf %gather3A_89, %get3A_78 : vector<16xf32>
        tpu.vector_store_idx %arg9[%add3A_92], %mul3A_93 {add = true} : memref<40960xf32, #tpu.memory_space<vmem>>[vector<16xi32>], vector<16xf32>,
        %add3A_94 = arith.constant 20480 : i32
        %add3A_95 = vector.broadcast %add3A_94 : i32 to vector<16xi32>
        %add3A_96 = arith.addi %get3A_74, %add3A_95 : vector<16xi32>
        %gather3A_97 = tpu.vector_load_idx %arg8[%add3A_96] : memref<40960xf32, #tpu.memory_space<vmem>>[vector<16xi32>], vector<16xf32>,
        %add3A_98 = arith.constant 20480 : i32
        %add3A_99 = vector.broadcast %add3A_98 : i32 to vector<16xi32>
        %add3A_100 = arith.addi %get3A_76, %add3A_99 : vector<16xi32>
        %mul3A_101 = arith.mulf %gather3A_97, %get3A_78 : vector<16xf32>
        tpu.vector_store_idx %arg9[%add3A_100], %mul3A_101 {add = true} : memref<40960xf32, #tpu.memory_space<vmem>>[vector<16xi32>], vector<16xf32>,
        %add3A_102 = arith.constant 30720 : i32
        %add3A_103 = vector.broadcast %add3A_102 : i32 to vector<16xi32>
        %add3A_104 = arith.addi %get3A_74, %add3A_103 : vector<16xi32>
        %gather3A_105 = tpu.vector_load_idx %arg8[%add3A_104] : memref<40960xf32, #tpu.memory_space<vmem>>[vector<16xi32>], vector<16xf32>,
        %add3A_106 = arith.constant 30720 : i32
        %add3A_107 = vector.broadcast %add3A_106 : i32 to vector<16xi32>
        %add3A_108 = arith.addi %get3A_76, %add3A_107 : vector<16xi32>
        %mul3A_109 = arith.mulf %gather3A_105, %get3A_78 : vector<16xf32>
        tpu.vector_store_idx %arg9[%add3A_108], %mul3A_109 {add = true} : memref<40960xf32, #tpu.memory_space<vmem>>[vector<16xi32>], vector<16xf32>,
        %convert_element_type3A_110 = arith.extui %eq3A_34 : i1 to i32
        %cond3A_111 = arith.constant 0 : i32
        %cond3A_112 = arith.cmpi ne, %convert_element_type3A_110, %cond3A_111 : i32
        scf.if %cond3A_112 {
          tpu.vector_store_idx %arg10[%get3A_76], %get3A_78 {add = true} : memref<10240xf32, #tpu.memory_space<vmem>>[vector<16xi32>], vector<16xf32>,
        } else {
        }
        %mul3A_113 = arith.constant 64 : i32
        %mul3A_114 = arith.muli %scan3A_69, %mul3A_113 : i32
        %add3A_115 = arith.constant 16 : i32
        %add3A_116 = arith.addi %mul3A_114, %add3A_115 : i32
        %get3A_117 = arith.index_cast %add3A_116 : i32 to index
        %get3A_118 = tpu.vector_load %arg11[%get3A_117] {strides = array<i32>} : memref<8000xi32, #tpu.memory_space<vmem>>, vector<16xi32>,
        %get3A_119 = arith.index_cast %add3A_116 : i32 to index
        %get3A_120 = tpu.vector_load %arg12[%get3A_119] {strides = array<i32>} : memref<8000xi32, #tpu.memory_space<vmem>>, vector<16xi32>,
        %get3A_121 = arith.index_cast %add3A_116 : i32 to index
        %get3A_122 = tpu.vector_load %arg13[%get3A_121] {strides = array<i32>} : memref<8000xf32, #tpu.memory_space<vmem>>, vector<16xf32>,
        %add3A_123 = arith.constant 0 : i32
        %add3A_124 = vector.broadcast %add3A_123 : i32 to vector<16xi32>
        %add3A_125 = arith.addi %get3A_118, %add3A_124 : vector<16xi32>
        %gather3A_126 = tpu.vector_load_idx %arg8[%add3A_125] : memref<40960xf32, #tpu.memory_space<vmem>>[vector<16xi32>], vector<16xf32>,
        %add3A_127 = arith.constant 0 : i32
        %add3A_128 = vector.broadcast %add3A_127 : i32 to vector<16xi32>
        %add3A_129 = arith.addi %get3A_120, %add3A_128 : vector<16xi32>
        %mul3A_130 = arith.mulf %gather3A_126, %get3A_122 : vector<16xf32>
        tpu.vector_store_idx %arg9[%add3A_129], %mul3A_130 {add = true} : memref<40960xf32, #tpu.memory_space<vmem>>[vector<16xi32>], vector<16xf32>,
        %add3A_131 = arith.constant 10240 : i32
        %add3A_132 = vector.broadcast %add3A_131 : i32 to vector<16xi32>
        %add3A_133 = arith.addi %get3A_118, %add3A_132 : vector<16xi32>
        %gather3A_134 = tpu.vector_load_idx %arg8[%add3A_133] : memref<40960xf32, #tpu.memory_space<vmem>>[vector<16xi32>], vector<16xf32>,
        %add3A_135 = arith.constant 10240 : i32
        %add3A_136 = vector.broadcast %add3A_135 : i32 to vector<16xi32>
        %add3A_137 = arith.addi %get3A_120, %add3A_136 : vector<16xi32>
        %mul3A_138 = arith.mulf %gather3A_134, %get3A_122 : vector<16xf32>
        tpu.vector_store_idx %arg9[%add3A_137], %mul3A_138 {add = true} : memref<40960xf32, #tpu.memory_space<vmem>>[vector<16xi32>], vector<16xf32>,
        %add3A_139 = arith.constant 20480 : i32
        %add3A_140 = vector.broadcast %add3A_139 : i32 to vector<16xi32>
        %add3A_141 = arith.addi %get3A_118, %add3A_140 : vector<16xi32>
        %gather3A_142 = tpu.vector_load_idx %arg8[%add3A_141] : memref<40960xf32, #tpu.memory_space<vmem>>[vector<16xi32>], vector<16xf32>,
        %add3A_143 = arith.constant 20480 : i32
        %add3A_144 = vector.broadcast %add3A_143 : i32 to vector<16xi32>
        %add3A_145 = arith.addi %get3A_120, %add3A_144 : vector<16xi32>
        %mul3A_146 = arith.mulf %gather3A_142, %get3A_122 : vector<16xf32>
        tpu.vector_store_idx %arg9[%add3A_145], %mul3A_146 {add = true} : memref<40960xf32, #tpu.memory_space<vmem>>[vector<16xi32>], vector<16xf32>,
        %add3A_147 = arith.constant 30720 : i32
        %add3A_148 = vector.broadcast %add3A_147 : i32 to vector<16xi32>
        %add3A_149 = arith.addi %get3A_118, %add3A_148 : vector<16xi32>
        %gather3A_150 = tpu.vector_load_idx %arg8[%add3A_149] : memref<40960xf32, #tpu.memory_space<vmem>>[vector<16xi32>], vector<16xf32>,
        %add3A_151 = arith.constant 30720 : i32
        %add3A_152 = vector.broadcast %add3A_151 : i32 to vector<16xi32>
        %add3A_153 = arith.addi %get3A_120, %add3A_152 : vector<16xi32>
        %mul3A_154 = arith.mulf %gather3A_150, %get3A_122 : vector<16xf32>
        tpu.vector_store_idx %arg9[%add3A_153], %mul3A_154 {add = true} : memref<40960xf32, #tpu.memory_space<vmem>>[vector<16xi32>], vector<16xf32>,
        %convert_element_type3A_155 = arith.extui %eq3A_34 : i1 to i32
        %cond3A_156 = arith.constant 0 : i32
        %cond3A_157 = arith.cmpi ne, %convert_element_type3A_155, %cond3A_156 : i32
        scf.if %cond3A_157 {
          tpu.vector_store_idx %arg10[%get3A_120], %get3A_122 {add = true} : memref<10240xf32, #tpu.memory_space<vmem>>[vector<16xi32>], vector<16xf32>,
        } else {
        }
        %mul3A_158 = arith.constant 64 : i32
        %mul3A_159 = arith.muli %scan3A_69, %mul3A_158 : i32
        %add3A_160 = arith.constant 32 : i32
        %add3A_161 = arith.addi %mul3A_159, %add3A_160 : i32
        %get3A_162 = arith.index_cast %add3A_161 : i32 to index
        %get3A_163 = tpu.vector_load %arg11[%get3A_162] {strides = array<i32>} : memref<8000xi32, #tpu.memory_space<vmem>>, vector<16xi32>,
        %get3A_164 = arith.index_cast %add3A_161 : i32 to index
        %get3A_165 = tpu.vector_load %arg12[%get3A_164] {strides = array<i32>} : memref<8000xi32, #tpu.memory_space<vmem>>, vector<16xi32>,
        %get3A_166 = arith.index_cast %add3A_161 : i32 to index
        %get3A_167 = tpu.vector_load %arg13[%get3A_166] {strides = array<i32>} : memref<8000xf32, #tpu.memory_space<vmem>>, vector<16xf32>,
        %add3A_168 = arith.constant 0 : i32
        %add3A_169 = vector.broadcast %add3A_168 : i32 to vector<16xi32>
        %add3A_170 = arith.addi %get3A_163, %add3A_169 : vector<16xi32>
        %gather3A_171 = tpu.vector_load_idx %arg8[%add3A_170] : memref<40960xf32, #tpu.memory_space<vmem>>[vector<16xi32>], vector<16xf32>,
        %add3A_172 = arith.constant 0 : i32
        %add3A_173 = vector.broadcast %add3A_172 : i32 to vector<16xi32>
        %add3A_174 = arith.addi %get3A_165, %add3A_173 : vector<16xi32>
        %mul3A_175 = arith.mulf %gather3A_171, %get3A_167 : vector<16xf32>
        tpu.vector_store_idx %arg9[%add3A_174], %mul3A_175 {add = true} : memref<40960xf32, #tpu.memory_space<vmem>>[vector<16xi32>], vector<16xf32>,
        %add3A_176 = arith.constant 10240 : i32
        %add3A_177 = vector.broadcast %add3A_176 : i32 to vector<16xi32>
        %add3A_178 = arith.addi %get3A_163, %add3A_177 : vector<16xi32>
        %gather3A_179 = tpu.vector_load_idx %arg8[%add3A_178] : memref<40960xf32, #tpu.memory_space<vmem>>[vector<16xi32>], vector<16xf32>,
        %add3A_180 = arith.constant 10240 : i32
        %add3A_181 = vector.broadcast %add3A_180 : i32 to vector<16xi32>
        %add3A_182 = arith.addi %get3A_165, %add3A_181 : vector<16xi32>
        %mul3A_183 = arith.mulf %gather3A_179, %get3A_167 : vector<16xf32>
        tpu.vector_store_idx %arg9[%add3A_182], %mul3A_183 {add = true} : memref<40960xf32, #tpu.memory_space<vmem>>[vector<16xi32>], vector<16xf32>,
        %add3A_184 = arith.constant 20480 : i32
        %add3A_185 = vector.broadcast %add3A_184 : i32 to vector<16xi32>
        %add3A_186 = arith.addi %get3A_163, %add3A_185 : vector<16xi32>
        %gather3A_187 = tpu.vector_load_idx %arg8[%add3A_186] : memref<40960xf32, #tpu.memory_space<vmem>>[vector<16xi32>], vector<16xf32>,
        %add3A_188 = arith.constant 20480 : i32
        %add3A_189 = vector.broadcast %add3A_188 : i32 to vector<16xi32>
        %add3A_190 = arith.addi %get3A_165, %add3A_189 : vector<16xi32>
        %mul3A_191 = arith.mulf %gather3A_187, %get3A_167 : vector<16xf32>
        tpu.vector_store_idx %arg9[%add3A_190], %mul3A_191 {add = true} : memref<40960xf32, #tpu.memory_space<vmem>>[vector<16xi32>], vector<16xf32>,
        %add3A_192 = arith.constant 30720 : i32
        %add3A_193 = vector.broadcast %add3A_192 : i32 to vector<16xi32>
        %add3A_194 = arith.addi %get3A_163, %add3A_193 : vector<16xi32>
        %gather3A_195 = tpu.vector_load_idx %arg8[%add3A_194] : memref<40960xf32, #tpu.memory_space<vmem>>[vector<16xi32>], vector<16xf32>,
        %add3A_196 = arith.constant 30720 : i32
        %add3A_197 = vector.broadcast %add3A_196 : i32 to vector<16xi32>
        %add3A_198 = arith.addi %get3A_165, %add3A_197 : vector<16xi32>
        %mul3A_199 = arith.mulf %gather3A_195, %get3A_167 : vector<16xf32>
        tpu.vector_store_idx %arg9[%add3A_198], %mul3A_199 {add = true} : memref<40960xf32, #tpu.memory_space<vmem>>[vector<16xi32>], vector<16xf32>,
        %convert_element_type3A_200 = arith.extui %eq3A_34 : i1 to i32
        %cond3A_201 = arith.constant 0 : i32
        %cond3A_202 = arith.cmpi ne, %convert_element_type3A_200, %cond3A_201 : i32
        scf.if %cond3A_202 {
          tpu.vector_store_idx %arg10[%get3A_165], %get3A_167 {add = true} : memref<10240xf32, #tpu.memory_space<vmem>>[vector<16xi32>], vector<16xf32>,
        } else {
        }
        %mul3A_203 = arith.constant 64 : i32
        %mul3A_204 = arith.muli %scan3A_69, %mul3A_203 : i32
        %add3A_205 = arith.constant 48 : i32
        %add3A_206 = arith.addi %mul3A_204, %add3A_205 : i32
        %get3A_207 = arith.index_cast %add3A_206 : i32 to index
        %get3A_208 = tpu.vector_load %arg11[%get3A_207] {strides = array<i32>} : memref<8000xi32, #tpu.memory_space<vmem>>, vector<16xi32>,
        %get3A_209 = arith.index_cast %add3A_206 : i32 to index
        %get3A_210 = tpu.vector_load %arg12[%get3A_209] {strides = array<i32>} : memref<8000xi32, #tpu.memory_space<vmem>>, vector<16xi32>,
        %get3A_211 = arith.index_cast %add3A_206 : i32 to index
        %get3A_212 = tpu.vector_load %arg13[%get3A_211] {strides = array<i32>} : memref<8000xf32, #tpu.memory_space<vmem>>, vector<16xf32>,
        %add3A_213 = arith.constant 0 : i32
        %add3A_214 = vector.broadcast %add3A_213 : i32 to vector<16xi32>
        %add3A_215 = arith.addi %get3A_208, %add3A_214 : vector<16xi32>
        %gather3A_216 = tpu.vector_load_idx %arg8[%add3A_215] : memref<40960xf32, #tpu.memory_space<vmem>>[vector<16xi32>], vector<16xf32>,
        %add3A_217 = arith.constant 0 : i32
        %add3A_218 = vector.broadcast %add3A_217 : i32 to vector<16xi32>
        %add3A_219 = arith.addi %get3A_210, %add3A_218 : vector<16xi32>
        %mul3A_220 = arith.mulf %gather3A_216, %get3A_212 : vector<16xf32>
        tpu.vector_store_idx %arg9[%add3A_219], %mul3A_220 {add = true} : memref<40960xf32, #tpu.memory_space<vmem>>[vector<16xi32>], vector<16xf32>,
        %add3A_221 = arith.constant 10240 : i32
        %add3A_222 = vector.broadcast %add3A_221 : i32 to vector<16xi32>
        %add3A_223 = arith.addi %get3A_208, %add3A_222 : vector<16xi32>
        %gather3A_224 = tpu.vector_load_idx %arg8[%add3A_223] : memref<40960xf32, #tpu.memory_space<vmem>>[vector<16xi32>], vector<16xf32>,
        %add3A_225 = arith.constant 10240 : i32
        %add3A_226 = vector.broadcast %add3A_225 : i32 to vector<16xi32>
        %add3A_227 = arith.addi %get3A_210, %add3A_226 : vector<16xi32>
        %mul3A_228 = arith.mulf %gather3A_224, %get3A_212 : vector<16xf32>
        tpu.vector_store_idx %arg9[%add3A_227], %mul3A_228 {add = true} : memref<40960xf32, #tpu.memory_space<vmem>>[vector<16xi32>], vector<16xf32>,
        %add3A_229 = arith.constant 20480 : i32
        %add3A_230 = vector.broadcast %add3A_229 : i32 to vector<16xi32>
        %add3A_231 = arith.addi %get3A_208, %add3A_230 : vector<16xi32>
        %gather3A_232 = tpu.vector_load_idx %arg8[%add3A_231] : memref<40960xf32, #tpu.memory_space<vmem>>[vector<16xi32>], vector<16xf32>,
        %add3A_233 = arith.constant 20480 : i32
        %add3A_234 = vector.broadcast %add3A_233 : i32 to vector<16xi32>
        %add3A_235 = arith.addi %get3A_210, %add3A_234 : vector<16xi32>
        %mul3A_236 = arith.mulf %gather3A_232, %get3A_212 : vector<16xf32>
        tpu.vector_store_idx %arg9[%add3A_235], %mul3A_236 {add = true} : memref<40960xf32, #tpu.memory_space<vmem>>[vector<16xi32>], vector<16xf32>,
        %add3A_237 = arith.constant 30720 : i32
        %add3A_238 = vector.broadcast %add3A_237 : i32 to vector<16xi32>
        %add3A_239 = arith.addi %get3A_208, %add3A_238 : vector<16xi32>
        %gather3A_240 = tpu.vector_load_idx %arg8[%add3A_239] : memref<40960xf32, #tpu.memory_space<vmem>>[vector<16xi32>], vector<16xf32>,
        %add3A_241 = arith.constant 30720 : i32
        %add3A_242 = vector.broadcast %add3A_241 : i32 to vector<16xi32>
        %add3A_243 = arith.addi %get3A_210, %add3A_242 : vector<16xi32>
        %mul3A_244 = arith.mulf %gather3A_240, %get3A_212 : vector<16xf32>
        tpu.vector_store_idx %arg9[%add3A_243], %mul3A_244 {add = true} : memref<40960xf32, #tpu.memory_space<vmem>>[vector<16xi32>], vector<16xf32>,
        %convert_element_type3A_245 = arith.extui %eq3A_34 : i1 to i32
        %cond3A_246 = arith.constant 0 : i32
        %cond3A_247 = arith.cmpi ne, %convert_element_type3A_245, %cond3A_246 : i32
        scf.if %cond3A_247 {
          tpu.vector_store_idx %arg10[%get3A_210], %get3A_212 {add = true} : memref<10240xf32, #tpu.memory_space<vmem>>[vector<16xi32>], vector<16xf32>,
        } else {
        }
      }
      %scan3A_68 = arith.constant 125 : i32
    }
    %scan3A_53 = arith.constant 40 : i32
    %mul3A_54 = arith.constant 10240 : i32
    %mul3A_55 = arith.muli %mul3A_18, %mul3A_54 : i32
    "tpu.region"() ({
      %run_scoped3A = tpu.sem_alloc : memref<!tpu.dma_semaphore, #tpu.memory_space<semaphore_mem>>
      %dma_start3A = tpu.memref_slice %arg6[%mul3A_55] : memref<1310720xf32, #tpu.memory_space<hbm>> -> memref<40960xf32, #tpu.memory_space<hbm>>
      %dma_start3A_57 = tpu.memref_slice %arg6[%mul3A_55] : memref<1310720xf32, #tpu.memory_space<hbm>> -> memref<40960xf32, #tpu.memory_space<hbm>>
      tpu.enqueue_dma source(%arg9 : memref<40960xf32, #tpu.memory_space<vmem>>) target(%dma_start3A_57 : memref<40960xf32, #tpu.memory_space<hbm>>) target_semaphore(%run_scoped3A : memref<!tpu.dma_semaphore, #tpu.memory_space<semaphore_mem>>)
      %dma_wait3A = tpu.memref_slice %arg6[%mul3A_55] : memref<1310720xf32, #tpu.memory_space<hbm>> -> memref<40960xf32, #tpu.memory_space<hbm>>
      %dma_wait3A_58 = tpu.memref_slice %arg6[%mul3A_55] : memref<1310720xf32, #tpu.memory_space<hbm>> -> memref<40960xf32, #tpu.memory_space<hbm>>
      tpu.wait_dma2 semaphore(%run_scoped3A : memref<!tpu.dma_semaphore, #tpu.memory_space<semaphore_mem>>) src(%arg9 : memref<40960xf32, #tpu.memory_space<vmem>>) dst(%dma_wait3A_58 : memref<40960xf32, #tpu.memory_space<hbm>>)
      tpu.yield
    }) : () -> ()
    %convert_element_type3A = arith.extui %eq3A_34 : i1 to i32
    %cond3A = arith.constant 0 : i32
    %cond3A_56 = arith.cmpi ne, %convert_element_type3A, %cond3A : i32
    scf.if %cond3A_56 {
      %mul3A_57 = arith.constant 10240 : i32
      %mul3A_58 = arith.muli %select_n3A, %mul3A_57 : i32
      "tpu.region"() ({
        %run_scoped3A = tpu.sem_alloc : memref<!tpu.dma_semaphore, #tpu.memory_space<semaphore_mem>>
        %dma_start3A = tpu.memref_slice %arg7[%mul3A_58] : memref<40960xf32, #tpu.memory_space<hbm>> -> memref<10240xf32, #tpu.memory_space<hbm>>
        %dma_start3A_59 = tpu.memref_slice %arg7[%mul3A_58] : memref<40960xf32, #tpu.memory_space<hbm>> -> memref<10240xf32, #tpu.memory_space<hbm>>
        tpu.enqueue_dma source(%arg10 : memref<10240xf32, #tpu.memory_space<vmem>>) target(%dma_start3A_59 : memref<10240xf32, #tpu.memory_space<hbm>>) target_semaphore(%run_scoped3A : memref<!tpu.dma_semaphore, #tpu.memory_space<semaphore_mem>>)
        %dma_wait3A = tpu.memref_slice %arg7[%mul3A_58] : memref<40960xf32, #tpu.memory_space<hbm>> -> memref<10240xf32, #tpu.memory_space<hbm>>
        %dma_wait3A_60 = tpu.memref_slice %arg7[%mul3A_58] : memref<40960xf32, #tpu.memory_space<hbm>> -> memref<10240xf32, #tpu.memory_space<hbm>>
        tpu.wait_dma2 semaphore(%run_scoped3A : memref<!tpu.dma_semaphore, #tpu.memory_space<semaphore_mem>>) src(%arg10 : memref<10240xf32, #tpu.memory_space<vmem>>) dst(%dma_wait3A_60 : memref<10240xf32, #tpu.memory_space<hbm>>)
        tpu.yield
      }) : () -> ()
    } else {
    }
    return
  }
}

#map = affine_map<(d0, d1) -> (0)>
module attributes {stable_mosaic.version = 14 : i64} {
  func.func @ka(%arg0: i32, %arg1: i32, %arg2: memref<81920xf32, #tpu.memory_space<hbm>>, %arg3: memref<320000xi32, #tpu.memory_space<hbm>>, %arg4: memref<320000xi32, #tpu.memory_space<hbm>>, %arg5: memref<1280000xf32, #tpu.memory_space<hbm>>, %arg6: memref<81920xf32, #tpu.memory_space<vmem>>, %arg7: memref<2000xi32, #tpu.memory_space<vmem>>, %arg8: memref<2000xi32, #tpu.memory_space<vmem>>, %arg9: memref<8000xf32, #tpu.memory_space<vmem>>) attributes {dimension_semantics = [#tpu.dimension_semantics<core_parallel>, #tpu.dimension_semantics<subcore_parallel>], iteration_bounds = array<i64: 2, 16>, scalar_prefetch = 0 : i64, scratch_operands = 4 : i64, tpu.core_type = #tpu.core_type<sc_vector_subcore>, window_params = [{transform_indices = #map}, {transform_indices = #map}, {transform_indices = #map}, {transform_indices = #map}]} {
    %mul3A = arith.constant 2 : i32
    %mul3A_0 = arith.muli %arg1, %mul3A : i32
    %add3A = arith.addi %mul3A_0, %arg0 : i32
    %mul3A_1 = arith.constant 10000 : i32
    %mul3A_2 = arith.muli %add3A, %mul3A_1 : i32
    "tpu.region"() ({
      %run_scoped3A = tpu.sem_alloc : memref<!tpu.dma_semaphore, #tpu.memory_space<semaphore_mem>>
      %dma_start3A = arith.constant 0 : i32
      %dma_start3A_8 = tpu.memref_slice %arg6[%dma_start3A] : memref<81920xf32, #tpu.memory_space<vmem>> -> memref<40960xf32, #tpu.memory_space<vmem>>
      %dma_start3A_9 = arith.constant 0 : i32
      %dma_start3A_10 = tpu.memref_slice %arg2[%dma_start3A_9] : memref<81920xf32, #tpu.memory_space<hbm>> -> memref<40960xf32, #tpu.memory_space<hbm>>
      %dma_start3A_11 = arith.constant 0 : i32
      %dma_start3A_12 = tpu.memref_slice %arg6[%dma_start3A_11] : memref<81920xf32, #tpu.memory_space<vmem>> -> memref<40960xf32, #tpu.memory_space<vmem>>
      %dma_start3A_13 = arith.constant 0 : i32
      %dma_start3A_14 = tpu.memref_slice %arg2[%dma_start3A_13] : memref<81920xf32, #tpu.memory_space<hbm>> -> memref<40960xf32, #tpu.memory_space<hbm>>
      tpu.enqueue_dma source(%dma_start3A_14 : memref<40960xf32, #tpu.memory_space<hbm>>) target(%dma_start3A_12 : memref<40960xf32, #tpu.memory_space<vmem>>) target_semaphore(%run_scoped3A : memref<!tpu.dma_semaphore, #tpu.memory_space<semaphore_mem>>)
      %dma_wait3A = arith.constant 0 : i32
      %dma_wait3A_15 = tpu.memref_slice %arg6[%dma_wait3A] : memref<81920xf32, #tpu.memory_space<vmem>> -> memref<40960xf32, #tpu.memory_space<vmem>>
      %dma_wait3A_16 = arith.constant 0 : i32
      %dma_wait3A_17 = tpu.memref_slice %arg2[%dma_wait3A_16] : memref<81920xf32, #tpu.memory_space<hbm>> -> memref<40960xf32, #tpu.memory_space<hbm>>
      %dma_wait3A_18 = arith.constant 0 : i32
      %dma_wait3A_19 = tpu.memref_slice %arg6[%dma_wait3A_18] : memref<81920xf32, #tpu.memory_space<vmem>> -> memref<40960xf32, #tpu.memory_space<vmem>>
      %dma_wait3A_20 = arith.constant 0 : i32
      %dma_wait3A_21 = tpu.memref_slice %arg2[%dma_wait3A_20] : memref<81920xf32, #tpu.memory_space<hbm>> -> memref<40960xf32, #tpu.memory_space<hbm>>
      tpu.wait_dma2 semaphore(%run_scoped3A : memref<!tpu.dma_semaphore, #tpu.memory_space<semaphore_mem>>) src(%dma_wait3A_21 : memref<40960xf32, #tpu.memory_space<hbm>>) dst(%dma_wait3A_19 : memref<40960xf32, #tpu.memory_space<vmem>>)
      tpu.yield
    }) : () -> ()
    "tpu.region"() ({
      %run_scoped3A = tpu.sem_alloc : memref<!tpu.dma_semaphore, #tpu.memory_space<semaphore_mem>>
      %dma_start3A = arith.constant 40960 : i32
      %dma_start3A_8 = tpu.memref_slice %arg6[%dma_start3A] : memref<81920xf32, #tpu.memory_space<vmem>> -> memref<40960xf32, #tpu.memory_space<vmem>>
      %dma_start3A_9 = arith.constant 40960 : i32
      %dma_start3A_10 = tpu.memref_slice %arg2[%dma_start3A_9] : memref<81920xf32, #tpu.memory_space<hbm>> -> memref<40960xf32, #tpu.memory_space<hbm>>
      %dma_start3A_11 = arith.constant 40960 : i32
      %dma_start3A_12 = tpu.memref_slice %arg6[%dma_start3A_11] : memref<81920xf32, #tpu.memory_space<vmem>> -> memref<40960xf32, #tpu.memory_space<vmem>>
      %dma_start3A_13 = arith.constant 40960 : i32
      %dma_start3A_14 = tpu.memref_slice %arg2[%dma_start3A_13] : memref<81920xf32, #tpu.memory_space<hbm>> -> memref<40960xf32, #tpu.memory_space<hbm>>
      tpu.enqueue_dma source(%dma_start3A_14 : memref<40960xf32, #tpu.memory_space<hbm>>) target(%dma_start3A_12 : memref<40960xf32, #tpu.memory_space<vmem>>) target_semaphore(%run_scoped3A : memref<!tpu.dma_semaphore, #tpu.memory_space<semaphore_mem>>)
      %dma_wait3A = arith.constant 40960 : i32
      %dma_wait3A_15 = tpu.memref_slice %arg6[%dma_wait3A] : memref<81920xf32, #tpu.memory_space<vmem>> -> memref<40960xf32, #tpu.memory_space<vmem>>
      %dma_wait3A_16 = arith.constant 40960 : i32
      %dma_wait3A_17 = tpu.memref_slice %arg2[%dma_wait3A_16] : memref<81920xf32, #tpu.memory_space<hbm>> -> memref<40960xf32, #tpu.memory_space<hbm>>
      %dma_wait3A_18 = arith.constant 40960 : i32
      %dma_wait3A_19 = tpu.memref_slice %arg6[%dma_wait3A_18] : memref<81920xf32, #tpu.memory_space<vmem>> -> memref<40960xf32, #tpu.memory_space<vmem>>
      %dma_wait3A_20 = arith.constant 40960 : i32
      %dma_wait3A_21 = tpu.memref_slice %arg2[%dma_wait3A_20] : memref<81920xf32, #tpu.memory_space<hbm>> -> memref<40960xf32, #tpu.memory_space<hbm>>
      tpu.wait_dma2 semaphore(%run_scoped3A : memref<!tpu.dma_semaphore, #tpu.memory_space<semaphore_mem>>) src(%dma_wait3A_21 : memref<40960xf32, #tpu.memory_space<hbm>>) dst(%dma_wait3A_19 : memref<40960xf32, #tpu.memory_space<vmem>>)
      tpu.yield
    }) : () -> ()
    %scan3A = arith.constant 0 : i32
    %scan3A_3 = arith.constant 0 : i32
    %scan3A_4 = arith.constant 5 : i32
    %scan3A_5 = arith.addi %scan3A_3, %scan3A_4 : i32
    %scan3A_6 = arith.constant 1 : i32
    scf.for %scan3A_8 = %scan3A_3 to %scan3A_5 step %scan3A_6  : i32 {
      %mul3A_9 = arith.constant 2000 : i32
      %mul3A_10 = arith.muli %scan3A_8, %mul3A_9 : i32
      %add3A_11 = arith.addi %mul3A_2, %mul3A_10 : i32
      "tpu.region"() ({
        %run_scoped3A = tpu.sem_alloc : memref<!tpu.dma_semaphore, #tpu.memory_space<semaphore_mem>>
        %dma_start3A = tpu.memref_slice %arg3[%add3A_11] : memref<320000xi32, #tpu.memory_space<hbm>> -> memref<2000xi32, #tpu.memory_space<hbm>>
        %dma_start3A_26 = tpu.memref_slice %arg3[%add3A_11] : memref<320000xi32, #tpu.memory_space<hbm>> -> memref<2000xi32, #tpu.memory_space<hbm>>
        tpu.enqueue_dma source(%dma_start3A_26 : memref<2000xi32, #tpu.memory_space<hbm>>) target(%arg7 : memref<2000xi32, #tpu.memory_space<vmem>>) target_semaphore(%run_scoped3A : memref<!tpu.dma_semaphore, #tpu.memory_space<semaphore_mem>>)
        %dma_wait3A = tpu.memref_slice %arg3[%add3A_11] : memref<320000xi32, #tpu.memory_space<hbm>> -> memref<2000xi32, #tpu.memory_space<hbm>>
        %dma_wait3A_27 = tpu.memref_slice %arg3[%add3A_11] : memref<320000xi32, #tpu.memory_space<hbm>> -> memref<2000xi32, #tpu.memory_space<hbm>>
        tpu.wait_dma2 semaphore(%run_scoped3A : memref<!tpu.dma_semaphore, #tpu.memory_space<semaphore_mem>>) src(%dma_wait3A_27 : memref<2000xi32, #tpu.memory_space<hbm>>) dst(%arg7 : memref<2000xi32, #tpu.memory_space<vmem>>)
        tpu.yield
      }) : () -> ()
      "tpu.region"() ({
        %run_scoped3A = tpu.sem_alloc : memref<!tpu.dma_semaphore, #tpu.memory_space<semaphore_mem>>
        %dma_start3A = tpu.memref_slice %arg4[%add3A_11] : memref<320000xi32, #tpu.memory_space<hbm>> -> memref<2000xi32, #tpu.memory_space<hbm>>
        %dma_start3A_26 = tpu.memref_slice %arg4[%add3A_11] : memref<320000xi32, #tpu.memory_space<hbm>> -> memref<2000xi32, #tpu.memory_space<hbm>>
        tpu.enqueue_dma source(%dma_start3A_26 : memref<2000xi32, #tpu.memory_space<hbm>>) target(%arg8 : memref<2000xi32, #tpu.memory_space<vmem>>) target_semaphore(%run_scoped3A : memref<!tpu.dma_semaphore, #tpu.memory_space<semaphore_mem>>)
        %dma_wait3A = tpu.memref_slice %arg4[%add3A_11] : memref<320000xi32, #tpu.memory_space<hbm>> -> memref<2000xi32, #tpu.memory_space<hbm>>
        %dma_wait3A_27 = tpu.memref_slice %arg4[%add3A_11] : memref<320000xi32, #tpu.memory_space<hbm>> -> memref<2000xi32, #tpu.memory_space<hbm>>
        tpu.wait_dma2 semaphore(%run_scoped3A : memref<!tpu.dma_semaphore, #tpu.memory_space<semaphore_mem>>) src(%dma_wait3A_27 : memref<2000xi32, #tpu.memory_space<hbm>>) dst(%arg8 : memref<2000xi32, #tpu.memory_space<vmem>>)
        tpu.yield
      }) : () -> ()
      %scan3A_12 = arith.constant 0 : i32
      %scan3A_13 = arith.constant 0 : i32
      %scan3A_14 = arith.constant 125 : i32
      %scan3A_15 = arith.addi %scan3A_13, %scan3A_14 : i32
      %scan3A_16 = arith.constant 1 : i32
      scf.for %scan3A_26 = %scan3A_13 to %scan3A_15 step %scan3A_16  : i32 {
        %mul3A_27 = arith.constant 16 : i32
        %mul3A_28 = arith.muli %scan3A_26, %mul3A_27 : i32
        %get3A = arith.index_cast %mul3A_28 : i32 to index
        %get3A_29 = tpu.vector_load %arg7[%get3A] {strides = array<i32>} : memref<2000xi32, #tpu.memory_space<vmem>>, vector<16xi32>,
        %mul3A_30 = arith.constant 16 : i32
        %mul3A_31 = arith.muli %scan3A_26, %mul3A_30 : i32
        %get3A_32 = arith.index_cast %mul3A_31 : i32 to index
        %get3A_33 = tpu.vector_load %arg8[%get3A_32] {strides = array<i32>} : memref<2000xi32, #tpu.memory_space<vmem>>, vector<16xi32>,
        %add3A_34 = arith.constant 0 : i32
        %add3A_35 = vector.broadcast %add3A_34 : i32 to vector<16xi32>
        %add3A_36 = arith.addi %get3A_29, %add3A_35 : vector<16xi32>
        %gather3A = tpu.vector_load_idx %arg6[%add3A_36] : memref<81920xf32, #tpu.memory_space<vmem>>[vector<16xi32>], vector<16xf32>,
        %add3A_37 = arith.constant 40960 : i32
        %add3A_38 = vector.broadcast %add3A_37 : i32 to vector<16xi32>
        %add3A_39 = arith.addi %get3A_33, %add3A_38 : vector<16xi32>
        %gather3A_40 = tpu.vector_load_idx %arg6[%add3A_39] : memref<81920xf32, #tpu.memory_space<vmem>>[vector<16xi32>], vector<16xf32>,
        %add3A_41 = arith.addf %gather3A, %gather3A_40 : vector<16xf32>
        %ge3A = arith.constant 0.000000e+00 : f32
        %ge3A_42 = vector.broadcast %ge3A : f32 to vector<16xf32>
        %ge3A_43 = arith.cmpf oge, %add3A_41, %ge3A_42 : vector<16xf32>
        %mul3A_44 = arith.constant 2.000000e-01 : f32
        %mul3A_45 = vector.broadcast %mul3A_44 : f32 to vector<16xf32>
        %mul3A_46 = arith.mulf %add3A_41, %mul3A_45 : vector<16xf32>
        %select_n3A = arith.select %ge3A_43, %add3A_41, %mul3A_46 : vector<16xi1>, vector<16xf32>
        %exp3A = math.exp %select_n3A : vector<16xf32>
        %mul3A_47 = arith.constant 16 : i32
        %mul3A_48 = arith.muli %scan3A_26, %mul3A_47 : i32
        %add3A_49 = arith.constant 0 : i32
        %add3A_50 = arith.addi %add3A_49, %mul3A_48 : i32
        %swap3A = arith.index_cast %add3A_50 : i32 to index
        %swap3A_51 = tpu.vector_load %arg9[%swap3A] {strides = array<i32>} : memref<8000xf32, #tpu.memory_space<vmem>>, vector<16xf32>,
        tpu.vector_store %arg9[%swap3A], %exp3A {strides = array<i32>} : memref<8000xf32, #tpu.memory_space<vmem>>, vector<16xf32>,
        %add3A_52 = arith.constant 10240 : i32
        %add3A_53 = vector.broadcast %add3A_52 : i32 to vector<16xi32>
        %add3A_54 = arith.addi %get3A_29, %add3A_53 : vector<16xi32>
        %gather3A_55 = tpu.vector_load_idx %arg6[%add3A_54] : memref<81920xf32, #tpu.memory_space<vmem>>[vector<16xi32>], vector<16xf32>,
        %add3A_56 = arith.constant 51200 : i32
        %add3A_57 = vector.broadcast %add3A_56 : i32 to vector<16xi32>
        %add3A_58 = arith.addi %get3A_33, %add3A_57 : vector<16xi32>
        %gather3A_59 = tpu.vector_load_idx %arg6[%add3A_58] : memref<81920xf32, #tpu.memory_space<vmem>>[vector<16xi32>], vector<16xf32>,
        %add3A_60 = arith.addf %gather3A_55, %gather3A_59 : vector<16xf32>
        %ge3A_61 = arith.constant 0.000000e+00 : f32
        %ge3A_62 = vector.broadcast %ge3A_61 : f32 to vector<16xf32>
        %ge3A_63 = arith.cmpf oge, %add3A_60, %ge3A_62 : vector<16xf32>
        %mul3A_64 = arith.constant 2.000000e-01 : f32
        %mul3A_65 = vector.broadcast %mul3A_64 : f32 to vector<16xf32>
        %mul3A_66 = arith.mulf %add3A_60, %mul3A_65 : vector<16xf32>
        %select_n3A_67 = arith.select %ge3A_63, %add3A_60, %mul3A_66 : vector<16xi1>, vector<16xf32>
        %exp3A_68 = math.exp %select_n3A_67 : vector<16xf32>
        %mul3A_69 = arith.constant 16 : i32
        %mul3A_70 = arith.muli %scan3A_26, %mul3A_69 : i32
        %add3A_71 = arith.constant 2000 : i32
        %add3A_72 = arith.addi %add3A_71, %mul3A_70 : i32
        %swap3A_73 = arith.index_cast %add3A_72 : i32 to index
        %swap3A_74 = tpu.vector_load %arg9[%swap3A_73] {strides = array<i32>} : memref<8000xf32, #tpu.memory_space<vmem>>, vector<16xf32>,
        tpu.vector_store %arg9[%swap3A_73], %exp3A_68 {strides = array<i32>} : memref<8000xf32, #tpu.memory_space<vmem>>, vector<16xf32>,
        %add3A_75 = arith.constant 20480 : i32
        %add3A_76 = vector.broadcast %add3A_75 : i32 to vector<16xi32>
        %add3A_77 = arith.addi %get3A_29, %add3A_76 : vector<16xi32>
        %gather3A_78 = tpu.vector_load_idx %arg6[%add3A_77] : memref<81920xf32, #tpu.memory_space<vmem>>[vector<16xi32>], vector<16xf32>,
        %add3A_79 = arith.constant 61440 : i32
        %add3A_80 = vector.broadcast %add3A_79 : i32 to vector<16xi32>
        %add3A_81 = arith.addi %get3A_33, %add3A_80 : vector<16xi32>
        %gather3A_82 = tpu.vector_load_idx %arg6[%add3A_81] : memref<81920xf32, #tpu.memory_space<vmem>>[vector<16xi32>], vector<16xf32>,
        %add3A_83 = arith.addf %gather3A_78, %gather3A_82 : vector<16xf32>
        %ge3A_84 = arith.constant 0.000000e+00 : f32
        %ge3A_85 = vector.broadcast %ge3A_84 : f32 to vector<16xf32>
        %ge3A_86 = arith.cmpf oge, %add3A_83, %ge3A_85 : vector<16xf32>
        %mul3A_87 = arith.constant 2.000000e-01 : f32
        %mul3A_88 = vector.broadcast %mul3A_87 : f32 to vector<16xf32>
        %mul3A_89 = arith.mulf %add3A_83, %mul3A_88 : vector<16xf32>
        %select_n3A_90 = arith.select %ge3A_86, %add3A_83, %mul3A_89 : vector<16xi1>, vector<16xf32>
        %exp3A_91 = math.exp %select_n3A_90 : vector<16xf32>
        %mul3A_92 = arith.constant 16 : i32
        %mul3A_93 = arith.muli %scan3A_26, %mul3A_92 : i32
        %add3A_94 = arith.constant 4000 : i32
        %add3A_95 = arith.addi %add3A_94, %mul3A_93 : i32
        %swap3A_96 = arith.index_cast %add3A_95 : i32 to index
        %swap3A_97 = tpu.vector_load %arg9[%swap3A_96] {strides = array<i32>} : memref<8000xf32, #tpu.memory_space<vmem>>, vector<16xf32>,
        tpu.vector_store %arg9[%swap3A_96], %exp3A_91 {strides = array<i32>} : memref<8000xf32, #tpu.memory_space<vmem>>, vector<16xf32>,
        %add3A_98 = arith.constant 30720 : i32
        %add3A_99 = vector.broadcast %add3A_98 : i32 to vector<16xi32>
        %add3A_100 = arith.addi %get3A_29, %add3A_99 : vector<16xi32>
        %gather3A_101 = tpu.vector_load_idx %arg6[%add3A_100] : memref<81920xf32, #tpu.memory_space<vmem>>[vector<16xi32>], vector<16xf32>,
        %add3A_102 = arith.constant 71680 : i32
        %add3A_103 = vector.broadcast %add3A_102 : i32 to vector<16xi32>
        %add3A_104 = arith.addi %get3A_33, %add3A_103 : vector<16xi32>
        %gather3A_105 = tpu.vector_load_idx %arg6[%add3A_104] : memref<81920xf32, #tpu.memory_space<vmem>>[vector<16xi32>], vector<16xf32>,
        %add3A_106 = arith.addf %gather3A_101, %gather3A_105 : vector<16xf32>
        %ge3A_107 = arith.constant 0.000000e+00 : f32
        %ge3A_108 = vector.broadcast %ge3A_107 : f32 to vector<16xf32>
        %ge3A_109 = arith.cmpf oge, %add3A_106, %ge3A_108 : vector<16xf32>
        %mul3A_110 = arith.constant 2.000000e-01 : f32
        %mul3A_111 = vector.broadcast %mul3A_110 : f32 to vector<16xf32>
        %mul3A_112 = arith.mulf %add3A_106, %mul3A_111 : vector<16xf32>
        %select_n3A_113 = arith.select %ge3A_109, %add3A_106, %mul3A_112 : vector<16xi1>, vector<16xf32>
        %exp3A_114 = math.exp %select_n3A_113 : vector<16xf32>
        %mul3A_115 = arith.constant 16 : i32
        %mul3A_116 = arith.muli %scan3A_26, %mul3A_115 : i32
        %add3A_117 = arith.constant 6000 : i32
        %add3A_118 = arith.addi %add3A_117, %mul3A_116 : i32
        %swap3A_119 = arith.index_cast %add3A_118 : i32 to index
        %swap3A_120 = tpu.vector_load %arg9[%swap3A_119] {strides = array<i32>} : memref<8000xf32, #tpu.memory_space<vmem>>, vector<16xf32>,
        tpu.vector_store %arg9[%swap3A_119], %exp3A_114 {strides = array<i32>} : memref<8000xf32, #tpu.memory_space<vmem>>, vector<16xf32>,
      }
      %scan3A_17 = arith.constant 125 : i32
      %add3A_18 = arith.constant 0 : i32
      %add3A_19 = arith.addi %add3A_18, %add3A_11 : i32
      "tpu.region"() ({
        %run_scoped3A = tpu.sem_alloc : memref<!tpu.dma_semaphore, #tpu.memory_space<semaphore_mem>>
        %dma_start3A = arith.constant 0 : i32
        %dma_start3A_26 = tpu.memref_slice %arg9[%dma_start3A] : memref<8000xf32, #tpu.memory_space<vmem>> -> memref<2000xf32, #tpu.memory_space<vmem>>
        %dma_start3A_27 = tpu.memref_slice %arg5[%add3A_19] : memref<1280000xf32, #tpu.memory_space<hbm>> -> memref<2000xf32, #tpu.memory_space<hbm>>
        %dma_start3A_28 = tpu.memref_slice %arg5[%add3A_19] : memref<1280000xf32, #tpu.memory_space<hbm>> -> memref<2000xf32, #tpu.memory_space<hbm>>
        %dma_start3A_29 = arith.constant 0 : i32
        %dma_start3A_30 = tpu.memref_slice %arg9[%dma_start3A_29] : memref<8000xf32, #tpu.memory_space<vmem>> -> memref<2000xf32, #tpu.memory_space<vmem>>
        tpu.enqueue_dma source(%dma_start3A_30 : memref<2000xf32, #tpu.memory_space<vmem>>) target(%dma_start3A_28 : memref<2000xf32, #tpu.memory_space<hbm>>) target_semaphore(%run_scoped3A : memref<!tpu.dma_semaphore, #tpu.memory_space<semaphore_mem>>)
        %dma_wait3A = arith.constant 0 : i32
        %dma_wait3A_31 = tpu.memref_slice %arg9[%dma_wait3A] : memref<8000xf32, #tpu.memory_space<vmem>> -> memref<2000xf32, #tpu.memory_space<vmem>>
        %dma_wait3A_32 = tpu.memref_slice %arg5[%add3A_19] : memref<1280000xf32, #tpu.memory_space<hbm>> -> memref<2000xf32, #tpu.memory_space<hbm>>
        %dma_wait3A_33 = tpu.memref_slice %arg5[%add3A_19] : memref<1280000xf32, #tpu.memory_space<hbm>> -> memref<2000xf32, #tpu.memory_space<hbm>>
        %dma_wait3A_34 = arith.constant 0 : i32
        %dma_wait3A_35 = tpu.memref_slice %arg9[%dma_wait3A_34] : memref<8000xf32, #tpu.memory_space<vmem>> -> memref<2000xf32, #tpu.memory_space<vmem>>
        tpu.wait_dma2 semaphore(%run_scoped3A : memref<!tpu.dma_semaphore, #tpu.memory_space<semaphore_mem>>) src(%dma_wait3A_35 : memref<2000xf32, #tpu.memory_space<vmem>>) dst(%dma_wait3A_33 : memref<2000xf32, #tpu.memory_space<hbm>>)
        tpu.yield
      }) : () -> ()
      %add3A_20 = arith.constant 320000 : i32
      %add3A_21 = arith.addi %add3A_20, %add3A_11 : i32
      "tpu.region"() ({
        %run_scoped3A = tpu.sem_alloc : memref<!tpu.dma_semaphore, #tpu.memory_space<semaphore_mem>>
        %dma_start3A = arith.constant 2000 : i32
        %dma_start3A_26 = tpu.memref_slice %arg9[%dma_start3A] : memref<8000xf32, #tpu.memory_space<vmem>> -> memref<2000xf32, #tpu.memory_space<vmem>>
        %dma_start3A_27 = tpu.memref_slice %arg5[%add3A_21] : memref<1280000xf32, #tpu.memory_space<hbm>> -> memref<2000xf32, #tpu.memory_space<hbm>>
        %dma_start3A_28 = tpu.memref_slice %arg5[%add3A_21] : memref<1280000xf32, #tpu.memory_space<hbm>> -> memref<2000xf32, #tpu.memory_space<hbm>>
        %dma_start3A_29 = arith.constant 2000 : i32
        %dma_start3A_30 = tpu.memref_slice %arg9[%dma_start3A_29] : memref<8000xf32, #tpu.memory_space<vmem>> -> memref<2000xf32, #tpu.memory_space<vmem>>
        tpu.enqueue_dma source(%dma_start3A_30 : memref<2000xf32, #tpu.memory_space<vmem>>) target(%dma_start3A_28 : memref<2000xf32, #tpu.memory_space<hbm>>) target_semaphore(%run_scoped3A : memref<!tpu.dma_semaphore, #tpu.memory_space<semaphore_mem>>)
        %dma_wait3A = arith.constant 2000 : i32
        %dma_wait3A_31 = tpu.memref_slice %arg9[%dma_wait3A] : memref<8000xf32, #tpu.memory_space<vmem>> -> memref<2000xf32, #tpu.memory_space<vmem>>
        %dma_wait3A_32 = tpu.memref_slice %arg5[%add3A_21] : memref<1280000xf32, #tpu.memory_space<hbm>> -> memref<2000xf32, #tpu.memory_space<hbm>>
        %dma_wait3A_33 = tpu.memref_slice %arg5[%add3A_21] : memref<1280000xf32, #tpu.memory_space<hbm>> -> memref<2000xf32, #tpu.memory_space<hbm>>
        %dma_wait3A_34 = arith.constant 2000 : i32
        %dma_wait3A_35 = tpu.memref_slice %arg9[%dma_wait3A_34] : memref<8000xf32, #tpu.memory_space<vmem>> -> memref<2000xf32, #tpu.memory_space<vmem>>
        tpu.wait_dma2 semaphore(%run_scoped3A : memref<!tpu.dma_semaphore, #tpu.memory_space<semaphore_mem>>) src(%dma_wait3A_35 : memref<2000xf32, #tpu.memory_space<vmem>>) dst(%dma_wait3A_33 : memref<2000xf32, #tpu.memory_space<hbm>>)
        tpu.yield
      }) : () -> ()
      %add3A_22 = arith.constant 640000 : i32
      %add3A_23 = arith.addi %add3A_22, %add3A_11 : i32
      "tpu.region"() ({
        %run_scoped3A = tpu.sem_alloc : memref<!tpu.dma_semaphore, #tpu.memory_space<semaphore_mem>>
        %dma_start3A = arith.constant 4000 : i32
        %dma_start3A_26 = tpu.memref_slice %arg9[%dma_start3A] : memref<8000xf32, #tpu.memory_space<vmem>> -> memref<2000xf32, #tpu.memory_space<vmem>>
        %dma_start3A_27 = tpu.memref_slice %arg5[%add3A_23] : memref<1280000xf32, #tpu.memory_space<hbm>> -> memref<2000xf32, #tpu.memory_space<hbm>>
        %dma_start3A_28 = tpu.memref_slice %arg5[%add3A_23] : memref<1280000xf32, #tpu.memory_space<hbm>> -> memref<2000xf32, #tpu.memory_space<hbm>>
        %dma_start3A_29 = arith.constant 4000 : i32
        %dma_start3A_30 = tpu.memref_slice %arg9[%dma_start3A_29] : memref<8000xf32, #tpu.memory_space<vmem>> -> memref<2000xf32, #tpu.memory_space<vmem>>
        tpu.enqueue_dma source(%dma_start3A_30 : memref<2000xf32, #tpu.memory_space<vmem>>) target(%dma_start3A_28 : memref<2000xf32, #tpu.memory_space<hbm>>) target_semaphore(%run_scoped3A : memref<!tpu.dma_semaphore, #tpu.memory_space<semaphore_mem>>)
        %dma_wait3A = arith.constant 4000 : i32
        %dma_wait3A_31 = tpu.memref_slice %arg9[%dma_wait3A] : memref<8000xf32, #tpu.memory_space<vmem>> -> memref<2000xf32, #tpu.memory_space<vmem>>
        %dma_wait3A_32 = tpu.memref_slice %arg5[%add3A_23] : memref<1280000xf32, #tpu.memory_space<hbm>> -> memref<2000xf32, #tpu.memory_space<hbm>>
        %dma_wait3A_33 = tpu.memref_slice %arg5[%add3A_23] : memref<1280000xf32, #tpu.memory_space<hbm>> -> memref<2000xf32, #tpu.memory_space<hbm>>
        %dma_wait3A_34 = arith.constant 4000 : i32
        %dma_wait3A_35 = tpu.memref_slice %arg9[%dma_wait3A_34] : memref<8000xf32, #tpu.memory_space<vmem>> -> memref<2000xf32, #tpu.memory_space<vmem>>
        tpu.wait_dma2 semaphore(%run_scoped3A : memref<!tpu.dma_semaphore, #tpu.memory_space<semaphore_mem>>) src(%dma_wait3A_35 : memref<2000xf32, #tpu.memory_space<vmem>>) dst(%dma_wait3A_33 : memref<2000xf32, #tpu.memory_space<hbm>>)
        tpu.yield
      }) : () -> ()
      %add3A_24 = arith.constant 960000 : i32
      %add3A_25 = arith.addi %add3A_24, %add3A_11 : i32
      "tpu.region"() ({
        %run_scoped3A = tpu.sem_alloc : memref<!tpu.dma_semaphore, #tpu.memory_space<semaphore_mem>>
        %dma_start3A = arith.constant 6000 : i32
        %dma_start3A_26 = tpu.memref_slice %arg9[%dma_start3A] : memref<8000xf32, #tpu.memory_space<vmem>> -> memref<2000xf32, #tpu.memory_space<vmem>>
        %dma_start3A_27 = tpu.memref_slice %arg5[%add3A_25] : memref<1280000xf32, #tpu.memory_space<hbm>> -> memref<2000xf32, #tpu.memory_space<hbm>>
        %dma_start3A_28 = tpu.memref_slice %arg5[%add3A_25] : memref<1280000xf32, #tpu.memory_space<hbm>> -> memref<2000xf32, #tpu.memory_space<hbm>>
        %dma_start3A_29 = arith.constant 6000 : i32
        %dma_start3A_30 = tpu.memref_slice %arg9[%dma_start3A_29] : memref<8000xf32, #tpu.memory_space<vmem>> -> memref<2000xf32, #tpu.memory_space<vmem>>
        tpu.enqueue_dma source(%dma_start3A_30 : memref<2000xf32, #tpu.memory_space<vmem>>) target(%dma_start3A_28 : memref<2000xf32, #tpu.memory_space<hbm>>) target_semaphore(%run_scoped3A : memref<!tpu.dma_semaphore, #tpu.memory_space<semaphore_mem>>)
        %dma_wait3A = arith.constant 6000 : i32
        %dma_wait3A_31 = tpu.memref_slice %arg9[%dma_wait3A] : memref<8000xf32, #tpu.memory_space<vmem>> -> memref<2000xf32, #tpu.memory_space<vmem>>
        %dma_wait3A_32 = tpu.memref_slice %arg5[%add3A_25] : memref<1280000xf32, #tpu.memory_space<hbm>> -> memref<2000xf32, #tpu.memory_space<hbm>>
        %dma_wait3A_33 = tpu.memref_slice %arg5[%add3A_25] : memref<1280000xf32, #tpu.memory_space<hbm>> -> memref<2000xf32, #tpu.memory_space<hbm>>
        %dma_wait3A_34 = arith.constant 6000 : i32
        %dma_wait3A_35 = tpu.memref_slice %arg9[%dma_wait3A_34] : memref<8000xf32, #tpu.memory_space<vmem>> -> memref<2000xf32, #tpu.memory_space<vmem>>
        tpu.wait_dma2 semaphore(%run_scoped3A : memref<!tpu.dma_semaphore, #tpu.memory_space<semaphore_mem>>) src(%dma_wait3A_35 : memref<2000xf32, #tpu.memory_space<vmem>>) dst(%dma_wait3A_33 : memref<2000xf32, #tpu.memory_space<hbm>>)
        tpu.yield
      }) : () -> ()
    }
    %scan3A_7 = arith.constant 5 : i32
    return
  }
}

#map = affine_map<(d0, d1) -> (0)>
module attributes {stable_mosaic.version = 14 : i64} {
  func.func @ka(%arg0: i32, %arg1: i32, %arg2: memref<81920xf32, #tpu.memory_space<hbm>>, %arg3: memref<320000xi32, #tpu.memory_space<hbm>>, %arg4: memref<320000xi32, #tpu.memory_space<hbm>>, %arg5: memref<1280000xf32, #tpu.memory_space<hbm>>, %arg6: memref<81920xf32, #tpu.memory_space<vmem>>, %arg7: memref<2000xi32, #tpu.memory_space<vmem>>, %arg8: memref<2000xi32, #tpu.memory_space<vmem>>, %arg9: memref<8000xf32, #tpu.memory_space<vmem>>) attributes {dimension_semantics = [#tpu.dimension_semantics<core_parallel>, #tpu.dimension_semantics<subcore_parallel>], iteration_bounds = array<i64: 2, 16>, scalar_prefetch = 0 : i64, scratch_operands = 4 : i64, tpu.core_type = #tpu.core_type<sc_vector_subcore>, window_params = [{transform_indices = #map}, {transform_indices = #map}, {transform_indices = #map}, {transform_indices = #map}]} {
    %mul3A = arith.constant 2 : i32
    %mul3A_0 = arith.muli %arg1, %mul3A : i32
    %add3A = arith.addi %mul3A_0, %arg0 : i32
    %mul3A_1 = arith.constant 10000 : i32
    %mul3A_2 = arith.muli %add3A, %mul3A_1 : i32
    "tpu.region"() ({
      %run_scoped3A = tpu.sem_alloc : memref<!tpu.dma_semaphore, #tpu.memory_space<semaphore_mem>>
      %dma_start3A = arith.constant 0 : i32
      %dma_start3A_8 = tpu.memref_slice %arg6[%dma_start3A] : memref<81920xf32, #tpu.memory_space<vmem>> -> memref<40960xf32, #tpu.memory_space<vmem>>
      %dma_start3A_9 = arith.constant 0 : i32
      %dma_start3A_10 = tpu.memref_slice %arg2[%dma_start3A_9] : memref<81920xf32, #tpu.memory_space<hbm>> -> memref<40960xf32, #tpu.memory_space<hbm>>
      %dma_start3A_11 = arith.constant 0 : i32
      %dma_start3A_12 = tpu.memref_slice %arg6[%dma_start3A_11] : memref<81920xf32, #tpu.memory_space<vmem>> -> memref<40960xf32, #tpu.memory_space<vmem>>
      %dma_start3A_13 = arith.constant 0 : i32
      %dma_start3A_14 = tpu.memref_slice %arg2[%dma_start3A_13] : memref<81920xf32, #tpu.memory_space<hbm>> -> memref<40960xf32, #tpu.memory_space<hbm>>
      tpu.enqueue_dma source(%dma_start3A_14 : memref<40960xf32, #tpu.memory_space<hbm>>) target(%dma_start3A_12 : memref<40960xf32, #tpu.memory_space<vmem>>) target_semaphore(%run_scoped3A : memref<!tpu.dma_semaphore, #tpu.memory_space<semaphore_mem>>)
      %dma_wait3A = arith.constant 0 : i32
      %dma_wait3A_15 = tpu.memref_slice %arg6[%dma_wait3A] : memref<81920xf32, #tpu.memory_space<vmem>> -> memref<40960xf32, #tpu.memory_space<vmem>>
      %dma_wait3A_16 = arith.constant 0 : i32
      %dma_wait3A_17 = tpu.memref_slice %arg2[%dma_wait3A_16] : memref<81920xf32, #tpu.memory_space<hbm>> -> memref<40960xf32, #tpu.memory_space<hbm>>
      %dma_wait3A_18 = arith.constant 0 : i32
      %dma_wait3A_19 = tpu.memref_slice %arg6[%dma_wait3A_18] : memref<81920xf32, #tpu.memory_space<vmem>> -> memref<40960xf32, #tpu.memory_space<vmem>>
      %dma_wait3A_20 = arith.constant 0 : i32
      %dma_wait3A_21 = tpu.memref_slice %arg2[%dma_wait3A_20] : memref<81920xf32, #tpu.memory_space<hbm>> -> memref<40960xf32, #tpu.memory_space<hbm>>
      tpu.wait_dma2 semaphore(%run_scoped3A : memref<!tpu.dma_semaphore, #tpu.memory_space<semaphore_mem>>) src(%dma_wait3A_21 : memref<40960xf32, #tpu.memory_space<hbm>>) dst(%dma_wait3A_19 : memref<40960xf32, #tpu.memory_space<vmem>>)
      tpu.yield
    }) : () -> ()
    "tpu.region"() ({
      %run_scoped3A = tpu.sem_alloc : memref<!tpu.dma_semaphore, #tpu.memory_space<semaphore_mem>>
      %dma_start3A = arith.constant 40960 : i32
      %dma_start3A_8 = tpu.memref_slice %arg6[%dma_start3A] : memref<81920xf32, #tpu.memory_space<vmem>> -> memref<40960xf32, #tpu.memory_space<vmem>>
      %dma_start3A_9 = arith.constant 40960 : i32
      %dma_start3A_10 = tpu.memref_slice %arg2[%dma_start3A_9] : memref<81920xf32, #tpu.memory_space<hbm>> -> memref<40960xf32, #tpu.memory_space<hbm>>
      %dma_start3A_11 = arith.constant 40960 : i32
      %dma_start3A_12 = tpu.memref_slice %arg6[%dma_start3A_11] : memref<81920xf32, #tpu.memory_space<vmem>> -> memref<40960xf32, #tpu.memory_space<vmem>>
      %dma_start3A_13 = arith.constant 40960 : i32
      %dma_start3A_14 = tpu.memref_slice %arg2[%dma_start3A_13] : memref<81920xf32, #tpu.memory_space<hbm>> -> memref<40960xf32, #tpu.memory_space<hbm>>
      tpu.enqueue_dma source(%dma_start3A_14 : memref<40960xf32, #tpu.memory_space<hbm>>) target(%dma_start3A_12 : memref<40960xf32, #tpu.memory_space<vmem>>) target_semaphore(%run_scoped3A : memref<!tpu.dma_semaphore, #tpu.memory_space<semaphore_mem>>)
      %dma_wait3A = arith.constant 40960 : i32
      %dma_wait3A_15 = tpu.memref_slice %arg6[%dma_wait3A] : memref<81920xf32, #tpu.memory_space<vmem>> -> memref<40960xf32, #tpu.memory_space<vmem>>
      %dma_wait3A_16 = arith.constant 40960 : i32
      %dma_wait3A_17 = tpu.memref_slice %arg2[%dma_wait3A_16] : memref<81920xf32, #tpu.memory_space<hbm>> -> memref<40960xf32, #tpu.memory_space<hbm>>
      %dma_wait3A_18 = arith.constant 40960 : i32
      %dma_wait3A_19 = tpu.memref_slice %arg6[%dma_wait3A_18] : memref<81920xf32, #tpu.memory_space<vmem>> -> memref<40960xf32, #tpu.memory_space<vmem>>
      %dma_wait3A_20 = arith.constant 40960 : i32
      %dma_wait3A_21 = tpu.memref_slice %arg2[%dma_wait3A_20] : memref<81920xf32, #tpu.memory_space<hbm>> -> memref<40960xf32, #tpu.memory_space<hbm>>
      tpu.wait_dma2 semaphore(%run_scoped3A : memref<!tpu.dma_semaphore, #tpu.memory_space<semaphore_mem>>) src(%dma_wait3A_21 : memref<40960xf32, #tpu.memory_space<hbm>>) dst(%dma_wait3A_19 : memref<40960xf32, #tpu.memory_space<vmem>>)
      tpu.yield
    }) : () -> ()
    %scan3A = arith.constant 0 : i32
    %scan3A_3 = arith.constant 0 : i32
    %scan3A_4 = arith.constant 5 : i32
    %scan3A_5 = arith.addi %scan3A_3, %scan3A_4 : i32
    %scan3A_6 = arith.constant 1 : i32
    scf.for %scan3A_8 = %scan3A_3 to %scan3A_5 step %scan3A_6  : i32 {
      %mul3A_9 = arith.constant 2000 : i32
      %mul3A_10 = arith.muli %scan3A_8, %mul3A_9 : i32
      %add3A_11 = arith.addi %mul3A_2, %mul3A_10 : i32
      "tpu.region"() ({
        %run_scoped3A = tpu.sem_alloc : memref<!tpu.dma_semaphore, #tpu.memory_space<semaphore_mem>>
        %dma_start3A = tpu.memref_slice %arg3[%add3A_11] : memref<320000xi32, #tpu.memory_space<hbm>> -> memref<2000xi32, #tpu.memory_space<hbm>>
        %dma_start3A_26 = tpu.memref_slice %arg3[%add3A_11] : memref<320000xi32, #tpu.memory_space<hbm>> -> memref<2000xi32, #tpu.memory_space<hbm>>
        tpu.enqueue_dma source(%dma_start3A_26 : memref<2000xi32, #tpu.memory_space<hbm>>) target(%arg7 : memref<2000xi32, #tpu.memory_space<vmem>>) target_semaphore(%run_scoped3A : memref<!tpu.dma_semaphore, #tpu.memory_space<semaphore_mem>>)
        %dma_wait3A = tpu.memref_slice %arg3[%add3A_11] : memref<320000xi32, #tpu.memory_space<hbm>> -> memref<2000xi32, #tpu.memory_space<hbm>>
        %dma_wait3A_27 = tpu.memref_slice %arg3[%add3A_11] : memref<320000xi32, #tpu.memory_space<hbm>> -> memref<2000xi32, #tpu.memory_space<hbm>>
        tpu.wait_dma2 semaphore(%run_scoped3A : memref<!tpu.dma_semaphore, #tpu.memory_space<semaphore_mem>>) src(%dma_wait3A_27 : memref<2000xi32, #tpu.memory_space<hbm>>) dst(%arg7 : memref<2000xi32, #tpu.memory_space<vmem>>)
        tpu.yield
      }) : () -> ()
      "tpu.region"() ({
        %run_scoped3A = tpu.sem_alloc : memref<!tpu.dma_semaphore, #tpu.memory_space<semaphore_mem>>
        %dma_start3A = tpu.memref_slice %arg4[%add3A_11] : memref<320000xi32, #tpu.memory_space<hbm>> -> memref<2000xi32, #tpu.memory_space<hbm>>
        %dma_start3A_26 = tpu.memref_slice %arg4[%add3A_11] : memref<320000xi32, #tpu.memory_space<hbm>> -> memref<2000xi32, #tpu.memory_space<hbm>>
        tpu.enqueue_dma source(%dma_start3A_26 : memref<2000xi32, #tpu.memory_space<hbm>>) target(%arg8 : memref<2000xi32, #tpu.memory_space<vmem>>) target_semaphore(%run_scoped3A : memref<!tpu.dma_semaphore, #tpu.memory_space<semaphore_mem>>)
        %dma_wait3A = tpu.memref_slice %arg4[%add3A_11] : memref<320000xi32, #tpu.memory_space<hbm>> -> memref<2000xi32, #tpu.memory_space<hbm>>
        %dma_wait3A_27 = tpu.memref_slice %arg4[%add3A_11] : memref<320000xi32, #tpu.memory_space<hbm>> -> memref<2000xi32, #tpu.memory_space<hbm>>
        tpu.wait_dma2 semaphore(%run_scoped3A : memref<!tpu.dma_semaphore, #tpu.memory_space<semaphore_mem>>) src(%dma_wait3A_27 : memref<2000xi32, #tpu.memory_space<hbm>>) dst(%arg8 : memref<2000xi32, #tpu.memory_space<vmem>>)
        tpu.yield
      }) : () -> ()
      %scan3A_12 = arith.constant 0 : i32
      %scan3A_13 = arith.constant 0 : i32
      %scan3A_14 = arith.constant 125 : i32
      %scan3A_15 = arith.addi %scan3A_13, %scan3A_14 : i32
      %scan3A_16 = arith.constant 1 : i32
      scf.for %scan3A_26 = %scan3A_13 to %scan3A_15 step %scan3A_16  : i32 {
        %mul3A_27 = arith.constant 16 : i32
        %mul3A_28 = arith.muli %scan3A_26, %mul3A_27 : i32
        %get3A = arith.index_cast %mul3A_28 : i32 to index
        %get3A_29 = tpu.vector_load %arg7[%get3A] {strides = array<i32>} : memref<2000xi32, #tpu.memory_space<vmem>>, vector<16xi32>,
        %mul3A_30 = arith.constant 16 : i32
        %mul3A_31 = arith.muli %scan3A_26, %mul3A_30 : i32
        %get3A_32 = arith.index_cast %mul3A_31 : i32 to index
        %get3A_33 = tpu.vector_load %arg8[%get3A_32] {strides = array<i32>} : memref<2000xi32, #tpu.memory_space<vmem>>, vector<16xi32>,
        %add3A_34 = arith.constant 0 : i32
        %add3A_35 = vector.broadcast %add3A_34 : i32 to vector<16xi32>
        %add3A_36 = arith.addi %get3A_29, %add3A_35 : vector<16xi32>
        %gather3A = tpu.vector_load_idx %arg6[%add3A_36] : memref<81920xf32, #tpu.memory_space<vmem>>[vector<16xi32>], vector<16xf32>,
        %add3A_37 = arith.constant 40960 : i32
        %add3A_38 = vector.broadcast %add3A_37 : i32 to vector<16xi32>
        %add3A_39 = arith.addi %get3A_33, %add3A_38 : vector<16xi32>
        %gather3A_40 = tpu.vector_load_idx %arg6[%add3A_39] : memref<81920xf32, #tpu.memory_space<vmem>>[vector<16xi32>], vector<16xf32>,
        %add3A_41 = arith.addf %gather3A, %gather3A_40 : vector<16xf32>
        %ge3A = arith.constant 0.000000e+00 : f32
        %ge3A_42 = vector.broadcast %ge3A : f32 to vector<16xf32>
        %ge3A_43 = arith.cmpf oge, %add3A_41, %ge3A_42 : vector<16xf32>
        %mul3A_44 = arith.constant 2.000000e-01 : f32
        %mul3A_45 = vector.broadcast %mul3A_44 : f32 to vector<16xf32>
        %mul3A_46 = arith.mulf %add3A_41, %mul3A_45 : vector<16xf32>
        %select_n3A = arith.select %ge3A_43, %add3A_41, %mul3A_46 : vector<16xi1>, vector<16xf32>
        %exp3A = math.exp %select_n3A : vector<16xf32>
        %mul3A_47 = arith.constant 16 : i32
        %mul3A_48 = arith.muli %scan3A_26, %mul3A_47 : i32
        %add3A_49 = arith.constant 0 : i32
        %add3A_50 = arith.addi %add3A_49, %mul3A_48 : i32
        %swap3A = arith.index_cast %add3A_50 : i32 to index
        %swap3A_51 = tpu.vector_load %arg9[%swap3A] {strides = array<i32>} : memref<8000xf32, #tpu.memory_space<vmem>>, vector<16xf32>,
        tpu.vector_store %arg9[%swap3A], %exp3A {strides = array<i32>} : memref<8000xf32, #tpu.memory_space<vmem>>, vector<16xf32>,
        %add3A_52 = arith.constant 10240 : i32
        %add3A_53 = vector.broadcast %add3A_52 : i32 to vector<16xi32>
        %add3A_54 = arith.addi %get3A_29, %add3A_53 : vector<16xi32>
        %gather3A_55 = tpu.vector_load_idx %arg6[%add3A_54] : memref<81920xf32, #tpu.memory_space<vmem>>[vector<16xi32>], vector<16xf32>,
        %add3A_56 = arith.constant 51200 : i32
        %add3A_57 = vector.broadcast %add3A_56 : i32 to vector<16xi32>
        %add3A_58 = arith.addi %get3A_33, %add3A_57 : vector<16xi32>
        %gather3A_59 = tpu.vector_load_idx %arg6[%add3A_58] : memref<81920xf32, #tpu.memory_space<vmem>>[vector<16xi32>], vector<16xf32>,
        %add3A_60 = arith.addf %gather3A_55, %gather3A_59 : vector<16xf32>
        %ge3A_61 = arith.constant 0.000000e+00 : f32
        %ge3A_62 = vector.broadcast %ge3A_61 : f32 to vector<16xf32>
        %ge3A_63 = arith.cmpf oge, %add3A_60, %ge3A_62 : vector<16xf32>
        %mul3A_64 = arith.constant 2.000000e-01 : f32
        %mul3A_65 = vector.broadcast %mul3A_64 : f32 to vector<16xf32>
        %mul3A_66 = arith.mulf %add3A_60, %mul3A_65 : vector<16xf32>
        %select_n3A_67 = arith.select %ge3A_63, %add3A_60, %mul3A_66 : vector<16xi1>, vector<16xf32>
        %exp3A_68 = math.exp %select_n3A_67 : vector<16xf32>
        %mul3A_69 = arith.constant 16 : i32
        %mul3A_70 = arith.muli %scan3A_26, %mul3A_69 : i32
        %add3A_71 = arith.constant 2000 : i32
        %add3A_72 = arith.addi %add3A_71, %mul3A_70 : i32
        %swap3A_73 = arith.index_cast %add3A_72 : i32 to index
        %swap3A_74 = tpu.vector_load %arg9[%swap3A_73] {strides = array<i32>} : memref<8000xf32, #tpu.memory_space<vmem>>, vector<16xf32>,
        tpu.vector_store %arg9[%swap3A_73], %exp3A_68 {strides = array<i32>} : memref<8000xf32, #tpu.memory_space<vmem>>, vector<16xf32>,
        %add3A_75 = arith.constant 20480 : i32
        %add3A_76 = vector.broadcast %add3A_75 : i32 to vector<16xi32>
        %add3A_77 = arith.addi %get3A_29, %add3A_76 : vector<16xi32>
        %gather3A_78 = tpu.vector_load_idx %arg6[%add3A_77] : memref<81920xf32, #tpu.memory_space<vmem>>[vector<16xi32>], vector<16xf32>,
        %add3A_79 = arith.constant 61440 : i32
        %add3A_80 = vector.broadcast %add3A_79 : i32 to vector<16xi32>
        %add3A_81 = arith.addi %get3A_33, %add3A_80 : vector<16xi32>
        %gather3A_82 = tpu.vector_load_idx %arg6[%add3A_81] : memref<81920xf32, #tpu.memory_space<vmem>>[vector<16xi32>], vector<16xf32>,
        %add3A_83 = arith.addf %gather3A_78, %gather3A_82 : vector<16xf32>
        %ge3A_84 = arith.constant 0.000000e+00 : f32
        %ge3A_85 = vector.broadcast %ge3A_84 : f32 to vector<16xf32>
        %ge3A_86 = arith.cmpf oge, %add3A_83, %ge3A_85 : vector<16xf32>
        %mul3A_87 = arith.constant 2.000000e-01 : f32
        %mul3A_88 = vector.broadcast %mul3A_87 : f32 to vector<16xf32>
        %mul3A_89 = arith.mulf %add3A_83, %mul3A_88 : vector<16xf32>
        %select_n3A_90 = arith.select %ge3A_86, %add3A_83, %mul3A_89 : vector<16xi1>, vector<16xf32>
        %exp3A_91 = math.exp %select_n3A_90 : vector<16xf32>
        %mul3A_92 = arith.constant 16 : i32
        %mul3A_93 = arith.muli %scan3A_26, %mul3A_92 : i32
        %add3A_94 = arith.constant 4000 : i32
        %add3A_95 = arith.addi %add3A_94, %mul3A_93 : i32
        %swap3A_96 = arith.index_cast %add3A_95 : i32 to index
        %swap3A_97 = tpu.vector_load %arg9[%swap3A_96] {strides = array<i32>} : memref<8000xf32, #tpu.memory_space<vmem>>, vector<16xf32>,
        tpu.vector_store %arg9[%swap3A_96], %exp3A_91 {strides = array<i32>} : memref<8000xf32, #tpu.memory_space<vmem>>, vector<16xf32>,
        %add3A_98 = arith.constant 30720 : i32
        %add3A_99 = vector.broadcast %add3A_98 : i32 to vector<16xi32>
        %add3A_100 = arith.addi %get3A_29, %add3A_99 : vector<16xi32>
        %gather3A_101 = tpu.vector_load_idx %arg6[%add3A_100] : memref<81920xf32, #tpu.memory_space<vmem>>[vector<16xi32>], vector<16xf32>,
        %add3A_102 = arith.constant 71680 : i32
        %add3A_103 = vector.broadcast %add3A_102 : i32 to vector<16xi32>
        %add3A_104 = arith.addi %get3A_33, %add3A_103 : vector<16xi32>
        %gather3A_105 = tpu.vector_load_idx %arg6[%add3A_104] : memref<81920xf32, #tpu.memory_space<vmem>>[vector<16xi32>], vector<16xf32>,
        %add3A_106 = arith.addf %gather3A_101, %gather3A_105 : vector<16xf32>
        %ge3A_107 = arith.constant 0.000000e+00 : f32
        %ge3A_108 = vector.broadcast %ge3A_107 : f32 to vector<16xf32>
        %ge3A_109 = arith.cmpf oge, %add3A_106, %ge3A_108 : vector<16xf32>
        %mul3A_110 = arith.constant 2.000000e-01 : f32
        %mul3A_111 = vector.broadcast %mul3A_110 : f32 to vector<16xf32>
        %mul3A_112 = arith.mulf %add3A_106, %mul3A_111 : vector<16xf32>
        %select_n3A_113 = arith.select %ge3A_109, %add3A_106, %mul3A_112 : vector<16xi1>, vector<16xf32>
        %exp3A_114 = math.exp %select_n3A_113 : vector<16xf32>
        %mul3A_115 = arith.constant 16 : i32
        %mul3A_116 = arith.muli %scan3A_26, %mul3A_115 : i32
        %add3A_117 = arith.constant 6000 : i32
        %add3A_118 = arith.addi %add3A_117, %mul3A_116 : i32
        %swap3A_119 = arith.index_cast %add3A_118 : i32 to index
        %swap3A_120 = tpu.vector_load %arg9[%swap3A_119] {strides = array<i32>} : memref<8000xf32, #tpu.memory_space<vmem>>, vector<16xf32>,
        tpu.vector_store %arg9[%swap3A_119], %exp3A_114 {strides = array<i32>} : memref<8000xf32, #tpu.memory_space<vmem>>, vector<16xf32>,
      }
      %scan3A_17 = arith.constant 125 : i32
      %add3A_18 = arith.constant 0 : i32
      %add3A_19 = arith.addi %add3A_18, %add3A_11 : i32
      "tpu.region"() ({
        %run_scoped3A = tpu.sem_alloc : memref<!tpu.dma_semaphore, #tpu.memory_space<semaphore_mem>>
        %dma_start3A = arith.constant 0 : i32
        %dma_start3A_26 = tpu.memref_slice %arg9[%dma_start3A] : memref<8000xf32, #tpu.memory_space<vmem>> -> memref<2000xf32, #tpu.memory_space<vmem>>
        %dma_start3A_27 = tpu.memref_slice %arg5[%add3A_19] : memref<1280000xf32, #tpu.memory_space<hbm>> -> memref<2000xf32, #tpu.memory_space<hbm>>
        %dma_start3A_28 = tpu.memref_slice %arg5[%add3A_19] : memref<1280000xf32, #tpu.memory_space<hbm>> -> memref<2000xf32, #tpu.memory_space<hbm>>
        %dma_start3A_29 = arith.constant 0 : i32
        %dma_start3A_30 = tpu.memref_slice %arg9[%dma_start3A_29] : memref<8000xf32, #tpu.memory_space<vmem>> -> memref<2000xf32, #tpu.memory_space<vmem>>
        tpu.enqueue_dma source(%dma_start3A_30 : memref<2000xf32, #tpu.memory_space<vmem>>) target(%dma_start3A_28 : memref<2000xf32, #tpu.memory_space<hbm>>) target_semaphore(%run_scoped3A : memref<!tpu.dma_semaphore, #tpu.memory_space<semaphore_mem>>)
        %dma_wait3A = arith.constant 0 : i32
        %dma_wait3A_31 = tpu.memref_slice %arg9[%dma_wait3A] : memref<8000xf32, #tpu.memory_space<vmem>> -> memref<2000xf32, #tpu.memory_space<vmem>>
        %dma_wait3A_32 = tpu.memref_slice %arg5[%add3A_19] : memref<1280000xf32, #tpu.memory_space<hbm>> -> memref<2000xf32, #tpu.memory_space<hbm>>
        %dma_wait3A_33 = tpu.memref_slice %arg5[%add3A_19] : memref<1280000xf32, #tpu.memory_space<hbm>> -> memref<2000xf32, #tpu.memory_space<hbm>>
        %dma_wait3A_34 = arith.constant 0 : i32
        %dma_wait3A_35 = tpu.memref_slice %arg9[%dma_wait3A_34] : memref<8000xf32, #tpu.memory_space<vmem>> -> memref<2000xf32, #tpu.memory_space<vmem>>
        tpu.wait_dma2 semaphore(%run_scoped3A : memref<!tpu.dma_semaphore, #tpu.memory_space<semaphore_mem>>) src(%dma_wait3A_35 : memref<2000xf32, #tpu.memory_space<vmem>>) dst(%dma_wait3A_33 : memref<2000xf32, #tpu.memory_space<hbm>>)
        tpu.yield
      }) : () -> ()
      %add3A_20 = arith.constant 320000 : i32
      %add3A_21 = arith.addi %add3A_20, %add3A_11 : i32
      "tpu.region"() ({
        %run_scoped3A = tpu.sem_alloc : memref<!tpu.dma_semaphore, #tpu.memory_space<semaphore_mem>>
        %dma_start3A = arith.constant 2000 : i32
        %dma_start3A_26 = tpu.memref_slice %arg9[%dma_start3A] : memref<8000xf32, #tpu.memory_space<vmem>> -> memref<2000xf32, #tpu.memory_space<vmem>>
        %dma_start3A_27 = tpu.memref_slice %arg5[%add3A_21] : memref<1280000xf32, #tpu.memory_space<hbm>> -> memref<2000xf32, #tpu.memory_space<hbm>>
        %dma_start3A_28 = tpu.memref_slice %arg5[%add3A_21] : memref<1280000xf32, #tpu.memory_space<hbm>> -> memref<2000xf32, #tpu.memory_space<hbm>>
        %dma_start3A_29 = arith.constant 2000 : i32
        %dma_start3A_30 = tpu.memref_slice %arg9[%dma_start3A_29] : memref<8000xf32, #tpu.memory_space<vmem>> -> memref<2000xf32, #tpu.memory_space<vmem>>
        tpu.enqueue_dma source(%dma_start3A_30 : memref<2000xf32, #tpu.memory_space<vmem>>) target(%dma_start3A_28 : memref<2000xf32, #tpu.memory_space<hbm>>) target_semaphore(%run_scoped3A : memref<!tpu.dma_semaphore, #tpu.memory_space<semaphore_mem>>)
        %dma_wait3A = arith.constant 2000 : i32
        %dma_wait3A_31 = tpu.memref_slice %arg9[%dma_wait3A] : memref<8000xf32, #tpu.memory_space<vmem>> -> memref<2000xf32, #tpu.memory_space<vmem>>
        %dma_wait3A_32 = tpu.memref_slice %arg5[%add3A_21] : memref<1280000xf32, #tpu.memory_space<hbm>> -> memref<2000xf32, #tpu.memory_space<hbm>>
        %dma_wait3A_33 = tpu.memref_slice %arg5[%add3A_21] : memref<1280000xf32, #tpu.memory_space<hbm>> -> memref<2000xf32, #tpu.memory_space<hbm>>
        %dma_wait3A_34 = arith.constant 2000 : i32
        %dma_wait3A_35 = tpu.memref_slice %arg9[%dma_wait3A_34] : memref<8000xf32, #tpu.memory_space<vmem>> -> memref<2000xf32, #tpu.memory_space<vmem>>
        tpu.wait_dma2 semaphore(%run_scoped3A : memref<!tpu.dma_semaphore, #tpu.memory_space<semaphore_mem>>) src(%dma_wait3A_35 : memref<2000xf32, #tpu.memory_space<vmem>>) dst(%dma_wait3A_33 : memref<2000xf32, #tpu.memory_space<hbm>>)
        tpu.yield
      }) : () -> ()
      %add3A_22 = arith.constant 640000 : i32
      %add3A_23 = arith.addi %add3A_22, %add3A_11 : i32
      "tpu.region"() ({
        %run_scoped3A = tpu.sem_alloc : memref<!tpu.dma_semaphore, #tpu.memory_space<semaphore_mem>>
        %dma_start3A = arith.constant 4000 : i32
        %dma_start3A_26 = tpu.memref_slice %arg9[%dma_start3A] : memref<8000xf32, #tpu.memory_space<vmem>> -> memref<2000xf32, #tpu.memory_space<vmem>>
        %dma_start3A_27 = tpu.memref_slice %arg5[%add3A_23] : memref<1280000xf32, #tpu.memory_space<hbm>> -> memref<2000xf32, #tpu.memory_space<hbm>>
        %dma_start3A_28 = tpu.memref_slice %arg5[%add3A_23] : memref<1280000xf32, #tpu.memory_space<hbm>> -> memref<2000xf32, #tpu.memory_space<hbm>>
        %dma_start3A_29 = arith.constant 4000 : i32
        %dma_start3A_30 = tpu.memref_slice %arg9[%dma_start3A_29] : memref<8000xf32, #tpu.memory_space<vmem>> -> memref<2000xf32, #tpu.memory_space<vmem>>
        tpu.enqueue_dma source(%dma_start3A_30 : memref<2000xf32, #tpu.memory_space<vmem>>) target(%dma_start3A_28 : memref<2000xf32, #tpu.memory_space<hbm>>) target_semaphore(%run_scoped3A : memref<!tpu.dma_semaphore, #tpu.memory_space<semaphore_mem>>)
        %dma_wait3A = arith.constant 4000 : i32
        %dma_wait3A_31 = tpu.memref_slice %arg9[%dma_wait3A] : memref<8000xf32, #tpu.memory_space<vmem>> -> memref<2000xf32, #tpu.memory_space<vmem>>
        %dma_wait3A_32 = tpu.memref_slice %arg5[%add3A_23] : memref<1280000xf32, #tpu.memory_space<hbm>> -> memref<2000xf32, #tpu.memory_space<hbm>>
        %dma_wait3A_33 = tpu.memref_slice %arg5[%add3A_23] : memref<1280000xf32, #tpu.memory_space<hbm>> -> memref<2000xf32, #tpu.memory_space<hbm>>
        %dma_wait3A_34 = arith.constant 4000 : i32
        %dma_wait3A_35 = tpu.memref_slice %arg9[%dma_wait3A_34] : memref<8000xf32, #tpu.memory_space<vmem>> -> memref<2000xf32, #tpu.memory_space<vmem>>
        tpu.wait_dma2 semaphore(%run_scoped3A : memref<!tpu.dma_semaphore, #tpu.memory_space<semaphore_mem>>) src(%dma_wait3A_35 : memref<2000xf32, #tpu.memory_space<vmem>>) dst(%dma_wait3A_33 : memref<2000xf32, #tpu.memory_space<hbm>>)
        tpu.yield
      }) : () -> ()
      %add3A_24 = arith.constant 960000 : i32
      %add3A_25 = arith.addi %add3A_24, %add3A_11 : i32
      "tpu.region"() ({
        %run_scoped3A = tpu.sem_alloc : memref<!tpu.dma_semaphore, #tpu.memory_space<semaphore_mem>>
        %dma_start3A = arith.constant 6000 : i32
        %dma_start3A_26 = tpu.memref_slice %arg9[%dma_start3A] : memref<8000xf32, #tpu.memory_space<vmem>> -> memref<2000xf32, #tpu.memory_space<vmem>>
        %dma_start3A_27 = tpu.memref_slice %arg5[%add3A_25] : memref<1280000xf32, #tpu.memory_space<hbm>> -> memref<2000xf32, #tpu.memory_space<hbm>>
        %dma_start3A_28 = tpu.memref_slice %arg5[%add3A_25] : memref<1280000xf32, #tpu.memory_space<hbm>> -> memref<2000xf32, #tpu.memory_space<hbm>>
        %dma_start3A_29 = arith.constant 6000 : i32
        %dma_start3A_30 = tpu.memref_slice %arg9[%dma_start3A_29] : memref<8000xf32, #tpu.memory_space<vmem>> -> memref<2000xf32, #tpu.memory_space<vmem>>
        tpu.enqueue_dma source(%dma_start3A_30 : memref<2000xf32, #tpu.memory_space<vmem>>) target(%dma_start3A_28 : memref<2000xf32, #tpu.memory_space<hbm>>) target_semaphore(%run_scoped3A : memref<!tpu.dma_semaphore, #tpu.memory_space<semaphore_mem>>)
        %dma_wait3A = arith.constant 6000 : i32
        %dma_wait3A_31 = tpu.memref_slice %arg9[%dma_wait3A] : memref<8000xf32, #tpu.memory_space<vmem>> -> memref<2000xf32, #tpu.memory_space<vmem>>
        %dma_wait3A_32 = tpu.memref_slice %arg5[%add3A_25] : memref<1280000xf32, #tpu.memory_space<hbm>> -> memref<2000xf32, #tpu.memory_space<hbm>>
        %dma_wait3A_33 = tpu.memref_slice %arg5[%add3A_25] : memref<1280000xf32, #tpu.memory_space<hbm>> -> memref<2000xf32, #tpu.memory_space<hbm>>
        %dma_wait3A_34 = arith.constant 6000 : i32
        %dma_wait3A_35 = tpu.memref_slice %arg9[%dma_wait3A_34] : memref<8000xf32, #tpu.memory_space<vmem>> -> memref<2000xf32, #tpu.memory_space<vmem>>
        tpu.wait_dma2 semaphore(%run_scoped3A : memref<!tpu.dma_semaphore, #tpu.memory_space<semaphore_mem>>) src(%dma_wait3A_35 : memref<2000xf32, #tpu.memory_space<vmem>>) dst(%dma_wait3A_33 : memref<2000xf32, #tpu.memory_space<hbm>>)
        tpu.yield
      }) : () -> ()
    }
    %scan3A_7 = arith.constant 5 : i32
    return
  }
}

#map = affine_map<(d0, d1) -> (0)>
module attributes {stable_mosaic.version = 14 : i64} {
  func.func @ka(%arg0: i32, %arg1: i32, %arg2: memref<81920xf32, #tpu.memory_space<hbm>>, %arg3: memref<320000xi32, #tpu.memory_space<hbm>>, %arg4: memref<320000xi32, #tpu.memory_space<hbm>>, %arg5: memref<320000xf32, #tpu.memory_space<hbm>>, %arg6: memref<20480xf32, #tpu.memory_space<vmem>>, %arg7: memref<2000xi32, #tpu.memory_space<vmem>>, %arg8: memref<2000xi32, #tpu.memory_space<vmem>>, %arg9: memref<2000xf32, #tpu.memory_space<vmem>>) attributes {dimension_semantics = [#tpu.dimension_semantics<core_parallel>, #tpu.dimension_semantics<subcore_parallel>], iteration_bounds = array<i64: 2, 16>, scalar_prefetch = 0 : i64, scratch_operands = 4 : i64, tpu.core_type = #tpu.core_type<sc_vector_subcore>, window_params = [{transform_indices = #map}, {transform_indices = #map}, {transform_indices = #map}, {transform_indices = #map}]} {
    %mul3A = arith.constant 2 : i32
    %mul3A_0 = arith.muli %arg1, %mul3A : i32
    %add3A = arith.addi %mul3A_0, %arg0 : i32
    %mul3A_1 = arith.constant 10000 : i32
    %mul3A_2 = arith.muli %add3A, %mul3A_1 : i32
    "tpu.region"() ({
      %run_scoped3A = tpu.sem_alloc : memref<!tpu.dma_semaphore, #tpu.memory_space<semaphore_mem>>
      %dma_start3A = arith.constant 0 : i32
      %dma_start3A_8 = tpu.memref_slice %arg6[%dma_start3A] : memref<20480xf32, #tpu.memory_space<vmem>> -> memref<10240xf32, #tpu.memory_space<vmem>>
      %dma_start3A_9 = arith.constant 0 : i32
      %dma_start3A_10 = tpu.memref_slice %arg2[%dma_start3A_9] : memref<81920xf32, #tpu.memory_space<hbm>> -> memref<10240xf32, #tpu.memory_space<hbm>>
      %dma_start3A_11 = arith.constant 0 : i32
      %dma_start3A_12 = tpu.memref_slice %arg6[%dma_start3A_11] : memref<20480xf32, #tpu.memory_space<vmem>> -> memref<10240xf32, #tpu.memory_space<vmem>>
      %dma_start3A_13 = arith.constant 0 : i32
      %dma_start3A_14 = tpu.memref_slice %arg2[%dma_start3A_13] : memref<81920xf32, #tpu.memory_space<hbm>> -> memref<10240xf32, #tpu.memory_space<hbm>>
      tpu.enqueue_dma source(%dma_start3A_14 : memref<10240xf32, #tpu.memory_space<hbm>>) target(%dma_start3A_12 : memref<10240xf32, #tpu.memory_space<vmem>>) target_semaphore(%run_scoped3A : memref<!tpu.dma_semaphore, #tpu.memory_space<semaphore_mem>>)
      %dma_wait3A = arith.constant 0 : i32
      %dma_wait3A_15 = tpu.memref_slice %arg6[%dma_wait3A] : memref<20480xf32, #tpu.memory_space<vmem>> -> memref<10240xf32, #tpu.memory_space<vmem>>
      %dma_wait3A_16 = arith.constant 0 : i32
      %dma_wait3A_17 = tpu.memref_slice %arg2[%dma_wait3A_16] : memref<81920xf32, #tpu.memory_space<hbm>> -> memref<10240xf32, #tpu.memory_space<hbm>>
      %dma_wait3A_18 = arith.constant 0 : i32
      %dma_wait3A_19 = tpu.memref_slice %arg6[%dma_wait3A_18] : memref<20480xf32, #tpu.memory_space<vmem>> -> memref<10240xf32, #tpu.memory_space<vmem>>
      %dma_wait3A_20 = arith.constant 0 : i32
      %dma_wait3A_21 = tpu.memref_slice %arg2[%dma_wait3A_20] : memref<81920xf32, #tpu.memory_space<hbm>> -> memref<10240xf32, #tpu.memory_space<hbm>>
      tpu.wait_dma2 semaphore(%run_scoped3A : memref<!tpu.dma_semaphore, #tpu.memory_space<semaphore_mem>>) src(%dma_wait3A_21 : memref<10240xf32, #tpu.memory_space<hbm>>) dst(%dma_wait3A_19 : memref<10240xf32, #tpu.memory_space<vmem>>)
      tpu.yield
    }) : () -> ()
    "tpu.region"() ({
      %run_scoped3A = tpu.sem_alloc : memref<!tpu.dma_semaphore, #tpu.memory_space<semaphore_mem>>
      %dma_start3A = arith.constant 10240 : i32
      %dma_start3A_8 = tpu.memref_slice %arg6[%dma_start3A] : memref<20480xf32, #tpu.memory_space<vmem>> -> memref<10240xf32, #tpu.memory_space<vmem>>
      %dma_start3A_9 = arith.constant 40960 : i32
      %dma_start3A_10 = tpu.memref_slice %arg2[%dma_start3A_9] : memref<81920xf32, #tpu.memory_space<hbm>> -> memref<10240xf32, #tpu.memory_space<hbm>>
      %dma_start3A_11 = arith.constant 10240 : i32
      %dma_start3A_12 = tpu.memref_slice %arg6[%dma_start3A_11] : memref<20480xf32, #tpu.memory_space<vmem>> -> memref<10240xf32, #tpu.memory_space<vmem>>
      %dma_start3A_13 = arith.constant 40960 : i32
      %dma_start3A_14 = tpu.memref_slice %arg2[%dma_start3A_13] : memref<81920xf32, #tpu.memory_space<hbm>> -> memref<10240xf32, #tpu.memory_space<hbm>>
      tpu.enqueue_dma source(%dma_start3A_14 : memref<10240xf32, #tpu.memory_space<hbm>>) target(%dma_start3A_12 : memref<10240xf32, #tpu.memory_space<vmem>>) target_semaphore(%run_scoped3A : memref<!tpu.dma_semaphore, #tpu.memory_space<semaphore_mem>>)
      %dma_wait3A = arith.constant 10240 : i32
      %dma_wait3A_15 = tpu.memref_slice %arg6[%dma_wait3A] : memref<20480xf32, #tpu.memory_space<vmem>> -> memref<10240xf32, #tpu.memory_space<vmem>>
      %dma_wait3A_16 = arith.constant 40960 : i32
      %dma_wait3A_17 = tpu.memref_slice %arg2[%dma_wait3A_16] : memref<81920xf32, #tpu.memory_space<hbm>> -> memref<10240xf32, #tpu.memory_space<hbm>>
      %dma_wait3A_18 = arith.constant 10240 : i32
      %dma_wait3A_19 = tpu.memref_slice %arg6[%dma_wait3A_18] : memref<20480xf32, #tpu.memory_space<vmem>> -> memref<10240xf32, #tpu.memory_space<vmem>>
      %dma_wait3A_20 = arith.constant 40960 : i32
      %dma_wait3A_21 = tpu.memref_slice %arg2[%dma_wait3A_20] : memref<81920xf32, #tpu.memory_space<hbm>> -> memref<10240xf32, #tpu.memory_space<hbm>>
      tpu.wait_dma2 semaphore(%run_scoped3A : memref<!tpu.dma_semaphore, #tpu.memory_space<semaphore_mem>>) src(%dma_wait3A_21 : memref<10240xf32, #tpu.memory_space<hbm>>) dst(%dma_wait3A_19 : memref<10240xf32, #tpu.memory_space<vmem>>)
      tpu.yield
    }) : () -> ()
    %scan3A = arith.constant 0 : i32
    %scan3A_3 = arith.constant 0 : i32
    %scan3A_4 = arith.constant 5 : i32
    %scan3A_5 = arith.addi %scan3A_3, %scan3A_4 : i32
    %scan3A_6 = arith.constant 1 : i32
    scf.for %scan3A_8 = %scan3A_3 to %scan3A_5 step %scan3A_6  : i32 {
      %mul3A_9 = arith.constant 2000 : i32
      %mul3A_10 = arith.muli %scan3A_8, %mul3A_9 : i32
      %add3A_11 = arith.addi %mul3A_2, %mul3A_10 : i32
      "tpu.region"() ({
        %run_scoped3A = tpu.sem_alloc : memref<!tpu.dma_semaphore, #tpu.memory_space<semaphore_mem>>
        %dma_start3A = tpu.memref_slice %arg3[%add3A_11] : memref<320000xi32, #tpu.memory_space<hbm>> -> memref<2000xi32, #tpu.memory_space<hbm>>
        %dma_start3A_20 = tpu.memref_slice %arg3[%add3A_11] : memref<320000xi32, #tpu.memory_space<hbm>> -> memref<2000xi32, #tpu.memory_space<hbm>>
        tpu.enqueue_dma source(%dma_start3A_20 : memref<2000xi32, #tpu.memory_space<hbm>>) target(%arg7 : memref<2000xi32, #tpu.memory_space<vmem>>) target_semaphore(%run_scoped3A : memref<!tpu.dma_semaphore, #tpu.memory_space<semaphore_mem>>)
        %dma_wait3A = tpu.memref_slice %arg3[%add3A_11] : memref<320000xi32, #tpu.memory_space<hbm>> -> memref<2000xi32, #tpu.memory_space<hbm>>
        %dma_wait3A_21 = tpu.memref_slice %arg3[%add3A_11] : memref<320000xi32, #tpu.memory_space<hbm>> -> memref<2000xi32, #tpu.memory_space<hbm>>
        tpu.wait_dma2 semaphore(%run_scoped3A : memref<!tpu.dma_semaphore, #tpu.memory_space<semaphore_mem>>) src(%dma_wait3A_21 : memref<2000xi32, #tpu.memory_space<hbm>>) dst(%arg7 : memref<2000xi32, #tpu.memory_space<vmem>>)
        tpu.yield
      }) : () -> ()
      "tpu.region"() ({
        %run_scoped3A = tpu.sem_alloc : memref<!tpu.dma_semaphore, #tpu.memory_space<semaphore_mem>>
        %dma_start3A = tpu.memref_slice %arg4[%add3A_11] : memref<320000xi32, #tpu.memory_space<hbm>> -> memref<2000xi32, #tpu.memory_space<hbm>>
        %dma_start3A_20 = tpu.memref_slice %arg4[%add3A_11] : memref<320000xi32, #tpu.memory_space<hbm>> -> memref<2000xi32, #tpu.memory_space<hbm>>
        tpu.enqueue_dma source(%dma_start3A_20 : memref<2000xi32, #tpu.memory_space<hbm>>) target(%arg8 : memref<2000xi32, #tpu.memory_space<vmem>>) target_semaphore(%run_scoped3A : memref<!tpu.dma_semaphore, #tpu.memory_space<semaphore_mem>>)
        %dma_wait3A = tpu.memref_slice %arg4[%add3A_11] : memref<320000xi32, #tpu.memory_space<hbm>> -> memref<2000xi32, #tpu.memory_space<hbm>>
        %dma_wait3A_21 = tpu.memref_slice %arg4[%add3A_11] : memref<320000xi32, #tpu.memory_space<hbm>> -> memref<2000xi32, #tpu.memory_space<hbm>>
        tpu.wait_dma2 semaphore(%run_scoped3A : memref<!tpu.dma_semaphore, #tpu.memory_space<semaphore_mem>>) src(%dma_wait3A_21 : memref<2000xi32, #tpu.memory_space<hbm>>) dst(%arg8 : memref<2000xi32, #tpu.memory_space<vmem>>)
        tpu.yield
      }) : () -> ()
      %scan3A_12 = arith.constant 0 : i32
      %scan3A_13 = arith.constant 0 : i32
      %scan3A_14 = arith.constant 125 : i32
      %scan3A_15 = arith.addi %scan3A_13, %scan3A_14 : i32
      %scan3A_16 = arith.constant 1 : i32
      scf.for %scan3A_20 = %scan3A_13 to %scan3A_15 step %scan3A_16  : i32 {
        %mul3A_21 = arith.constant 16 : i32
        %mul3A_22 = arith.muli %scan3A_20, %mul3A_21 : i32
        %get3A = arith.index_cast %mul3A_22 : i32 to index
        %get3A_23 = tpu.vector_load %arg7[%get3A] {strides = array<i32>} : memref<2000xi32, #tpu.memory_space<vmem>>, vector<16xi32>,
        %mul3A_24 = arith.constant 16 : i32
        %mul3A_25 = arith.muli %scan3A_20, %mul3A_24 : i32
        %get3A_26 = arith.index_cast %mul3A_25 : i32 to index
        %get3A_27 = tpu.vector_load %arg8[%get3A_26] {strides = array<i32>} : memref<2000xi32, #tpu.memory_space<vmem>>, vector<16xi32>,
        %add3A_28 = arith.constant 0 : i32
        %add3A_29 = vector.broadcast %add3A_28 : i32 to vector<16xi32>
        %add3A_30 = arith.addi %get3A_23, %add3A_29 : vector<16xi32>
        %gather3A = tpu.vector_load_idx %arg6[%add3A_30] : memref<20480xf32, #tpu.memory_space<vmem>>[vector<16xi32>], vector<16xf32>,
        %add3A_31 = arith.constant 10240 : i32
        %add3A_32 = vector.broadcast %add3A_31 : i32 to vector<16xi32>
        %add3A_33 = arith.addi %get3A_27, %add3A_32 : vector<16xi32>
        %gather3A_34 = tpu.vector_load_idx %arg6[%add3A_33] : memref<20480xf32, #tpu.memory_space<vmem>>[vector<16xi32>], vector<16xf32>,
        %add3A_35 = arith.addf %gather3A, %gather3A_34 : vector<16xf32>
        %ge3A = arith.constant 0.000000e+00 : f32
        %ge3A_36 = vector.broadcast %ge3A : f32 to vector<16xf32>
        %ge3A_37 = arith.cmpf oge, %add3A_35, %ge3A_36 : vector<16xf32>
        %mul3A_38 = arith.constant 2.000000e-01 : f32
        %mul3A_39 = vector.broadcast %mul3A_38 : f32 to vector<16xf32>
        %mul3A_40 = arith.mulf %add3A_35, %mul3A_39 : vector<16xf32>
        %select_n3A = arith.select %ge3A_37, %add3A_35, %mul3A_40 : vector<16xi1>, vector<16xf32>
        %exp3A = math.exp %select_n3A : vector<16xf32>
        %mul3A_41 = arith.constant 16 : i32
        %mul3A_42 = arith.muli %scan3A_20, %mul3A_41 : i32
        %add3A_43 = arith.constant 0 : i32
        %add3A_44 = arith.addi %add3A_43, %mul3A_42 : i32
        %swap3A = arith.index_cast %add3A_44 : i32 to index
        %swap3A_45 = tpu.vector_load %arg9[%swap3A] {strides = array<i32>} : memref<2000xf32, #tpu.memory_space<vmem>>, vector<16xf32>,
        tpu.vector_store %arg9[%swap3A], %exp3A {strides = array<i32>} : memref<2000xf32, #tpu.memory_space<vmem>>, vector<16xf32>,
      }
      %scan3A_17 = arith.constant 125 : i32
      %add3A_18 = arith.constant 0 : i32
      %add3A_19 = arith.addi %add3A_18, %add3A_11 : i32
      "tpu.region"() ({
        %run_scoped3A = tpu.sem_alloc : memref<!tpu.dma_semaphore, #tpu.memory_space<semaphore_mem>>
        %dma_start3A = arith.constant 0 : i32
        %dma_start3A_20 = tpu.memref_slice %arg9[%dma_start3A] : memref<2000xf32, #tpu.memory_space<vmem>> -> memref<2000xf32, #tpu.memory_space<vmem>>
        %dma_start3A_21 = tpu.memref_slice %arg5[%add3A_19] : memref<320000xf32, #tpu.memory_space<hbm>> -> memref<2000xf32, #tpu.memory_space<hbm>>
        %dma_start3A_22 = tpu.memref_slice %arg5[%add3A_19] : memref<320000xf32, #tpu.memory_space<hbm>> -> memref<2000xf32, #tpu.memory_space<hbm>>
        %dma_start3A_23 = arith.constant 0 : i32
        %dma_start3A_24 = tpu.memref_slice %arg9[%dma_start3A_23] : memref<2000xf32, #tpu.memory_space<vmem>> -> memref<2000xf32, #tpu.memory_space<vmem>>
        tpu.enqueue_dma source(%dma_start3A_24 : memref<2000xf32, #tpu.memory_space<vmem>>) target(%dma_start3A_22 : memref<2000xf32, #tpu.memory_space<hbm>>) target_semaphore(%run_scoped3A : memref<!tpu.dma_semaphore, #tpu.memory_space<semaphore_mem>>)
        %dma_wait3A = arith.constant 0 : i32
        %dma_wait3A_25 = tpu.memref_slice %arg9[%dma_wait3A] : memref<2000xf32, #tpu.memory_space<vmem>> -> memref<2000xf32, #tpu.memory_space<vmem>>
        %dma_wait3A_26 = tpu.memref_slice %arg5[%add3A_19] : memref<320000xf32, #tpu.memory_space<hbm>> -> memref<2000xf32, #tpu.memory_space<hbm>>
        %dma_wait3A_27 = tpu.memref_slice %arg5[%add3A_19] : memref<320000xf32, #tpu.memory_space<hbm>> -> memref<2000xf32, #tpu.memory_space<hbm>>
        %dma_wait3A_28 = arith.constant 0 : i32
        %dma_wait3A_29 = tpu.memref_slice %arg9[%dma_wait3A_28] : memref<2000xf32, #tpu.memory_space<vmem>> -> memref<2000xf32, #tpu.memory_space<vmem>>
        tpu.wait_dma2 semaphore(%run_scoped3A : memref<!tpu.dma_semaphore, #tpu.memory_space<semaphore_mem>>) src(%dma_wait3A_29 : memref<2000xf32, #tpu.memory_space<vmem>>) dst(%dma_wait3A_27 : memref<2000xf32, #tpu.memory_space<hbm>>)
        tpu.yield
      }) : () -> ()
    }
    %scan3A_7 = arith.constant 5 : i32
    return
  }
}

#map = affine_map<(d0, d1) -> (0)>
module attributes {stable_mosaic.version = 14 : i64} {
  func.func @kb(%arg0: i32, %arg1: i32, %arg2: memref<1310720xf32, #tpu.memory_space<hbm>>, %arg3: memref<320000xi32, #tpu.memory_space<hbm>>, %arg4: memref<320000xi32, #tpu.memory_space<hbm>>, %arg5: memref<320000xf32, #tpu.memory_space<hbm>>, %arg6: memref<1310720xf32, #tpu.memory_space<hbm>>, %arg7: memref<10240xf32, #tpu.memory_space<hbm>>, %arg8: memref<40960xf32, #tpu.memory_space<vmem>>, %arg9: memref<40960xf32, #tpu.memory_space<vmem>>, %arg10: memref<10240xf32, #tpu.memory_space<vmem>>, %arg11: memref<8000xi32, #tpu.memory_space<vmem>>, %arg12: memref<8000xi32, #tpu.memory_space<vmem>>, %arg13: memref<8000xf32, #tpu.memory_space<vmem>>) attributes {dimension_semantics = [#tpu.dimension_semantics<core_parallel>, #tpu.dimension_semantics<subcore_parallel>], iteration_bounds = array<i64: 2, 16>, scalar_prefetch = 0 : i64, scratch_operands = 6 : i64, tpu.core_type = #tpu.core_type<sc_vector_subcore>, window_params = [{transform_indices = #map}, {transform_indices = #map}, {transform_indices = #map}, {transform_indices = #map}, {transform_indices = #map}, {transform_indices = #map}]} {
    %mul3A = arith.constant 2 : i32
    %mul3A_0 = arith.muli %arg1, %mul3A : i32
    %add3A = arith.addi %mul3A_0, %arg0 : i32
    %jit3A = arith.constant 32 : i32
    %div3A = arith.divsi %add3A, %jit3A : i32
    %sign3A = arith.constant 0 : i32
    %sign3A_1 = arith.cmpi sgt, %add3A, %sign3A : i32
    %sign3A_2 = arith.extui %sign3A_1 : i1 to i32
    %sign3A_3 = arith.constant 0 : i32
    %sign3A_4 = arith.cmpi slt, %add3A, %sign3A_3 : i32
    %sign3A_5 = arith.extui %sign3A_4 : i1 to i32
    %sign3A_6 = arith.subi %sign3A_2, %sign3A_5 : i32
    %sign3A_7 = arith.constant 0 : i32
    %sign3A_8 = arith.cmpi sgt, %jit3A, %sign3A_7 : i32
    %sign3A_9 = arith.extui %sign3A_8 : i1 to i32
    %sign3A_10 = arith.constant 0 : i32
    %sign3A_11 = arith.cmpi slt, %jit3A, %sign3A_10 : i32
    %sign3A_12 = arith.extui %sign3A_11 : i1 to i32
    %sign3A_13 = arith.subi %sign3A_9, %sign3A_12 : i32
    %ne3A = arith.cmpi ne, %sign3A_6, %sign3A_13 : i32
    %rem3A = arith.remsi %add3A, %jit3A : i32
    %ne3A_14 = arith.constant 0 : i32
    %ne3A_15 = arith.cmpi ne, %rem3A, %ne3A_14 : i32
    %and3A = arith.andi %ne3A, %ne3A_15 : i1
    %sub3A = arith.constant 1 : i32
    %sub3A_16 = arith.subi %div3A, %sub3A : i32
    %select_n3A = arith.select %and3A, %sub3A_16, %div3A : i32
    %mul3A_17 = arith.constant 4 : i32
    %mul3A_18 = arith.muli %add3A, %mul3A_17 : i32
    %jit3A_19 = arith.constant 32 : i32
    %eq3A = arith.constant 0 : i32
    %eq3A_20 = arith.cmpi eq, %jit3A_19, %eq3A : i32
    %jit3A_21 = arith.constant 1 : i32
    %select_n3A_22 = arith.select %eq3A_20, %jit3A_21, %jit3A_19 : i32
    %rem3A_23 = arith.remsi %add3A, %select_n3A_22 : i32
    %ne3A_24 = arith.constant 0 : i32
    %ne3A_25 = arith.cmpi ne, %rem3A_23, %ne3A_24 : i32
    %lt3A = arith.constant 0 : i32
    %lt3A_26 = arith.cmpi slt, %rem3A_23, %lt3A : i32
    %lt3A_27 = arith.constant 0 : i32
    %lt3A_28 = arith.cmpi slt, %select_n3A_22, %lt3A_27 : i32
    %ne3A_29 = arith.xori %lt3A_26, %lt3A_28 : i1
    %and3A_30 = arith.andi %ne3A_29, %ne3A_25 : i1
    %add3A_31 = arith.addi %rem3A_23, %select_n3A_22 : i32
    %select_n3A_32 = arith.select %and3A_30, %add3A_31, %rem3A_23 : i32
    %eq3A_33 = arith.constant 0 : i32
    %eq3A_34 = arith.cmpi eq, %select_n3A_32, %eq3A_33 : i32
    %mul3A_35 = arith.constant 10240 : i32
    %mul3A_36 = arith.muli %mul3A_18, %mul3A_35 : i32
    "tpu.region"() ({
      %run_scoped3A = tpu.sem_alloc : memref<!tpu.dma_semaphore, #tpu.memory_space<semaphore_mem>>
      %dma_start3A = tpu.memref_slice %arg2[%mul3A_36] : memref<1310720xf32, #tpu.memory_space<hbm>> -> memref<40960xf32, #tpu.memory_space<hbm>>
      %dma_start3A_57 = tpu.memref_slice %arg2[%mul3A_36] : memref<1310720xf32, #tpu.memory_space<hbm>> -> memref<40960xf32, #tpu.memory_space<hbm>>
      tpu.enqueue_dma source(%dma_start3A_57 : memref<40960xf32, #tpu.memory_space<hbm>>) target(%arg8 : memref<40960xf32, #tpu.memory_space<vmem>>) target_semaphore(%run_scoped3A : memref<!tpu.dma_semaphore, #tpu.memory_space<semaphore_mem>>)
      %dma_wait3A = tpu.memref_slice %arg2[%mul3A_36] : memref<1310720xf32, #tpu.memory_space<hbm>> -> memref<40960xf32, #tpu.memory_space<hbm>>
      %dma_wait3A_58 = tpu.memref_slice %arg2[%mul3A_36] : memref<1310720xf32, #tpu.memory_space<hbm>> -> memref<40960xf32, #tpu.memory_space<hbm>>
      tpu.wait_dma2 semaphore(%run_scoped3A : memref<!tpu.dma_semaphore, #tpu.memory_space<semaphore_mem>>) src(%dma_wait3A_58 : memref<40960xf32, #tpu.memory_space<hbm>>) dst(%arg8 : memref<40960xf32, #tpu.memory_space<vmem>>)
      tpu.yield
    }) : () -> ()
    %scan3A = arith.constant 0 : i32
    %scan3A_37 = arith.constant 0 : i32
    %scan3A_38 = arith.constant 2560 : i32
    %scan3A_39 = arith.addi %scan3A_37, %scan3A_38 : i32
    %scan3A_40 = arith.constant 1 : i32
    scf.for %scan3A_57 = %scan3A_37 to %scan3A_39 step %scan3A_40  : i32 {
      %broadcast_in_dim3A = arith.constant 0.000000e+00 : f32
      %broadcast_in_dim3A_58 = vector.broadcast %broadcast_in_dim3A : f32 to vector<16xf32>
      %mul3A_59 = arith.constant 16 : i32
      %mul3A_60 = arith.muli %scan3A_57, %mul3A_59 : i32
      %swap3A = arith.index_cast %mul3A_60 : i32 to index
      %swap3A_61 = tpu.vector_load %arg9[%swap3A] {strides = array<i32>} : memref<40960xf32, #tpu.memory_space<vmem>>, vector<16xf32>,
      tpu.vector_store %arg9[%swap3A], %broadcast_in_dim3A_58 {strides = array<i32>} : memref<40960xf32, #tpu.memory_space<vmem>>, vector<16xf32>,
    }
    %scan3A_41 = arith.constant 2560 : i32
    %scan3A_42 = arith.constant 0 : i32
    %scan3A_43 = arith.constant 0 : i32
    %scan3A_44 = arith.constant 640 : i32
    %scan3A_45 = arith.addi %scan3A_43, %scan3A_44 : i32
    %scan3A_46 = arith.constant 1 : i32
    scf.for %scan3A_57 = %scan3A_43 to %scan3A_45 step %scan3A_46  : i32 {
      %broadcast_in_dim3A = arith.constant 0.000000e+00 : f32
      %broadcast_in_dim3A_58 = vector.broadcast %broadcast_in_dim3A : f32 to vector<16xf32>
      %mul3A_59 = arith.constant 16 : i32
      %mul3A_60 = arith.muli %scan3A_57, %mul3A_59 : i32
      %swap3A = arith.index_cast %mul3A_60 : i32 to index
      %swap3A_61 = tpu.vector_load %arg10[%swap3A] {strides = array<i32>} : memref<10240xf32, #tpu.memory_space<vmem>>, vector<16xf32>,
      tpu.vector_store %arg10[%swap3A], %broadcast_in_dim3A_58 {strides = array<i32>} : memref<10240xf32, #tpu.memory_space<vmem>>, vector<16xf32>,
    }
    %scan3A_47 = arith.constant 640 : i32
    %scan3A_48 = arith.constant 0 : i32
    %scan3A_49 = arith.constant 0 : i32
    %scan3A_50 = arith.constant 40 : i32
    %scan3A_51 = arith.addi %scan3A_49, %scan3A_50 : i32
    %scan3A_52 = arith.constant 1 : i32
    scf.for %scan3A_57 = %scan3A_49 to %scan3A_51 step %scan3A_52  : i32 {
      %mul3A_58 = arith.constant 8000 : i32
      %mul3A_59 = arith.muli %scan3A_57, %mul3A_58 : i32
      "tpu.region"() ({
        %run_scoped3A = tpu.sem_alloc : memref<!tpu.dma_semaphore, #tpu.memory_space<semaphore_mem>>
        %dma_start3A = tpu.memref_slice %arg3[%mul3A_59] : memref<320000xi32, #tpu.memory_space<hbm>> -> memref<8000xi32, #tpu.memory_space<hbm>>
        %dma_start3A_69 = tpu.memref_slice %arg3[%mul3A_59] : memref<320000xi32, #tpu.memory_space<hbm>> -> memref<8000xi32, #tpu.memory_space<hbm>>
        tpu.enqueue_dma source(%dma_start3A_69 : memref<8000xi32, #tpu.memory_space<hbm>>) target(%arg11 : memref<8000xi32, #tpu.memory_space<vmem>>) target_semaphore(%run_scoped3A : memref<!tpu.dma_semaphore, #tpu.memory_space<semaphore_mem>>)
        %dma_wait3A = tpu.memref_slice %arg3[%mul3A_59] : memref<320000xi32, #tpu.memory_space<hbm>> -> memref<8000xi32, #tpu.memory_space<hbm>>
        %dma_wait3A_70 = tpu.memref_slice %arg3[%mul3A_59] : memref<320000xi32, #tpu.memory_space<hbm>> -> memref<8000xi32, #tpu.memory_space<hbm>>
        tpu.wait_dma2 semaphore(%run_scoped3A : memref<!tpu.dma_semaphore, #tpu.memory_space<semaphore_mem>>) src(%dma_wait3A_70 : memref<8000xi32, #tpu.memory_space<hbm>>) dst(%arg11 : memref<8000xi32, #tpu.memory_space<vmem>>)
        tpu.yield
      }) : () -> ()
      "tpu.region"() ({
        %run_scoped3A = tpu.sem_alloc : memref<!tpu.dma_semaphore, #tpu.memory_space<semaphore_mem>>
        %dma_start3A = tpu.memref_slice %arg4[%mul3A_59] : memref<320000xi32, #tpu.memory_space<hbm>> -> memref<8000xi32, #tpu.memory_space<hbm>>
        %dma_start3A_69 = tpu.memref_slice %arg4[%mul3A_59] : memref<320000xi32, #tpu.memory_space<hbm>> -> memref<8000xi32, #tpu.memory_space<hbm>>
        tpu.enqueue_dma source(%dma_start3A_69 : memref<8000xi32, #tpu.memory_space<hbm>>) target(%arg12 : memref<8000xi32, #tpu.memory_space<vmem>>) target_semaphore(%run_scoped3A : memref<!tpu.dma_semaphore, #tpu.memory_space<semaphore_mem>>)
        %dma_wait3A = tpu.memref_slice %arg4[%mul3A_59] : memref<320000xi32, #tpu.memory_space<hbm>> -> memref<8000xi32, #tpu.memory_space<hbm>>
        %dma_wait3A_70 = tpu.memref_slice %arg4[%mul3A_59] : memref<320000xi32, #tpu.memory_space<hbm>> -> memref<8000xi32, #tpu.memory_space<hbm>>
        tpu.wait_dma2 semaphore(%run_scoped3A : memref<!tpu.dma_semaphore, #tpu.memory_space<semaphore_mem>>) src(%dma_wait3A_70 : memref<8000xi32, #tpu.memory_space<hbm>>) dst(%arg12 : memref<8000xi32, #tpu.memory_space<vmem>>)
        tpu.yield
      }) : () -> ()
      %mul3A_60 = arith.constant 320000 : i32
      %mul3A_61 = arith.muli %select_n3A, %mul3A_60 : i32
      %add3A_62 = arith.addi %mul3A_61, %mul3A_59 : i32
      "tpu.region"() ({
        %run_scoped3A = tpu.sem_alloc : memref<!tpu.dma_semaphore, #tpu.memory_space<semaphore_mem>>
        %dma_start3A = tpu.memref_slice %arg5[%add3A_62] : memref<320000xf32, #tpu.memory_space<hbm>> -> memref<8000xf32, #tpu.memory_space<hbm>>
        %dma_start3A_69 = tpu.memref_slice %arg5[%add3A_62] : memref<320000xf32, #tpu.memory_space<hbm>> -> memref<8000xf32, #tpu.memory_space<hbm>>
        tpu.enqueue_dma source(%dma_start3A_69 : memref<8000xf32, #tpu.memory_space<hbm>>) target(%arg13 : memref<8000xf32, #tpu.memory_space<vmem>>) target_semaphore(%run_scoped3A : memref<!tpu.dma_semaphore, #tpu.memory_space<semaphore_mem>>)
        %dma_wait3A = tpu.memref_slice %arg5[%add3A_62] : memref<320000xf32, #tpu.memory_space<hbm>> -> memref<8000xf32, #tpu.memory_space<hbm>>
        %dma_wait3A_70 = tpu.memref_slice %arg5[%add3A_62] : memref<320000xf32, #tpu.memory_space<hbm>> -> memref<8000xf32, #tpu.memory_space<hbm>>
        tpu.wait_dma2 semaphore(%run_scoped3A : memref<!tpu.dma_semaphore, #tpu.memory_space<semaphore_mem>>) src(%dma_wait3A_70 : memref<8000xf32, #tpu.memory_space<hbm>>) dst(%arg13 : memref<8000xf32, #tpu.memory_space<vmem>>)
        tpu.yield
      }) : () -> ()
      %scan3A_63 = arith.constant 0 : i32
      %scan3A_64 = arith.constant 0 : i32
      %scan3A_65 = arith.constant 125 : i32
      %scan3A_66 = arith.addi %scan3A_64, %scan3A_65 : i32
      %scan3A_67 = arith.constant 1 : i32
      scf.for %scan3A_69 = %scan3A_64 to %scan3A_66 step %scan3A_67  : i32 {
        %mul3A_70 = arith.constant 64 : i32
        %mul3A_71 = arith.muli %scan3A_69, %mul3A_70 : i32
        %add3A_72 = arith.constant 0 : i32
        %add3A_73 = arith.addi %mul3A_71, %add3A_72 : i32
        %get3A = arith.index_cast %add3A_73 : i32 to index
        %get3A_74 = tpu.vector_load %arg11[%get3A] {strides = array<i32>} : memref<8000xi32, #tpu.memory_space<vmem>>, vector<16xi32>,
        %get3A_75 = arith.index_cast %add3A_73 : i32 to index
        %get3A_76 = tpu.vector_load %arg12[%get3A_75] {strides = array<i32>} : memref<8000xi32, #tpu.memory_space<vmem>>, vector<16xi32>,
        %get3A_77 = arith.index_cast %add3A_73 : i32 to index
        %get3A_78 = tpu.vector_load %arg13[%get3A_77] {strides = array<i32>} : memref<8000xf32, #tpu.memory_space<vmem>>, vector<16xf32>,
        %add3A_79 = arith.constant 0 : i32
        %add3A_80 = vector.broadcast %add3A_79 : i32 to vector<16xi32>
        %add3A_81 = arith.addi %get3A_74, %add3A_80 : vector<16xi32>
        %gather3A = tpu.vector_load_idx %arg8[%add3A_81] : memref<40960xf32, #tpu.memory_space<vmem>>[vector<16xi32>], vector<16xf32>,
        %add3A_82 = arith.constant 0 : i32
        %add3A_83 = vector.broadcast %add3A_82 : i32 to vector<16xi32>
        %add3A_84 = arith.addi %get3A_76, %add3A_83 : vector<16xi32>
        %mul3A_85 = arith.mulf %gather3A, %get3A_78 : vector<16xf32>
        tpu.vector_store_idx %arg9[%add3A_84], %mul3A_85 {add = true} : memref<40960xf32, #tpu.memory_space<vmem>>[vector<16xi32>], vector<16xf32>,
        %add3A_86 = arith.constant 10240 : i32
        %add3A_87 = vector.broadcast %add3A_86 : i32 to vector<16xi32>
        %add3A_88 = arith.addi %get3A_74, %add3A_87 : vector<16xi32>
        %gather3A_89 = tpu.vector_load_idx %arg8[%add3A_88] : memref<40960xf32, #tpu.memory_space<vmem>>[vector<16xi32>], vector<16xf32>,
        %add3A_90 = arith.constant 10240 : i32
        %add3A_91 = vector.broadcast %add3A_90 : i32 to vector<16xi32>
        %add3A_92 = arith.addi %get3A_76, %add3A_91 : vector<16xi32>
        %mul3A_93 = arith.mulf %gather3A_89, %get3A_78 : vector<16xf32>
        tpu.vector_store_idx %arg9[%add3A_92], %mul3A_93 {add = true} : memref<40960xf32, #tpu.memory_space<vmem>>[vector<16xi32>], vector<16xf32>,
        %add3A_94 = arith.constant 20480 : i32
        %add3A_95 = vector.broadcast %add3A_94 : i32 to vector<16xi32>
        %add3A_96 = arith.addi %get3A_74, %add3A_95 : vector<16xi32>
        %gather3A_97 = tpu.vector_load_idx %arg8[%add3A_96] : memref<40960xf32, #tpu.memory_space<vmem>>[vector<16xi32>], vector<16xf32>,
        %add3A_98 = arith.constant 20480 : i32
        %add3A_99 = vector.broadcast %add3A_98 : i32 to vector<16xi32>
        %add3A_100 = arith.addi %get3A_76, %add3A_99 : vector<16xi32>
        %mul3A_101 = arith.mulf %gather3A_97, %get3A_78 : vector<16xf32>
        tpu.vector_store_idx %arg9[%add3A_100], %mul3A_101 {add = true} : memref<40960xf32, #tpu.memory_space<vmem>>[vector<16xi32>], vector<16xf32>,
        %add3A_102 = arith.constant 30720 : i32
        %add3A_103 = vector.broadcast %add3A_102 : i32 to vector<16xi32>
        %add3A_104 = arith.addi %get3A_74, %add3A_103 : vector<16xi32>
        %gather3A_105 = tpu.vector_load_idx %arg8[%add3A_104] : memref<40960xf32, #tpu.memory_space<vmem>>[vector<16xi32>], vector<16xf32>,
        %add3A_106 = arith.constant 30720 : i32
        %add3A_107 = vector.broadcast %add3A_106 : i32 to vector<16xi32>
        %add3A_108 = arith.addi %get3A_76, %add3A_107 : vector<16xi32>
        %mul3A_109 = arith.mulf %gather3A_105, %get3A_78 : vector<16xf32>
        tpu.vector_store_idx %arg9[%add3A_108], %mul3A_109 {add = true} : memref<40960xf32, #tpu.memory_space<vmem>>[vector<16xi32>], vector<16xf32>,
        %convert_element_type3A_110 = arith.extui %eq3A_34 : i1 to i32
        %cond3A_111 = arith.constant 0 : i32
        %cond3A_112 = arith.cmpi ne, %convert_element_type3A_110, %cond3A_111 : i32
        scf.if %cond3A_112 {
          tpu.vector_store_idx %arg10[%get3A_76], %get3A_78 {add = true} : memref<10240xf32, #tpu.memory_space<vmem>>[vector<16xi32>], vector<16xf32>,
        } else {
        }
        %mul3A_113 = arith.constant 64 : i32
        %mul3A_114 = arith.muli %scan3A_69, %mul3A_113 : i32
        %add3A_115 = arith.constant 16 : i32
        %add3A_116 = arith.addi %mul3A_114, %add3A_115 : i32
        %get3A_117 = arith.index_cast %add3A_116 : i32 to index
        %get3A_118 = tpu.vector_load %arg11[%get3A_117] {strides = array<i32>} : memref<8000xi32, #tpu.memory_space<vmem>>, vector<16xi32>,
        %get3A_119 = arith.index_cast %add3A_116 : i32 to index
        %get3A_120 = tpu.vector_load %arg12[%get3A_119] {strides = array<i32>} : memref<8000xi32, #tpu.memory_space<vmem>>, vector<16xi32>,
        %get3A_121 = arith.index_cast %add3A_116 : i32 to index
        %get3A_122 = tpu.vector_load %arg13[%get3A_121] {strides = array<i32>} : memref<8000xf32, #tpu.memory_space<vmem>>, vector<16xf32>,
        %add3A_123 = arith.constant 0 : i32
        %add3A_124 = vector.broadcast %add3A_123 : i32 to vector<16xi32>
        %add3A_125 = arith.addi %get3A_118, %add3A_124 : vector<16xi32>
        %gather3A_126 = tpu.vector_load_idx %arg8[%add3A_125] : memref<40960xf32, #tpu.memory_space<vmem>>[vector<16xi32>], vector<16xf32>,
        %add3A_127 = arith.constant 0 : i32
        %add3A_128 = vector.broadcast %add3A_127 : i32 to vector<16xi32>
        %add3A_129 = arith.addi %get3A_120, %add3A_128 : vector<16xi32>
        %mul3A_130 = arith.mulf %gather3A_126, %get3A_122 : vector<16xf32>
        tpu.vector_store_idx %arg9[%add3A_129], %mul3A_130 {add = true} : memref<40960xf32, #tpu.memory_space<vmem>>[vector<16xi32>], vector<16xf32>,
        %add3A_131 = arith.constant 10240 : i32
        %add3A_132 = vector.broadcast %add3A_131 : i32 to vector<16xi32>
        %add3A_133 = arith.addi %get3A_118, %add3A_132 : vector<16xi32>
        %gather3A_134 = tpu.vector_load_idx %arg8[%add3A_133] : memref<40960xf32, #tpu.memory_space<vmem>>[vector<16xi32>], vector<16xf32>,
        %add3A_135 = arith.constant 10240 : i32
        %add3A_136 = vector.broadcast %add3A_135 : i32 to vector<16xi32>
        %add3A_137 = arith.addi %get3A_120, %add3A_136 : vector<16xi32>
        %mul3A_138 = arith.mulf %gather3A_134, %get3A_122 : vector<16xf32>
        tpu.vector_store_idx %arg9[%add3A_137], %mul3A_138 {add = true} : memref<40960xf32, #tpu.memory_space<vmem>>[vector<16xi32>], vector<16xf32>,
        %add3A_139 = arith.constant 20480 : i32
        %add3A_140 = vector.broadcast %add3A_139 : i32 to vector<16xi32>
        %add3A_141 = arith.addi %get3A_118, %add3A_140 : vector<16xi32>
        %gather3A_142 = tpu.vector_load_idx %arg8[%add3A_141] : memref<40960xf32, #tpu.memory_space<vmem>>[vector<16xi32>], vector<16xf32>,
        %add3A_143 = arith.constant 20480 : i32
        %add3A_144 = vector.broadcast %add3A_143 : i32 to vector<16xi32>
        %add3A_145 = arith.addi %get3A_120, %add3A_144 : vector<16xi32>
        %mul3A_146 = arith.mulf %gather3A_142, %get3A_122 : vector<16xf32>
        tpu.vector_store_idx %arg9[%add3A_145], %mul3A_146 {add = true} : memref<40960xf32, #tpu.memory_space<vmem>>[vector<16xi32>], vector<16xf32>,
        %add3A_147 = arith.constant 30720 : i32
        %add3A_148 = vector.broadcast %add3A_147 : i32 to vector<16xi32>
        %add3A_149 = arith.addi %get3A_118, %add3A_148 : vector<16xi32>
        %gather3A_150 = tpu.vector_load_idx %arg8[%add3A_149] : memref<40960xf32, #tpu.memory_space<vmem>>[vector<16xi32>], vector<16xf32>,
        %add3A_151 = arith.constant 30720 : i32
        %add3A_152 = vector.broadcast %add3A_151 : i32 to vector<16xi32>
        %add3A_153 = arith.addi %get3A_120, %add3A_152 : vector<16xi32>
        %mul3A_154 = arith.mulf %gather3A_150, %get3A_122 : vector<16xf32>
        tpu.vector_store_idx %arg9[%add3A_153], %mul3A_154 {add = true} : memref<40960xf32, #tpu.memory_space<vmem>>[vector<16xi32>], vector<16xf32>,
        %convert_element_type3A_155 = arith.extui %eq3A_34 : i1 to i32
        %cond3A_156 = arith.constant 0 : i32
        %cond3A_157 = arith.cmpi ne, %convert_element_type3A_155, %cond3A_156 : i32
        scf.if %cond3A_157 {
          tpu.vector_store_idx %arg10[%get3A_120], %get3A_122 {add = true} : memref<10240xf32, #tpu.memory_space<vmem>>[vector<16xi32>], vector<16xf32>,
        } else {
        }
        %mul3A_158 = arith.constant 64 : i32
        %mul3A_159 = arith.muli %scan3A_69, %mul3A_158 : i32
        %add3A_160 = arith.constant 32 : i32
        %add3A_161 = arith.addi %mul3A_159, %add3A_160 : i32
        %get3A_162 = arith.index_cast %add3A_161 : i32 to index
        %get3A_163 = tpu.vector_load %arg11[%get3A_162] {strides = array<i32>} : memref<8000xi32, #tpu.memory_space<vmem>>, vector<16xi32>,
        %get3A_164 = arith.index_cast %add3A_161 : i32 to index
        %get3A_165 = tpu.vector_load %arg12[%get3A_164] {strides = array<i32>} : memref<8000xi32, #tpu.memory_space<vmem>>, vector<16xi32>,
        %get3A_166 = arith.index_cast %add3A_161 : i32 to index
        %get3A_167 = tpu.vector_load %arg13[%get3A_166] {strides = array<i32>} : memref<8000xf32, #tpu.memory_space<vmem>>, vector<16xf32>,
        %add3A_168 = arith.constant 0 : i32
        %add3A_169 = vector.broadcast %add3A_168 : i32 to vector<16xi32>
        %add3A_170 = arith.addi %get3A_163, %add3A_169 : vector<16xi32>
        %gather3A_171 = tpu.vector_load_idx %arg8[%add3A_170] : memref<40960xf32, #tpu.memory_space<vmem>>[vector<16xi32>], vector<16xf32>,
        %add3A_172 = arith.constant 0 : i32
        %add3A_173 = vector.broadcast %add3A_172 : i32 to vector<16xi32>
        %add3A_174 = arith.addi %get3A_165, %add3A_173 : vector<16xi32>
        %mul3A_175 = arith.mulf %gather3A_171, %get3A_167 : vector<16xf32>
        tpu.vector_store_idx %arg9[%add3A_174], %mul3A_175 {add = true} : memref<40960xf32, #tpu.memory_space<vmem>>[vector<16xi32>], vector<16xf32>,
        %add3A_176 = arith.constant 10240 : i32
        %add3A_177 = vector.broadcast %add3A_176 : i32 to vector<16xi32>
        %add3A_178 = arith.addi %get3A_163, %add3A_177 : vector<16xi32>
        %gather3A_179 = tpu.vector_load_idx %arg8[%add3A_178] : memref<40960xf32, #tpu.memory_space<vmem>>[vector<16xi32>], vector<16xf32>,
        %add3A_180 = arith.constant 10240 : i32
        %add3A_181 = vector.broadcast %add3A_180 : i32 to vector<16xi32>
        %add3A_182 = arith.addi %get3A_165, %add3A_181 : vector<16xi32>
        %mul3A_183 = arith.mulf %gather3A_179, %get3A_167 : vector<16xf32>
        tpu.vector_store_idx %arg9[%add3A_182], %mul3A_183 {add = true} : memref<40960xf32, #tpu.memory_space<vmem>>[vector<16xi32>], vector<16xf32>,
        %add3A_184 = arith.constant 20480 : i32
        %add3A_185 = vector.broadcast %add3A_184 : i32 to vector<16xi32>
        %add3A_186 = arith.addi %get3A_163, %add3A_185 : vector<16xi32>
        %gather3A_187 = tpu.vector_load_idx %arg8[%add3A_186] : memref<40960xf32, #tpu.memory_space<vmem>>[vector<16xi32>], vector<16xf32>,
        %add3A_188 = arith.constant 20480 : i32
        %add3A_189 = vector.broadcast %add3A_188 : i32 to vector<16xi32>
        %add3A_190 = arith.addi %get3A_165, %add3A_189 : vector<16xi32>
        %mul3A_191 = arith.mulf %gather3A_187, %get3A_167 : vector<16xf32>
        tpu.vector_store_idx %arg9[%add3A_190], %mul3A_191 {add = true} : memref<40960xf32, #tpu.memory_space<vmem>>[vector<16xi32>], vector<16xf32>,
        %add3A_192 = arith.constant 30720 : i32
        %add3A_193 = vector.broadcast %add3A_192 : i32 to vector<16xi32>
        %add3A_194 = arith.addi %get3A_163, %add3A_193 : vector<16xi32>
        %gather3A_195 = tpu.vector_load_idx %arg8[%add3A_194] : memref<40960xf32, #tpu.memory_space<vmem>>[vector<16xi32>], vector<16xf32>,
        %add3A_196 = arith.constant 30720 : i32
        %add3A_197 = vector.broadcast %add3A_196 : i32 to vector<16xi32>
        %add3A_198 = arith.addi %get3A_165, %add3A_197 : vector<16xi32>
        %mul3A_199 = arith.mulf %gather3A_195, %get3A_167 : vector<16xf32>
        tpu.vector_store_idx %arg9[%add3A_198], %mul3A_199 {add = true} : memref<40960xf32, #tpu.memory_space<vmem>>[vector<16xi32>], vector<16xf32>,
        %convert_element_type3A_200 = arith.extui %eq3A_34 : i1 to i32
        %cond3A_201 = arith.constant 0 : i32
        %cond3A_202 = arith.cmpi ne, %convert_element_type3A_200, %cond3A_201 : i32
        scf.if %cond3A_202 {
          tpu.vector_store_idx %arg10[%get3A_165], %get3A_167 {add = true} : memref<10240xf32, #tpu.memory_space<vmem>>[vector<16xi32>], vector<16xf32>,
        } else {
        }
        %mul3A_203 = arith.constant 64 : i32
        %mul3A_204 = arith.muli %scan3A_69, %mul3A_203 : i32
        %add3A_205 = arith.constant 48 : i32
        %add3A_206 = arith.addi %mul3A_204, %add3A_205 : i32
        %get3A_207 = arith.index_cast %add3A_206 : i32 to index
        %get3A_208 = tpu.vector_load %arg11[%get3A_207] {strides = array<i32>} : memref<8000xi32, #tpu.memory_space<vmem>>, vector<16xi32>,
        %get3A_209 = arith.index_cast %add3A_206 : i32 to index
        %get3A_210 = tpu.vector_load %arg12[%get3A_209] {strides = array<i32>} : memref<8000xi32, #tpu.memory_space<vmem>>, vector<16xi32>,
        %get3A_211 = arith.index_cast %add3A_206 : i32 to index
        %get3A_212 = tpu.vector_load %arg13[%get3A_211] {strides = array<i32>} : memref<8000xf32, #tpu.memory_space<vmem>>, vector<16xf32>,
        %add3A_213 = arith.constant 0 : i32
        %add3A_214 = vector.broadcast %add3A_213 : i32 to vector<16xi32>
        %add3A_215 = arith.addi %get3A_208, %add3A_214 : vector<16xi32>
        %gather3A_216 = tpu.vector_load_idx %arg8[%add3A_215] : memref<40960xf32, #tpu.memory_space<vmem>>[vector<16xi32>], vector<16xf32>,
        %add3A_217 = arith.constant 0 : i32
        %add3A_218 = vector.broadcast %add3A_217 : i32 to vector<16xi32>
        %add3A_219 = arith.addi %get3A_210, %add3A_218 : vector<16xi32>
        %mul3A_220 = arith.mulf %gather3A_216, %get3A_212 : vector<16xf32>
        tpu.vector_store_idx %arg9[%add3A_219], %mul3A_220 {add = true} : memref<40960xf32, #tpu.memory_space<vmem>>[vector<16xi32>], vector<16xf32>,
        %add3A_221 = arith.constant 10240 : i32
        %add3A_222 = vector.broadcast %add3A_221 : i32 to vector<16xi32>
        %add3A_223 = arith.addi %get3A_208, %add3A_222 : vector<16xi32>
        %gather3A_224 = tpu.vector_load_idx %arg8[%add3A_223] : memref<40960xf32, #tpu.memory_space<vmem>>[vector<16xi32>], vector<16xf32>,
        %add3A_225 = arith.constant 10240 : i32
        %add3A_226 = vector.broadcast %add3A_225 : i32 to vector<16xi32>
        %add3A_227 = arith.addi %get3A_210, %add3A_226 : vector<16xi32>
        %mul3A_228 = arith.mulf %gather3A_224, %get3A_212 : vector<16xf32>
        tpu.vector_store_idx %arg9[%add3A_227], %mul3A_228 {add = true} : memref<40960xf32, #tpu.memory_space<vmem>>[vector<16xi32>], vector<16xf32>,
        %add3A_229 = arith.constant 20480 : i32
        %add3A_230 = vector.broadcast %add3A_229 : i32 to vector<16xi32>
        %add3A_231 = arith.addi %get3A_208, %add3A_230 : vector<16xi32>
        %gather3A_232 = tpu.vector_load_idx %arg8[%add3A_231] : memref<40960xf32, #tpu.memory_space<vmem>>[vector<16xi32>], vector<16xf32>,
        %add3A_233 = arith.constant 20480 : i32
        %add3A_234 = vector.broadcast %add3A_233 : i32 to vector<16xi32>
        %add3A_235 = arith.addi %get3A_210, %add3A_234 : vector<16xi32>
        %mul3A_236 = arith.mulf %gather3A_232, %get3A_212 : vector<16xf32>
        tpu.vector_store_idx %arg9[%add3A_235], %mul3A_236 {add = true} : memref<40960xf32, #tpu.memory_space<vmem>>[vector<16xi32>], vector<16xf32>,
        %add3A_237 = arith.constant 30720 : i32
        %add3A_238 = vector.broadcast %add3A_237 : i32 to vector<16xi32>
        %add3A_239 = arith.addi %get3A_208, %add3A_238 : vector<16xi32>
        %gather3A_240 = tpu.vector_load_idx %arg8[%add3A_239] : memref<40960xf32, #tpu.memory_space<vmem>>[vector<16xi32>], vector<16xf32>,
        %add3A_241 = arith.constant 30720 : i32
        %add3A_242 = vector.broadcast %add3A_241 : i32 to vector<16xi32>
        %add3A_243 = arith.addi %get3A_210, %add3A_242 : vector<16xi32>
        %mul3A_244 = arith.mulf %gather3A_240, %get3A_212 : vector<16xf32>
        tpu.vector_store_idx %arg9[%add3A_243], %mul3A_244 {add = true} : memref<40960xf32, #tpu.memory_space<vmem>>[vector<16xi32>], vector<16xf32>,
        %convert_element_type3A_245 = arith.extui %eq3A_34 : i1 to i32
        %cond3A_246 = arith.constant 0 : i32
        %cond3A_247 = arith.cmpi ne, %convert_element_type3A_245, %cond3A_246 : i32
        scf.if %cond3A_247 {
          tpu.vector_store_idx %arg10[%get3A_210], %get3A_212 {add = true} : memref<10240xf32, #tpu.memory_space<vmem>>[vector<16xi32>], vector<16xf32>,
        } else {
        }
      }
      %scan3A_68 = arith.constant 125 : i32
    }
    %scan3A_53 = arith.constant 40 : i32
    %mul3A_54 = arith.constant 10240 : i32
    %mul3A_55 = arith.muli %mul3A_18, %mul3A_54 : i32
    "tpu.region"() ({
      %run_scoped3A = tpu.sem_alloc : memref<!tpu.dma_semaphore, #tpu.memory_space<semaphore_mem>>
      %dma_start3A = tpu.memref_slice %arg6[%mul3A_55] : memref<1310720xf32, #tpu.memory_space<hbm>> -> memref<40960xf32, #tpu.memory_space<hbm>>
      %dma_start3A_57 = tpu.memref_slice %arg6[%mul3A_55] : memref<1310720xf32, #tpu.memory_space<hbm>> -> memref<40960xf32, #tpu.memory_space<hbm>>
      tpu.enqueue_dma source(%arg9 : memref<40960xf32, #tpu.memory_space<vmem>>) target(%dma_start3A_57 : memref<40960xf32, #tpu.memory_space<hbm>>) target_semaphore(%run_scoped3A : memref<!tpu.dma_semaphore, #tpu.memory_space<semaphore_mem>>)
      %dma_wait3A = tpu.memref_slice %arg6[%mul3A_55] : memref<1310720xf32, #tpu.memory_space<hbm>> -> memref<40960xf32, #tpu.memory_space<hbm>>
      %dma_wait3A_58 = tpu.memref_slice %arg6[%mul3A_55] : memref<1310720xf32, #tpu.memory_space<hbm>> -> memref<40960xf32, #tpu.memory_space<hbm>>
      tpu.wait_dma2 semaphore(%run_scoped3A : memref<!tpu.dma_semaphore, #tpu.memory_space<semaphore_mem>>) src(%arg9 : memref<40960xf32, #tpu.memory_space<vmem>>) dst(%dma_wait3A_58 : memref<40960xf32, #tpu.memory_space<hbm>>)
      tpu.yield
    }) : () -> ()
    %convert_element_type3A = arith.extui %eq3A_34 : i1 to i32
    %cond3A = arith.constant 0 : i32
    %cond3A_56 = arith.cmpi ne, %convert_element_type3A, %cond3A : i32
    scf.if %cond3A_56 {
      %mul3A_57 = arith.constant 10240 : i32
      %mul3A_58 = arith.muli %select_n3A, %mul3A_57 : i32
      "tpu.region"() ({
        %run_scoped3A = tpu.sem_alloc : memref<!tpu.dma_semaphore, #tpu.memory_space<semaphore_mem>>
        %dma_start3A = tpu.memref_slice %arg7[%mul3A_58] : memref<10240xf32, #tpu.memory_space<hbm>> -> memref<10240xf32, #tpu.memory_space<hbm>>
        %dma_start3A_59 = tpu.memref_slice %arg7[%mul3A_58] : memref<10240xf32, #tpu.memory_space<hbm>> -> memref<10240xf32, #tpu.memory_space<hbm>>
        tpu.enqueue_dma source(%arg10 : memref<10240xf32, #tpu.memory_space<vmem>>) target(%dma_start3A_59 : memref<10240xf32, #tpu.memory_space<hbm>>) target_semaphore(%run_scoped3A : memref<!tpu.dma_semaphore, #tpu.memory_space<semaphore_mem>>)
        %dma_wait3A = tpu.memref_slice %arg7[%mul3A_58] : memref<10240xf32, #tpu.memory_space<hbm>> -> memref<10240xf32, #tpu.memory_space<hbm>>
        %dma_wait3A_60 = tpu.memref_slice %arg7[%mul3A_58] : memref<10240xf32, #tpu.memory_space<hbm>> -> memref<10240xf32, #tpu.memory_space<hbm>>
        tpu.wait_dma2 semaphore(%run_scoped3A : memref<!tpu.dma_semaphore, #tpu.memory_space<semaphore_mem>>) src(%arg10 : memref<10240xf32, #tpu.memory_space<vmem>>) dst(%dma_wait3A_60 : memref<10240xf32, #tpu.memory_space<hbm>>)
        tpu.yield
      }) : () -> ()
    } else {
    }
    return
  }
}

module attributes {stable_mosaic.version = 14 : i64} {
  func.func @_tc_pre_body(%arg0: i32, %arg1: memref<128x2048xf32, #tpu.memory_space<vmem>>, %arg2: memref<128x128xf32, #tpu.memory_space<vmem>>, %arg3: memref<8x128xf32, #tpu.memory_space<vmem>>, %arg4: memref<128x128xf32, #tpu.memory_space<vmem>>, %arg5: memref<128x2048xf32, #tpu.memory_space<vmem>>, %arg6: memref<8x2048xf32, #tpu.memory_space<vmem>>, %arg7: memref<128x2048xf32, #tpu.memory_space<vmem>>) attributes {dimension_semantics = [#tpu.dimension_semantics<arbitrary>], iteration_bounds = array<i64: 5>, scalar_prefetch = 0 : i64, scratch_operands = 0 : i64, tpu.core_type = #tpu.core_type<tc>, window_params = [{transform_indices = @transform_0, window_bounds = array<i64: 128, 2048>}, {pipeline_mode = #tpu.pipeline_mode<synchronous>, transform_indices = @transform_1, window_bounds = array<i64: 128, 128>}, {pipeline_mode = #tpu.pipeline_mode<synchronous>, transform_indices = @transform_2, window_bounds = array<i64: 8, 128>}, {pipeline_mode = #tpu.pipeline_mode<synchronous>, transform_indices = @transform_3, window_bounds = array<i64: 128, 128>}, {transform_indices = @transform_4, window_bounds = array<i64: 128, 2048>}, {transform_indices = @transform_5, window_bounds = array<i64: 8, 2048>}, {transform_indices = @transform_6, window_bounds = array<i64: 128, 2048>}]} {
    %get3A = arith.constant 0 : index
    %get3A_0 = arith.constant 0 : index
    %get3A_1 = vector.load %arg1[%get3A, %get3A_0] : memref<128x2048xf32, #tpu.memory_space<vmem>>, vector<128x2048xf32>
    %get3A_2 = arith.constant 0 : index
    %get3A_3 = arith.constant 0 : index
    %get3A_4 = vector.load %arg2[%get3A_2, %get3A_3] : memref<128x128xf32, #tpu.memory_space<vmem>>, vector<128x128xf32>
    %dot_general3A = arith.constant dense<0.000000e+00> : vector<128x2048xf32>
    %dot_general3A_5 = tpu.matmul %get3A_4, %get3A_1, %dot_general3A {dimension_numbers = #tpu.dot_dimension_numbers<[1], [0], [0], [1], [0, 0, 1, 1], [], []>, transpose_lhs_hint = false} : vector<128x128xf32>, vector<128x2048xf32>, vector<128x2048xf32> -> vector<128x2048xf32>
    %swap3A = arith.constant 0 : index
    %swap3A_6 = arith.constant 0 : index
    %swap3A_7 = vector.load %arg5[%swap3A, %swap3A_6] : memref<128x2048xf32, #tpu.memory_space<vmem>>, vector<128x2048xf32>
    tpu.vector_store %arg5[%swap3A, %swap3A_6], %dot_general3A_5 {strides = array<i32>} : memref<128x2048xf32, #tpu.memory_space<vmem>>, vector<128x2048xf32>,
    %get3A_8 = arith.constant 0 : index
    %get3A_9 = arith.constant 0 : index
    %get3A_10 = vector.load %arg3[%get3A_8, %get3A_9] : memref<8x128xf32, #tpu.memory_space<vmem>>, vector<8x128xf32>
    %dot_general3A_11 = arith.constant dense<0.000000e+00> : vector<8x2048xf32>
    %dot_general3A_12 = tpu.matmul %get3A_10, %dot_general3A_5, %dot_general3A_11 {dimension_numbers = #tpu.dot_dimension_numbers<[1], [0], [0], [1], [0, 0, 1, 1], [], []>, transpose_lhs_hint = false} : vector<8x128xf32>, vector<128x2048xf32>, vector<8x2048xf32> -> vector<8x2048xf32>
    %swap3A_13 = arith.constant 0 : index
    %swap3A_14 = arith.constant 0 : index
    %swap3A_15 = vector.load %arg6[%swap3A_13, %swap3A_14] : memref<8x2048xf32, #tpu.memory_space<vmem>>, vector<8x2048xf32>
    tpu.vector_store %arg6[%swap3A_13, %swap3A_14], %dot_general3A_12 {strides = array<i32>} : memref<8x2048xf32, #tpu.memory_space<vmem>>, vector<8x2048xf32>,
    %get3A_16 = arith.constant 0 : index
    %get3A_17 = arith.constant 0 : index
    %get3A_18 = vector.load %arg4[%get3A_16, %get3A_17] : memref<128x128xf32, #tpu.memory_space<vmem>>, vector<128x128xf32>
    %dot_general3A_19 = arith.constant dense<0.000000e+00> : vector<128x2048xf32>
    %dot_general3A_20 = tpu.matmul %get3A_18, %get3A_1, %dot_general3A_19 {dimension_numbers = #tpu.dot_dimension_numbers<[1], [0], [0], [1], [0, 0, 1, 1], [], []>, transpose_lhs_hint = false} : vector<128x128xf32>, vector<128x2048xf32>, vector<128x2048xf32> -> vector<128x2048xf32>
    %swap3A_21 = arith.constant 0 : index
    %swap3A_22 = arith.constant 0 : index
    %swap3A_23 = vector.load %arg7[%swap3A_21, %swap3A_22] : memref<128x2048xf32, #tpu.memory_space<vmem>>, vector<128x2048xf32>
    tpu.vector_store %arg7[%swap3A_21, %swap3A_22], %dot_general3A_20 {strides = array<i32>} : memref<128x2048xf32, #tpu.memory_space<vmem>>, vector<128x2048xf32>,
    return
  }
  func.func @transform_0(%arg0: i32) -> (i32, i32) {
    %c0_i32 = arith.constant 0 : i32
    %c0_i32_0 = arith.constant 0 : i32
    return %c0_i32, %arg0 : i32, i32
  }
  func.func @transform_1(%arg0: i32) -> (i32, i32) {
    %c0_i32 = arith.constant 0 : i32
    %c0_i32_0 = arith.constant 0 : i32
    %c0_i32_1 = arith.constant 0 : i32
    return %c0_i32, %c0_i32_0 : i32, i32
  }
  func.func @transform_2(%arg0: i32) -> (i32, i32) {
    %c0_i32 = arith.constant 0 : i32
    %c0_i32_0 = arith.constant 0 : i32
    %c0_i32_1 = arith.constant 0 : i32
    return %c0_i32, %c0_i32_0 : i32, i32
  }
  func.func @transform_3(%arg0: i32) -> (i32, i32) {
    %c0_i32 = arith.constant 0 : i32
    %c0_i32_0 = arith.constant 0 : i32
    %c0_i32_1 = arith.constant 0 : i32
    return %c0_i32, %c0_i32_0 : i32, i32
  }
  func.func @transform_4(%arg0: i32) -> (i32, i32) {
    %c0_i32 = arith.constant 0 : i32
    %c0_i32_0 = arith.constant 0 : i32
    return %c0_i32, %arg0 : i32, i32
  }
  func.func @transform_5(%arg0: i32) -> (i32, i32) {
    %c0_i32 = arith.constant 0 : i32
    %c0_i32_0 = arith.constant 0 : i32
    return %c0_i32, %arg0 : i32, i32
  }
  func.func @transform_6(%arg0: i32) -> (i32, i32) {
    %c0_i32 = arith.constant 0 : i32
    %c0_i32_0 = arith.constant 0 : i32
    return %c0_i32, %arg0 : i32, i32
  }
}

module attributes {stable_mosaic.version = 14 : i64} {
  func.func @_tc_fin_body(%arg0: i32, %arg1: memref<128x2048xf32, #tpu.memory_space<vmem>>, %arg2: memref<8x2048xf32, #tpu.memory_space<vmem>>, %arg3: memref<128x2048xf32, #tpu.memory_space<vmem>>, %arg4: memref<128x1xf32, #tpu.memory_space<vmem>>, %arg5: memref<128x8xf32, #tpu.memory_space<vmem>>, %arg6: memref<128x2048xf32, #tpu.memory_space<vmem>>) attributes {dimension_semantics = [#tpu.dimension_semantics<arbitrary>], iteration_bounds = array<i64: 5>, scalar_prefetch = 0 : i64, scratch_operands = 0 : i64, tpu.core_type = #tpu.core_type<tc>, window_params = [{transform_indices = @transform_0, window_bounds = array<i64: 128, 2048>}, {transform_indices = @transform_1, window_bounds = array<i64: 8, 2048>}, {transform_indices = @transform_2, window_bounds = array<i64: 128, 2048>}, {pipeline_mode = #tpu.pipeline_mode<synchronous>, transform_indices = @transform_3, window_bounds = array<i64: 128, 1>}, {pipeline_mode = #tpu.pipeline_mode<synchronous>, transform_indices = @transform_4, window_bounds = array<i64: 128, 8>}, {transform_indices = @transform_5, window_bounds = array<i64: 128, 2048>}]} {
    %get3A = arith.constant 0 : index
    %get3A_0 = arith.constant 0 : index
    %get3A_1 = vector.load %arg5[%get3A, %get3A_0] : memref<128x8xf32, #tpu.memory_space<vmem>>, vector<128x8xf32>
    %get3A_2 = arith.constant 0 : index
    %get3A_3 = arith.constant 0 : index
    %get3A_4 = vector.load %arg2[%get3A_2, %get3A_3] : memref<8x2048xf32, #tpu.memory_space<vmem>>, vector<8x2048xf32>
    %dot_general3A = arith.constant dense<0.000000e+00> : vector<128x2048xf32>
    %dot_general3A_5 = tpu.matmul %get3A_1, %get3A_4, %dot_general3A {dimension_numbers = #tpu.dot_dimension_numbers<[1], [0], [0], [1], [0, 0, 1, 1], [], []>, transpose_lhs_hint = false} : vector<128x8xf32>, vector<8x2048xf32>, vector<128x2048xf32> -> vector<128x2048xf32>
    %get3A_6 = arith.constant 0 : index
    %get3A_7 = arith.constant 0 : index
    %get3A_8 = vector.load %arg1[%get3A_6, %get3A_7] : memref<128x2048xf32, #tpu.memory_space<vmem>>, vector<128x2048xf32>
    %add3A = arith.constant 1.000000e-16 : f32
    %add3A_9 = vector.broadcast %add3A : f32 to vector<128x2048xf32>
    %add3A_10 = arith.addf %dot_general3A_5, %add3A_9 : vector<128x2048xf32>
    %div3A = arith.divf %get3A_8, %add3A_10 : vector<128x2048xf32>
    %get3A_11 = arith.constant 0 : index
    %get3A_12 = arith.constant 0 : index
    %get3A_13 = vector.load %arg4[%get3A_11, %get3A_12] : memref<128x1xf32, #tpu.memory_space<vmem>>, vector<128x1xf32>
    %add3A_14 = vector.broadcast %get3A_13 : vector<128x1xf32> to vector<128x2048xf32>
    %add3A_15 = arith.addf %div3A, %add3A_14 : vector<128x2048xf32>
    %get3A_16 = arith.constant 0 : index
    %get3A_17 = arith.constant 0 : index
    %get3A_18 = vector.load %arg3[%get3A_16, %get3A_17] : memref<128x2048xf32, #tpu.memory_space<vmem>>, vector<128x2048xf32>
    %add3A_19 = arith.addf %add3A_15, %get3A_18 : vector<128x2048xf32>
    %max3A = arith.constant 0.000000e+00 : f32
    %max3A_20 = vector.broadcast %max3A : f32 to vector<128x2048xf32>
    %max3A_21 = arith.maximumf %add3A_19, %max3A_20 : vector<128x2048xf32>
    %swap3A = arith.constant 0 : index
    %swap3A_22 = arith.constant 0 : index
    %swap3A_23 = vector.load %arg6[%swap3A, %swap3A_22] : memref<128x2048xf32, #tpu.memory_space<vmem>>, vector<128x2048xf32>
    tpu.vector_store %arg6[%swap3A, %swap3A_22], %max3A_21 {strides = array<i32>} : memref<128x2048xf32, #tpu.memory_space<vmem>>, vector<128x2048xf32>,
    return
  }
  func.func @transform_0(%arg0: i32) -> (i32, i32) {
    %c0_i32 = arith.constant 0 : i32
    %c0_i32_0 = arith.constant 0 : i32
    return %c0_i32, %arg0 : i32, i32
  }
  func.func @transform_1(%arg0: i32) -> (i32, i32) {
    %c0_i32 = arith.constant 0 : i32
    %c0_i32_0 = arith.constant 0 : i32
    return %c0_i32, %arg0 : i32, i32
  }
  func.func @transform_2(%arg0: i32) -> (i32, i32) {
    %c0_i32 = arith.constant 0 : i32
    %c0_i32_0 = arith.constant 0 : i32
    return %c0_i32, %arg0 : i32, i32
  }
  func.func @transform_3(%arg0: i32) -> (i32, i32) {
    %c0_i32 = arith.constant 0 : i32
    %c0_i32_0 = arith.constant 0 : i32
    %c0_i32_1 = arith.constant 0 : i32
    return %c0_i32, %c0_i32_0 : i32, i32
  }
  func.func @transform_4(%arg0: i32) -> (i32, i32) {
    %c0_i32 = arith.constant 0 : i32
    %c0_i32_0 = arith.constant 0 : i32
    %c0_i32_1 = arith.constant 0 : i32
    return %c0_i32, %c0_i32_0 : i32, i32
  }
  func.func @transform_5(%arg0: i32) -> (i32, i32) {
    %c0_i32 = arith.constant 0 : i32
    %c0_i32_0 = arith.constant 0 : i32
    return %c0_i32, %arg0 : i32, i32
  }
}

module attributes {stable_mosaic.version = 14 : i64} {
  func.func @_tc_fin_body(%arg0: i32, %arg1: memref<128x2048xf32, #tpu.memory_space<vmem>>, %arg2: memref<8x2048xf32, #tpu.memory_space<vmem>>, %arg3: memref<128x2048xf32, #tpu.memory_space<vmem>>, %arg4: memref<128x1xf32, #tpu.memory_space<vmem>>, %arg5: memref<128x8xf32, #tpu.memory_space<vmem>>, %arg6: memref<128x2048xf32, #tpu.memory_space<vmem>>) attributes {dimension_semantics = [#tpu.dimension_semantics<arbitrary>], iteration_bounds = array<i64: 5>, scalar_prefetch = 0 : i64, scratch_operands = 0 : i64, tpu.core_type = #tpu.core_type<tc>, window_params = [{transform_indices = @transform_0, window_bounds = array<i64: 128, 2048>}, {transform_indices = @transform_1, window_bounds = array<i64: 8, 2048>}, {transform_indices = @transform_2, window_bounds = array<i64: 128, 2048>}, {pipeline_mode = #tpu.pipeline_mode<synchronous>, transform_indices = @transform_3, window_bounds = array<i64: 128, 1>}, {pipeline_mode = #tpu.pipeline_mode<synchronous>, transform_indices = @transform_4, window_bounds = array<i64: 128, 8>}, {transform_indices = @transform_5, window_bounds = array<i64: 128, 2048>}]} {
    %get3A = arith.constant 0 : index
    %get3A_0 = arith.constant 0 : index
    %get3A_1 = vector.load %arg5[%get3A, %get3A_0] : memref<128x8xf32, #tpu.memory_space<vmem>>, vector<128x8xf32>
    %get3A_2 = arith.constant 0 : index
    %get3A_3 = arith.constant 0 : index
    %get3A_4 = vector.load %arg2[%get3A_2, %get3A_3] : memref<8x2048xf32, #tpu.memory_space<vmem>>, vector<8x2048xf32>
    %dot_general3A = arith.constant dense<0.000000e+00> : vector<128x2048xf32>
    %dot_general3A_5 = tpu.matmul %get3A_1, %get3A_4, %dot_general3A {dimension_numbers = #tpu.dot_dimension_numbers<[1], [0], [0], [1], [0, 0, 1, 1], [], []>, transpose_lhs_hint = false} : vector<128x8xf32>, vector<8x2048xf32>, vector<128x2048xf32> -> vector<128x2048xf32>
    %get3A_6 = arith.constant 0 : index
    %get3A_7 = arith.constant 0 : index
    %get3A_8 = vector.load %arg1[%get3A_6, %get3A_7] : memref<128x2048xf32, #tpu.memory_space<vmem>>, vector<128x2048xf32>
    %add3A = arith.constant 1.000000e-16 : f32
    %add3A_9 = vector.broadcast %add3A : f32 to vector<128x2048xf32>
    %add3A_10 = arith.addf %dot_general3A_5, %add3A_9 : vector<128x2048xf32>
    %div3A = arith.divf %get3A_8, %add3A_10 : vector<128x2048xf32>
    %get3A_11 = arith.constant 0 : index
    %get3A_12 = arith.constant 0 : index
    %get3A_13 = vector.load %arg4[%get3A_11, %get3A_12] : memref<128x1xf32, #tpu.memory_space<vmem>>, vector<128x1xf32>
    %add3A_14 = vector.broadcast %get3A_13 : vector<128x1xf32> to vector<128x2048xf32>
    %add3A_15 = arith.addf %div3A, %add3A_14 : vector<128x2048xf32>
    %get3A_16 = arith.constant 0 : index
    %get3A_17 = arith.constant 0 : index
    %get3A_18 = vector.load %arg3[%get3A_16, %get3A_17] : memref<128x2048xf32, #tpu.memory_space<vmem>>, vector<128x2048xf32>
    %add3A_19 = arith.addf %add3A_15, %get3A_18 : vector<128x2048xf32>
    %neg3A = arith.constant 0.000000e+00 : f32
    %neg3A_20 = vector.broadcast %neg3A : f32 to vector<128x2048xf32>
    %neg3A_21 = arith.subf %neg3A_20, %add3A_19 : vector<128x2048xf32>
    %exp3A = math.exp %neg3A_21 : vector<128x2048xf32>
    %add3A_22 = arith.constant 1.000000e+00 : f32
    %add3A_23 = vector.broadcast %add3A_22 : f32 to vector<128x2048xf32>
    %add3A_24 = arith.addf %add3A_23, %exp3A : vector<128x2048xf32>
    %div3A_25 = arith.constant 1.000000e+00 : f32
    %div3A_26 = vector.broadcast %div3A_25 : f32 to vector<128x2048xf32>
    %div3A_27 = arith.divf %div3A_26, %add3A_24 : vector<128x2048xf32>
    %swap3A = arith.constant 0 : index
    %swap3A_28 = arith.constant 0 : index
    %swap3A_29 = vector.load %arg6[%swap3A, %swap3A_28] : memref<128x2048xf32, #tpu.memory_space<vmem>>, vector<128x2048xf32>
    tpu.vector_store %arg6[%swap3A, %swap3A_28], %div3A_27 {strides = array<i32>} : memref<128x2048xf32, #tpu.memory_space<vmem>>, vector<128x2048xf32>,
    return
  }
  func.func @transform_0(%arg0: i32) -> (i32, i32) {
    %c0_i32 = arith.constant 0 : i32
    %c0_i32_0 = arith.constant 0 : i32
    return %c0_i32, %arg0 : i32, i32
  }
  func.func @transform_1(%arg0: i32) -> (i32, i32) {
    %c0_i32 = arith.constant 0 : i32
    %c0_i32_0 = arith.constant 0 : i32
    return %c0_i32, %arg0 : i32, i32
  }
  func.func @transform_2(%arg0: i32) -> (i32, i32) {
    %c0_i32 = arith.constant 0 : i32
    %c0_i32_0 = arith.constant 0 : i32
    return %c0_i32, %arg0 : i32, i32
  }
  func.func @transform_3(%arg0: i32) -> (i32, i32) {
    %c0_i32 = arith.constant 0 : i32
    %c0_i32_0 = arith.constant 0 : i32
    %c0_i32_1 = arith.constant 0 : i32
    return %c0_i32, %c0_i32_0 : i32, i32
  }
  func.func @transform_4(%arg0: i32) -> (i32, i32) {
    %c0_i32 = arith.constant 0 : i32
    %c0_i32_0 = arith.constant 0 : i32
    %c0_i32_1 = arith.constant 0 : i32
    return %c0_i32, %c0_i32_0 : i32, i32
  }
  func.func @transform_5(%arg0: i32) -> (i32, i32) {
    %c0_i32 = arith.constant 0 : i32
    %c0_i32_0 = arith.constant 0 : i32
    return %c0_i32, %arg0 : i32, i32
  }
}

</mosaic_0001>

<sc_bundles>
// kernel: kernel.14.cloned.1.call-start
scs
__scs_entry_jumppad:
0x0: {  	(pc) =	sbr.rel $0x88, $3  }
0x1: {  	(tag) =	ssettag $0x0;
	lr =	simm.s32 $0x1  }
0x2: {  	[smem:$0x3F8D] =	sst lr;
	_ =	strace $0xD0000000  }
0x3: {  	_ = 	snop  }
0x4: {  	_ = 	snop  }
0x5: {  	_ = 	snop  }
0x6: {  	_ = 	snop  }
0x7: {  	_ = 	snop  }
__scs_overlays_trampoline_lowered:
0x8: {  	[smem:$0x3F9C] =	sst s0  }
0x9: {  	[smem:$0x3F9D] =	sst s1  }
0xa: {  	[smem:$0x3F9E] =	sst s2  }
0xb: {  	[smem:$0x3F9F] =	sst s3  }
0xc: {  	[smem:$0x3FA0] =	sst s4  }
0xd: {  	[smem:$0x3FA1] =	sst s5  }
0xe: {  	[smem:$0x3FA2] =	sst s6  }
0xf: {  	[smem:$0x3FA3] =	sst s7  }
0x10: {  	[smem:$0x3FA4] =	sst s8  }
0x11: {  	[smem:$0x3FA5] =	sst s9;
	s0 =	simm.s32 @!p0 $0x0  }
0x12: {  	s1 =	sld [smem:$0x3F8B];
	s0 =	simm.s32 @p0 $0x1  }
0x13: {  	[smem:$0x3FA6] =	sst s0;
	s0 =	simm.s32 @!p1 $0x0  }
0x14: {  	s2 =	sld [smem:$0x3F8A];
	s0 =	simm.s32 @p1 $0x1  }
0x15: {  	[smem:$0x3FA7] =	sst s0;
	s0 =	simm.s32 @!p2 $0x0  }
0x16: {  	s3 =	sld [smem:$0x3FDB];
	s0 =	simm.s32 @p2 $0x1  }
0x17: {  	s4 =	simm.s32 $0x1BF5;
	[smem:$0x3FA9] =	sst s0  }
0x18: {  	s0 =	sld [smem:$0x3F8C];
	_ =	swait.ge [sflag:s4], $0x0  }
0x19: {  	s7 =	sld [smem:$0x3F8D]  }
0x1a: {  	s8 =	sadd.s32 $0xFFFFE003, lr  }
0x1b: {  	s9 =	sadd.s32 $0xFFFFFEF7, lr;
	s5 =	simm.s32 $0xFFFFFFFF;
	p2 =	slt.u32 s8, $0xFFFFF086  }
0x1c: {  	p1 =	slt.u32 s9, $0xF7A;
	s5 =	simm.s32 @!p2 $0x0  }
0x1d: {  	s5 =	simm.s32 @p1 $0x1;
	p0 =	seq.s32 s7, s2  }
0x1e: {  	s7 =	smul.u32 @!p0 $0xF7A, s2;
	p2 =	seq.s32 @!p0 s5, $0x0  }
0x1f: {  	s9 =	smul.u32 $0xF7A, s1;
	s8 =	simm.s32 @!p0 $0x1BF5;
	p2 =	por !p2, p0  }
0x20: {  	[sflag:s8] =	ssyncset.s32 @!p0 $0xFFFFF086;
	s6 =	sadd.s32 @!p0 s3, s7;
	s7 =	simm.s32 @!p0 $0x108  }
0x21: {  	s3 =	sadd.s32 s3, s9;
	s6 =	sadd.s32 @!p0 $0x88, s6;
	s7 =	simm.s32 @p2 $0x1082  }
0x22: {  	[simem:s7], [sflag:s8] =	dma.local @!p0 [hbm:s6], $0xF7A  }
0x23: {  	s9 =	sor.u32 $0xD0000000, s2;
	s6 =	simm.s32 $0x108;
	_ =	swait.ge @!p0 [sflag:s8], $0x0  }
0x24: {  	s3 =	sadd.s32 $0x88, s3;
	s6 =	simm.s32 @!p1 $0x1082;
	[sflag:s4] =	ssyncset.s32 $0xFFFFF086  }
0x25: {  	[simem:s6], [sflag:s4] =	dma.local [hbm:s3], $0xF7A  }
0x26: {  	[smem:$0x3F8D] =	sst s1;
	(tag) =	ssettag s2;
	_ =	strace s9  }
0x27: {  	s1 =	sld [smem:$0x3F9D]  }
0x28: {  	s2 =	sld [smem:$0x3F9E]  }
0x29: {  	s4 =	sld [smem:$0x3FA0]  }
0x2a: {  	p0 =	seq.s32 s5, $0x0;
	s5 =	sld [smem:$0x3FA1]  }
0x2b: {  	s6 =	sld [smem:$0x3FA2]  }
0x2c: {  	s7 =	sld [smem:$0x3FA3]  }
0x2d: {  	s3 =	simm.s32 $0x108;
	s8 =	sld [smem:$0x3FA4]  }
0x2e: {  	s3 =	simm.s32 @!p0 $0x1082;
	s9 =	sld [smem:$0x3FA5]  }
0x2f: {  	lr =	sadd.s32 s0, s3;
	s0 =	sld [smem:$0x3F9C]  }
0x30: {  	s3 =	sld [smem:$0x3F9F]  }
0x31: {  	[smem:$0x3FA8] =	sst s10  }
0x32: {  	s10 =	sld [smem:$0x3FA6];
	_ =	sdelay $0x3  }
0x33: {  	p0 =	seq.s32 s10, $0x1;
	s10 =	sld [smem:$0x3FA8];
	_ =	sdelay $0x3  }
0x34: {  	[smem:$0x3FA8] =	sst s10  }
0x35: {  	s10 =	sld [smem:$0x3FA7];
	_ =	sdelay $0x3  }
0x36: {  	p1 =	seq.s32 s10, $0x1;
	s10 =	sld [smem:$0x3FA8];
	_ =	sdelay $0x3  }
0x37: {  	[smem:$0x3FA8] =	sst s10  }
0x38: {  	s10 =	sld [smem:$0x3FA9]  }
0x39: {  	_ = 	snop;
	(pc) =	sbr.ind lr, $3  }
0x3a: {  	_ = 	snop  }
0x3b: {  	_ = 	snop  }
0x3c: {  	p2 =	seq.s32 s10, $0x1;
	s10 =	sld [smem:$0x3FA8]  }
0x3d: {  	_ =	shalt  }
0x3e: {  	_ =	shalt  }
0x3f: {  	_ =	shalt  }
0x40: {  	_ =	shalt  }
0x41: {  	_ =	shalt  }
0x42: {  	_ =	shalt  }
0x43: {  	_ =	shalt  }
0x44: {  	_ =	shalt  }
0x45: {  	_ =	shalt  }
0x46: {  	_ =	shalt  }
0x47: {  	_ =	shalt  }
0x48: {  	_ =	shalt  }
0x49: {  	_ =	shalt  }
0x4a: {  	_ =	shalt  }
0x4b: {  	_ =	shalt  }
0x4c: {  	_ =	shalt  }
0x4d: {  	_ =	shalt  }
0x4e: {  	_ =	shalt  }
0x4f: {  	_ =	shalt  }
0x50: {  	_ =	shalt  }
0x51: {  	_ =	shalt  }
0x52: {  	_ =	shalt  }
0x53: {  	_ =	shalt  }
0x54: {  	_ =	shalt  }
0x55: {  	_ =	shalt  }
0x56: {  	_ =	shalt  }
0x57: {  	_ =	shalt  }
0x58: {  	_ =	shalt  }
0x59: {  	_ =	shalt  }
0x5a: {  	_ =	shalt  }
0x5b: {  	_ =	shalt  }
0x5c: {  	_ =	shalt  }
0x5d: {  	_ =	shalt  }
0x5e: {  	_ =	shalt  }
0x5f: {  	_ =	shalt  }
0x60: {  	_ =	shalt  }
0x61: {  	_ =	shalt  }
0x62: {  	_ =	shalt  }
0x63: {  	_ =	shalt  }
0x64: {  	_ =	shalt  }
0x65: {  	_ =	shalt  }
0x66: {  	_ =	shalt  }
0x67: {  	_ =	shalt  }
0x68: {  	_ =	shalt  }
0x69: {  	_ =	shalt  }
0x6a: {  	_ =	shalt  }
0x6b: {  	_ =	shalt  }
0x6c: {  	_ =	shalt  }
0x6d: {  	_ =	shalt  }
0x6e: {  	_ =	shalt  }
0x6f: {  	_ =	shalt  }
0x70: {  	_ =	shalt  }
0x71: {  	_ =	shalt  }
0x72: {  	_ =	shalt  }
0x73: {  	_ =	shalt  }
0x74: {  	_ =	shalt  }
0x75: {  	_ =	shalt  }
0x76: {  	_ =	shalt  }
0x77: {  	_ =	shalt  }
0x78: {  	_ =	shalt  }
0x79: {  	_ =	shalt  }
0x7a: {  	_ =	shalt  }
0x7b: {  	_ =	shalt  }
0x7c: {  	_ =	shalt  }
0x7d: {  	_ =	shalt  }
0x7e: {  	_ =	shalt  }
0x7f: {  	_ =	shalt  }
0x80: {  	_ =	shalt  }
0x81: {  	_ =	shalt  }
0x82: {  	_ =	shalt  }
0x83: {  	_ =	shalt  }
0x84: {  	_ =	shalt  }
0x85: {  	_ =	shalt  }
0x86: {  	_ =	shalt  }
0x87: {  	_ =	shalt  }
.Lfunc_end0:
.L_simem_size_0:
called_computation_lowered:
.L_overlay_start_0:
0x88: {  	s2 =	sld [smem:$0x3FD9]  }
0x89: {  	s3 =	sld [smem:$0x3FFE];
	_ =	sdelay $0x1  }
0x8a: {  	s1 =	srdreg.scid  }
0x8b: {  	s0 =	sand.u32 $0x1, s1  }
0x8c: {  	s17 =	sshll.u32 s0, $0xA;
	s2 =	sadd.s32 s3, s2  }
0x8d: {  	s2 =	sadd.s32 s2, s17  }
0x8e: {  	[smem:$0x3FB4] =	sst s2  }
0x8f: {  	_ = 	snop  }
0x90: {  	s2 =	sld [smem:$0x3FD0];
	(tm) =	ssettm $0x1  }
0x91: {  	s18 =	sld [smem:$0x3FFB];
	_ =	sdelay $0x3  }
0x92: {  	_ =	strace s18  }
0x93: {  	s3 =	sld [smem:$0x3FFC];
	_ =	sdelay $0x3  }
0x94: {  	_ =	strace s3  }
0x95: {  	s3 =	sld [smem:$0x3FFD];
	_ =	sdelay $0x3  }
0x96: {  	_ =	strace s3  }
0x97: {  	_ =	strace $0x8FFFFFFF  }
0x98: {  	s19 =	sld [smem:$0x3FDB];
	_ =	sdelay $0x1  }
0x99: {  	s4 =	simm.s32 $_scs_section_size  }
0x9a: {  	s5 =	simm.s32 $_size__tile_overlayer_lowered;
	s6 =	simm.s32 $_tile_overlayer_lowered  }
0x9b: {  	s22 =	simm.s32 $0x1BFF;
	s21 =	sshll.u32 s6, $0x1;
	s3 =	sadd.s32 s4, s19  }
0x9c: {  	s7 =	simm.s32 $0x0;
	s20 =	sshll.u32 s5, $0x1;
	s5 =	sadd.s32 s21, s3  }
0x9d: {  	[timem:s7], [sflag:s22] =	dma.local [hbm:s5], s20  }
0x9e: {  	_ =	swait.ge [sflag:s22], s20  }
0x9f: {  	s4 =	ssub.s32 $0x0, s20;
	[sflag:s22] =	ssyncset.done $0x0  }
0xa0: {  	[sflag:s22] =	ssyncadd.s32 s4;
	_ =	sdelay $0x1  }
0xa1: {  	s23 =	simm.s32 $0x1B8B  }
0xa2: {  	_ =	swait.ge [sflag:s23], $0x1  }
0xa3: {  	[sflag:s23] =	ssyncset.done $0x0  }
0xa4: {  	s25 =	simm.s32 $0x1B8E;
	s24 =	sld [smem:$0x3FFE];
	[sflag:s23] =	ssyncadd.s32 $0xFFFFFFFF  }
0xa5: {  	s26 =	simm.s32 $execute0_lowered;
	[smem:$0x3FD2] =	sst s25  }
0xa6: {  	s5 =	sshll.u32 s26, $0x1;
	_ =	strace $0x80000046;
	[dreg:$0x1] =	wrdreg $0xFFFFFFFF  }
0xa7: {  	s28 =	simm.s32 $_size_execute0_lowered;
	s3 =	sadd.s32 s3, s5;
	[dreg:$0x0] =	wrdreg $0x0  }
0xa8: {  	s5 =	sshll.u32 s28, $0x1;
	[dreg:$0x2] =	wrdreg s3  }
0xa9: {  	[dreg:$0x3] =	wrdreg s5  }
0xaa: {  	[dreg:$0x4] =	wrdreg $0xC0  }
0xab: {  	_ =	task [dreg:s7], $0x5FFFF  }
0xac: {  	[dreg:$0x1] =	wrdreg $0xFFFFFFFF  }
0xad: {  	[dreg:$0x0] =	wrdreg $0x60  }
0xae: {  	[dreg:$0x2] =	wrdreg s24  }
0xaf: {  	[dreg:$0x3] =	wrdreg s2  }
0xb0: {  	[dreg:$0x4] =	wrdreg $0x9  }
0xb1: {  	_ =	task.clear_ibuf [dreg:s7], $0x5FFFF;
	_ =	strace $0x90000046  }
0xb2: {  	s29 =	simm.s32 $0x9;
	_ =	strace $0x80000048  }
0xb3: {  	_ =	swait.ge [sflag:s29], $0x1  }
0xb4: {  	[sflag:s29] =	ssyncadd.s32 $0xFFFFFFFF  }
0xb5: {  	_ =	strace $0x90000048  }
0xb6: {  	_ =	sfence  }
0xb7: {  	s30 =	sld [smem:$0x0];
	_ =	sdelay $0x2  }
0xb8: {  	s31 =	sshll.u32 s1, $0xD;
	s1 =	sshrl.u32 s1, $0x2  }
0xb9: {  	s3 =	sand.u32 $0x4000, s31;
	s1 =	sadd.s32 s1, s30  }
0xba: {  	s0 =	sor.u32 s3, s0;
	s1 =	sshll.u32 s1, $0x11  }
0xbb: {  	s0 =	sor.u32 s1, s0  }
0xbc: {  	s0 =	sadd.s32 $0x8F2B, s0  }
0xbd: {  	[sflag:s0] =	ssyncadd.remote.s32 $0x1  }
0xbe: {  	_ =	sfence.sel $0xFFFF  }
0xbf: {  	[dreg:$0x0] =	wrdreg $0xFFFFFFFF;
	(pc) =	sbr.abs _section_cstart, $3  }
0xc0: {  	[dreg:$0x1] =	wrdreg $0xFFFFFFFF  }
0xc1: {  	_ =	task.clear_ibuf [dreg:s7], $0x2FFFF;
	_ =	strace $0x9FFFFFFF  }
0xc2: {  	(tm) =	ssettm $0x7FFFFFFF  }
0xc3: {  	_ =	shalt  }
tec
execute0_lowered:
.L_overlay_start_1:
0x0: {  	(tag) =	ssettag $0x1  }
0x1: {  	s8 =	rddreg [dreg:$0x0]  }
0x2: {  	s1 =	rddreg [dreg:$0x1]  }
0x3: {  	s0 =	rddreg [dreg:$0x2];
	s2 =	simm.s32 $0x0;
	s3 =	srdreg.scid  }
0x4: {  	s12 =	simm.s32 $0x14000;
	s13 =	simm.s32 $0x14800;
	s14 =	simm.s32 $0x15000  }
0x5: {  	s15 =	simm.s32 $0x157D0;
	s16 =	simm.s32 $0x15FA0;
	s17 =	simm.s32 $0x16770  }
0x6: {  	s18 =	simm.s32 $0x0;
	[smem:$0x7FF] =	sst s2;
	s7 =	sand.u32 $0x1, s3  }
0x7: {  	s4 =	sadd.s32 $0x4000, s8;
	s3 =	stileid.u32;
	s5 =	sadd.s32 $0x10600, s8  }
0x8: {  	s6 =	sadd.s32 $0x6800, s8;
	s8 =	sadd.s32 $0x5400, s8;
	s9 =	ssub.s32 $0x2, s7  }
0x9: {  	_ =	strace $0x80000047;
	s11 =	sshll.u32 s3, $0x1;
	s10 =	sshrl.u32 s9, $0x1  }
0xa: {  	s7 =	sor.u32 s7, s11;
	s11 =	simm.s32 $0xA000;
	s9 =	ssub.s32 s9, s10  }
0xb: {  	s7 =	smul.u32 $0x2710, s7;
	s10 =	simm.s32 $0x1;
	s9 =	smax.u32 s9, $0x1  }
.LBB2_1:
0xc: {  	[tilespmem:s2], [sflag:$0x1] =	stream.linear.gather [hbm4b:s4+s2], $0xA000, $0x38;
	[tilespmem:$0x16F80] =	vst v63  }
0xd: {  	_ =	swait.ge [sflag:s10], $0xA000  }
0xe: {  	[sflag:s10] =	ssyncset.done $0x0  }
0xf: {  	[sflag:s10] =	ssyncadd.s32 $0xFFFF6000  }
0x10: {  	[tilespmem:s11], [sflag:$0x1] =	stream.linear.gather [hbm4b:s8+s2], $0xA000, $0x38;
	[tilespmem:$0x16F80] =	vst v63  }
0x11: {  	_ =	swait.ge [sflag:s10], $0xA000  }
0x12: {  	[sflag:s10] =	ssyncset.done $0x0  }
0x13: {  	s19 =	simm.s32 $0x0;
	[sflag:s10] =	ssyncadd.s32 $0xFFFF6000  }
.LBB2_2:
0x14: {  	s20 =	smul.u32 $0x7D0, s19;
	_ =	sdelay $0x1  }
0x15: {  	s20 =	sadd.s32 s7, s20  }
0x16: {  	s20 =	sshrl.u32 s20, $0x3  }
0x17: {  	s22 =	simm.s32 $0x0;
	s21 =	sadd.s32 s5, s20  }
0x18: {  	[tilespmem:s12], [sflag:$0x1] =	stream.linear.gather [hbm4b:s21+s22], $0x7D0, $0x38;
	[tilespmem:$0x16F80] =	vst v63  }
0x19: {  	_ =	swait.ge [sflag:s10], $0x7D0  }
0x1a: {  	[sflag:s10] =	ssyncset.done $0x0  }
0x1b: {  	s31 =	sadd.s32 s6, s20;
	[sflag:s10] =	ssyncadd.s32 $0xFFFFF830  }
0x1c: {  	[tilespmem:s13], [sflag:$0x1] =	stream.linear.gather [hbm4b:s31+s22], $0x7D0, $0x38;
	[tilespmem:$0x16F80] =	vst v63  }
0x1d: {  	_ =	swait.ge [sflag:s10], $0x7D0  }
0x1e: {  	[sflag:s10] =	ssyncset.done $0x0  }
0x1f: {  	s21 =	simm.s32 $0x0;
	[sflag:s10] =	ssyncadd.s32 $0xFFFFF830  }
0x20: {  	v0 =	vld [tilespmem:s21+$0x14800]  }
0x21: {  	v1 =	vld [tilespmem:s21+$0x14000];
	_ =	sdelay $0x3  }
0x22: {  	v2 =	vadd.s32 $0xA000, v0;
	_ =	sdelay $0x3  }
0x23: {  	v3 =	vld.idx.msk [tilespmem:v1+s2+$0x0], $0xffff  }
0x24: {  	v2 =	vld.idx.msk [tilespmem:v2+s2+$0x0], $0xffff;
	_ =	sdelay $0x4  }
0x25: {  	v2 =	vadd.f32 v2, v3;
	_ =	sdelay $0x1  }
0x26: {  	v3 =	vmul.f32 $2.000000030e-01, v2  }
0x27: {  	vm0 =	vge.f32 v2, $0.0e+00  }
0x28: {  	v2 =	vsel vm0, v2, v3  }
0x29: {  	v2 =	vmul.f32 $1.442695020e+00, v2;
	_ =	sdelay $0x1  }
0x2a: {  	(erf) = vpow2.f32 v2;
	_ =	sdelay $0x5  }
0x2b: {  	v2 =	vadd.s32 $0x2800, v1  }
0x2c: {  	v3 =	vadd.s32 $0xC800, v0;
	_ =	sdelay $0x1  }
0x2d: {  	v4 =	vpop (erf)  }
0x2e: {  	[tilespmem:s21+$0x15000] =	vst v4  }
0x2f: {  	v2 =	vld.idx.msk [tilespmem:v2+s2+$0x0], $0xffff  }
0x30: {  	v3 =	vld.idx.msk [tilespmem:v3+s2+$0x0], $0xffff;
	_ =	sdelay $0x4  }
0x31: {  	v2 =	vadd.f32 v3, v2;
	_ =	sdelay $0x1  }
0x32: {  	v3 =	vmul.f32 $2.000000030e-01, v2  }
0x33: {  	vm13 =	vge.f32 v2, $0.0e+00  }
0x34: {  	v2 =	vsel vm13, v2, v3  }
0x35: {  	v2 =	vmul.f32 $1.442695020e+00, v2;
	_ =	sdelay $0x1  }
0x36: {  	(erf) = vpow2.f32 v2;
	_ =	sdelay $0x5  }
0x37: {  	v2 =	vadd.s32 $0x5000, v1  }
0x38: {  	v3 =	vadd.s32 $0xF000, v0;
	_ =	sdelay $0x1  }
0x39: {  	v63 =	vpop (erf)  }
0x3a: {  	[tilespmem:s21+$0x157D0] =	vst v63  }
0x3b: {  	v2 =	vld.idx.msk [tilespmem:v2+s2+$0x0], $0xffff  }
0x3c: {  	v3 =	vld.idx.msk [tilespmem:v3+s2+$0x0], $0xffff;
	_ =	sdelay $0x4  }
0x3d: {  	v2 =	vadd.f32 v3, v2;
	_ =	sdelay $0x1  }
0x3e: {  	v3 =	vmul.f32 $2.000000030e-01, v2  }
0x3f: {  	vm14 =	vge.f32 v2, $0.0e+00  }
0x40: {  	v2 =	vsel vm14, v2, v3  }
0x41: {  	v2 =	vmul.f32 $1.442695020e+00, v2;
	_ =	sdelay $0x1  }
0x42: {  	(erf) = vpow2.f32 v2;
	_ =	sdelay $0x5  }
0x43: {  	v1 =	vadd.s32 $0x7800, v1  }
0x44: {  	v0 =	vadd.s32 $0x11800, v0;
	_ =	sdelay $0x1  }
0x45: {  	v2 =	vpop (erf)  }
0x46: {  	[tilespmem:s21+$0x15FA0] =	vst v2  }
0x47: {  	v1 =	vld.idx.msk [tilespmem:v1+s2+$0x0], $0xffff  }
0x48: {  	v0 =	vld.idx.msk [tilespmem:v0+s2+$0x0], $0xffff;
	_ =	sdelay $0x4  }
0x49: {  	v0 =	vadd.f32 v0, v1;
	_ =	sdelay $0x1  }
0x4a: {  	v1 =	vmul.f32 $2.000000030e-01, v0  }
0x4b: {  	vm15 =	vge.f32 v0, $0.0e+00  }
0x4c: {  	v0 =	vsel vm15, v0, v1  }
0x4d: {  	v1 =	vmul.f32 $1.442695020e+00, v0;
	_ =	sdelay $0x1  }
0x4e: {  	(erf) = vpow2.f32 v1  }
0x4f: {  	s24 =	simm.s32 $0x10  }
0x50: {  	v0 =	vld [tilespmem:s24+$0x14800]  }
0x51: {  	s22 =	simm.s32 $0x80;
	v1 =	vld [tilespmem:s24+$0x14000]  }
.LBB2_3:
0x52: {  	_ =	sdelay $0x2  }
0x53: {  	p0 =	sne.s32 s22, $0x1F00;
	s23 =	smov.u32 s22;
	s22 =	sadd.s32 $0x40, s22;
	v2 =	vadd.s32 $0xA000, v0  }
0x54: {  	_ = 	snop  }
0x55: {  	v3 =	vpop (erf)  }
0x56: {  	[tilespmem:s21+$0x16770] =	vst v3;
	s21 =	smov.u32 s24  }
0x57: {  	v3 =	vld.idx.msk [tilespmem:v1+s2+$0x0], $0xffff  }
0x58: {  	v2 =	vld.idx.msk [tilespmem:v2+s2+$0x0], $0xffff;
	_ =	sdelay $0x5  }
0x59: {  	v2 =	vadd.f32 v2, v3;
	_ =	sdelay $0x1  }
0x5a: {  	v3 =	vmul.f32 $2.000000030e-01, v2  }
0x5b: {  	vm0 =	vge.f32 v2, $0.0e+00  }
0x5c: {  	v2 =	vsel vm0, v2, v3  }
0x5d: {  	v2 =	vmul.f32 $1.442695020e+00, v2;
	_ =	sdelay $0x1  }
0x5e: {  	(erf) = vpow2.f32 v2;
	_ =	sdelay $0x5  }
0x5f: {  	v3 =	vadd.s32 $0xC800, v0;
	v2 =	vadd.s32 $0x2800, v1;
	_ =	sdelay $0x2  }
0x60: {  	v4 =	vpop (erf)  }
0x61: {  	[tilespmem:s21+$0x15000] =	vst v4  }
0x62: {  	v2 =	vld.idx.msk [tilespmem:v2+s2+$0x0], $0xffff  }
0x63: {  	v3 =	vld.idx.msk [tilespmem:v3+s2+$0x0], $0xffff;
	_ =	sdelay $0x5  }
0x64: {  	v2 =	vadd.f32 v3, v2;
	_ =	sdelay $0x1  }
0x65: {  	vm0 =	vge.f32 v2, $0.0e+00;
	v3 =	vmul.f32 $2.000000030e-01, v2;
	_ =	sdelay $0x1  }
0x66: {  	v2 =	vsel vm0, v2, v3  }
0x67: {  	v2 =	vmul.f32 $1.442695020e+00, v2;
	_ =	sdelay $0x1  }
0x68: {  	(erf) = vpow2.f32 v2;
	_ =	sdelay $0x5  }
0x69: {  	v3 =	vadd.s32 $0xF000, v0;
	v2 =	vadd.s32 $0x5000, v1;
	_ =	sdelay $0x2  }
0x6a: {  	v4 =	vpop (erf)  }
0x6b: {  	[tilespmem:s21+$0x157D0] =	vst v4  }
0x6c: {  	v2 =	vld.idx.msk [tilespmem:v2+s2+$0x0], $0xffff  }
0x6d: {  	v3 =	vld.idx.msk [tilespmem:v3+s2+$0x0], $0xffff;
	_ =	sdelay $0x5  }
0x6e: {  	v2 =	vadd.f32 v3, v2;
	_ =	sdelay $0x1  }
0x6f: {  	vm0 =	vge.f32 v2, $0.0e+00;
	v3 =	vmul.f32 $2.000000030e-01, v2;
	_ =	sdelay $0x1  }
0x70: {  	v2 =	vsel vm0, v2, v3  }
0x71: {  	v2 =	vmul.f32 $1.442695020e+00, v2;
	_ =	sdelay $0x1  }
0x72: {  	(erf) = vpow2.f32 v2;
	_ =	sdelay $0x5  }
0x73: {  	v0 =	vadd.s32 $0x11800, v0;
	v1 =	vadd.s32 $0x7800, v1;
	_ =	sdelay $0x2  }
0x74: {  	v2 =	vpop (erf)  }
0x75: {  	[tilespmem:s21+$0x15FA0] =	vst v2  }
0x76: {  	v1 =	vld.idx.msk [tilespmem:v1+s2+$0x0], $0xffff  }
0x77: {  	v0 =	vld.idx.msk [tilespmem:v0+s2+$0x0], $0xffff;
	_ =	sdelay $0x5  }
0x78: {  	v0 =	vadd.f32 v0, v1;
	_ =	sdelay $0x1  }
0x79: {  	vm0 =	vge.f32 v0, $0.0e+00;
	v1 =	vmul.f32 $2.000000030e-01, v0;
	_ =	sdelay $0x1  }
0x7a: {  	v0 =	vsel vm0, v0, v1  }
0x7b: {  	v0 =	vmul.f32 $1.442695020e+00, v0  }
.Ltmp0:
0x7c: {  	(pc) =	sbr.rel @p0 .LBB2_3-.Ltmp0, $4  }
0x7d: {  	(erf) = vpow2.f32 v0  }
0x7e: {  	s24 =	sshra.s32 s23, $0x2  }
0x7f: {  	v0 =	vld [tilespmem:s24+$0x14800]  }
0x80: {  	v1 =	vld [tilespmem:s24+$0x14000]  }
0x81: {  	_ =	sdelay $0x3  }
0x82: {  	v2 =	vadd.s32 $0xA000, v0;
	_ =	sdelay $0x1  }
0x83: {  	v3 =	vpop (erf)  }
0x84: {  	[tilespmem:s21+$0x16770] =	vst v3  }
0x85: {  	v3 =	vld.idx.msk [tilespmem:v1+s2+$0x0], $0xffff  }
0x86: {  	v2 =	vld.idx.msk [tilespmem:v2+s2+$0x0], $0xffff;
	_ =	sdelay $0x4  }
0x87: {  	v2 =	vadd.f32 v2, v3;
	_ =	sdelay $0x1  }
0x88: {  	v3 =	vmul.f32 $2.000000030e-01, v2  }
0x89: {  	vm0 =	vge.f32 v2, $0.0e+00  }
0x8a: {  	v2 =	vsel vm0, v2, v3  }
0x8b: {  	v2 =	vmul.f32 $1.442695020e+00, v2;
	_ =	sdelay $0x1  }
0x8c: {  	(erf) = vpow2.f32 v2;
	_ =	sdelay $0x5  }
0x8d: {  	v57 =	vadd.s32 $0x2800, v1  }
0x8e: {  	v58 =	vadd.s32 $0xC800, v0;
	_ =	sdelay $0x1  }
0x8f: {  	v4 =	vpop (erf)  }
0x90: {  	[tilespmem:s24+$0x15000] =	vst v4  }
0x91: {  	v2 =	vld.idx.msk [tilespmem:v57+s2+$0x0], $0xffff  }
0x92: {  	v3 =	vld.idx.msk [tilespmem:v58+s2+$0x0], $0xffff;
	_ =	sdelay $0x4  }
0x93: {  	v2 =	vadd.f32 v3, v2;
	_ =	sdelay $0x1  }
0x94: {  	v3 =	vmul.f32 $2.000000030e-01, v2  }
0x95: {  	vm13 =	vge.f32 v2, $0.0e+00  }
0x96: {  	v2 =	vsel vm13, v2, v3  }
0x97: {  	v2 =	vmul.f32 $1.442695020e+00, v2;
	_ =	sdelay $0x1  }
0x98: {  	(erf) = vpow2.f32 v2;
	_ =	sdelay $0x5  }
0x99: {  	v59 =	vadd.s32 $0x5000, v1  }
0x9a: {  	v60 =	vadd.s32 $0xF000, v0;
	_ =	sdelay $0x1  }
0x9b: {  	v61 =	vpop (erf)  }
0x9c: {  	[tilespmem:s24+$0x157D0] =	vst v61  }
0x9d: {  	v2 =	vld.idx.msk [tilespmem:v59+s2+$0x0], $0xffff  }
0x9e: {  	v3 =	vld.idx.msk [tilespmem:v60+s2+$0x0], $0xffff;
	_ =	sdelay $0x4  }
0x9f: {  	v2 =	vadd.f32 v3, v2;
	_ =	sdelay $0x1  }
0xa0: {  	v3 =	vmul.f32 $2.000000030e-01, v2  }
0xa1: {  	vm14 =	vge.f32 v2, $0.0e+00  }
0xa2: {  	v2 =	vsel vm14, v2, v3  }
0xa3: {  	v2 =	vmul.f32 $1.442695020e+00, v2;
	_ =	sdelay $0x1  }
0xa4: {  	(erf) = vpow2.f32 v2;
	_ =	sdelay $0x5  }
0xa5: {  	v62 =	vadd.s32 $0x7800, v1  }
0xa6: {  	v63 =	vadd.s32 $0x11800, v0;
	_ =	sdelay $0x1  }
0xa7: {  	v2 =	vpop (erf)  }
0xa8: {  	[tilespmem:s24+$0x15FA0] =	vst v2  }
0xa9: {  	v1 =	vld.idx.msk [tilespmem:v62+s2+$0x0], $0xffff  }
0xaa: {  	v0 =	vld.idx.msk [tilespmem:v63+s2+$0x0], $0xffff;
	_ =	sdelay $0x4  }
0xab: {  	v0 =	vadd.f32 v0, v1;
	_ =	sdelay $0x1  }
0xac: {  	v1 =	vmul.f32 $2.000000030e-01, v0  }
0xad: {  	vm15 =	vge.f32 v0, $0.0e+00  }
0xae: {  	v0 =	vsel vm15, v0, v1  }
0xaf: {  	v0 =	vmul.f32 $1.442695020e+00, v0;
	_ =	sdelay $0x1  }
0xb0: {  	(erf) = vpow2.f32 v0;
	_ =	sdelay $0x8  }
0xb1: {  	v0 =	vpop (erf)  }
0xb2: {  	s20 =	sadd.s32 s1, s20;
	[tilespmem:s24+$0x16770] =	vst v0  }
0xb3: {  	[hbm4b:s20+s2] =	stream.linear.scatter [tilespmem:s14], [sflag:$0x1], $0x7D0, $0x38;
	[tilespmem:$0x16F80] =	vst v63  }
0xb4: {  	_ =	swait.ge [sflag:s10], $0x7D0  }
0xb5: {  	[sflag:s10] =	ssyncset.done $0x0  }
0xb6: {  	s30 =	sadd.s32 $0x9C40, s20;
	[sflag:s10] =	ssyncadd.s32 $0xFFFFF830  }
0xb7: {  	[hbm4b:s30+s2] =	stream.linear.scatter [tilespmem:s15], [sflag:$0x1], $0x7D0, $0x38;
	[tilespmem:$0x16F80] =	vst v63  }
0xb8: {  	_ =	swait.ge [sflag:s10], $0x7D0  }
0xb9: {  	[sflag:s10] =	ssyncset.done $0x0  }
0xba: {  	s31 =	sadd.s32 $0x13880, s20;
	[sflag:s10] =	ssyncadd.s32 $0xFFFFF830  }
0xbb: {  	[hbm4b:s31+s2] =	stream.linear.scatter [tilespmem:s16], [sflag:$0x1], $0x7D0, $0x38;
	[tilespmem:$0x16F80] =	vst v63  }
0xbc: {  	s19 =	sadd.s32 $0x1, s19;
	_ =	swait.ge [sflag:s10], $0x7D0  }
0xbd: {  	p0 =	sne.s32 s19, $0x5;
	[sflag:s10] =	ssyncset.done $0x0  }
.Ltmp1:
0xbe: {  	s20 =	sadd.s32 $0x1D4C0, s20;
	[sflag:s10] =	ssyncadd.s32 $0xFFFFF830;
	(pc) =	sbr.rel @p0 .LBB2_2-.Ltmp1, $4  }
0xbf: {  	[hbm4b:s20+s2] =	stream.linear.scatter [tilespmem:s17], [sflag:$0x1], $0x7D0, $0x38;
	[tilespmem:$0x16F80] =	vst v63  }
0xc0: {  	_ =	swait.ge [sflag:s10], $0x7D0  }
0xc1: {  	[sflag:s10] =	ssyncset.done $0x0  }
0xc2: {  	[sflag:s10] =	ssyncadd.s32 $0xFFFFF830  }
0xc3: {  	s18 =	sadd.s32 $0x1, s18  }
0xc4: {  	p0 =	sne.s32 s18, s9  }
.Ltmp2:
0xc5: {  	_ = 	snop;
	(pc) =	sbr.rel @p0 .LBB2_1-.Ltmp2, $1  }
0xc6: {  	_ =	sdelay $0x3  }
0xc7: {  	_ =	sfence.sel $0x180000  }
0xc8: {  	[bflag:$0x0] =	sbarrier.arrive $0xFFFF  }
0xc9: {  	p0 =	sne.s32 s3, $0x0;
	_ =	strace $0x90000047  }
0xca: {  	s0 =	sadd.s32 @!p0 $0x100000, s0;
	[bflag:$0x2] =	sbarrier.arrive $0xFFFF  }
0xcb: {  	[sflag:s0] =	ssyncadd.tile.s32 @!p0 $0x1;
	_ =	shalt  }
.Lfunc_end2:
_tile_overlayer_lowered:
.L_overlay_start_2:
0xcc: {  	(tag) =	ssettag $0x2  }
0xcd: {  	s0 =	rddreg [dreg:$0x0];
	s2 =	stileid.u32  }
0xce: {  	s1 =	rddreg [dreg:$0x1];
	p0 =	sne.s32 s2, $0x0  }
0xcf: {  	s3 =	rddreg [dreg:$0x2];
	[bflag:$0x3] =	sbarrier.arrive $0xFFFF;
	s2 =	simm.s32 @!p0 $0x1C01  }
0xd0: {  	[timem:s3], [sflag:s2] =	dma.local @!p0 [hbm:s0], s1  }
0xd1: {  	s0 =	simm.s32 @!p0 $0x1  }
0xd2: {  	_ =	swait.ge @!p0 [sflag:s0], s1  }
0xd3: {  	s1 =	ssub.s32 @!p0 $0x0, s1;
	[sflag:s0] =	ssyncset.done @!p0 $0x0  }
0xd4: {  	[sflag:s0] =	ssyncadd.s32 @!p0 s1  }
0xd5: {  	[bflag:$0x3] =	sbarrier.arrive $0xFFFF  }
0xd6: {  	_ =	shalt  }

// kernel: kernel.17.cloned.1.call-start
scs
__scs_entry_jumppad:
0x0: {  	(pc) =	sbr.rel $0x88, $3  }
0x1: {  	(tag) =	ssettag $0x0;
	lr =	simm.s32 $0x1  }
0x2: {  	[smem:$0x3F8D] =	sst lr;
	_ =	strace $0xD0000000  }
0x3: {  	_ = 	snop  }
0x4: {  	_ = 	snop  }
0x5: {  	_ = 	snop  }
0x6: {  	_ = 	snop  }
0x7: {  	_ = 	snop  }
__scs_overlays_trampoline_lowered:
0x8: {  	[smem:$0x3F9C] =	sst s0  }
0x9: {  	[smem:$0x3F9D] =	sst s1  }
0xa: {  	[smem:$0x3F9E] =	sst s2  }
0xb: {  	[smem:$0x3F9F] =	sst s3  }
0xc: {  	[smem:$0x3FA0] =	sst s4  }
0xd: {  	[smem:$0x3FA1] =	sst s5  }
0xe: {  	[smem:$0x3FA2] =	sst s6  }
0xf: {  	[smem:$0x3FA3] =	sst s7  }
0x10: {  	[smem:$0x3FA4] =	sst s8  }
0x11: {  	[smem:$0x3FA5] =	sst s9;
	s0 =	simm.s32 @!p0 $0x0  }
0x12: {  	s1 =	sld [smem:$0x3F8B];
	s0 =	simm.s32 @p0 $0x1  }
0x13: {  	[smem:$0x3FA6] =	sst s0;
	s0 =	simm.s32 @!p1 $0x0  }
0x14: {  	s2 =	sld [smem:$0x3F8A];
	s0 =	simm.s32 @p1 $0x1  }
0x15: {  	[smem:$0x3FA7] =	sst s0;
	s0 =	simm.s32 @!p2 $0x0  }
0x16: {  	s3 =	sld [smem:$0x3FDB];
	s0 =	simm.s32 @p2 $0x1  }
0x17: {  	s4 =	simm.s32 $0x1BF5;
	[smem:$0x3FA9] =	sst s0  }
0x18: {  	s0 =	sld [smem:$0x3F8C];
	_ =	swait.ge [sflag:s4], $0x0  }
0x19: {  	s7 =	sld [smem:$0x3F8D]  }
0x1a: {  	s8 =	sadd.s32 $0xFFFFE003, lr  }
0x1b: {  	s9 =	sadd.s32 $0xFFFFFEF7, lr;
	s5 =	simm.s32 $0xFFFFFFFF;
	p2 =	slt.u32 s8, $0xFFFFF086  }
0x1c: {  	p1 =	slt.u32 s9, $0xF7A;
	s5 =	simm.s32 @!p2 $0x0  }
0x1d: {  	s5 =	simm.s32 @p1 $0x1;
	p0 =	seq.s32 s7, s2  }
0x1e: {  	s7 =	smul.u32 @!p0 $0xF7A, s2;
	p2 =	seq.s32 @!p0 s5, $0x0  }
0x1f: {  	s9 =	smul.u32 $0xF7A, s1;
	s8 =	simm.s32 @!p0 $0x1BF5;
	p2 =	por !p2, p0  }
0x20: {  	[sflag:s8] =	ssyncset.s32 @!p0 $0xFFFFF086;
	s6 =	sadd.s32 @!p0 s3, s7;
	s7 =	simm.s32 @!p0 $0x108  }
0x21: {  	s3 =	sadd.s32 s3, s9;
	s6 =	sadd.s32 @!p0 $0x88, s6;
	s7 =	simm.s32 @p2 $0x1082  }
0x22: {  	[simem:s7], [sflag:s8] =	dma.local @!p0 [hbm:s6], $0xF7A  }
0x23: {  	s9 =	sor.u32 $0xD0000000, s2;
	s6 =	simm.s32 $0x108;
	_ =	swait.ge @!p0 [sflag:s8], $0x0  }
0x24: {  	s3 =	sadd.s32 $0x88, s3;
	s6 =	simm.s32 @!p1 $0x1082;
	[sflag:s4] =	ssyncset.s32 $0xFFFFF086  }
0x25: {  	[simem:s6], [sflag:s4] =	dma.local [hbm:s3], $0xF7A  }
0x26: {  	[smem:$0x3F8D] =	sst s1;
	(tag) =	ssettag s2;
	_ =	strace s9  }
0x27: {  	s1 =	sld [smem:$0x3F9D]  }
0x28: {  	s2 =	sld [smem:$0x3F9E]  }
0x29: {  	s4 =	sld [smem:$0x3FA0]  }
0x2a: {  	p0 =	seq.s32 s5, $0x0;
	s5 =	sld [smem:$0x3FA1]  }
0x2b: {  	s6 =	sld [smem:$0x3FA2]  }
0x2c: {  	s7 =	sld [smem:$0x3FA3]  }
0x2d: {  	s3 =	simm.s32 $0x108;
	s8 =	sld [smem:$0x3FA4]  }
0x2e: {  	s3 =	simm.s32 @!p0 $0x1082;
	s9 =	sld [smem:$0x3FA5]  }
0x2f: {  	lr =	sadd.s32 s0, s3;
	s0 =	sld [smem:$0x3F9C]  }
0x30: {  	s3 =	sld [smem:$0x3F9F]  }
0x31: {  	[smem:$0x3FA8] =	sst s10  }
0x32: {  	s10 =	sld [smem:$0x3FA6];
	_ =	sdelay $0x3  }
0x33: {  	p0 =	seq.s32 s10, $0x1;
	s10 =	sld [smem:$0x3FA8];
	_ =	sdelay $0x3  }
0x34: {  	[smem:$0x3FA8] =	sst s10  }
0x35: {  	s10 =	sld [smem:$0x3FA7];
	_ =	sdelay $0x3  }
0x36: {  	p1 =	seq.s32 s10, $0x1;
	s10 =	sld [smem:$0x3FA8];
	_ =	sdelay $0x3  }
0x37: {  	[smem:$0x3FA8] =	sst s10  }
0x38: {  	s10 =	sld [smem:$0x3FA9]  }
0x39: {  	_ = 	snop;
	(pc) =	sbr.ind lr, $3  }
0x3a: {  	_ = 	snop  }
0x3b: {  	_ = 	snop  }
0x3c: {  	p2 =	seq.s32 s10, $0x1;
	s10 =	sld [smem:$0x3FA8]  }
0x3d: {  	_ =	shalt  }
0x3e: {  	_ =	shalt  }
0x3f: {  	_ =	shalt  }
0x40: {  	_ =	shalt  }
0x41: {  	_ =	shalt  }
0x42: {  	_ =	shalt  }
0x43: {  	_ =	shalt  }
0x44: {  	_ =	shalt  }
0x45: {  	_ =	shalt  }
0x46: {  	_ =	shalt  }
0x47: {  	_ =	shalt  }
0x48: {  	_ =	shalt  }
0x49: {  	_ =	shalt  }
0x4a: {  	_ =	shalt  }
0x4b: {  	_ =	shalt  }
0x4c: {  	_ =	shalt  }
0x4d: {  	_ =	shalt  }
0x4e: {  	_ =	shalt  }
0x4f: {  	_ =	shalt  }
0x50: {  	_ =	shalt  }
0x51: {  	_ =	shalt  }
0x52: {  	_ =	shalt  }
0x53: {  	_ =	shalt  }
0x54: {  	_ =	shalt  }
0x55: {  	_ =	shalt  }
0x56: {  	_ =	shalt  }
0x57: {  	_ =	shalt  }
0x58: {  	_ =	shalt  }
0x59: {  	_ =	shalt  }
0x5a: {  	_ =	shalt  }
0x5b: {  	_ =	shalt  }
0x5c: {  	_ =	shalt  }
0x5d: {  	_ =	shalt  }
0x5e: {  	_ =	shalt  }
0x5f: {  	_ =	shalt  }
0x60: {  	_ =	shalt  }
0x61: {  	_ =	shalt  }
0x62: {  	_ =	shalt  }
0x63: {  	_ =	shalt  }
0x64: {  	_ =	shalt  }
0x65: {  	_ =	shalt  }
0x66: {  	_ =	shalt  }
0x67: {  	_ =	shalt  }
0x68: {  	_ =	shalt  }
0x69: {  	_ =	shalt  }
0x6a: {  	_ =	shalt  }
0x6b: {  	_ =	shalt  }
0x6c: {  	_ =	shalt  }
0x6d: {  	_ =	shalt  }
0x6e: {  	_ =	shalt  }
0x6f: {  	_ =	shalt  }
0x70: {  	_ =	shalt  }
0x71: {  	_ =	shalt  }
0x72: {  	_ =	shalt  }
0x73: {  	_ =	shalt  }
0x74: {  	_ =	shalt  }
0x75: {  	_ =	shalt  }
0x76: {  	_ =	shalt  }
0x77: {  	_ =	shalt  }
0x78: {  	_ =	shalt  }
0x79: {  	_ =	shalt  }
0x7a: {  	_ =	shalt  }
0x7b: {  	_ =	shalt  }
0x7c: {  	_ =	shalt  }
0x7d: {  	_ =	shalt  }
0x7e: {  	_ =	shalt  }
0x7f: {  	_ =	shalt  }
0x80: {  	_ =	shalt  }
0x81: {  	_ =	shalt  }
0x82: {  	_ =	shalt  }
0x83: {  	_ =	shalt  }
0x84: {  	_ =	shalt  }
0x85: {  	_ =	shalt  }
0x86: {  	_ =	shalt  }
0x87: {  	_ =	shalt  }
.Lfunc_end0:
.L_simem_size_0:
called_computation.1_lowered:
.L_overlay_start_0:
0x88: {  	s2 =	sld [smem:$0x3FD9]  }
0x89: {  	s3 =	sld [smem:$0x3FFE];
	_ =	sdelay $0x1  }
0x8a: {  	s1 =	srdreg.scid  }
0x8b: {  	s0 =	sand.u32 $0x1, s1  }
0x8c: {  	s17 =	sshll.u32 s0, $0xA;
	s2 =	sadd.s32 s3, s2  }
0x8d: {  	s2 =	sadd.s32 s2, s17  }
0x8e: {  	[smem:$0x3FB4] =	sst s2  }
0x8f: {  	_ = 	snop  }
0x90: {  	s2 =	sld [smem:$0x3FD0];
	(tm) =	ssettm $0x1  }
0x91: {  	s18 =	sld [smem:$0x3FFB];
	_ =	sdelay $0x3  }
0x92: {  	_ =	strace s18  }
0x93: {  	s3 =	sld [smem:$0x3FFC];
	_ =	sdelay $0x3  }
0x94: {  	_ =	strace s3  }
0x95: {  	s3 =	sld [smem:$0x3FFD];
	_ =	sdelay $0x3  }
0x96: {  	_ =	strace s3  }
0x97: {  	_ =	strace $0x8FFFFFFF  }
0x98: {  	s19 =	sld [smem:$0x3FDB];
	_ =	sdelay $0x1  }
0x99: {  	s4 =	simm.s32 $_scs_section_size  }
0x9a: {  	s5 =	simm.s32 $_size__tile_overlayer_lowered;
	s6 =	simm.s32 $_tile_overlayer_lowered  }
0x9b: {  	s22 =	simm.s32 $0x1BFF;
	s21 =	sshll.u32 s6, $0x1;
	s3 =	sadd.s32 s4, s19  }
0x9c: {  	s7 =	simm.s32 $0x0;
	s20 =	sshll.u32 s5, $0x1;
	s5 =	sadd.s32 s21, s3  }
0x9d: {  	[timem:s7], [sflag:s22] =	dma.local [hbm:s5], s20  }
0x9e: {  	_ =	swait.ge [sflag:s22], s20  }
0x9f: {  	s4 =	ssub.s32 $0x0, s20;
	[sflag:s22] =	ssyncset.done $0x0  }
0xa0: {  	[sflag:s22] =	ssyncadd.s32 s4;
	_ =	sdelay $0x1  }
0xa1: {  	s23 =	simm.s32 $0x1B8B  }
0xa2: {  	_ =	swait.ge [sflag:s23], $0x1  }
0xa3: {  	[sflag:s23] =	ssyncset.done $0x0  }
0xa4: {  	s25 =	simm.s32 $0x1B8E;
	s24 =	sld [smem:$0x3FFE];
	[sflag:s23] =	ssyncadd.s32 $0xFFFFFFFF  }
0xa5: {  	s26 =	simm.s32 $execute0_lowered;
	[smem:$0x3FD2] =	sst s25  }
0xa6: {  	s5 =	sshll.u32 s26, $0x1;
	_ =	strace $0x80000049;
	[dreg:$0x1] =	wrdreg $0xFFFFFFFF  }
0xa7: {  	s28 =	simm.s32 $_size_execute0_lowered;
	s3 =	sadd.s32 s3, s5;
	[dreg:$0x0] =	wrdreg $0x0  }
0xa8: {  	s5 =	sshll.u32 s28, $0x1;
	[dreg:$0x2] =	wrdreg s3  }
0xa9: {  	[dreg:$0x3] =	wrdreg s5  }
0xaa: {  	[dreg:$0x4] =	wrdreg $0xC0  }
0xab: {  	_ =	task [dreg:s7], $0x5FFFF  }
0xac: {  	[dreg:$0x1] =	wrdreg $0xFFFFFFFF  }
0xad: {  	[dreg:$0x0] =	wrdreg $0x60  }
0xae: {  	[dreg:$0x2] =	wrdreg s24  }
0xaf: {  	[dreg:$0x3] =	wrdreg s2  }
0xb0: {  	[dreg:$0x4] =	wrdreg $0x9  }
0xb1: {  	_ =	task.clear_ibuf [dreg:s7], $0x5FFFF;
	_ =	strace $0x90000049  }
0xb2: {  	s29 =	simm.s32 $0x9;
	_ =	strace $0x8000004B  }
0xb3: {  	_ =	swait.ge [sflag:s29], $0x1  }
0xb4: {  	[sflag:s29] =	ssyncadd.s32 $0xFFFFFFFF  }
0xb5: {  	_ =	strace $0x9000004B  }
0xb6: {  	_ =	sfence  }
0xb7: {  	s30 =	sld [smem:$0x0];
	_ =	sdelay $0x2  }
0xb8: {  	s31 =	sshll.u32 s1, $0xD;
	s1 =	sshrl.u32 s1, $0x2  }
0xb9: {  	s3 =	sand.u32 $0x4000, s31;
	s1 =	sadd.s32 s1, s30  }
0xba: {  	s0 =	sor.u32 s3, s0;
	s1 =	sshll.u32 s1, $0x11  }
0xbb: {  	s0 =	sor.u32 s1, s0  }
0xbc: {  	s0 =	sadd.s32 $0x8F2B, s0  }
0xbd: {  	[sflag:s0] =	ssyncadd.remote.s32 $0x1  }
0xbe: {  	_ =	sfence.sel $0xFFFF  }
0xbf: {  	[dreg:$0x0] =	wrdreg $0xFFFFFFFF;
	(pc) =	sbr.abs _section_cstart, $3  }
0xc0: {  	[dreg:$0x1] =	wrdreg $0xFFFFFFFF  }
0xc1: {  	_ =	task.clear_ibuf [dreg:s7], $0x2FFFF;
	_ =	strace $0x9FFFFFFF  }
0xc2: {  	(tm) =	ssettm $0x7FFFFFFF  }
0xc3: {  	_ =	shalt  }
tec
execute0_lowered:
.L_overlay_start_1:
0x0: {  	(tag) =	ssettag $0x1  }
0x1: {  	s6 =	rddreg [dreg:$0x0]  }
0x2: {  	s2 =	rddreg [dreg:$0x1]  }
0x3: {  	s0 =	rddreg [dreg:$0x2];
	s4 =	srdreg.scid  }
0x4: {  	s1 =	stileid.u32;
	s3 =	simm.s32 $0x0;
	s13 =	simm.s32 $0x18780  }
0x5: {  	s14 =	simm.s32 $0x1A700;
	s16 =	simm.s32 $0x0;
	s5 =	sand.u32 $0x1, s4  }
0x6: {  	s31 =	sshll.u32 s1, $0x1;
	[smem:$0x7FF] =	sst s3;
	s9 =	sshrl.u32 s1, $0x2  }
0x7: {  	s4 =	sadd.s32 $0x10600, s6;
	s7 =	sor.u32 s5, s31;
	_ =	strace $0x8000004A  }
0x8: {  	s10 =	smul.u32 $0x500, s9;
	s11 =	ssub.s32 $0x2, s5;
	s5 =	sadd.s32 $0x6800, s6  }
0x9: {  	s8 =	smul.u32 $0x1400, s7;
	s12 =	sshrl.u32 s11, $0x1;
	s15 =	sand.u32 $0x7, s7  }
0xa: {  	s7 =	smul.u32 $0x4E200, s9;
	s10 =	sadd.s32 s10, s6;
	s11 =	ssub.s32 s11, s12  }
0xb: {  	s12 =	simm.s32 $0x16800;
	p0 =	sne.s32 s15, $0x0;
	s15 =	simm.s32 $0xA000  }
0xc: {  	s8 =	sadd.s32 s8, s6;
	s9 =	sadd.s32 $0x4000, s10;
	s10 =	smax.u32 s11, $0x1  }
0xd: {  	v0 =	vimm.f32 $0.0e+00;
	s11 =	simm.s32 $0x1;
	s6 =	sadd.s32 $0x1A400, s8;
	s8 =	sadd.s32 $0x42400, s8  }
.LBB2_1:
0xe: {  	[tilespmem:s3], [sflag:$0x1] =	stream.linear.gather [hbm4b:s6+s3], $0xA000, $0x38;
	[tilespmem:$0x1C680] =	vst v63  }
0xf: {  	_ =	swait.ge [sflag:s11], $0xA000  }
0x10: {  	[sflag:s11] =	ssyncset.done $0x0  }
0x11: {  	s17 =	simm.s32 $0x40;
	s18 =	simm.s32 $0x0;
	[sflag:s11] =	ssyncadd.s32 $0xFFFF6000  }
.LBB2_2:
0x12: {  	p1 =	sne.s32 s17, $0x27FC0;
	[tilespmem:s18+$0xA000] =	vst v0;
	s18 =	smov.u32 s17;
	s17 =	sadd.s32 $0x40, s17  }
.Ltmp0:
0x13: {  	(pc) =	sbr.rel @p1 .LBB2_2-.Ltmp0, $2  }
0x14: {  	_ =	sdelay $0x2  }
0x15: {  	s18 =	sshra.s32 s18, $0x2  }
0x16: {  	[tilespmem:s18+$0xA000] =	vst v0;
	s17 =	simm.s32 $0x0;
	s18 =	simm.s32 $0x40;
	s19 =	simm.s32 $0x0  }
.LBB2_4:
0x17: {  	p1 =	sne.s32 s18, $0x9FC0;
	[tilespmem:s19+$0x14000] =	vst v0;
	s19 =	smov.u32 s18;
	s18 =	sadd.s32 $0x40, s18  }
.Ltmp1:
0x18: {  	(pc) =	sbr.rel @p1 .LBB2_4-.Ltmp1, $2  }
0x19: {  	_ =	sdelay $0x2  }
0x1a: {  	s19 =	sshra.s32 s19, $0x2  }
0x1b: {  	[tilespmem:s19+$0x14000] =	vst v0  }
.LBB2_6:
0x1c: {  	s19 =	smul.u32 $0x1F40, s17;
	_ =	sdelay $0x1  }
0x1d: {  	s20 =	sshrl.u32 s19, $0x3  }
0x1e: {  	s18 =	simm.s32 $0x0;
	s21 =	sadd.s32 s4, s20  }
0x1f: {  	[tilespmem:s12], [sflag:$0x1] =	stream.linear.gather [hbm4b:s21+s18], $0x1F40, $0x38;
	[tilespmem:$0x1C680] =	vst v63  }
0x20: {  	_ =	swait.ge [sflag:s11], $0x1F40  }
0x21: {  	[sflag:s11] =	ssyncset.done $0x0  }
0x22: {  	s20 =	sadd.s32 s5, s20;
	[sflag:s11] =	ssyncadd.s32 $0xFFFFE0C0  }
0x23: {  	[tilespmem:s13], [sflag:$0x1] =	stream.linear.gather [hbm4b:s20+s18], $0x1F40, $0x38;
	[tilespmem:$0x1C680] =	vst v63  }
0x24: {  	s19 =	sadd.s32 s7, s19;
	_ =	swait.ge [sflag:s11], $0x1F40  }
0x25: {  	s19 =	sshrl.u32 s19, $0x3;
	[sflag:s11] =	ssyncset.done $0x0  }
0x26: {  	s19 =	sadd.s32 s2, s19;
	[sflag:s11] =	ssyncadd.s32 $0xFFFFE0C0  }
0x27: {  	[tilespmem:s14], [sflag:$0x1] =	stream.linear.gather [hbm4b:s19+s18], $0x1F40, $0x38;
	[tilespmem:$0x1C680] =	vst v63  }
0x28: {  	_ =	swait.ge [sflag:s11], $0x1F40  }
0x29: {  	[sflag:s11] =	ssyncset.done $0x0  }
0x2a: {  	[sflag:s11] =	ssyncadd.s32 $0xFFFFE0C0  }
.LBB2_7:
0x2b: {  	s19 =	sshra.s32 s18, $0x2  }
0x2c: {  	v1 =	vld [tilespmem:s19+$0x16800];
	_ =	sdelay $0x5  }
0x2d: {  	v2 =	vld [tilespmem:s19+$0x18780]  }
0x2e: {  	v3 =	vld [tilespmem:s19+$0x1A700]  }
0x2f: {  	v4 =	vld.idx.msk [tilespmem:v1+s3+$0x0], $0xffff;
	_ =	sdelay $0x2  }
0x30: {  	v5 =	vadd.s32 $0x2800, v1;
	_ =	sdelay $0x1  }
0x31: {  	v4 =	vmul.f32 v4, v3;
	_ =	sdelay $0x1  }
0x32: {  	[tilespmem:v2+s15+$0x0] =	vst.idx.add.f32.msk $0xffff, v4  }
0x33: {  	v4 =	vld.idx.msk [tilespmem:v5+s3+$0x0], $0xffff;
	_ =	sdelay $0x1  }
0x34: {  	v46 =	vadd.s32 $0x2800, v2  }
0x35: {  	v6 =	vadd.s32 $0x5000, v1;
	_ =	sdelay $0x1  }
0x36: {  	v4 =	vmul.f32 v4, v3;
	_ =	sdelay $0x1  }
0x37: {  	[tilespmem:v46+s15+$0x0] =	vst.idx.add.f32.msk $0xffff, v4  }
0x38: {  	v4 =	vld.idx.msk [tilespmem:v6+s3+$0x0], $0xffff;
	_ =	sdelay $0x1  }
0x39: {  	v47 =	vadd.s32 $0x5000, v2  }
0x3a: {  	v1 =	vadd.s32 $0x7800, v1;
	_ =	sdelay $0x1  }
0x3b: {  	v4 =	vmul.f32 v4, v3;
	_ =	sdelay $0x1  }
0x3c: {  	[tilespmem:v47+s15+$0x0] =	vst.idx.add.f32.msk $0xffff, v4  }
0x3d: {  	v1 =	vld.idx.msk [tilespmem:v1+s3+$0x0], $0xffff;
	_ =	sdelay $0x1  }
0x3e: {  	v48 =	vadd.s32 $0x7800, v2;
	_ =	sdelay $0x2  }
0x3f: {  	v1 =	vmul.f32 v1, v3;
	_ =	sdelay $0x1  }
0x40: {  	s20 =	simm.s32 @!p0 $0x14000;
	[tilespmem:v48+s15+$0x0] =	vst.idx.add.f32.msk $0xffff, v1  }
0x41: {  	[tilespmem:v2+s20+$0x0] =	vst.idx.add.f32.msk @!p0 $0xffff, v3  }
0x42: {  	v1 =	vld [tilespmem:s19+$0x16810];
	_ =	sdelay $0x5  }
0x43: {  	v2 =	vld [tilespmem:s19+$0x18790]  }
0x44: {  	v3 =	vld [tilespmem:s19+$0x1A710]  }
0x45: {  	v4 =	vld.idx.msk [tilespmem:v1+s3+$0x0], $0xffff;
	_ =	sdelay $0x2  }
0x46: {  	v49 =	vadd.s32 $0x2800, v1;
	_ =	sdelay $0x1  }
0x47: {  	v4 =	vmul.f32 v4, v3;
	_ =	sdelay $0x1  }
0x48: {  	[tilespmem:v2+s15+$0x0] =	vst.idx.add.f32.msk $0xffff, v4  }
0x49: {  	v4 =	vld.idx.msk [tilespmem:v49+s3+$0x0], $0xffff;
	_ =	sdelay $0x1  }
0x4a: {  	v50 =	vadd.s32 $0x2800, v2  }
0x4b: {  	v51 =	vadd.s32 $0x5000, v1;
	_ =	sdelay $0x1  }
0x4c: {  	v4 =	vmul.f32 v4, v3;
	_ =	sdelay $0x1  }
0x4d: {  	[tilespmem:v50+s15+$0x0] =	vst.idx.add.f32.msk $0xffff, v4  }
0x4e: {  	v4 =	vld.idx.msk [tilespmem:v51+s3+$0x0], $0xffff;
	_ =	sdelay $0x1  }
0x4f: {  	v52 =	vadd.s32 $0x5000, v2  }
0x50: {  	v1 =	vadd.s32 $0x7800, v1;
	_ =	sdelay $0x1  }
0x51: {  	v4 =	vmul.f32 v4, v3;
	_ =	sdelay $0x1  }
0x52: {  	[tilespmem:v52+s15+$0x0] =	vst.idx.add.f32.msk $0xffff, v4  }
0x53: {  	v1 =	vld.idx.msk [tilespmem:v1+s3+$0x0], $0xffff;
	_ =	sdelay $0x1  }
0x54: {  	v53 =	vadd.s32 $0x7800, v2;
	_ =	sdelay $0x2  }
0x55: {  	v1 =	vmul.f32 v1, v3;
	_ =	sdelay $0x1  }
0x56: {  	[tilespmem:v53+s15+$0x0] =	vst.idx.add.f32.msk $0xffff, v1  }
0x57: {  	[tilespmem:v2+s20+$0x0] =	vst.idx.add.f32.msk @!p0 $0xffff, v3  }
0x58: {  	v1 =	vld [tilespmem:s19+$0x16820];
	_ =	sdelay $0x5  }
0x59: {  	v2 =	vld [tilespmem:s19+$0x187A0]  }
0x5a: {  	v3 =	vld [tilespmem:s19+$0x1A720]  }
0x5b: {  	v4 =	vld.idx.msk [tilespmem:v1+s3+$0x0], $0xffff;
	_ =	sdelay $0x2  }
0x5c: {  	v54 =	vadd.s32 $0x2800, v1;
	_ =	sdelay $0x1  }
0x5d: {  	v4 =	vmul.f32 v4, v3;
	_ =	sdelay $0x1  }
0x5e: {  	[tilespmem:v2+s15+$0x0] =	vst.idx.add.f32.msk $0xffff, v4  }
0x5f: {  	v4 =	vld.idx.msk [tilespmem:v54+s3+$0x0], $0xffff;
	_ =	sdelay $0x1  }
0x60: {  	v55 =	vadd.s32 $0x2800, v2  }
0x61: {  	v56 =	vadd.s32 $0x5000, v1;
	_ =	sdelay $0x1  }
0x62: {  	v4 =	vmul.f32 v4, v3;
	_ =	sdelay $0x1  }
0x63: {  	[tilespmem:v55+s15+$0x0] =	vst.idx.add.f32.msk $0xffff, v4  }
0x64: {  	v4 =	vld.idx.msk [tilespmem:v56+s3+$0x0], $0xffff;
	_ =	sdelay $0x1  }
0x65: {  	v57 =	vadd.s32 $0x5000, v2  }
0x66: {  	v1 =	vadd.s32 $0x7800, v1;
	_ =	sdelay $0x1  }
0x67: {  	v4 =	vmul.f32 v4, v3;
	_ =	sdelay $0x1  }
0x68: {  	[tilespmem:v57+s15+$0x0] =	vst.idx.add.f32.msk $0xffff, v4  }
0x69: {  	v1 =	vld.idx.msk [tilespmem:v1+s3+$0x0], $0xffff;
	_ =	sdelay $0x1  }
0x6a: {  	v58 =	vadd.s32 $0x7800, v2;
	_ =	sdelay $0x2  }
0x6b: {  	v1 =	vmul.f32 v1, v3;
	_ =	sdelay $0x1  }
0x6c: {  	[tilespmem:v58+s15+$0x0] =	vst.idx.add.f32.msk $0xffff, v1  }
0x6d: {  	[tilespmem:v2+s20+$0x0] =	vst.idx.add.f32.msk @!p0 $0xffff, v3  }
0x6e: {  	v1 =	vld [tilespmem:s19+$0x16830];
	_ =	sdelay $0x5  }
0x6f: {  	v2 =	vld [tilespmem:s19+$0x187B0]  }
0x70: {  	v3 =	vld [tilespmem:s19+$0x1A730]  }
0x71: {  	v4 =	vld.idx.msk [tilespmem:v1+s3+$0x0], $0xffff;
	_ =	sdelay $0x2  }
0x72: {  	v59 =	vadd.s32 $0x2800, v1;
	_ =	sdelay $0x1  }
0x73: {  	v4 =	vmul.f32 v4, v3;
	_ =	sdelay $0x1  }
0x74: {  	[tilespmem:v2+s15+$0x0] =	vst.idx.add.f32.msk $0xffff, v4  }
0x75: {  	v4 =	vld.idx.msk [tilespmem:v59+s3+$0x0], $0xffff;
	_ =	sdelay $0x1  }
0x76: {  	v60 =	vadd.s32 $0x2800, v2  }
0x77: {  	v61 =	vadd.s32 $0x5000, v1;
	_ =	sdelay $0x1  }
0x78: {  	v4 =	vmul.f32 v4, v3;
	_ =	sdelay $0x1  }
0x79: {  	[tilespmem:v60+s15+$0x0] =	vst.idx.add.f32.msk $0xffff, v4  }
0x7a: {  	v4 =	vld.idx.msk [tilespmem:v61+s3+$0x0], $0xffff;
	_ =	sdelay $0x1  }
0x7b: {  	v62 =	vadd.s32 $0x5000, v2  }
0x7c: {  	v1 =	vadd.s32 $0x7800, v1;
	_ =	sdelay $0x1  }
0x7d: {  	v4 =	vmul.f32 v4, v3;
	_ =	sdelay $0x1  }
0x7e: {  	[tilespmem:v62+s15+$0x0] =	vst.idx.add.f32.msk $0xffff, v4  }
0x7f: {  	v1 =	vld.idx.msk [tilespmem:v1+s3+$0x0], $0xffff;
	_ =	sdelay $0x1  }
0x80: {  	s18 =	sadd.s32 $0x100, s18;
	v63 =	vadd.s32 $0x7800, v2  }
0x81: {  	p1 =	sne.s32 s18, $0x7D00  }
.Ltmp2:
0x82: {  	_ = 	snop;
	(pc) =	sbr.rel @p1 .LBB2_7-.Ltmp2, $3  }
0x83: {  	v1 =	vmul.f32 v1, v3;
	_ =	sdelay $0x1  }
0x84: {  	[tilespmem:v63+s15+$0x0] =	vst.idx.add.f32.msk $0xffff, v1  }
0x85: {  	[tilespmem:v2+s20+$0x0] =	vst.idx.add.f32.msk @!p0 $0xffff, v3  }
0x86: {  	s17 =	sadd.s32 $0x1, s17  }
0x87: {  	p1 =	sne.s32 s17, $0x28  }
.Ltmp3:
0x88: {  	_ = 	snop;
	(pc) =	sbr.rel @p1 .LBB2_6-.Ltmp3, $1  }
0x89: {  	_ =	sdelay $0x3  }
0x8a: {  	[hbm4b:s8+s3] =	stream.linear.scatter [tilespmem:s15], [sflag:$0x1], $0xA000, $0x38;
	[tilespmem:$0x1C680] =	vst v63  }
0x8b: {  	_ =	swait.ge [sflag:s11], $0xA000  }
0x8c: {  	s17 =	simm.s32 @!p0 $0x0;
	s16 =	sadd.s32 $0x1, s16;
	[sflag:s11] =	ssyncset.done $0x0  }
0x8d: {  	s18 =	simm.s32 @!p0 $0x14000;
	p1 =	sne.s32 s16, s10;
	[sflag:s11] =	ssyncadd.s32 $0xFFFF6000  }
0x8e: {  	[hbm4b:s9+s17] =	stream.linear.scatter @!p0 [tilespmem:s18], [sflag:$0x1], $0x2800, $0x38;
	[tilespmem:$0x1C680] =	vst v63  }
.Ltmp4:
0x8f: {  	_ = 	snop;
	(pc) =	sbr.rel @p1 .LBB2_1-.Ltmp4, $4  }
0x90: {  	s17 =	simm.s32 @!p0 $0x1  }
0x91: {  	_ =	swait.ge @!p0 [sflag:s17], $0x2800  }
0x92: {  	[sflag:s17] =	ssyncset.done @!p0 $0x0  }
0x93: {  	[sflag:s17] =	ssyncadd.s32 @!p0 $0xFFFFD800  }
0x94: {  	_ =	sfence.sel $0x180000  }
0x95: {  	[bflag:$0x0] =	sbarrier.arrive $0xFFFF  }
0x96: {  	p0 =	sne.s32 s1, $0x0;
	_ =	strace $0x9000004A  }
0x97: {  	s0 =	sadd.s32 @!p0 $0x100000, s0;
	[bflag:$0x2] =	sbarrier.arrive $0xFFFF  }
0x98: {  	[sflag:s0] =	ssyncadd.tile.s32 @!p0 $0x1;
	_ =	shalt  }
.Lfunc_end2:
_tile_overlayer_lowered:
.L_overlay_start_2:
0x99: {  	(tag) =	ssettag $0x2  }
0x9a: {  	s0 =	rddreg [dreg:$0x0];
	s2 =	stileid.u32  }
0x9b: {  	s1 =	rddreg [dreg:$0x1];
	p0 =	sne.s32 s2, $0x0  }
0x9c: {  	s3 =	rddreg [dreg:$0x2];
	[bflag:$0x3] =	sbarrier.arrive $0xFFFF;
	s2 =	simm.s32 @!p0 $0x1C01  }
0x9d: {  	[timem:s3], [sflag:s2] =	dma.local @!p0 [hbm:s0], s1  }
0x9e: {  	s0 =	simm.s32 @!p0 $0x1  }
0x9f: {  	_ =	swait.ge @!p0 [sflag:s0], s1  }
0xa0: {  	s1 =	ssub.s32 @!p0 $0x0, s1;
	[sflag:s0] =	ssyncset.done @!p0 $0x0  }
0xa1: {  	[sflag:s0] =	ssyncadd.s32 @!p0 s1  }
0xa2: {  	[bflag:$0x3] =	sbarrier.arrive $0xFFFF  }
0xa3: {  	_ =	shalt  }

// kernel: kernel.20.cloned.1.call-start
scs
__scs_entry_jumppad:
0x0: {  	(pc) =	sbr.rel $0x88, $3  }
0x1: {  	(tag) =	ssettag $0x0;
	lr =	simm.s32 $0x1  }
0x2: {  	[smem:$0x3F8D] =	sst lr;
	_ =	strace $0xD0000000  }
0x3: {  	_ = 	snop  }
0x4: {  	_ = 	snop  }
0x5: {  	_ = 	snop  }
0x6: {  	_ = 	snop  }
0x7: {  	_ = 	snop  }
__scs_overlays_trampoline_lowered:
0x8: {  	[smem:$0x3F9C] =	sst s0  }
0x9: {  	[smem:$0x3F9D] =	sst s1  }
0xa: {  	[smem:$0x3F9E] =	sst s2  }
0xb: {  	[smem:$0x3F9F] =	sst s3  }
0xc: {  	[smem:$0x3FA0] =	sst s4  }
0xd: {  	[smem:$0x3FA1] =	sst s5  }
0xe: {  	[smem:$0x3FA2] =	sst s6  }
0xf: {  	[smem:$0x3FA3] =	sst s7  }
0x10: {  	[smem:$0x3FA4] =	sst s8  }
0x11: {  	[smem:$0x3FA5] =	sst s9;
	s0 =	simm.s32 @!p0 $0x0  }
0x12: {  	s1 =	sld [smem:$0x3F8B];
	s0 =	simm.s32 @p0 $0x1  }
0x13: {  	[smem:$0x3FA6] =	sst s0;
	s0 =	simm.s32 @!p1 $0x0  }
0x14: {  	s2 =	sld [smem:$0x3F8A];
	s0 =	simm.s32 @p1 $0x1  }
0x15: {  	[smem:$0x3FA7] =	sst s0;
	s0 =	simm.s32 @!p2 $0x0  }
0x16: {  	s3 =	sld [smem:$0x3FDB];
	s0 =	simm.s32 @p2 $0x1  }
0x17: {  	s4 =	simm.s32 $0x1BF5;
	[smem:$0x3FA9] =	sst s0  }
0x18: {  	s0 =	sld [smem:$0x3F8C];
	_ =	swait.ge [sflag:s4], $0x0  }
0x19: {  	s7 =	sld [smem:$0x3F8D]  }
0x1a: {  	s8 =	sadd.s32 $0xFFFFE003, lr  }
0x1b: {  	s9 =	sadd.s32 $0xFFFFFEF7, lr;
	s5 =	simm.s32 $0xFFFFFFFF;
	p2 =	slt.u32 s8, $0xFFFFF086  }
0x1c: {  	p1 =	slt.u32 s9, $0xF7A;
	s5 =	simm.s32 @!p2 $0x0  }
0x1d: {  	s5 =	simm.s32 @p1 $0x1;
	p0 =	seq.s32 s7, s2  }
0x1e: {  	s7 =	smul.u32 @!p0 $0xF7A, s2;
	p2 =	seq.s32 @!p0 s5, $0x0  }
0x1f: {  	s9 =	smul.u32 $0xF7A, s1;
	s8 =	simm.s32 @!p0 $0x1BF5;
	p2 =	por !p2, p0  }
0x20: {  	[sflag:s8] =	ssyncset.s32 @!p0 $0xFFFFF086;
	s6 =	sadd.s32 @!p0 s3, s7;
	s7 =	simm.s32 @!p0 $0x108  }
0x21: {  	s3 =	sadd.s32 s3, s9;
	s6 =	sadd.s32 @!p0 $0x88, s6;
	s7 =	simm.s32 @p2 $0x1082  }
0x22: {  	[simem:s7], [sflag:s8] =	dma.local @!p0 [hbm:s6], $0xF7A  }
0x23: {  	s9 =	sor.u32 $0xD0000000, s2;
	s6 =	simm.s32 $0x108;
	_ =	swait.ge @!p0 [sflag:s8], $0x0  }
0x24: {  	s3 =	sadd.s32 $0x88, s3;
	s6 =	simm.s32 @!p1 $0x1082;
	[sflag:s4] =	ssyncset.s32 $0xFFFFF086  }
0x25: {  	[simem:s6], [sflag:s4] =	dma.local [hbm:s3], $0xF7A  }
0x26: {  	[smem:$0x3F8D] =	sst s1;
	(tag) =	ssettag s2;
	_ =	strace s9  }
0x27: {  	s1 =	sld [smem:$0x3F9D]  }
0x28: {  	s2 =	sld [smem:$0x3F9E]  }
0x29: {  	s4 =	sld [smem:$0x3FA0]  }
0x2a: {  	p0 =	seq.s32 s5, $0x0;
	s5 =	sld [smem:$0x3FA1]  }
0x2b: {  	s6 =	sld [smem:$0x3FA2]  }
0x2c: {  	s7 =	sld [smem:$0x3FA3]  }
0x2d: {  	s3 =	simm.s32 $0x108;
	s8 =	sld [smem:$0x3FA4]  }
0x2e: {  	s3 =	simm.s32 @!p0 $0x1082;
	s9 =	sld [smem:$0x3FA5]  }
0x2f: {  	lr =	sadd.s32 s0, s3;
	s0 =	sld [smem:$0x3F9C]  }
0x30: {  	s3 =	sld [smem:$0x3F9F]  }
0x31: {  	[smem:$0x3FA8] =	sst s10  }
0x32: {  	s10 =	sld [smem:$0x3FA6];
	_ =	sdelay $0x3  }
0x33: {  	p0 =	seq.s32 s10, $0x1;
	s10 =	sld [smem:$0x3FA8];
	_ =	sdelay $0x3  }
0x34: {  	[smem:$0x3FA8] =	sst s10  }
0x35: {  	s10 =	sld [smem:$0x3FA7];
	_ =	sdelay $0x3  }
0x36: {  	p1 =	seq.s32 s10, $0x1;
	s10 =	sld [smem:$0x3FA8];
	_ =	sdelay $0x3  }
0x37: {  	[smem:$0x3FA8] =	sst s10  }
0x38: {  	s10 =	sld [smem:$0x3FA9]  }
0x39: {  	_ = 	snop;
	(pc) =	sbr.ind lr, $3  }
0x3a: {  	_ = 	snop  }
0x3b: {  	_ = 	snop  }
0x3c: {  	p2 =	seq.s32 s10, $0x1;
	s10 =	sld [smem:$0x3FA8]  }
0x3d: {  	_ =	shalt  }
0x3e: {  	_ =	shalt  }
0x3f: {  	_ =	shalt  }
0x40: {  	_ =	shalt  }
0x41: {  	_ =	shalt  }
0x42: {  	_ =	shalt  }
0x43: {  	_ =	shalt  }
0x44: {  	_ =	shalt  }
0x45: {  	_ =	shalt  }
0x46: {  	_ =	shalt  }
0x47: {  	_ =	shalt  }
0x48: {  	_ =	shalt  }
0x49: {  	_ =	shalt  }
0x4a: {  	_ =	shalt  }
0x4b: {  	_ =	shalt  }
0x4c: {  	_ =	shalt  }
0x4d: {  	_ =	shalt  }
0x4e: {  	_ =	shalt  }
0x4f: {  	_ =	shalt  }
0x50: {  	_ =	shalt  }
0x51: {  	_ =	shalt  }
0x52: {  	_ =	shalt  }
0x53: {  	_ =	shalt  }
0x54: {  	_ =	shalt  }
0x55: {  	_ =	shalt  }
0x56: {  	_ =	shalt  }
0x57: {  	_ =	shalt  }
0x58: {  	_ =	shalt  }
0x59: {  	_ =	shalt  }
0x5a: {  	_ =	shalt  }
0x5b: {  	_ =	shalt  }
0x5c: {  	_ =	shalt  }
0x5d: {  	_ =	shalt  }
0x5e: {  	_ =	shalt  }
0x5f: {  	_ =	shalt  }
0x60: {  	_ =	shalt  }
0x61: {  	_ =	shalt  }
0x62: {  	_ =	shalt  }
0x63: {  	_ =	shalt  }
0x64: {  	_ =	shalt  }
0x65: {  	_ =	shalt  }
0x66: {  	_ =	shalt  }
0x67: {  	_ =	shalt  }
0x68: {  	_ =	shalt  }
0x69: {  	_ =	shalt  }
0x6a: {  	_ =	shalt  }
0x6b: {  	_ =	shalt  }
0x6c: {  	_ =	shalt  }
0x6d: {  	_ =	shalt  }
0x6e: {  	_ =	shalt  }
0x6f: {  	_ =	shalt  }
0x70: {  	_ =	shalt  }
0x71: {  	_ =	shalt  }
0x72: {  	_ =	shalt  }
0x73: {  	_ =	shalt  }
0x74: {  	_ =	shalt  }
0x75: {  	_ =	shalt  }
0x76: {  	_ =	shalt  }
0x77: {  	_ =	shalt  }
0x78: {  	_ =	shalt  }
0x79: {  	_ =	shalt  }
0x7a: {  	_ =	shalt  }
0x7b: {  	_ =	shalt  }
0x7c: {  	_ =	shalt  }
0x7d: {  	_ =	shalt  }
0x7e: {  	_ =	shalt  }
0x7f: {  	_ =	shalt  }
0x80: {  	_ =	shalt  }
0x81: {  	_ =	shalt  }
0x82: {  	_ =	shalt  }
0x83: {  	_ =	shalt  }
0x84: {  	_ =	shalt  }
0x85: {  	_ =	shalt  }
0x86: {  	_ =	shalt  }
0x87: {  	_ =	shalt  }
.Lfunc_end0:
.L_simem_size_0:
called_computation.2_lowered:
.L_overlay_start_0:
0x88: {  	s2 =	sld [smem:$0x3FD9]  }
0x89: {  	s3 =	sld [smem:$0x3FFE];
	_ =	sdelay $0x1  }
0x8a: {  	s1 =	srdreg.scid  }
0x8b: {  	s0 =	sand.u32 $0x1, s1  }
0x8c: {  	s17 =	sshll.u32 s0, $0xA;
	s2 =	sadd.s32 s3, s2  }
0x8d: {  	s2 =	sadd.s32 s2, s17  }
0x8e: {  	[smem:$0x3FB4] =	sst s2  }
0x8f: {  	_ = 	snop  }
0x90: {  	s2 =	sld [smem:$0x3FD0];
	(tm) =	ssettm $0x1  }
0x91: {  	s18 =	sld [smem:$0x3FFB];
	_ =	sdelay $0x3  }
0x92: {  	_ =	strace s18  }
0x93: {  	s3 =	sld [smem:$0x3FFC];
	_ =	sdelay $0x3  }
0x94: {  	_ =	strace s3  }
0x95: {  	s3 =	sld [smem:$0x3FFD];
	_ =	sdelay $0x3  }
0x96: {  	_ =	strace s3  }
0x97: {  	_ =	strace $0x8FFFFFFF  }
0x98: {  	s19 =	sld [smem:$0x3FDB];
	_ =	sdelay $0x1  }
0x99: {  	s4 =	simm.s32 $_scs_section_size  }
0x9a: {  	s5 =	simm.s32 $_size__tile_overlayer_lowered;
	s6 =	simm.s32 $_tile_overlayer_lowered  }
0x9b: {  	s22 =	simm.s32 $0x1BFF;
	s21 =	sshll.u32 s6, $0x1;
	s3 =	sadd.s32 s4, s19  }
0x9c: {  	s7 =	simm.s32 $0x0;
	s20 =	sshll.u32 s5, $0x1;
	s5 =	sadd.s32 s21, s3  }
0x9d: {  	[timem:s7], [sflag:s22] =	dma.local [hbm:s5], s20  }
0x9e: {  	_ =	swait.ge [sflag:s22], s20  }
0x9f: {  	s4 =	ssub.s32 $0x0, s20;
	[sflag:s22] =	ssyncset.done $0x0  }
0xa0: {  	[sflag:s22] =	ssyncadd.s32 s4;
	_ =	sdelay $0x1  }
0xa1: {  	s23 =	simm.s32 $0x1B8B  }
0xa2: {  	_ =	swait.ge [sflag:s23], $0x1  }
0xa3: {  	[sflag:s23] =	ssyncset.done $0x0  }
0xa4: {  	s25 =	simm.s32 $0x1B8E;
	s24 =	sld [smem:$0x3FFE];
	[sflag:s23] =	ssyncadd.s32 $0xFFFFFFFF  }
0xa5: {  	s26 =	simm.s32 $execute0_lowered;
	[smem:$0x3FD2] =	sst s25  }
0xa6: {  	s5 =	sshll.u32 s26, $0x1;
	_ =	strace $0x8000004C;
	[dreg:$0x1] =	wrdreg $0xFFFFFFFF  }
0xa7: {  	s28 =	simm.s32 $_size_execute0_lowered;
	s3 =	sadd.s32 s3, s5;
	[dreg:$0x0] =	wrdreg $0x0  }
0xa8: {  	s5 =	sshll.u32 s28, $0x1;
	[dreg:$0x2] =	wrdreg s3  }
0xa9: {  	[dreg:$0x3] =	wrdreg s5  }
0xaa: {  	[dreg:$0x4] =	wrdreg $0xC0  }
0xab: {  	_ =	task [dreg:s7], $0x5FFFF  }
0xac: {  	[dreg:$0x1] =	wrdreg $0xFFFFFFFF  }
0xad: {  	[dreg:$0x0] =	wrdreg $0x60  }
0xae: {  	[dreg:$0x2] =	wrdreg s24  }
0xaf: {  	[dreg:$0x3] =	wrdreg s2  }
0xb0: {  	[dreg:$0x4] =	wrdreg $0x9  }
0xb1: {  	_ =	task.clear_ibuf [dreg:s7], $0x5FFFF;
	_ =	strace $0x9000004C  }
0xb2: {  	s29 =	simm.s32 $0x9;
	_ =	strace $0x8000004E  }
0xb3: {  	_ =	swait.ge [sflag:s29], $0x1  }
0xb4: {  	[sflag:s29] =	ssyncadd.s32 $0xFFFFFFFF  }
0xb5: {  	_ =	strace $0x9000004E  }
0xb6: {  	_ =	sfence  }
0xb7: {  	s30 =	sld [smem:$0x0];
	_ =	sdelay $0x2  }
0xb8: {  	s31 =	sshll.u32 s1, $0xD;
	s1 =	sshrl.u32 s1, $0x2  }
0xb9: {  	s3 =	sand.u32 $0x4000, s31;
	s1 =	sadd.s32 s1, s30  }
0xba: {  	s0 =	sor.u32 s3, s0;
	s1 =	sshll.u32 s1, $0x11  }
0xbb: {  	s0 =	sor.u32 s1, s0  }
0xbc: {  	s0 =	sadd.s32 $0x8F2B, s0  }
0xbd: {  	[sflag:s0] =	ssyncadd.remote.s32 $0x1  }
0xbe: {  	_ =	sfence.sel $0xFFFF  }
0xbf: {  	[dreg:$0x0] =	wrdreg $0xFFFFFFFF;
	(pc) =	sbr.abs _section_cstart, $3  }
0xc0: {  	[dreg:$0x1] =	wrdreg $0xFFFFFFFF  }
0xc1: {  	_ =	task.clear_ibuf [dreg:s7], $0x2FFFF;
	_ =	strace $0x9FFFFFFF  }
0xc2: {  	(tm) =	ssettm $0x7FFFFFFF  }
0xc3: {  	_ =	shalt  }
tec
execute0_lowered:
.L_overlay_start_1:
0x0: {  	(tag) =	ssettag $0x1  }
0x1: {  	s8 =	rddreg [dreg:$0x0]  }
0x2: {  	s1 =	rddreg [dreg:$0x1]  }
0x3: {  	s0 =	rddreg [dreg:$0x2];
	s2 =	simm.s32 $0x0;
	s3 =	srdreg.scid  }
0x4: {  	s12 =	simm.s32 $0x14000;
	s13 =	simm.s32 $0x14800;
	s14 =	simm.s32 $0x15000  }
0x5: {  	s15 =	simm.s32 $0x157D0;
	s16 =	simm.s32 $0x15FA0;
	s17 =	simm.s32 $0x16770  }
0x6: {  	s18 =	simm.s32 $0x0;
	[smem:$0x7FF] =	sst s2;
	s7 =	sand.u32 $0x1, s3  }
0x7: {  	s4 =	sadd.s32 $0x3C00, s8;
	s3 =	stileid.u32;
	s5 =	sadd.s32 $0x10600, s8  }
0x8: {  	s6 =	sadd.s32 $0x6800, s8;
	s8 =	sadd.s32 $0x5000, s8;
	s9 =	ssub.s32 $0x2, s7  }
0x9: {  	_ =	strace $0x8000004D;
	s11 =	sshll.u32 s3, $0x1;
	s10 =	sshrl.u32 s9, $0x1  }
0xa: {  	s7 =	sor.u32 s7, s11;
	s11 =	simm.s32 $0xA000;
	s9 =	ssub.s32 s9, s10  }
0xb: {  	s7 =	smul.u32 $0x2710, s7;
	s10 =	simm.s32 $0x1;
	s9 =	smax.u32 s9, $0x1  }
.LBB2_1:
0xc: {  	[tilespmem:s2], [sflag:$0x1] =	stream.linear.gather [hbm4b:s4+s2], $0xA000, $0x38;
	[tilespmem:$0x16F80] =	vst v63  }
0xd: {  	_ =	swait.ge [sflag:s10], $0xA000  }
0xe: {  	[sflag:s10] =	ssyncset.done $0x0  }
0xf: {  	[sflag:s10] =	ssyncadd.s32 $0xFFFF6000  }
0x10: {  	[tilespmem:s11], [sflag:$0x1] =	stream.linear.gather [hbm4b:s8+s2], $0xA000, $0x38;
	[tilespmem:$0x16F80] =	vst v63  }
0x11: {  	_ =	swait.ge [sflag:s10], $0xA000  }
0x12: {  	[sflag:s10] =	ssyncset.done $0x0  }
0x13: {  	s19 =	simm.s32 $0x0;
	[sflag:s10] =	ssyncadd.s32 $0xFFFF6000  }
.LBB2_2:
0x14: {  	s20 =	smul.u32 $0x7D0, s19;
	_ =	sdelay $0x1  }
0x15: {  	s20 =	sadd.s32 s7, s20  }
0x16: {  	s20 =	sshrl.u32 s20, $0x3  }
0x17: {  	s22 =	simm.s32 $0x0;
	s21 =	sadd.s32 s5, s20  }
0x18: {  	[tilespmem:s12], [sflag:$0x1] =	stream.linear.gather [hbm4b:s21+s22], $0x7D0, $0x38;
	[tilespmem:$0x16F80] =	vst v63  }
0x19: {  	_ =	swait.ge [sflag:s10], $0x7D0  }
0x1a: {  	[sflag:s10] =	ssyncset.done $0x0  }
0x1b: {  	s31 =	sadd.s32 s6, s20;
	[sflag:s10] =	ssyncadd.s32 $0xFFFFF830  }
0x1c: {  	[tilespmem:s13], [sflag:$0x1] =	stream.linear.gather [hbm4b:s31+s22], $0x7D0, $0x38;
	[tilespmem:$0x16F80] =	vst v63  }
0x1d: {  	_ =	swait.ge [sflag:s10], $0x7D0  }
0x1e: {  	[sflag:s10] =	ssyncset.done $0x0  }
0x1f: {  	s21 =	simm.s32 $0x0;
	[sflag:s10] =	ssyncadd.s32 $0xFFFFF830  }
0x20: {  	v0 =	vld [tilespmem:s21+$0x14800]  }
0x21: {  	v1 =	vld [tilespmem:s21+$0x14000];
	_ =	sdelay $0x3  }
0x22: {  	v2 =	vadd.s32 $0xA000, v0;
	_ =	sdelay $0x3  }
0x23: {  	v3 =	vld.idx.msk [tilespmem:v1+s2+$0x0], $0xffff  }
0x24: {  	v2 =	vld.idx.msk [tilespmem:v2+s2+$0x0], $0xffff;
	_ =	sdelay $0x4  }
0x25: {  	v2 =	vadd.f32 v2, v3;
	_ =	sdelay $0x1  }
0x26: {  	v3 =	vmul.f32 $2.000000030e-01, v2  }
0x27: {  	vm0 =	vge.f32 v2, $0.0e+00  }
0x28: {  	v2 =	vsel vm0, v2, v3  }
0x29: {  	v2 =	vmul.f32 $1.442695020e+00, v2;
	_ =	sdelay $0x1  }
0x2a: {  	(erf) = vpow2.f32 v2;
	_ =	sdelay $0x5  }
0x2b: {  	v2 =	vadd.s32 $0x2800, v1  }
0x2c: {  	v3 =	vadd.s32 $0xC800, v0;
	_ =	sdelay $0x1  }
0x2d: {  	v4 =	vpop (erf)  }
0x2e: {  	[tilespmem:s21+$0x15000] =	vst v4  }
0x2f: {  	v2 =	vld.idx.msk [tilespmem:v2+s2+$0x0], $0xffff  }
0x30: {  	v3 =	vld.idx.msk [tilespmem:v3+s2+$0x0], $0xffff;
	_ =	sdelay $0x4  }
0x31: {  	v2 =	vadd.f32 v3, v2;
	_ =	sdelay $0x1  }
0x32: {  	v3 =	vmul.f32 $2.000000030e-01, v2  }
0x33: {  	vm13 =	vge.f32 v2, $0.0e+00  }
0x34: {  	v2 =	vsel vm13, v2, v3  }
0x35: {  	v2 =	vmul.f32 $1.442695020e+00, v2;
	_ =	sdelay $0x1  }
0x36: {  	(erf) = vpow2.f32 v2;
	_ =	sdelay $0x5  }
0x37: {  	v2 =	vadd.s32 $0x5000, v1  }
0x38: {  	v3 =	vadd.s32 $0xF000, v0;
	_ =	sdelay $0x1  }
0x39: {  	v63 =	vpop (erf)  }
0x3a: {  	[tilespmem:s21+$0x157D0] =	vst v63  }
0x3b: {  	v2 =	vld.idx.msk [tilespmem:v2+s2+$0x0], $0xffff  }
0x3c: {  	v3 =	vld.idx.msk [tilespmem:v3+s2+$0x0], $0xffff;
	_ =	sdelay $0x4  }
0x3d: {  	v2 =	vadd.f32 v3, v2;
	_ =	sdelay $0x1  }
0x3e: {  	v3 =	vmul.f32 $2.000000030e-01, v2  }
0x3f: {  	vm14 =	vge.f32 v2, $0.0e+00  }
0x40: {  	v2 =	vsel vm14, v2, v3  }
0x41: {  	v2 =	vmul.f32 $1.442695020e+00, v2;
	_ =	sdelay $0x1  }
0x42: {  	(erf) = vpow2.f32 v2;
	_ =	sdelay $0x5  }
0x43: {  	v1 =	vadd.s32 $0x7800, v1  }
0x44: {  	v0 =	vadd.s32 $0x11800, v0;
	_ =	sdelay $0x1  }
0x45: {  	v2 =	vpop (erf)  }
0x46: {  	[tilespmem:s21+$0x15FA0] =	vst v2  }
0x47: {  	v1 =	vld.idx.msk [tilespmem:v1+s2+$0x0], $0xffff  }
0x48: {  	v0 =	vld.idx.msk [tilespmem:v0+s2+$0x0], $0xffff;
	_ =	sdelay $0x4  }
0x49: {  	v0 =	vadd.f32 v0, v1;
	_ =	sdelay $0x1  }
0x4a: {  	v1 =	vmul.f32 $2.000000030e-01, v0  }
0x4b: {  	vm15 =	vge.f32 v0, $0.0e+00  }
0x4c: {  	v0 =	vsel vm15, v0, v1  }
0x4d: {  	v1 =	vmul.f32 $1.442695020e+00, v0;
	_ =	sdelay $0x1  }
0x4e: {  	(erf) = vpow2.f32 v1  }
0x4f: {  	s24 =	simm.s32 $0x10  }
0x50: {  	v0 =	vld [tilespmem:s24+$0x14800]  }
0x51: {  	s22 =	simm.s32 $0x80;
	v1 =	vld [tilespmem:s24+$0x14000]  }
.LBB2_3:
0x52: {  	_ =	sdelay $0x2  }
0x53: {  	p0 =	sne.s32 s22, $0x1F00;
	s23 =	smov.u32 s22;
	s22 =	sadd.s32 $0x40, s22;
	v2 =	vadd.s32 $0xA000, v0  }
0x54: {  	_ = 	snop  }
0x55: {  	v3 =	vpop (erf)  }
0x56: {  	[tilespmem:s21+$0x16770] =	vst v3;
	s21 =	smov.u32 s24  }
0x57: {  	v3 =	vld.idx.msk [tilespmem:v1+s2+$0x0], $0xffff  }
0x58: {  	v2 =	vld.idx.msk [tilespmem:v2+s2+$0x0], $0xffff;
	_ =	sdelay $0x5  }
0x59: {  	v2 =	vadd.f32 v2, v3;
	_ =	sdelay $0x1  }
0x5a: {  	v3 =	vmul.f32 $2.000000030e-01, v2  }
0x5b: {  	vm0 =	vge.f32 v2, $0.0e+00  }
0x5c: {  	v2 =	vsel vm0, v2, v3  }
0x5d: {  	v2 =	vmul.f32 $1.442695020e+00, v2;
	_ =	sdelay $0x1  }
0x5e: {  	(erf) = vpow2.f32 v2;
	_ =	sdelay $0x5  }
0x5f: {  	v3 =	vadd.s32 $0xC800, v0;
	v2 =	vadd.s32 $0x2800, v1;
	_ =	sdelay $0x2  }
0x60: {  	v4 =	vpop (erf)  }
0x61: {  	[tilespmem:s21+$0x15000] =	vst v4  }
0x62: {  	v2 =	vld.idx.msk [tilespmem:v2+s2+$0x0], $0xffff  }
0x63: {  	v3 =	vld.idx.msk [tilespmem:v3+s2+$0x0], $0xffff;
	_ =	sdelay $0x5  }
0x64: {  	v2 =	vadd.f32 v3, v2;
	_ =	sdelay $0x1  }
0x65: {  	vm0 =	vge.f32 v2, $0.0e+00;
	v3 =	vmul.f32 $2.000000030e-01, v2;
	_ =	sdelay $0x1  }
0x66: {  	v2 =	vsel vm0, v2, v3  }
0x67: {  	v2 =	vmul.f32 $1.442695020e+00, v2;
	_ =	sdelay $0x1  }
0x68: {  	(erf) = vpow2.f32 v2;
	_ =	sdelay $0x5  }
0x69: {  	v3 =	vadd.s32 $0xF000, v0;
	v2 =	vadd.s32 $0x5000, v1;
	_ =	sdelay $0x2  }
0x6a: {  	v4 =	vpop (erf)  }
0x6b: {  	[tilespmem:s21+$0x157D0] =	vst v4  }
0x6c: {  	v2 =	vld.idx.msk [tilespmem:v2+s2+$0x0], $0xffff  }
0x6d: {  	v3 =	vld.idx.msk [tilespmem:v3+s2+$0x0], $0xffff;
	_ =	sdelay $0x5  }
0x6e: {  	v2 =	vadd.f32 v3, v2;
	_ =	sdelay $0x1  }
0x6f: {  	vm0 =	vge.f32 v2, $0.0e+00;
	v3 =	vmul.f32 $2.000000030e-01, v2;
	_ =	sdelay $0x1  }
0x70: {  	v2 =	vsel vm0, v2, v3  }
0x71: {  	v2 =	vmul.f32 $1.442695020e+00, v2;
	_ =	sdelay $0x1  }
0x72: {  	(erf) = vpow2.f32 v2;
	_ =	sdelay $0x5  }
0x73: {  	v0 =	vadd.s32 $0x11800, v0;
	v1 =	vadd.s32 $0x7800, v1;
	_ =	sdelay $0x2  }
0x74: {  	v2 =	vpop (erf)  }
0x75: {  	[tilespmem:s21+$0x15FA0] =	vst v2  }
0x76: {  	v1 =	vld.idx.msk [tilespmem:v1+s2+$0x0], $0xffff  }
0x77: {  	v0 =	vld.idx.msk [tilespmem:v0+s2+$0x0], $0xffff;
	_ =	sdelay $0x5  }
0x78: {  	v0 =	vadd.f32 v0, v1;
	_ =	sdelay $0x1  }
0x79: {  	vm0 =	vge.f32 v0, $0.0e+00;
	v1 =	vmul.f32 $2.000000030e-01, v0;
	_ =	sdelay $0x1  }
0x7a: {  	v0 =	vsel vm0, v0, v1  }
0x7b: {  	v0 =	vmul.f32 $1.442695020e+00, v0  }
.Ltmp0:
0x7c: {  	(pc) =	sbr.rel @p0 .LBB2_3-.Ltmp0, $4  }
0x7d: {  	(erf) = vpow2.f32 v0  }
0x7e: {  	s24 =	sshra.s32 s23, $0x2  }
0x7f: {  	v0 =	vld [tilespmem:s24+$0x14800]  }
0x80: {  	v1 =	vld [tilespmem:s24+$0x14000]  }
0x81: {  	_ =	sdelay $0x3  }
0x82: {  	v2 =	vadd.s32 $0xA000, v0;
	_ =	sdelay $0x1  }
0x83: {  	v3 =	vpop (erf)  }
0x84: {  	[tilespmem:s21+$0x16770] =	vst v3  }
0x85: {  	v3 =	vld.idx.msk [tilespmem:v1+s2+$0x0], $0xffff  }
0x86: {  	v2 =	vld.idx.msk [tilespmem:v2+s2+$0x0], $0xffff;
	_ =	sdelay $0x4  }
0x87: {  	v2 =	vadd.f32 v2, v3;
	_ =	sdelay $0x1  }
0x88: {  	v3 =	vmul.f32 $2.000000030e-01, v2  }
0x89: {  	vm0 =	vge.f32 v2, $0.0e+00  }
0x8a: {  	v2 =	vsel vm0, v2, v3  }
0x8b: {  	v2 =	vmul.f32 $1.442695020e+00, v2;
	_ =	sdelay $0x1  }
0x8c: {  	(erf) = vpow2.f32 v2;
	_ =	sdelay $0x5  }
0x8d: {  	v57 =	vadd.s32 $0x2800, v1  }
0x8e: {  	v58 =	vadd.s32 $0xC800, v0;
	_ =	sdelay $0x1  }
0x8f: {  	v4 =	vpop (erf)  }
0x90: {  	[tilespmem:s24+$0x15000] =	vst v4  }
0x91: {  	v2 =	vld.idx.msk [tilespmem:v57+s2+$0x0], $0xffff  }
0x92: {  	v3 =	vld.idx.msk [tilespmem:v58+s2+$0x0], $0xffff;
	_ =	sdelay $0x4  }
0x93: {  	v2 =	vadd.f32 v3, v2;
	_ =	sdelay $0x1  }
0x94: {  	v3 =	vmul.f32 $2.000000030e-01, v2  }
0x95: {  	vm13 =	vge.f32 v2, $0.0e+00  }
0x96: {  	v2 =	vsel vm13, v2, v3  }
0x97: {  	v2 =	vmul.f32 $1.442695020e+00, v2;
	_ =	sdelay $0x1  }
0x98: {  	(erf) = vpow2.f32 v2;
	_ =	sdelay $0x5  }
0x99: {  	v59 =	vadd.s32 $0x5000, v1  }
0x9a: {  	v60 =	vadd.s32 $0xF000, v0;
	_ =	sdelay $0x1  }
0x9b: {  	v61 =	vpop (erf)  }
0x9c: {  	[tilespmem:s24+$0x157D0] =	vst v61  }
0x9d: {  	v2 =	vld.idx.msk [tilespmem:v59+s2+$0x0], $0xffff  }
0x9e: {  	v3 =	vld.idx.msk [tilespmem:v60+s2+$0x0], $0xffff;
	_ =	sdelay $0x4  }
0x9f: {  	v2 =	vadd.f32 v3, v2;
	_ =	sdelay $0x1  }
0xa0: {  	v3 =	vmul.f32 $2.000000030e-01, v2  }
0xa1: {  	vm14 =	vge.f32 v2, $0.0e+00  }
0xa2: {  	v2 =	vsel vm14, v2, v3  }
0xa3: {  	v2 =	vmul.f32 $1.442695020e+00, v2;
	_ =	sdelay $0x1  }
0xa4: {  	(erf) = vpow2.f32 v2;
	_ =	sdelay $0x5  }
0xa5: {  	v62 =	vadd.s32 $0x7800, v1  }
0xa6: {  	v63 =	vadd.s32 $0x11800, v0;
	_ =	sdelay $0x1  }
0xa7: {  	v2 =	vpop (erf)  }
0xa8: {  	[tilespmem:s24+$0x15FA0] =	vst v2  }
0xa9: {  	v1 =	vld.idx.msk [tilespmem:v62+s2+$0x0], $0xffff  }
0xaa: {  	v0 =	vld.idx.msk [tilespmem:v63+s2+$0x0], $0xffff;
	_ =	sdelay $0x4  }
0xab: {  	v0 =	vadd.f32 v0, v1;
	_ =	sdelay $0x1  }
0xac: {  	v1 =	vmul.f32 $2.000000030e-01, v0  }
0xad: {  	vm15 =	vge.f32 v0, $0.0e+00  }
0xae: {  	v0 =	vsel vm15, v0, v1  }
0xaf: {  	v0 =	vmul.f32 $1.442695020e+00, v0;
	_ =	sdelay $0x1  }
0xb0: {  	(erf) = vpow2.f32 v0;
	_ =	sdelay $0x8  }
0xb1: {  	v0 =	vpop (erf)  }
0xb2: {  	s20 =	sadd.s32 s1, s20;
	[tilespmem:s24+$0x16770] =	vst v0  }
0xb3: {  	[hbm4b:s20+s2] =	stream.linear.scatter [tilespmem:s14], [sflag:$0x1], $0x7D0, $0x38;
	[tilespmem:$0x16F80] =	vst v63  }
0xb4: {  	_ =	swait.ge [sflag:s10], $0x7D0  }
0xb5: {  	[sflag:s10] =	ssyncset.done $0x0  }
0xb6: {  	s30 =	sadd.s32 $0x9C40, s20;
	[sflag:s10] =	ssyncadd.s32 $0xFFFFF830  }
0xb7: {  	[hbm4b:s30+s2] =	stream.linear.scatter [tilespmem:s15], [sflag:$0x1], $0x7D0, $0x38;
	[tilespmem:$0x16F80] =	vst v63  }
0xb8: {  	_ =	swait.ge [sflag:s10], $0x7D0  }
0xb9: {  	[sflag:s10] =	ssyncset.done $0x0  }
0xba: {  	s31 =	sadd.s32 $0x13880, s20;
	[sflag:s10] =	ssyncadd.s32 $0xFFFFF830  }
0xbb: {  	[hbm4b:s31+s2] =	stream.linear.scatter [tilespmem:s16], [sflag:$0x1], $0x7D0, $0x38;
	[tilespmem:$0x16F80] =	vst v63  }
0xbc: {  	s19 =	sadd.s32 $0x1, s19;
	_ =	swait.ge [sflag:s10], $0x7D0  }
0xbd: {  	p0 =	sne.s32 s19, $0x5;
	[sflag:s10] =	ssyncset.done $0x0  }
.Ltmp1:
0xbe: {  	s20 =	sadd.s32 $0x1D4C0, s20;
	[sflag:s10] =	ssyncadd.s32 $0xFFFFF830;
	(pc) =	sbr.rel @p0 .LBB2_2-.Ltmp1, $4  }
0xbf: {  	[hbm4b:s20+s2] =	stream.linear.scatter [tilespmem:s17], [sflag:$0x1], $0x7D0, $0x38;
	[tilespmem:$0x16F80] =	vst v63  }
0xc0: {  	_ =	swait.ge [sflag:s10], $0x7D0  }
0xc1: {  	[sflag:s10] =	ssyncset.done $0x0  }
0xc2: {  	[sflag:s10] =	ssyncadd.s32 $0xFFFFF830  }
0xc3: {  	s18 =	sadd.s32 $0x1, s18  }
0xc4: {  	p0 =	sne.s32 s18, s9  }
.Ltmp2:
0xc5: {  	_ = 	snop;
	(pc) =	sbr.rel @p0 .LBB2_1-.Ltmp2, $1  }
0xc6: {  	_ =	sdelay $0x3  }
0xc7: {  	_ =	sfence.sel $0x180000  }
0xc8: {  	[bflag:$0x0] =	sbarrier.arrive $0xFFFF  }
0xc9: {  	p0 =	sne.s32 s3, $0x0;
	_ =	strace $0x9000004D  }
0xca: {  	s0 =	sadd.s32 @!p0 $0x100000, s0;
	[bflag:$0x2] =	sbarrier.arrive $0xFFFF  }
0xcb: {  	[sflag:s0] =	ssyncadd.tile.s32 @!p0 $0x1;
	_ =	shalt  }
.Lfunc_end2:
_tile_overlayer_lowered:
.L_overlay_start_2:
0xcc: {  	(tag) =	ssettag $0x2  }
0xcd: {  	s0 =	rddreg [dreg:$0x0];
	s2 =	stileid.u32  }
0xce: {  	s1 =	rddreg [dreg:$0x1];
	p0 =	sne.s32 s2, $0x0  }
0xcf: {  	s3 =	rddreg [dreg:$0x2];
	[bflag:$0x3] =	sbarrier.arrive $0xFFFF;
	s2 =	simm.s32 @!p0 $0x1C01  }
0xd0: {  	[timem:s3], [sflag:s2] =	dma.local @!p0 [hbm:s0], s1  }
0xd1: {  	s0 =	simm.s32 @!p0 $0x1  }
0xd2: {  	_ =	swait.ge @!p0 [sflag:s0], s1  }
0xd3: {  	s1 =	ssub.s32 @!p0 $0x0, s1;
	[sflag:s0] =	ssyncset.done @!p0 $0x0  }
0xd4: {  	[sflag:s0] =	ssyncadd.s32 @!p0 s1  }
0xd5: {  	[bflag:$0x3] =	sbarrier.arrive $0xFFFF  }
0xd6: {  	_ =	shalt  }

// kernel: kernel.23.cloned.1.call-start
scs
__scs_entry_jumppad:
0x0: {  	(pc) =	sbr.rel $0x88, $3  }
0x1: {  	(tag) =	ssettag $0x0;
	lr =	simm.s32 $0x1  }
0x2: {  	[smem:$0x3F8D] =	sst lr;
	_ =	strace $0xD0000000  }
0x3: {  	_ = 	snop  }
0x4: {  	_ = 	snop  }
0x5: {  	_ = 	snop  }
0x6: {  	_ = 	snop  }
0x7: {  	_ = 	snop  }
__scs_overlays_trampoline_lowered:
0x8: {  	[smem:$0x3F9C] =	sst s0  }
0x9: {  	[smem:$0x3F9D] =	sst s1  }
0xa: {  	[smem:$0x3F9E] =	sst s2  }
0xb: {  	[smem:$0x3F9F] =	sst s3  }
0xc: {  	[smem:$0x3FA0] =	sst s4  }
0xd: {  	[smem:$0x3FA1] =	sst s5  }
0xe: {  	[smem:$0x3FA2] =	sst s6  }
0xf: {  	[smem:$0x3FA3] =	sst s7  }
0x10: {  	[smem:$0x3FA4] =	sst s8  }
0x11: {  	[smem:$0x3FA5] =	sst s9;
	s0 =	simm.s32 @!p0 $0x0  }
0x12: {  	s1 =	sld [smem:$0x3F8B];
	s0 =	simm.s32 @p0 $0x1  }
0x13: {  	[smem:$0x3FA6] =	sst s0;
	s0 =	simm.s32 @!p1 $0x0  }
0x14: {  	s2 =	sld [smem:$0x3F8A];
	s0 =	simm.s32 @p1 $0x1  }
0x15: {  	[smem:$0x3FA7] =	sst s0;
	s0 =	simm.s32 @!p2 $0x0  }
0x16: {  	s3 =	sld [smem:$0x3FDB];
	s0 =	simm.s32 @p2 $0x1  }
0x17: {  	s4 =	simm.s32 $0x1BF5;
	[smem:$0x3FA9] =	sst s0  }
0x18: {  	s0 =	sld [smem:$0x3F8C];
	_ =	swait.ge [sflag:s4], $0x0  }
0x19: {  	s7 =	sld [smem:$0x3F8D]  }
0x1a: {  	s8 =	sadd.s32 $0xFFFFE003, lr  }
0x1b: {  	s9 =	sadd.s32 $0xFFFFFEF7, lr;
	s5 =	simm.s32 $0xFFFFFFFF;
	p2 =	slt.u32 s8, $0xFFFFF086  }
0x1c: {  	p1 =	slt.u32 s9, $0xF7A;
	s5 =	simm.s32 @!p2 $0x0  }
0x1d: {  	s5 =	simm.s32 @p1 $0x1;
	p0 =	seq.s32 s7, s2  }
0x1e: {  	s7 =	smul.u32 @!p0 $0xF7A, s2;
	p2 =	seq.s32 @!p0 s5, $0x0  }
0x1f: {  	s9 =	smul.u32 $0xF7A, s1;
	s8 =	simm.s32 @!p0 $0x1BF5;
	p2 =	por !p2, p0  }
0x20: {  	[sflag:s8] =	ssyncset.s32 @!p0 $0xFFFFF086;
	s6 =	sadd.s32 @!p0 s3, s7;
	s7 =	simm.s32 @!p0 $0x108  }
0x21: {  	s3 =	sadd.s32 s3, s9;
	s6 =	sadd.s32 @!p0 $0x88, s6;
	s7 =	simm.s32 @p2 $0x1082  }
0x22: {  	[simem:s7], [sflag:s8] =	dma.local @!p0 [hbm:s6], $0xF7A  }
0x23: {  	s9 =	sor.u32 $0xD0000000, s2;
	s6 =	simm.s32 $0x108;
	_ =	swait.ge @!p0 [sflag:s8], $0x0  }
0x24: {  	s3 =	sadd.s32 $0x88, s3;
	s6 =	simm.s32 @!p1 $0x1082;
	[sflag:s4] =	ssyncset.s32 $0xFFFFF086  }
0x25: {  	[simem:s6], [sflag:s4] =	dma.local [hbm:s3], $0xF7A  }
0x26: {  	[smem:$0x3F8D] =	sst s1;
	(tag) =	ssettag s2;
	_ =	strace s9  }
0x27: {  	s1 =	sld [smem:$0x3F9D]  }
0x28: {  	s2 =	sld [smem:$0x3F9E]  }
0x29: {  	s4 =	sld [smem:$0x3FA0]  }
0x2a: {  	p0 =	seq.s32 s5, $0x0;
	s5 =	sld [smem:$0x3FA1]  }
0x2b: {  	s6 =	sld [smem:$0x3FA2]  }
0x2c: {  	s7 =	sld [smem:$0x3FA3]  }
0x2d: {  	s3 =	simm.s32 $0x108;
	s8 =	sld [smem:$0x3FA4]  }
0x2e: {  	s3 =	simm.s32 @!p0 $0x1082;
	s9 =	sld [smem:$0x3FA5]  }
0x2f: {  	lr =	sadd.s32 s0, s3;
	s0 =	sld [smem:$0x3F9C]  }
0x30: {  	s3 =	sld [smem:$0x3F9F]  }
0x31: {  	[smem:$0x3FA8] =	sst s10  }
0x32: {  	s10 =	sld [smem:$0x3FA6];
	_ =	sdelay $0x3  }
0x33: {  	p0 =	seq.s32 s10, $0x1;
	s10 =	sld [smem:$0x3FA8];
	_ =	sdelay $0x3  }
0x34: {  	[smem:$0x3FA8] =	sst s10  }
0x35: {  	s10 =	sld [smem:$0x3FA7];
	_ =	sdelay $0x3  }
0x36: {  	p1 =	seq.s32 s10, $0x1;
	s10 =	sld [smem:$0x3FA8];
	_ =	sdelay $0x3  }
0x37: {  	[smem:$0x3FA8] =	sst s10  }
0x38: {  	s10 =	sld [smem:$0x3FA9]  }
0x39: {  	_ = 	snop;
	(pc) =	sbr.ind lr, $3  }
0x3a: {  	_ = 	snop  }
0x3b: {  	_ = 	snop  }
0x3c: {  	p2 =	seq.s32 s10, $0x1;
	s10 =	sld [smem:$0x3FA8]  }
0x3d: {  	_ =	shalt  }
0x3e: {  	_ =	shalt  }
0x3f: {  	_ =	shalt  }
0x40: {  	_ =	shalt  }
0x41: {  	_ =	shalt  }
0x42: {  	_ =	shalt  }
0x43: {  	_ =	shalt  }
0x44: {  	_ =	shalt  }
0x45: {  	_ =	shalt  }
0x46: {  	_ =	shalt  }
0x47: {  	_ =	shalt  }
0x48: {  	_ =	shalt  }
0x49: {  	_ =	shalt  }
0x4a: {  	_ =	shalt  }
0x4b: {  	_ =	shalt  }
0x4c: {  	_ =	shalt  }
0x4d: {  	_ =	shalt  }
0x4e: {  	_ =	shalt  }
0x4f: {  	_ =	shalt  }
0x50: {  	_ =	shalt  }
0x51: {  	_ =	shalt  }
0x52: {  	_ =	shalt  }
0x53: {  	_ =	shalt  }
0x54: {  	_ =	shalt  }
0x55: {  	_ =	shalt  }
0x56: {  	_ =	shalt  }
0x57: {  	_ =	shalt  }
0x58: {  	_ =	shalt  }
0x59: {  	_ =	shalt  }
0x5a: {  	_ =	shalt  }
0x5b: {  	_ =	shalt  }
0x5c: {  	_ =	shalt  }
0x5d: {  	_ =	shalt  }
0x5e: {  	_ =	shalt  }
0x5f: {  	_ =	shalt  }
0x60: {  	_ =	shalt  }
0x61: {  	_ =	shalt  }
0x62: {  	_ =	shalt  }
0x63: {  	_ =	shalt  }
0x64: {  	_ =	shalt  }
0x65: {  	_ =	shalt  }
0x66: {  	_ =	shalt  }
0x67: {  	_ =	shalt  }
0x68: {  	_ =	shalt  }
0x69: {  	_ =	shalt  }
0x6a: {  	_ =	shalt  }
0x6b: {  	_ =	shalt  }
0x6c: {  	_ =	shalt  }
0x6d: {  	_ =	shalt  }
0x6e: {  	_ =	shalt  }
0x6f: {  	_ =	shalt  }
0x70: {  	_ =	shalt  }
0x71: {  	_ =	shalt  }
0x72: {  	_ =	shalt  }
0x73: {  	_ =	shalt  }
0x74: {  	_ =	shalt  }
0x75: {  	_ =	shalt  }
0x76: {  	_ =	shalt  }
0x77: {  	_ =	shalt  }
0x78: {  	_ =	shalt  }
0x79: {  	_ =	shalt  }
0x7a: {  	_ =	shalt  }
0x7b: {  	_ =	shalt  }
0x7c: {  	_ =	shalt  }
0x7d: {  	_ =	shalt  }
0x7e: {  	_ =	shalt  }
0x7f: {  	_ =	shalt  }
0x80: {  	_ =	shalt  }
0x81: {  	_ =	shalt  }
0x82: {  	_ =	shalt  }
0x83: {  	_ =	shalt  }
0x84: {  	_ =	shalt  }
0x85: {  	_ =	shalt  }
0x86: {  	_ =	shalt  }
0x87: {  	_ =	shalt  }
.Lfunc_end0:
.L_simem_size_0:
called_computation.3_lowered:
.L_overlay_start_0:
0x88: {  	s2 =	sld [smem:$0x3FD9]  }
0x89: {  	s3 =	sld [smem:$0x3FFE];
	_ =	sdelay $0x1  }
0x8a: {  	s1 =	srdreg.scid  }
0x8b: {  	s0 =	sand.u32 $0x1, s1  }
0x8c: {  	s17 =	sshll.u32 s0, $0xA;
	s2 =	sadd.s32 s3, s2  }
0x8d: {  	s2 =	sadd.s32 s2, s17  }
0x8e: {  	[smem:$0x3FB4] =	sst s2  }
0x8f: {  	_ = 	snop  }
0x90: {  	s2 =	sld [smem:$0x3FD0];
	(tm) =	ssettm $0x1  }
0x91: {  	s18 =	sld [smem:$0x3FFB];
	_ =	sdelay $0x3  }
0x92: {  	_ =	strace s18  }
0x93: {  	s3 =	sld [smem:$0x3FFC];
	_ =	sdelay $0x3  }
0x94: {  	_ =	strace s3  }
0x95: {  	s3 =	sld [smem:$0x3FFD];
	_ =	sdelay $0x3  }
0x96: {  	_ =	strace s3  }
0x97: {  	_ =	strace $0x8FFFFFFF  }
0x98: {  	s19 =	sld [smem:$0x3FDB];
	_ =	sdelay $0x1  }
0x99: {  	s4 =	simm.s32 $_scs_section_size  }
0x9a: {  	s5 =	simm.s32 $_size__tile_overlayer_lowered;
	s6 =	simm.s32 $_tile_overlayer_lowered  }
0x9b: {  	s22 =	simm.s32 $0x1BFF;
	s21 =	sshll.u32 s6, $0x1;
	s3 =	sadd.s32 s4, s19  }
0x9c: {  	s7 =	simm.s32 $0x0;
	s20 =	sshll.u32 s5, $0x1;
	s5 =	sadd.s32 s21, s3  }
0x9d: {  	[timem:s7], [sflag:s22] =	dma.local [hbm:s5], s20  }
0x9e: {  	_ =	swait.ge [sflag:s22], s20  }
0x9f: {  	s4 =	ssub.s32 $0x0, s20;
	[sflag:s22] =	ssyncset.done $0x0  }
0xa0: {  	[sflag:s22] =	ssyncadd.s32 s4;
	_ =	sdelay $0x1  }
0xa1: {  	s23 =	simm.s32 $0x1B8B  }
0xa2: {  	_ =	swait.ge [sflag:s23], $0x1  }
0xa3: {  	[sflag:s23] =	ssyncset.done $0x0  }
0xa4: {  	s25 =	simm.s32 $0x1B8E;
	s24 =	sld [smem:$0x3FFE];
	[sflag:s23] =	ssyncadd.s32 $0xFFFFFFFF  }
0xa5: {  	s26 =	simm.s32 $execute0_lowered;
	[smem:$0x3FD2] =	sst s25  }
0xa6: {  	s5 =	sshll.u32 s26, $0x1;
	_ =	strace $0x8000004F;
	[dreg:$0x1] =	wrdreg $0xFFFFFFFF  }
0xa7: {  	s28 =	simm.s32 $_size_execute0_lowered;
	s3 =	sadd.s32 s3, s5;
	[dreg:$0x0] =	wrdreg $0x0  }
0xa8: {  	s5 =	sshll.u32 s28, $0x1;
	[dreg:$0x2] =	wrdreg s3  }
0xa9: {  	[dreg:$0x3] =	wrdreg s5  }
0xaa: {  	[dreg:$0x4] =	wrdreg $0xC0  }
0xab: {  	_ =	task [dreg:s7], $0x5FFFF  }
0xac: {  	[dreg:$0x1] =	wrdreg $0xFFFFFFFF  }
0xad: {  	[dreg:$0x0] =	wrdreg $0x60  }
0xae: {  	[dreg:$0x2] =	wrdreg s24  }
0xaf: {  	[dreg:$0x3] =	wrdreg s2  }
0xb0: {  	[dreg:$0x4] =	wrdreg $0x9  }
0xb1: {  	_ =	task.clear_ibuf [dreg:s7], $0x5FFFF;
	_ =	strace $0x9000004F  }
0xb2: {  	s29 =	simm.s32 $0x9;
	_ =	strace $0x80000051  }
0xb3: {  	_ =	swait.ge [sflag:s29], $0x1  }
0xb4: {  	[sflag:s29] =	ssyncadd.s32 $0xFFFFFFFF  }
0xb5: {  	_ =	strace $0x90000051  }
0xb6: {  	_ =	sfence  }
0xb7: {  	s30 =	sld [smem:$0x0];
	_ =	sdelay $0x2  }
0xb8: {  	s31 =	sshll.u32 s1, $0xD;
	s1 =	sshrl.u32 s1, $0x2  }
0xb9: {  	s3 =	sand.u32 $0x4000, s31;
	s1 =	sadd.s32 s1, s30  }
0xba: {  	s0 =	sor.u32 s3, s0;
	s1 =	sshll.u32 s1, $0x11  }
0xbb: {  	s0 =	sor.u32 s1, s0  }
0xbc: {  	s0 =	sadd.s32 $0x8F2B, s0  }
0xbd: {  	[sflag:s0] =	ssyncadd.remote.s32 $0x1  }
0xbe: {  	_ =	sfence.sel $0xFFFF  }
0xbf: {  	[dreg:$0x0] =	wrdreg $0xFFFFFFFF;
	(pc) =	sbr.abs _section_cstart, $3  }
0xc0: {  	[dreg:$0x1] =	wrdreg $0xFFFFFFFF  }
0xc1: {  	_ =	task.clear_ibuf [dreg:s7], $0x2FFFF;
	_ =	strace $0x9FFFFFFF  }
0xc2: {  	(tm) =	ssettm $0x7FFFFFFF  }
0xc3: {  	_ =	shalt  }
tec
execute0_lowered:
.L_overlay_start_1:
0x0: {  	(tag) =	ssettag $0x1  }
0x1: {  	s6 =	rddreg [dreg:$0x0]  }
0x2: {  	s2 =	rddreg [dreg:$0x1]  }
0x3: {  	s0 =	rddreg [dreg:$0x2];
	s4 =	srdreg.scid  }
0x4: {  	s1 =	stileid.u32;
	s3 =	simm.s32 $0x0;
	s13 =	simm.s32 $0x18780  }
0x5: {  	s14 =	simm.s32 $0x1A700;
	s16 =	simm.s32 $0x0;
	s5 =	sand.u32 $0x1, s4  }
0x6: {  	s31 =	sshll.u32 s1, $0x1;
	[smem:$0x7FF] =	sst s3;
	s9 =	sshrl.u32 s1, $0x2  }
0x7: {  	s4 =	sadd.s32 $0x10600, s6;
	s7 =	sor.u32 s5, s31;
	_ =	strace $0x80000050  }
0x8: {  	s10 =	smul.u32 $0x500, s9;
	s11 =	ssub.s32 $0x2, s5;
	s5 =	sadd.s32 $0x6800, s6  }
0x9: {  	s8 =	smul.u32 $0x1400, s7;
	s12 =	sshrl.u32 s11, $0x1;
	s15 =	sand.u32 $0x7, s7  }
0xa: {  	s7 =	smul.u32 $0x4E200, s9;
	s10 =	sadd.s32 s10, s6;
	s11 =	ssub.s32 s11, s12  }
0xb: {  	s12 =	simm.s32 $0x16800;
	p0 =	sne.s32 s15, $0x0;
	s15 =	simm.s32 $0xA000  }
0xc: {  	s8 =	sadd.s32 s8, s6;
	s9 =	sadd.s32 $0x3C00, s10;
	s10 =	smax.u32 s11, $0x1  }
0xd: {  	v0 =	vimm.f32 $0.0e+00;
	s11 =	simm.s32 $0x1;
	s6 =	sadd.s32 $0x1A400, s8;
	s8 =	sadd.s32 $0x42400, s8  }
.LBB2_1:
0xe: {  	[tilespmem:s3], [sflag:$0x1] =	stream.linear.gather [hbm4b:s6+s3], $0xA000, $0x38;
	[tilespmem:$0x1C680] =	vst v63  }
0xf: {  	_ =	swait.ge [sflag:s11], $0xA000  }
0x10: {  	[sflag:s11] =	ssyncset.done $0x0  }
0x11: {  	s17 =	simm.s32 $0x40;
	s18 =	simm.s32 $0x0;
	[sflag:s11] =	ssyncadd.s32 $0xFFFF6000  }
.LBB2_2:
0x12: {  	p1 =	sne.s32 s17, $0x27FC0;
	[tilespmem:s18+$0xA000] =	vst v0;
	s18 =	smov.u32 s17;
	s17 =	sadd.s32 $0x40, s17  }
.Ltmp0:
0x13: {  	(pc) =	sbr.rel @p1 .LBB2_2-.Ltmp0, $2  }
0x14: {  	_ =	sdelay $0x2  }
0x15: {  	s18 =	sshra.s32 s18, $0x2  }
0x16: {  	[tilespmem:s18+$0xA000] =	vst v0;
	s17 =	simm.s32 $0x0;
	s18 =	simm.s32 $0x40;
	s19 =	simm.s32 $0x0  }
.LBB2_4:
0x17: {  	p1 =	sne.s32 s18, $0x9FC0;
	[tilespmem:s19+$0x14000] =	vst v0;
	s19 =	smov.u32 s18;
	s18 =	sadd.s32 $0x40, s18  }
.Ltmp1:
0x18: {  	(pc) =	sbr.rel @p1 .LBB2_4-.Ltmp1, $2  }
0x19: {  	_ =	sdelay $0x2  }
0x1a: {  	s19 =	sshra.s32 s19, $0x2  }
0x1b: {  	[tilespmem:s19+$0x14000] =	vst v0  }
.LBB2_6:
0x1c: {  	s19 =	smul.u32 $0x1F40, s17;
	_ =	sdelay $0x1  }
0x1d: {  	s20 =	sshrl.u32 s19, $0x3  }
0x1e: {  	s18 =	simm.s32 $0x0;
	s21 =	sadd.s32 s4, s20  }
0x1f: {  	[tilespmem:s12], [sflag:$0x1] =	stream.linear.gather [hbm4b:s21+s18], $0x1F40, $0x38;
	[tilespmem:$0x1C680] =	vst v63  }
0x20: {  	_ =	swait.ge [sflag:s11], $0x1F40  }
0x21: {  	[sflag:s11] =	ssyncset.done $0x0  }
0x22: {  	s20 =	sadd.s32 s5, s20;
	[sflag:s11] =	ssyncadd.s32 $0xFFFFE0C0  }
0x23: {  	[tilespmem:s13], [sflag:$0x1] =	stream.linear.gather [hbm4b:s20+s18], $0x1F40, $0x38;
	[tilespmem:$0x1C680] =	vst v63  }
0x24: {  	s19 =	sadd.s32 s7, s19;
	_ =	swait.ge [sflag:s11], $0x1F40  }
0x25: {  	s19 =	sshrl.u32 s19, $0x3;
	[sflag:s11] =	ssyncset.done $0x0  }
0x26: {  	s19 =	sadd.s32 s2, s19;
	[sflag:s11] =	ssyncadd.s32 $0xFFFFE0C0  }
0x27: {  	[tilespmem:s14], [sflag:$0x1] =	stream.linear.gather [hbm4b:s19+s18], $0x1F40, $0x38;
	[tilespmem:$0x1C680] =	vst v63  }
0x28: {  	_ =	swait.ge [sflag:s11], $0x1F40  }
0x29: {  	[sflag:s11] =	ssyncset.done $0x0  }
0x2a: {  	[sflag:s11] =	ssyncadd.s32 $0xFFFFE0C0  }
.LBB2_7:
0x2b: {  	s19 =	sshra.s32 s18, $0x2  }
0x2c: {  	v1 =	vld [tilespmem:s19+$0x16800];
	_ =	sdelay $0x5  }
0x2d: {  	v2 =	vld [tilespmem:s19+$0x18780]  }
0x2e: {  	v3 =	vld [tilespmem:s19+$0x1A700]  }
0x2f: {  	v4 =	vld.idx.msk [tilespmem:v1+s3+$0x0], $0xffff;
	_ =	sdelay $0x2  }
0x30: {  	v5 =	vadd.s32 $0x2800, v1;
	_ =	sdelay $0x1  }
0x31: {  	v4 =	vmul.f32 v4, v3;
	_ =	sdelay $0x1  }
0x32: {  	[tilespmem:v2+s15+$0x0] =	vst.idx.add.f32.msk $0xffff, v4  }
0x33: {  	v4 =	vld.idx.msk [tilespmem:v5+s3+$0x0], $0xffff;
	_ =	sdelay $0x1  }
0x34: {  	v46 =	vadd.s32 $0x2800, v2  }
0x35: {  	v6 =	vadd.s32 $0x5000, v1;
	_ =	sdelay $0x1  }
0x36: {  	v4 =	vmul.f32 v4, v3;
	_ =	sdelay $0x1  }
0x37: {  	[tilespmem:v46+s15+$0x0] =	vst.idx.add.f32.msk $0xffff, v4  }
0x38: {  	v4 =	vld.idx.msk [tilespmem:v6+s3+$0x0], $0xffff;
	_ =	sdelay $0x1  }
0x39: {  	v47 =	vadd.s32 $0x5000, v2  }
0x3a: {  	v1 =	vadd.s32 $0x7800, v1;
	_ =	sdelay $0x1  }
0x3b: {  	v4 =	vmul.f32 v4, v3;
	_ =	sdelay $0x1  }
0x3c: {  	[tilespmem:v47+s15+$0x0] =	vst.idx.add.f32.msk $0xffff, v4  }
0x3d: {  	v1 =	vld.idx.msk [tilespmem:v1+s3+$0x0], $0xffff;
	_ =	sdelay $0x1  }
0x3e: {  	v48 =	vadd.s32 $0x7800, v2;
	_ =	sdelay $0x2  }
0x3f: {  	v1 =	vmul.f32 v1, v3;
	_ =	sdelay $0x1  }
0x40: {  	s20 =	simm.s32 @!p0 $0x14000;
	[tilespmem:v48+s15+$0x0] =	vst.idx.add.f32.msk $0xffff, v1  }
0x41: {  	[tilespmem:v2+s20+$0x0] =	vst.idx.add.f32.msk @!p0 $0xffff, v3  }
0x42: {  	v1 =	vld [tilespmem:s19+$0x16810];
	_ =	sdelay $0x5  }
0x43: {  	v2 =	vld [tilespmem:s19+$0x18790]  }
0x44: {  	v3 =	vld [tilespmem:s19+$0x1A710]  }
0x45: {  	v4 =	vld.idx.msk [tilespmem:v1+s3+$0x0], $0xffff;
	_ =	sdelay $0x2  }
0x46: {  	v49 =	vadd.s32 $0x2800, v1;
	_ =	sdelay $0x1  }
0x47: {  	v4 =	vmul.f32 v4, v3;
	_ =	sdelay $0x1  }
0x48: {  	[tilespmem:v2+s15+$0x0] =	vst.idx.add.f32.msk $0xffff, v4  }
0x49: {  	v4 =	vld.idx.msk [tilespmem:v49+s3+$0x0], $0xffff;
	_ =	sdelay $0x1  }
0x4a: {  	v50 =	vadd.s32 $0x2800, v2  }
0x4b: {  	v51 =	vadd.s32 $0x5000, v1;
	_ =	sdelay $0x1  }
0x4c: {  	v4 =	vmul.f32 v4, v3;
	_ =	sdelay $0x1  }
0x4d: {  	[tilespmem:v50+s15+$0x0] =	vst.idx.add.f32.msk $0xffff, v4  }
0x4e: {  	v4 =	vld.idx.msk [tilespmem:v51+s3+$0x0], $0xffff;
	_ =	sdelay $0x1  }
0x4f: {  	v52 =	vadd.s32 $0x5000, v2  }
0x50: {  	v1 =	vadd.s32 $0x7800, v1;
	_ =	sdelay $0x1  }
0x51: {  	v4 =	vmul.f32 v4, v3;
	_ =	sdelay $0x1  }
0x52: {  	[tilespmem:v52+s15+$0x0] =	vst.idx.add.f32.msk $0xffff, v4  }
0x53: {  	v1 =	vld.idx.msk [tilespmem:v1+s3+$0x0], $0xffff;
	_ =	sdelay $0x1  }
0x54: {  	v53 =	vadd.s32 $0x7800, v2;
	_ =	sdelay $0x2  }
0x55: {  	v1 =	vmul.f32 v1, v3;
	_ =	sdelay $0x1  }
0x56: {  	[tilespmem:v53+s15+$0x0] =	vst.idx.add.f32.msk $0xffff, v1  }
0x57: {  	[tilespmem:v2+s20+$0x0] =	vst.idx.add.f32.msk @!p0 $0xffff, v3  }
0x58: {  	v1 =	vld [tilespmem:s19+$0x16820];
	_ =	sdelay $0x5  }
0x59: {  	v2 =	vld [tilespmem:s19+$0x187A0]  }
0x5a: {  	v3 =	vld [tilespmem:s19+$0x1A720]  }
0x5b: {  	v4 =	vld.idx.msk [tilespmem:v1+s3+$0x0], $0xffff;
	_ =	sdelay $0x2  }
0x5c: {  	v54 =	vadd.s32 $0x2800, v1;
	_ =	sdelay $0x1  }
0x5d: {  	v4 =	vmul.f32 v4, v3;
	_ =	sdelay $0x1  }
0x5e: {  	[tilespmem:v2+s15+$0x0] =	vst.idx.add.f32.msk $0xffff, v4  }
0x5f: {  	v4 =	vld.idx.msk [tilespmem:v54+s3+$0x0], $0xffff;
	_ =	sdelay $0x1  }
0x60: {  	v55 =	vadd.s32 $0x2800, v2  }
0x61: {  	v56 =	vadd.s32 $0x5000, v1;
	_ =	sdelay $0x1  }
0x62: {  	v4 =	vmul.f32 v4, v3;
	_ =	sdelay $0x1  }
0x63: {  	[tilespmem:v55+s15+$0x0] =	vst.idx.add.f32.msk $0xffff, v4  }
0x64: {  	v4 =	vld.idx.msk [tilespmem:v56+s3+$0x0], $0xffff;
	_ =	sdelay $0x1  }
0x65: {  	v57 =	vadd.s32 $0x5000, v2  }
0x66: {  	v1 =	vadd.s32 $0x7800, v1;
	_ =	sdelay $0x1  }
0x67: {  	v4 =	vmul.f32 v4, v3;
	_ =	sdelay $0x1  }
0x68: {  	[tilespmem:v57+s15+$0x0] =	vst.idx.add.f32.msk $0xffff, v4  }
0x69: {  	v1 =	vld.idx.msk [tilespmem:v1+s3+$0x0], $0xffff;
	_ =	sdelay $0x1  }
0x6a: {  	v58 =	vadd.s32 $0x7800, v2;
	_ =	sdelay $0x2  }
0x6b: {  	v1 =	vmul.f32 v1, v3;
	_ =	sdelay $0x1  }
0x6c: {  	[tilespmem:v58+s15+$0x0] =	vst.idx.add.f32.msk $0xffff, v1  }
0x6d: {  	[tilespmem:v2+s20+$0x0] =	vst.idx.add.f32.msk @!p0 $0xffff, v3  }
0x6e: {  	v1 =	vld [tilespmem:s19+$0x16830];
	_ =	sdelay $0x5  }
0x6f: {  	v2 =	vld [tilespmem:s19+$0x187B0]  }
0x70: {  	v3 =	vld [tilespmem:s19+$0x1A730]  }
0x71: {  	v4 =	vld.idx.msk [tilespmem:v1+s3+$0x0], $0xffff;
	_ =	sdelay $0x2  }
0x72: {  	v59 =	vadd.s32 $0x2800, v1;
	_ =	sdelay $0x1  }
0x73: {  	v4 =	vmul.f32 v4, v3;
	_ =	sdelay $0x1  }
0x74: {  	[tilespmem:v2+s15+$0x0] =	vst.idx.add.f32.msk $0xffff, v4  }
0x75: {  	v4 =	vld.idx.msk [tilespmem:v59+s3+$0x0], $0xffff;
	_ =	sdelay $0x1  }
0x76: {  	v60 =	vadd.s32 $0x2800, v2  }
0x77: {  	v61 =	vadd.s32 $0x5000, v1;
	_ =	sdelay $0x1  }
0x78: {  	v4 =	vmul.f32 v4, v3;
	_ =	sdelay $0x1  }
0x79: {  	[tilespmem:v60+s15+$0x0] =	vst.idx.add.f32.msk $0xffff, v4  }
0x7a: {  	v4 =	vld.idx.msk [tilespmem:v61+s3+$0x0], $0xffff;
	_ =	sdelay $0x1  }
0x7b: {  	v62 =	vadd.s32 $0x5000, v2  }
0x7c: {  	v1 =	vadd.s32 $0x7800, v1;
	_ =	sdelay $0x1  }
0x7d: {  	v4 =	vmul.f32 v4, v3;
	_ =	sdelay $0x1  }
0x7e: {  	[tilespmem:v62+s15+$0x0] =	vst.idx.add.f32.msk $0xffff, v4  }
0x7f: {  	v1 =	vld.idx.msk [tilespmem:v1+s3+$0x0], $0xffff;
	_ =	sdelay $0x1  }
0x80: {  	s18 =	sadd.s32 $0x100, s18;
	v63 =	vadd.s32 $0x7800, v2  }
0x81: {  	p1 =	sne.s32 s18, $0x7D00  }
.Ltmp2:
0x82: {  	_ = 	snop;
	(pc) =	sbr.rel @p1 .LBB2_7-.Ltmp2, $3  }
0x83: {  	v1 =	vmul.f32 v1, v3;
	_ =	sdelay $0x1  }
0x84: {  	[tilespmem:v63+s15+$0x0] =	vst.idx.add.f32.msk $0xffff, v1  }
0x85: {  	[tilespmem:v2+s20+$0x0] =	vst.idx.add.f32.msk @!p0 $0xffff, v3  }
0x86: {  	s17 =	sadd.s32 $0x1, s17  }
0x87: {  	p1 =	sne.s32 s17, $0x28  }
.Ltmp3:
0x88: {  	_ = 	snop;
	(pc) =	sbr.rel @p1 .LBB2_6-.Ltmp3, $1  }
0x89: {  	_ =	sdelay $0x3  }
0x8a: {  	[hbm4b:s8+s3] =	stream.linear.scatter [tilespmem:s15], [sflag:$0x1], $0xA000, $0x38;
	[tilespmem:$0x1C680] =	vst v63  }
0x8b: {  	_ =	swait.ge [sflag:s11], $0xA000  }
0x8c: {  	s17 =	simm.s32 @!p0 $0x0;
	s16 =	sadd.s32 $0x1, s16;
	[sflag:s11] =	ssyncset.done $0x0  }
0x8d: {  	s18 =	simm.s32 @!p0 $0x14000;
	p1 =	sne.s32 s16, s10;
	[sflag:s11] =	ssyncadd.s32 $0xFFFF6000  }
0x8e: {  	[hbm4b:s9+s17] =	stream.linear.scatter @!p0 [tilespmem:s18], [sflag:$0x1], $0x2800, $0x38;
	[tilespmem:$0x1C680] =	vst v63  }
.Ltmp4:
0x8f: {  	_ = 	snop;
	(pc) =	sbr.rel @p1 .LBB2_1-.Ltmp4, $4  }
0x90: {  	s17 =	simm.s32 @!p0 $0x1  }
0x91: {  	_ =	swait.ge @!p0 [sflag:s17], $0x2800  }
0x92: {  	[sflag:s17] =	ssyncset.done @!p0 $0x0  }
0x93: {  	[sflag:s17] =	ssyncadd.s32 @!p0 $0xFFFFD800  }
0x94: {  	_ =	sfence.sel $0x180000  }
0x95: {  	[bflag:$0x0] =	sbarrier.arrive $0xFFFF  }
0x96: {  	p0 =	sne.s32 s1, $0x0;
	_ =	strace $0x90000050  }
0x97: {  	s0 =	sadd.s32 @!p0 $0x100000, s0;
	[bflag:$0x2] =	sbarrier.arrive $0xFFFF  }
0x98: {  	[sflag:s0] =	ssyncadd.tile.s32 @!p0 $0x1;
	_ =	shalt  }
.Lfunc_end2:
_tile_overlayer_lowered:
.L_overlay_start_2:
0x99: {  	(tag) =	ssettag $0x2  }
0x9a: {  	s0 =	rddreg [dreg:$0x0];
	s2 =	stileid.u32  }
0x9b: {  	s1 =	rddreg [dreg:$0x1];
	p0 =	sne.s32 s2, $0x0  }
0x9c: {  	s3 =	rddreg [dreg:$0x2];
	[bflag:$0x3] =	sbarrier.arrive $0xFFFF;
	s2 =	simm.s32 @!p0 $0x1C01  }
0x9d: {  	[timem:s3], [sflag:s2] =	dma.local @!p0 [hbm:s0], s1  }
0x9e: {  	s0 =	simm.s32 @!p0 $0x1  }
0x9f: {  	_ =	swait.ge @!p0 [sflag:s0], s1  }
0xa0: {  	s1 =	ssub.s32 @!p0 $0x0, s1;
	[sflag:s0] =	ssyncset.done @!p0 $0x0  }
0xa1: {  	[sflag:s0] =	ssyncadd.s32 @!p0 s1  }
0xa2: {  	[bflag:$0x3] =	sbarrier.arrive $0xFFFF  }
0xa3: {  	_ =	shalt  }

// kernel: kernel.26.cloned.1.call-start
scs
__scs_entry_jumppad:
0x0: {  	(pc) =	sbr.rel $0x88, $3  }
0x1: {  	(tag) =	ssettag $0x0;
	lr =	simm.s32 $0x1  }
0x2: {  	[smem:$0x3F8D] =	sst lr;
	_ =	strace $0xD0000000  }
0x3: {  	_ = 	snop  }
0x4: {  	_ = 	snop  }
0x5: {  	_ = 	snop  }
0x6: {  	_ = 	snop  }
0x7: {  	_ = 	snop  }
__scs_overlays_trampoline_lowered:
0x8: {  	[smem:$0x3F9C] =	sst s0  }
0x9: {  	[smem:$0x3F9D] =	sst s1  }
0xa: {  	[smem:$0x3F9E] =	sst s2  }
0xb: {  	[smem:$0x3F9F] =	sst s3  }
0xc: {  	[smem:$0x3FA0] =	sst s4  }
0xd: {  	[smem:$0x3FA1] =	sst s5  }
0xe: {  	[smem:$0x3FA2] =	sst s6  }
0xf: {  	[smem:$0x3FA3] =	sst s7  }
0x10: {  	[smem:$0x3FA4] =	sst s8  }
0x11: {  	[smem:$0x3FA5] =	sst s9;
	s0 =	simm.s32 @!p0 $0x0  }
0x12: {  	s1 =	sld [smem:$0x3F8B];
	s0 =	simm.s32 @p0 $0x1  }
0x13: {  	[smem:$0x3FA6] =	sst s0;
	s0 =	simm.s32 @!p1 $0x0  }
0x14: {  	s2 =	sld [smem:$0x3F8A];
	s0 =	simm.s32 @p1 $0x1  }
0x15: {  	[smem:$0x3FA7] =	sst s0;
	s0 =	simm.s32 @!p2 $0x0  }
0x16: {  	s3 =	sld [smem:$0x3FDB];
	s0 =	simm.s32 @p2 $0x1  }
0x17: {  	s4 =	simm.s32 $0x1BF5;
	[smem:$0x3FA9] =	sst s0  }
0x18: {  	s0 =	sld [smem:$0x3F8C];
	_ =	swait.ge [sflag:s4], $0x0  }
0x19: {  	s7 =	sld [smem:$0x3F8D]  }
0x1a: {  	s8 =	sadd.s32 $0xFFFFE003, lr  }
0x1b: {  	s9 =	sadd.s32 $0xFFFFFEF7, lr;
	s5 =	simm.s32 $0xFFFFFFFF;
	p2 =	slt.u32 s8, $0xFFFFF086  }
0x1c: {  	p1 =	slt.u32 s9, $0xF7A;
	s5 =	simm.s32 @!p2 $0x0  }
0x1d: {  	s5 =	simm.s32 @p1 $0x1;
	p0 =	seq.s32 s7, s2  }
0x1e: {  	s7 =	smul.u32 @!p0 $0xF7A, s2;
	p2 =	seq.s32 @!p0 s5, $0x0  }
0x1f: {  	s9 =	smul.u32 $0xF7A, s1;
	s8 =	simm.s32 @!p0 $0x1BF5;
	p2 =	por !p2, p0  }
0x20: {  	[sflag:s8] =	ssyncset.s32 @!p0 $0xFFFFF086;
	s6 =	sadd.s32 @!p0 s3, s7;
	s7 =	simm.s32 @!p0 $0x108  }
0x21: {  	s3 =	sadd.s32 s3, s9;
	s6 =	sadd.s32 @!p0 $0x88, s6;
	s7 =	simm.s32 @p2 $0x1082  }
0x22: {  	[simem:s7], [sflag:s8] =	dma.local @!p0 [hbm:s6], $0xF7A  }
0x23: {  	s9 =	sor.u32 $0xD0000000, s2;
	s6 =	simm.s32 $0x108;
	_ =	swait.ge @!p0 [sflag:s8], $0x0  }
0x24: {  	s3 =	sadd.s32 $0x88, s3;
	s6 =	simm.s32 @!p1 $0x1082;
	[sflag:s4] =	ssyncset.s32 $0xFFFFF086  }
0x25: {  	[simem:s6], [sflag:s4] =	dma.local [hbm:s3], $0xF7A  }
0x26: {  	[smem:$0x3F8D] =	sst s1;
	(tag) =	ssettag s2;
	_ =	strace s9  }
0x27: {  	s1 =	sld [smem:$0x3F9D]  }
0x28: {  	s2 =	sld [smem:$0x3F9E]  }
0x29: {  	s4 =	sld [smem:$0x3FA0]  }
0x2a: {  	p0 =	seq.s32 s5, $0x0;
	s5 =	sld [smem:$0x3FA1]  }
0x2b: {  	s6 =	sld [smem:$0x3FA2]  }
0x2c: {  	s7 =	sld [smem:$0x3FA3]  }
0x2d: {  	s3 =	simm.s32 $0x108;
	s8 =	sld [smem:$0x3FA4]  }
0x2e: {  	s3 =	simm.s32 @!p0 $0x1082;
	s9 =	sld [smem:$0x3FA5]  }
0x2f: {  	lr =	sadd.s32 s0, s3;
	s0 =	sld [smem:$0x3F9C]  }
0x30: {  	s3 =	sld [smem:$0x3F9F]  }
0x31: {  	[smem:$0x3FA8] =	sst s10  }
0x32: {  	s10 =	sld [smem:$0x3FA6];
	_ =	sdelay $0x3  }
0x33: {  	p0 =	seq.s32 s10, $0x1;
	s10 =	sld [smem:$0x3FA8];
	_ =	sdelay $0x3  }
0x34: {  	[smem:$0x3FA8] =	sst s10  }
0x35: {  	s10 =	sld [smem:$0x3FA7];
	_ =	sdelay $0x3  }
0x36: {  	p1 =	seq.s32 s10, $0x1;
	s10 =	sld [smem:$0x3FA8];
	_ =	sdelay $0x3  }
0x37: {  	[smem:$0x3FA8] =	sst s10  }
0x38: {  	s10 =	sld [smem:$0x3FA9]  }
0x39: {  	_ = 	snop;
	(pc) =	sbr.ind lr, $3  }
0x3a: {  	_ = 	snop  }
0x3b: {  	_ = 	snop  }
0x3c: {  	p2 =	seq.s32 s10, $0x1;
	s10 =	sld [smem:$0x3FA8]  }
0x3d: {  	_ =	shalt  }
0x3e: {  	_ =	shalt  }
0x3f: {  	_ =	shalt  }
0x40: {  	_ =	shalt  }
0x41: {  	_ =	shalt  }
0x42: {  	_ =	shalt  }
0x43: {  	_ =	shalt  }
0x44: {  	_ =	shalt  }
0x45: {  	_ =	shalt  }
0x46: {  	_ =	shalt  }
0x47: {  	_ =	shalt  }
0x48: {  	_ =	shalt  }
0x49: {  	_ =	shalt  }
0x4a: {  	_ =	shalt  }
0x4b: {  	_ =	shalt  }
0x4c: {  	_ =	shalt  }
0x4d: {  	_ =	shalt  }
0x4e: {  	_ =	shalt  }
0x4f: {  	_ =	shalt  }
0x50: {  	_ =	shalt  }
0x51: {  	_ =	shalt  }
0x52: {  	_ =	shalt  }
0x53: {  	_ =	shalt  }
0x54: {  	_ =	shalt  }
0x55: {  	_ =	shalt  }
0x56: {  	_ =	shalt  }
0x57: {  	_ =	shalt  }
0x58: {  	_ =	shalt  }
0x59: {  	_ =	shalt  }
0x5a: {  	_ =	shalt  }
0x5b: {  	_ =	shalt  }
0x5c: {  	_ =	shalt  }
0x5d: {  	_ =	shalt  }
0x5e: {  	_ =	shalt  }
0x5f: {  	_ =	shalt  }
0x60: {  	_ =	shalt  }
0x61: {  	_ =	shalt  }
0x62: {  	_ =	shalt  }
0x63: {  	_ =	shalt  }
0x64: {  	_ =	shalt  }
0x65: {  	_ =	shalt  }
0x66: {  	_ =	shalt  }
0x67: {  	_ =	shalt  }
0x68: {  	_ =	shalt  }
0x69: {  	_ =	shalt  }
0x6a: {  	_ =	shalt  }
0x6b: {  	_ =	shalt  }
0x6c: {  	_ =	shalt  }
0x6d: {  	_ =	shalt  }
0x6e: {  	_ =	shalt  }
0x6f: {  	_ =	shalt  }
0x70: {  	_ =	shalt  }
0x71: {  	_ =	shalt  }
0x72: {  	_ =	shalt  }
0x73: {  	_ =	shalt  }
0x74: {  	_ =	shalt  }
0x75: {  	_ =	shalt  }
0x76: {  	_ =	shalt  }
0x77: {  	_ =	shalt  }
0x78: {  	_ =	shalt  }
0x79: {  	_ =	shalt  }
0x7a: {  	_ =	shalt  }
0x7b: {  	_ =	shalt  }
0x7c: {  	_ =	shalt  }
0x7d: {  	_ =	shalt  }
0x7e: {  	_ =	shalt  }
0x7f: {  	_ =	shalt  }
0x80: {  	_ =	shalt  }
0x81: {  	_ =	shalt  }
0x82: {  	_ =	shalt  }
0x83: {  	_ =	shalt  }
0x84: {  	_ =	shalt  }
0x85: {  	_ =	shalt  }
0x86: {  	_ =	shalt  }
0x87: {  	_ =	shalt  }
.Lfunc_end0:
.L_simem_size_0:
called_computation.4_lowered:
.L_overlay_start_0:
0x88: {  	s2 =	sld [smem:$0x3FD9]  }
0x89: {  	s3 =	sld [smem:$0x3FFE];
	_ =	sdelay $0x1  }
0x8a: {  	s1 =	srdreg.scid  }
0x8b: {  	s0 =	sand.u32 $0x1, s1  }
0x8c: {  	s17 =	sshll.u32 s0, $0xA;
	s2 =	sadd.s32 s3, s2  }
0x8d: {  	s2 =	sadd.s32 s2, s17  }
0x8e: {  	[smem:$0x3FB4] =	sst s2  }
0x8f: {  	_ = 	snop  }
0x90: {  	s2 =	sld [smem:$0x3FD0];
	(tm) =	ssettm $0x1  }
0x91: {  	s18 =	sld [smem:$0x3FFB];
	_ =	sdelay $0x3  }
0x92: {  	_ =	strace s18  }
0x93: {  	s3 =	sld [smem:$0x3FFC];
	_ =	sdelay $0x3  }
0x94: {  	_ =	strace s3  }
0x95: {  	s3 =	sld [smem:$0x3FFD];
	_ =	sdelay $0x3  }
0x96: {  	_ =	strace s3  }
0x97: {  	_ =	strace $0x8FFFFFFF  }
0x98: {  	s19 =	sld [smem:$0x3FDB];
	_ =	sdelay $0x1  }
0x99: {  	s4 =	simm.s32 $_scs_section_size  }
0x9a: {  	s5 =	simm.s32 $_size__tile_overlayer_lowered;
	s6 =	simm.s32 $_tile_overlayer_lowered  }
0x9b: {  	s22 =	simm.s32 $0x1BFF;
	s21 =	sshll.u32 s6, $0x1;
	s3 =	sadd.s32 s4, s19  }
0x9c: {  	s7 =	simm.s32 $0x0;
	s20 =	sshll.u32 s5, $0x1;
	s5 =	sadd.s32 s21, s3  }
0x9d: {  	[timem:s7], [sflag:s22] =	dma.local [hbm:s5], s20  }
0x9e: {  	_ =	swait.ge [sflag:s22], s20  }
0x9f: {  	s4 =	ssub.s32 $0x0, s20;
	[sflag:s22] =	ssyncset.done $0x0  }
0xa0: {  	[sflag:s22] =	ssyncadd.s32 s4;
	_ =	sdelay $0x1  }
0xa1: {  	s23 =	simm.s32 $0x1B8B  }
0xa2: {  	_ =	swait.ge [sflag:s23], $0x1  }
0xa3: {  	[sflag:s23] =	ssyncset.done $0x0  }
0xa4: {  	s25 =	simm.s32 $0x1B8E;
	s24 =	sld [smem:$0x3FFE];
	[sflag:s23] =	ssyncadd.s32 $0xFFFFFFFF  }
0xa5: {  	s26 =	simm.s32 $execute0_lowered;
	[smem:$0x3FD2] =	sst s25  }
0xa6: {  	s5 =	sshll.u32 s26, $0x1;
	_ =	strace $0x80000052;
	[dreg:$0x1] =	wrdreg $0xFFFFFFFF  }
0xa7: {  	s28 =	simm.s32 $_size_execute0_lowered;
	s3 =	sadd.s32 s3, s5;
	[dreg:$0x0] =	wrdreg $0x0  }
0xa8: {  	s5 =	sshll.u32 s28, $0x1;
	[dreg:$0x2] =	wrdreg s3  }
0xa9: {  	[dreg:$0x3] =	wrdreg s5  }
0xaa: {  	[dreg:$0x4] =	wrdreg $0xC0  }
0xab: {  	_ =	task [dreg:s7], $0x5FFFF  }
0xac: {  	[dreg:$0x1] =	wrdreg $0xFFFFFFFF  }
0xad: {  	[dreg:$0x0] =	wrdreg $0x60  }
0xae: {  	[dreg:$0x2] =	wrdreg s24  }
0xaf: {  	[dreg:$0x3] =	wrdreg s2  }
0xb0: {  	[dreg:$0x4] =	wrdreg $0x9  }
0xb1: {  	_ =	task.clear_ibuf [dreg:s7], $0x5FFFF;
	_ =	strace $0x90000052  }
0xb2: {  	s29 =	simm.s32 $0x9;
	_ =	strace $0x80000054  }
0xb3: {  	_ =	swait.ge [sflag:s29], $0x1  }
0xb4: {  	[sflag:s29] =	ssyncadd.s32 $0xFFFFFFFF  }
0xb5: {  	_ =	strace $0x90000054  }
0xb6: {  	_ =	sfence  }
0xb7: {  	s30 =	sld [smem:$0x0];
	_ =	sdelay $0x2  }
0xb8: {  	s31 =	sshll.u32 s1, $0xD;
	s1 =	sshrl.u32 s1, $0x2  }
0xb9: {  	s3 =	sand.u32 $0x4000, s31;
	s1 =	sadd.s32 s1, s30  }
0xba: {  	s0 =	sor.u32 s3, s0;
	s1 =	sshll.u32 s1, $0x11  }
0xbb: {  	s0 =	sor.u32 s1, s0  }
0xbc: {  	s0 =	sadd.s32 $0x8F2B, s0  }
0xbd: {  	[sflag:s0] =	ssyncadd.remote.s32 $0x1  }
0xbe: {  	_ =	sfence.sel $0xFFFF  }
0xbf: {  	[dreg:$0x0] =	wrdreg $0xFFFFFFFF;
	(pc) =	sbr.abs _section_cstart, $3  }
0xc0: {  	[dreg:$0x1] =	wrdreg $0xFFFFFFFF  }
0xc1: {  	_ =	task.clear_ibuf [dreg:s7], $0x2FFFF;
	_ =	strace $0x9FFFFFFF  }
0xc2: {  	(tm) =	ssettm $0x7FFFFFFF  }
0xc3: {  	_ =	shalt  }
tec
execute0_lowered:
.L_overlay_start_1:
0x0: {  	(tag) =	ssettag $0x1  }
0x1: {  	s8 =	rddreg [dreg:$0x0]  }
0x2: {  	s1 =	rddreg [dreg:$0x1]  }
0x3: {  	s0 =	rddreg [dreg:$0x2];
	s2 =	simm.s32 $0x0;
	s3 =	srdreg.scid  }
0x4: {  	s12 =	simm.s32 $0x5000;
	s13 =	simm.s32 $0x5800;
	s14 =	simm.s32 $0x6000  }
0x5: {  	s15 =	simm.s32 $0x0;
	[smem:$0x7FF] =	sst s2;
	s7 =	sand.u32 $0x1, s3  }
0x6: {  	s4 =	sadd.s32 $0x3C00, s8;
	s3 =	stileid.u32;
	s5 =	sadd.s32 $0x10600, s8  }
0x7: {  	s6 =	sadd.s32 $0x6800, s8;
	s8 =	sadd.s32 $0x5000, s8;
	s9 =	ssub.s32 $0x2, s7  }
0x8: {  	_ =	strace $0x80000053;
	s11 =	sshll.u32 s3, $0x1;
	s10 =	sshrl.u32 s9, $0x1  }
0x9: {  	s7 =	sor.u32 s7, s11;
	s11 =	simm.s32 $0x2800;
	s9 =	ssub.s32 s9, s10  }
0xa: {  	s7 =	smul.u32 $0x2710, s7;
	s10 =	simm.s32 $0x1;
	s9 =	smax.u32 s9, $0x1  }
.LBB2_1:
0xb: {  	[tilespmem:s2], [sflag:$0x1] =	stream.linear.gather [hbm4b:s4+s2], $0x2800, $0x38;
	[tilespmem:$0x6800] =	vst v63  }
0xc: {  	_ =	swait.ge [sflag:s10], $0x2800  }
0xd: {  	[sflag:s10] =	ssyncset.done $0x0  }
0xe: {  	[sflag:s10] =	ssyncadd.s32 $0xFFFFD800  }
0xf: {  	[tilespmem:s11], [sflag:$0x1] =	stream.linear.gather [hbm4b:s8+s2], $0x2800, $0x38;
	[tilespmem:$0x6800] =	vst v63  }
0x10: {  	_ =	swait.ge [sflag:s10], $0x2800  }
0x11: {  	[sflag:s10] =	ssyncset.done $0x0  }
0x12: {  	s16 =	simm.s32 $0x0;
	[sflag:s10] =	ssyncadd.s32 $0xFFFFD800  }
.LBB2_2:
0x13: {  	s17 =	smul.u32 $0x7D0, s16;
	_ =	sdelay $0x1  }
0x14: {  	s17 =	sadd.s32 s7, s17  }
0x15: {  	s17 =	sshrl.u32 s17, $0x3  }
0x16: {  	s19 =	simm.s32 $0x0;
	s18 =	sadd.s32 s5, s17  }
0x17: {  	[tilespmem:s12], [sflag:$0x1] =	stream.linear.gather [hbm4b:s18+s19], $0x7D0, $0x38;
	[tilespmem:$0x6800] =	vst v63  }
0x18: {  	_ =	swait.ge [sflag:s10], $0x7D0  }
0x19: {  	[sflag:s10] =	ssyncset.done $0x0  }
0x1a: {  	s31 =	sadd.s32 s6, s17;
	[sflag:s10] =	ssyncadd.s32 $0xFFFFF830  }
0x1b: {  	[tilespmem:s13], [sflag:$0x1] =	stream.linear.gather [hbm4b:s31+s19], $0x7D0, $0x38;
	[tilespmem:$0x6800] =	vst v63  }
0x1c: {  	_ =	swait.ge [sflag:s10], $0x7D0  }
0x1d: {  	[sflag:s10] =	ssyncset.done $0x0  }
0x1e: {  	s18 =	simm.s32 $0x0;
	[sflag:s10] =	ssyncadd.s32 $0xFFFFF830  }
0x1f: {  	v0 =	vld [tilespmem:s18+$0x5800]  }
0x20: {  	v1 =	vld [tilespmem:s18+$0x5000];
	_ =	sdelay $0x3  }
0x21: {  	v0 =	vadd.s32 $0x2800, v0;
	_ =	sdelay $0x3  }
0x22: {  	v1 =	vld.idx.msk [tilespmem:v1+s2+$0x0], $0xffff  }
0x23: {  	v0 =	vld.idx.msk [tilespmem:v0+s2+$0x0], $0xffff;
	_ =	sdelay $0x4  }
0x24: {  	v0 =	vadd.f32 v0, v1;
	_ =	sdelay $0x1  }
0x25: {  	v1 =	vmul.f32 $2.000000030e-01, v0  }
0x26: {  	vm0 =	vge.f32 v0, $0.0e+00  }
0x27: {  	v0 =	vsel vm0, v0, v1  }
0x28: {  	v0 =	vmul.f32 $1.442695020e+00, v0;
	_ =	sdelay $0x1  }
0x29: {  	s20 =	simm.s32 $0x10;
	(erf) = vpow2.f32 v0  }
0x2a: {  	s19 =	simm.s32 $0x80;
	v0 =	vld [tilespmem:s20+$0x5800]  }
.LBB2_3:
0x2b: {  	p0 =	sne.s32 s19, $0x1F00;
	_ =	sdelay $0x1  }
0x2c: {  	v1 =	vld [tilespmem:s20+$0x5000];
	_ =	sdelay $0x1  }
0x2d: {  	v0 =	vadd.s32 $0x2800, v0;
	_ =	sdelay $0x2  }
0x2e: {  	v2 =	vpop (erf)  }
0x2f: {  	[tilespmem:s18+$0x6000] =	vst v2;
	s18 =	smov.u32 s20  }
0x30: {  	v0 =	vld.idx.msk [tilespmem:v0+s2+$0x0], $0xffff  }
0x31: {  	v1 =	vld.idx.msk [tilespmem:v1+s2+$0x0], $0xffff;
	_ =	sdelay $0x5  }
0x32: {  	v0 =	vadd.f32 v0, v1;
	_ =	sdelay $0x1  }
0x33: {  	v1 =	vmul.f32 $2.000000030e-01, v0  }
0x34: {  	vm0 =	vge.f32 v0, $0.0e+00  }
.Ltmp0:
0x35: {  	v0 =	vsel vm0, v0, v1;
	(pc) =	sbr.rel @p0 .LBB2_3-.Ltmp0, $3  }
0x36: {  	v0 =	vmul.f32 $1.442695020e+00, v0;
	_ =	sdelay $0x1  }
0x37: {  	s20 =	sshra.s32 s19, $0x2;
	(erf) = vpow2.f32 v0  }
0x38: {  	s19 =	sadd.s32 $0x40, s19;
	v0 =	vld [tilespmem:s20+$0x5800]  }
0x39: {  	_ =	sdelay $0x1  }
0x3a: {  	v1 =	vld [tilespmem:s20+$0x5000];
	_ =	sdelay $0x1  }
0x3b: {  	v0 =	vadd.s32 $0x2800, v0;
	_ =	sdelay $0x2  }
0x3c: {  	v2 =	vpop (erf)  }
0x3d: {  	[tilespmem:s18+$0x6000] =	vst v2  }
0x3e: {  	v0 =	vld.idx.msk [tilespmem:v0+s2+$0x0], $0xffff  }
0x3f: {  	v1 =	vld.idx.msk [tilespmem:v1+s2+$0x0], $0xffff;
	_ =	sdelay $0x4  }
0x40: {  	v0 =	vadd.f32 v0, v1;
	_ =	sdelay $0x1  }
0x41: {  	v1 =	vmul.f32 $2.000000030e-01, v0  }
0x42: {  	vm0 =	vge.f32 v0, $0.0e+00  }
0x43: {  	v0 =	vsel vm0, v0, v1  }
0x44: {  	v0 =	vmul.f32 $1.442695020e+00, v0;
	_ =	sdelay $0x1  }
0x45: {  	(erf) = vpow2.f32 v0;
	_ =	sdelay $0x7  }
0x46: {  	s16 =	sadd.s32 $0x1, s16  }
0x47: {  	p0 =	sne.s32 s16, $0x5;
	v0 =	vpop (erf)  }
.Ltmp1:
0x48: {  	s17 =	sadd.s32 s1, s17;
	[tilespmem:s20+$0x6000] =	vst v0;
	(pc) =	sbr.rel @p0 .LBB2_2-.Ltmp1, $4  }
0x49: {  	[hbm4b:s17+s2] =	stream.linear.scatter [tilespmem:s14], [sflag:$0x1], $0x7D0, $0x38;
	[tilespmem:$0x6800] =	vst v63  }
0x4a: {  	_ =	swait.ge [sflag:s10], $0x7D0  }
0x4b: {  	[sflag:s10] =	ssyncset.done $0x0  }
0x4c: {  	[sflag:s10] =	ssyncadd.s32 $0xFFFFF830  }
0x4d: {  	s15 =	sadd.s32 $0x1, s15  }
0x4e: {  	p0 =	sne.s32 s15, s9  }
.Ltmp2:
0x4f: {  	_ = 	snop;
	(pc) =	sbr.rel @p0 .LBB2_1-.Ltmp2, $1  }
0x50: {  	_ =	sdelay $0x3  }
0x51: {  	_ =	sfence.sel $0x180000  }
0x52: {  	[bflag:$0x0] =	sbarrier.arrive $0xFFFF  }
0x53: {  	p0 =	sne.s32 s3, $0x0;
	_ =	strace $0x90000053  }
0x54: {  	s0 =	sadd.s32 @!p0 $0x100000, s0;
	[bflag:$0x2] =	sbarrier.arrive $0xFFFF  }
0x55: {  	[sflag:s0] =	ssyncadd.tile.s32 @!p0 $0x1;
	_ =	shalt  }
.Lfunc_end2:
_tile_overlayer_lowered:
.L_overlay_start_2:
0x56: {  	(tag) =	ssettag $0x2  }
0x57: {  	s0 =	rddreg [dreg:$0x0];
	s2 =	stileid.u32  }
0x58: {  	s1 =	rddreg [dreg:$0x1];
	p0 =	sne.s32 s2, $0x0  }
0x59: {  	s3 =	rddreg [dreg:$0x2];
	[bflag:$0x3] =	sbarrier.arrive $0xFFFF;
	s2 =	simm.s32 @!p0 $0x1C01  }
0x5a: {  	[timem:s3], [sflag:s2] =	dma.local @!p0 [hbm:s0], s1  }
0x5b: {  	s0 =	simm.s32 @!p0 $0x1  }
0x5c: {  	_ =	swait.ge @!p0 [sflag:s0], s1  }
0x5d: {  	s1 =	ssub.s32 @!p0 $0x0, s1;
	[sflag:s0] =	ssyncset.done @!p0 $0x0  }
0x5e: {  	[sflag:s0] =	ssyncadd.s32 @!p0 s1  }
0x5f: {  	[bflag:$0x3] =	sbarrier.arrive $0xFFFF  }
0x60: {  	_ =	shalt  }

// kernel: kernel.29.cloned.1.call-start
scs
__scs_entry_jumppad:
0x0: {  	(pc) =	sbr.rel $0x88, $3  }
0x1: {  	(tag) =	ssettag $0x0;
	lr =	simm.s32 $0x1  }
0x2: {  	[smem:$0x3F8D] =	sst lr;
	_ =	strace $0xD0000000  }
0x3: {  	_ = 	snop  }
0x4: {  	_ = 	snop  }
0x5: {  	_ = 	snop  }
0x6: {  	_ = 	snop  }
0x7: {  	_ = 	snop  }
__scs_overlays_trampoline_lowered:
0x8: {  	[smem:$0x3F9C] =	sst s0  }
0x9: {  	[smem:$0x3F9D] =	sst s1  }
0xa: {  	[smem:$0x3F9E] =	sst s2  }
0xb: {  	[smem:$0x3F9F] =	sst s3  }
0xc: {  	[smem:$0x3FA0] =	sst s4  }
0xd: {  	[smem:$0x3FA1] =	sst s5  }
0xe: {  	[smem:$0x3FA2] =	sst s6  }
0xf: {  	[smem:$0x3FA3] =	sst s7  }
0x10: {  	[smem:$0x3FA4] =	sst s8  }
0x11: {  	[smem:$0x3FA5] =	sst s9;
	s0 =	simm.s32 @!p0 $0x0  }
0x12: {  	s1 =	sld [smem:$0x3F8B];
	s0 =	simm.s32 @p0 $0x1  }
0x13: {  	[smem:$0x3FA6] =	sst s0;
	s0 =	simm.s32 @!p1 $0x0  }
0x14: {  	s2 =	sld [smem:$0x3F8A];
	s0 =	simm.s32 @p1 $0x1  }
0x15: {  	[smem:$0x3FA7] =	sst s0;
	s0 =	simm.s32 @!p2 $0x0  }
0x16: {  	s3 =	sld [smem:$0x3FDB];
	s0 =	simm.s32 @p2 $0x1  }
0x17: {  	s4 =	simm.s32 $0x1BF5;
	[smem:$0x3FA9] =	sst s0  }
0x18: {  	s0 =	sld [smem:$0x3F8C];
	_ =	swait.ge [sflag:s4], $0x0  }
0x19: {  	s7 =	sld [smem:$0x3F8D]  }
0x1a: {  	s8 =	sadd.s32 $0xFFFFE003, lr  }
0x1b: {  	s9 =	sadd.s32 $0xFFFFFEF7, lr;
	s5 =	simm.s32 $0xFFFFFFFF;
	p2 =	slt.u32 s8, $0xFFFFF086  }
0x1c: {  	p1 =	slt.u32 s9, $0xF7A;
	s5 =	simm.s32 @!p2 $0x0  }
0x1d: {  	s5 =	simm.s32 @p1 $0x1;
	p0 =	seq.s32 s7, s2  }
0x1e: {  	s7 =	smul.u32 @!p0 $0xF7A, s2;
	p2 =	seq.s32 @!p0 s5, $0x0  }
0x1f: {  	s9 =	smul.u32 $0xF7A, s1;
	s8 =	simm.s32 @!p0 $0x1BF5;
	p2 =	por !p2, p0  }
0x20: {  	[sflag:s8] =	ssyncset.s32 @!p0 $0xFFFFF086;
	s6 =	sadd.s32 @!p0 s3, s7;
	s7 =	simm.s32 @!p0 $0x108  }
0x21: {  	s3 =	sadd.s32 s3, s9;
	s6 =	sadd.s32 @!p0 $0x88, s6;
	s7 =	simm.s32 @p2 $0x1082  }
0x22: {  	[simem:s7], [sflag:s8] =	dma.local @!p0 [hbm:s6], $0xF7A  }
0x23: {  	s9 =	sor.u32 $0xD0000000, s2;
	s6 =	simm.s32 $0x108;
	_ =	swait.ge @!p0 [sflag:s8], $0x0  }
0x24: {  	s3 =	sadd.s32 $0x88, s3;
	s6 =	simm.s32 @!p1 $0x1082;
	[sflag:s4] =	ssyncset.s32 $0xFFFFF086  }
0x25: {  	[simem:s6], [sflag:s4] =	dma.local [hbm:s3], $0xF7A  }
0x26: {  	[smem:$0x3F8D] =	sst s1;
	(tag) =	ssettag s2;
	_ =	strace s9  }
0x27: {  	s1 =	sld [smem:$0x3F9D]  }
0x28: {  	s2 =	sld [smem:$0x3F9E]  }
0x29: {  	s4 =	sld [smem:$0x3FA0]  }
0x2a: {  	p0 =	seq.s32 s5, $0x0;
	s5 =	sld [smem:$0x3FA1]  }
0x2b: {  	s6 =	sld [smem:$0x3FA2]  }
0x2c: {  	s7 =	sld [smem:$0x3FA3]  }
0x2d: {  	s3 =	simm.s32 $0x108;
	s8 =	sld [smem:$0x3FA4]  }
0x2e: {  	s3 =	simm.s32 @!p0 $0x1082;
	s9 =	sld [smem:$0x3FA5]  }
0x2f: {  	lr =	sadd.s32 s0, s3;
	s0 =	sld [smem:$0x3F9C]  }
0x30: {  	s3 =	sld [smem:$0x3F9F]  }
0x31: {  	[smem:$0x3FA8] =	sst s10  }
0x32: {  	s10 =	sld [smem:$0x3FA6];
	_ =	sdelay $0x3  }
0x33: {  	p0 =	seq.s32 s10, $0x1;
	s10 =	sld [smem:$0x3FA8];
	_ =	sdelay $0x3  }
0x34: {  	[smem:$0x3FA8] =	sst s10  }
0x35: {  	s10 =	sld [smem:$0x3FA7];
	_ =	sdelay $0x3  }
0x36: {  	p1 =	seq.s32 s10, $0x1;
	s10 =	sld [smem:$0x3FA8];
	_ =	sdelay $0x3  }
0x37: {  	[smem:$0x3FA8] =	sst s10  }
0x38: {  	s10 =	sld [smem:$0x3FA9]  }
0x39: {  	_ = 	snop;
	(pc) =	sbr.ind lr, $3  }
0x3a: {  	_ = 	snop  }
0x3b: {  	_ = 	snop  }
0x3c: {  	p2 =	seq.s32 s10, $0x1;
	s10 =	sld [smem:$0x3FA8]  }
0x3d: {  	_ =	shalt  }
0x3e: {  	_ =	shalt  }
0x3f: {  	_ =	shalt  }
0x40: {  	_ =	shalt  }
0x41: {  	_ =	shalt  }
0x42: {  	_ =	shalt  }
0x43: {  	_ =	shalt  }
0x44: {  	_ =	shalt  }
0x45: {  	_ =	shalt  }
0x46: {  	_ =	shalt  }
0x47: {  	_ =	shalt  }
0x48: {  	_ =	shalt  }
0x49: {  	_ =	shalt  }
0x4a: {  	_ =	shalt  }
0x4b: {  	_ =	shalt  }
0x4c: {  	_ =	shalt  }
0x4d: {  	_ =	shalt  }
0x4e: {  	_ =	shalt  }
0x4f: {  	_ =	shalt  }
0x50: {  	_ =	shalt  }
0x51: {  	_ =	shalt  }
0x52: {  	_ =	shalt  }
0x53: {  	_ =	shalt  }
0x54: {  	_ =	shalt  }
0x55: {  	_ =	shalt  }
0x56: {  	_ =	shalt  }
0x57: {  	_ =	shalt  }
0x58: {  	_ =	shalt  }
0x59: {  	_ =	shalt  }
0x5a: {  	_ =	shalt  }
0x5b: {  	_ =	shalt  }
0x5c: {  	_ =	shalt  }
0x5d: {  	_ =	shalt  }
0x5e: {  	_ =	shalt  }
0x5f: {  	_ =	shalt  }
0x60: {  	_ =	shalt  }
0x61: {  	_ =	shalt  }
0x62: {  	_ =	shalt  }
0x63: {  	_ =	shalt  }
0x64: {  	_ =	shalt  }
0x65: {  	_ =	shalt  }
0x66: {  	_ =	shalt  }
0x67: {  	_ =	shalt  }
0x68: {  	_ =	shalt  }
0x69: {  	_ =	shalt  }
0x6a: {  	_ =	shalt  }
0x6b: {  	_ =	shalt  }
0x6c: {  	_ =	shalt  }
0x6d: {  	_ =	shalt  }
0x6e: {  	_ =	shalt  }
0x6f: {  	_ =	shalt  }
0x70: {  	_ =	shalt  }
0x71: {  	_ =	shalt  }
0x72: {  	_ =	shalt  }
0x73: {  	_ =	shalt  }
0x74: {  	_ =	shalt  }
0x75: {  	_ =	shalt  }
0x76: {  	_ =	shalt  }
0x77: {  	_ =	shalt  }
0x78: {  	_ =	shalt  }
0x79: {  	_ =	shalt  }
0x7a: {  	_ =	shalt  }
0x7b: {  	_ =	shalt  }
0x7c: {  	_ =	shalt  }
0x7d: {  	_ =	shalt  }
0x7e: {  	_ =	shalt  }
0x7f: {  	_ =	shalt  }
0x80: {  	_ =	shalt  }
0x81: {  	_ =	shalt  }
0x82: {  	_ =	shalt  }
0x83: {  	_ =	shalt  }
0x84: {  	_ =	shalt  }
0x85: {  	_ =	shalt  }
0x86: {  	_ =	shalt  }
0x87: {  	_ =	shalt  }
.Lfunc_end0:
.L_simem_size_0:
called_computation.5_lowered:
.L_overlay_start_0:
0x88: {  	s2 =	sld [smem:$0x3FD9]  }
0x89: {  	s3 =	sld [smem:$0x3FFE];
	_ =	sdelay $0x1  }
0x8a: {  	s1 =	srdreg.scid  }
0x8b: {  	s0 =	sand.u32 $0x1, s1  }
0x8c: {  	s17 =	sshll.u32 s0, $0xA;
	s2 =	sadd.s32 s3, s2  }
0x8d: {  	s2 =	sadd.s32 s2, s17  }
0x8e: {  	[smem:$0x3FB4] =	sst s2  }
0x8f: {  	_ = 	snop  }
0x90: {  	s2 =	sld [smem:$0x3FD0];
	(tm) =	ssettm $0x1  }
0x91: {  	s18 =	sld [smem:$0x3FFB];
	_ =	sdelay $0x3  }
0x92: {  	_ =	strace s18  }
0x93: {  	s3 =	sld [smem:$0x3FFC];
	_ =	sdelay $0x3  }
0x94: {  	_ =	strace s3  }
0x95: {  	s3 =	sld [smem:$0x3FFD];
	_ =	sdelay $0x3  }
0x96: {  	_ =	strace s3  }
0x97: {  	_ =	strace $0x8FFFFFFF  }
0x98: {  	s19 =	sld [smem:$0x3FDB];
	_ =	sdelay $0x1  }
0x99: {  	s4 =	simm.s32 $_scs_section_size  }
0x9a: {  	s5 =	simm.s32 $_size__tile_overlayer_lowered;
	s6 =	simm.s32 $_tile_overlayer_lowered  }
0x9b: {  	s22 =	simm.s32 $0x1BFF;
	s21 =	sshll.u32 s6, $0x1;
	s3 =	sadd.s32 s4, s19  }
0x9c: {  	s7 =	simm.s32 $0x0;
	s20 =	sshll.u32 s5, $0x1;
	s5 =	sadd.s32 s21, s3  }
0x9d: {  	[timem:s7], [sflag:s22] =	dma.local [hbm:s5], s20  }
0x9e: {  	_ =	swait.ge [sflag:s22], s20  }
0x9f: {  	s4 =	ssub.s32 $0x0, s20;
	[sflag:s22] =	ssyncset.done $0x0  }
0xa0: {  	[sflag:s22] =	ssyncadd.s32 s4;
	_ =	sdelay $0x1  }
0xa1: {  	s23 =	simm.s32 $0x1B8B  }
0xa2: {  	_ =	swait.ge [sflag:s23], $0x1  }
0xa3: {  	[sflag:s23] =	ssyncset.done $0x0  }
0xa4: {  	s25 =	simm.s32 $0x1B8E;
	s24 =	sld [smem:$0x3FFE];
	[sflag:s23] =	ssyncadd.s32 $0xFFFFFFFF  }
0xa5: {  	s26 =	simm.s32 $execute0_lowered;
	[smem:$0x3FD2] =	sst s25  }
0xa6: {  	s5 =	sshll.u32 s26, $0x1;
	_ =	strace $0x80000055;
	[dreg:$0x1] =	wrdreg $0xFFFFFFFF  }
0xa7: {  	s28 =	simm.s32 $_size_execute0_lowered;
	s3 =	sadd.s32 s3, s5;
	[dreg:$0x0] =	wrdreg $0x0  }
0xa8: {  	s5 =	sshll.u32 s28, $0x1;
	[dreg:$0x2] =	wrdreg s3  }
0xa9: {  	[dreg:$0x3] =	wrdreg s5  }
0xaa: {  	[dreg:$0x4] =	wrdreg $0xC0  }
0xab: {  	_ =	task [dreg:s7], $0x5FFFF  }
0xac: {  	[dreg:$0x1] =	wrdreg $0xFFFFFFFF  }
0xad: {  	[dreg:$0x0] =	wrdreg $0x60  }
0xae: {  	[dreg:$0x2] =	wrdreg s24  }
0xaf: {  	[dreg:$0x3] =	wrdreg s2  }
0xb0: {  	[dreg:$0x4] =	wrdreg $0x9  }
0xb1: {  	_ =	task.clear_ibuf [dreg:s7], $0x5FFFF;
	_ =	strace $0x90000055  }
0xb2: {  	s29 =	simm.s32 $0x9;
	_ =	strace $0x80000057  }
0xb3: {  	_ =	swait.ge [sflag:s29], $0x1  }
0xb4: {  	[sflag:s29] =	ssyncadd.s32 $0xFFFFFFFF  }
0xb5: {  	_ =	strace $0x90000057  }
0xb6: {  	_ =	sfence  }
0xb7: {  	s30 =	sld [smem:$0x0];
	_ =	sdelay $0x2  }
0xb8: {  	s31 =	sshll.u32 s1, $0xD;
	s1 =	sshrl.u32 s1, $0x2  }
0xb9: {  	s3 =	sand.u32 $0x4000, s31;
	s1 =	sadd.s32 s1, s30  }
0xba: {  	s0 =	sor.u32 s3, s0;
	s1 =	sshll.u32 s1, $0x11  }
0xbb: {  	s0 =	sor.u32 s1, s0  }
0xbc: {  	s0 =	sadd.s32 $0x8F2B, s0  }
0xbd: {  	[sflag:s0] =	ssyncadd.remote.s32 $0x1  }
0xbe: {  	_ =	sfence.sel $0xFFFF  }
0xbf: {  	[dreg:$0x0] =	wrdreg $0xFFFFFFFF;
	(pc) =	sbr.abs _section_cstart, $3  }
0xc0: {  	[dreg:$0x1] =	wrdreg $0xFFFFFFFF  }
0xc1: {  	_ =	task.clear_ibuf [dreg:s7], $0x2FFFF;
	_ =	strace $0x9FFFFFFF  }
0xc2: {  	(tm) =	ssettm $0x7FFFFFFF  }
0xc3: {  	_ =	shalt  }
tec
execute0_lowered:
.L_overlay_start_1:
0x0: {  	(tag) =	ssettag $0x1  }
0x1: {  	s6 =	rddreg [dreg:$0x0];
	s1 =	srdreg.scid  }
0x2: {  	s0 =	stileid.u32;
	s2 =	rddreg [dreg:$0x1];
	s3 =	simm.s32 $0x0  }
0x3: {  	s11 =	simm.s32 $0x16800;
	s12 =	simm.s32 $0x18780;
	s13 =	simm.s32 $0x1A700  }
0x4: {  	s5 =	sand.u32 $0x1, s1;
	s4 =	sshll.u32 s0, $0x1;
	s1 =	rddreg [dreg:$0x2]  }
0x5: {  	s15 =	simm.s32 $0x0;
	[smem:$0x7FF] =	sst s3;
	s14 =	sor.u32 s5, s4  }
0x6: {  	_ =	strace $0x80000056;
	s8 =	ssub.s32 $0x2, s5;
	s7 =	smul.u32 $0x1400, s14  }
0x7: {  	s4 =	sadd.s32 $0x10600, s6;
	s5 =	sadd.s32 $0x6800, s6;
	s31 =	sshrl.u32 s8, $0x1  }
0x8: {  	p0 =	sne.s32 s14, $0x0;
	s14 =	simm.s32 $0xA000;
	s9 =	sadd.s32 s7, s6  }
0x9: {  	s10 =	ssub.s32 s8, s31;
	s6 =	sadd.s32 $0x3C00, s6;
	s7 =	sadd.s32 $0x1A400, s9  }
0xa: {  	v0 =	vimm.f32 $0.0e+00;
	s8 =	sadd.s32 $0x42400, s9;
	s9 =	smax.u32 s10, $0x1;
	s10 =	simm.s32 $0x1  }
.LBB2_1:
0xb: {  	[tilespmem:s3], [sflag:$0x1] =	stream.linear.gather [hbm4b:s7+s3], $0xA000, $0x38;
	[tilespmem:$0x1C680] =	vst v63  }
0xc: {  	_ =	swait.ge [sflag:s10], $0xA000  }
0xd: {  	[sflag:s10] =	ssyncset.done $0x0  }
0xe: {  	s16 =	simm.s32 $0x40;
	s17 =	simm.s32 $0x0;
	[sflag:s10] =	ssyncadd.s32 $0xFFFF6000  }
.LBB2_2:
0xf: {  	p1 =	sne.s32 s16, $0x27FC0;
	[tilespmem:s17+$0xA000] =	vst v0;
	s17 =	smov.u32 s16;
	s16 =	sadd.s32 $0x40, s16  }
.Ltmp0:
0x10: {  	(pc) =	sbr.rel @p1 .LBB2_2-.Ltmp0, $2  }
0x11: {  	_ =	sdelay $0x2  }
0x12: {  	s17 =	sshra.s32 s17, $0x2  }
0x13: {  	[tilespmem:s17+$0xA000] =	vst v0;
	s16 =	simm.s32 $0x0;
	s17 =	simm.s32 $0x40;
	s18 =	simm.s32 $0x0  }
.LBB2_4:
0x14: {  	p1 =	sne.s32 s17, $0x9FC0;
	[tilespmem:s18+$0x14000] =	vst v0;
	s18 =	smov.u32 s17;
	s17 =	sadd.s32 $0x40, s17  }
.Ltmp1:
0x15: {  	(pc) =	sbr.rel @p1 .LBB2_4-.Ltmp1, $2  }
0x16: {  	_ =	sdelay $0x2  }
0x17: {  	s18 =	sshra.s32 s18, $0x2  }
0x18: {  	[tilespmem:s18+$0x14000] =	vst v0  }
.LBB2_6:
0x19: {  	s18 =	smul.u32 $0x3E8, s16;
	_ =	sdelay $0x1  }
0x1a: {  	s17 =	simm.s32 $0x0;
	s19 =	sadd.s32 s4, s18  }
0x1b: {  	[tilespmem:s11], [sflag:$0x1] =	stream.linear.gather [hbm4b:s19+s17], $0x1F40, $0x38;
	[tilespmem:$0x1C680] =	vst v63  }
0x1c: {  	_ =	swait.ge [sflag:s10], $0x1F40  }
0x1d: {  	[sflag:s10] =	ssyncset.done $0x0  }
0x1e: {  	s31 =	sadd.s32 s5, s18;
	[sflag:s10] =	ssyncadd.s32 $0xFFFFE0C0  }
0x1f: {  	[tilespmem:s12], [sflag:$0x1] =	stream.linear.gather [hbm4b:s31+s17], $0x1F40, $0x38;
	[tilespmem:$0x1C680] =	vst v63  }
0x20: {  	_ =	swait.ge [sflag:s10], $0x1F40  }
0x21: {  	[sflag:s10] =	ssyncset.done $0x0  }
0x22: {  	s18 =	sadd.s32 s2, s18;
	[sflag:s10] =	ssyncadd.s32 $0xFFFFE0C0  }
0x23: {  	[tilespmem:s13], [sflag:$0x1] =	stream.linear.gather [hbm4b:s18+s17], $0x1F40, $0x38;
	[tilespmem:$0x1C680] =	vst v63  }
0x24: {  	_ =	swait.ge [sflag:s10], $0x1F40  }
0x25: {  	[sflag:s10] =	ssyncset.done $0x0  }
0x26: {  	[sflag:s10] =	ssyncadd.s32 $0xFFFFE0C0  }
.LBB2_7:
0x27: {  	s18 =	sshra.s32 s17, $0x2  }
0x28: {  	v1 =	vld [tilespmem:s18+$0x16800];
	_ =	sdelay $0x5  }
0x29: {  	v2 =	vld [tilespmem:s18+$0x18780]  }
0x2a: {  	v3 =	vld [tilespmem:s18+$0x1A700]  }
0x2b: {  	v4 =	vld.idx.msk [tilespmem:v1+s3+$0x0], $0xffff;
	_ =	sdelay $0x2  }
0x2c: {  	v5 =	vadd.s32 $0x2800, v1;
	_ =	sdelay $0x1  }
0x2d: {  	v4 =	vmul.f32 v4, v3;
	_ =	sdelay $0x1  }
0x2e: {  	[tilespmem:v2+s14+$0x0] =	vst.idx.add.f32.msk $0xffff, v4  }
0x2f: {  	v4 =	vld.idx.msk [tilespmem:v5+s3+$0x0], $0xffff;
	_ =	sdelay $0x1  }
0x30: {  	v46 =	vadd.s32 $0x2800, v2  }
0x31: {  	v6 =	vadd.s32 $0x5000, v1;
	_ =	sdelay $0x1  }
0x32: {  	v4 =	vmul.f32 v4, v3;
	_ =	sdelay $0x1  }
0x33: {  	[tilespmem:v46+s14+$0x0] =	vst.idx.add.f32.msk $0xffff, v4  }
0x34: {  	v4 =	vld.idx.msk [tilespmem:v6+s3+$0x0], $0xffff;
	_ =	sdelay $0x1  }
0x35: {  	v47 =	vadd.s32 $0x5000, v2  }
0x36: {  	v1 =	vadd.s32 $0x7800, v1;
	_ =	sdelay $0x1  }
0x37: {  	v4 =	vmul.f32 v4, v3;
	_ =	sdelay $0x1  }
0x38: {  	[tilespmem:v47+s14+$0x0] =	vst.idx.add.f32.msk $0xffff, v4  }
0x39: {  	v1 =	vld.idx.msk [tilespmem:v1+s3+$0x0], $0xffff;
	_ =	sdelay $0x1  }
0x3a: {  	v48 =	vadd.s32 $0x7800, v2;
	_ =	sdelay $0x2  }
0x3b: {  	v1 =	vmul.f32 v1, v3;
	_ =	sdelay $0x1  }
0x3c: {  	s19 =	simm.s32 @!p0 $0x14000;
	[tilespmem:v48+s14+$0x0] =	vst.idx.add.f32.msk $0xffff, v1  }
0x3d: {  	[tilespmem:v2+s19+$0x0] =	vst.idx.add.f32.msk @!p0 $0xffff, v3  }
0x3e: {  	v1 =	vld [tilespmem:s18+$0x16810];
	_ =	sdelay $0x5  }
0x3f: {  	v2 =	vld [tilespmem:s18+$0x18790]  }
0x40: {  	v3 =	vld [tilespmem:s18+$0x1A710]  }
0x41: {  	v4 =	vld.idx.msk [tilespmem:v1+s3+$0x0], $0xffff;
	_ =	sdelay $0x2  }
0x42: {  	v49 =	vadd.s32 $0x2800, v1;
	_ =	sdelay $0x1  }
0x43: {  	v4 =	vmul.f32 v4, v3;
	_ =	sdelay $0x1  }
0x44: {  	[tilespmem:v2+s14+$0x0] =	vst.idx.add.f32.msk $0xffff, v4  }
0x45: {  	v4 =	vld.idx.msk [tilespmem:v49+s3+$0x0], $0xffff;
	_ =	sdelay $0x1  }
0x46: {  	v50 =	vadd.s32 $0x2800, v2  }
0x47: {  	v51 =	vadd.s32 $0x5000, v1;
	_ =	sdelay $0x1  }
0x48: {  	v4 =	vmul.f32 v4, v3;
	_ =	sdelay $0x1  }
0x49: {  	[tilespmem:v50+s14+$0x0] =	vst.idx.add.f32.msk $0xffff, v4  }
0x4a: {  	v4 =	vld.idx.msk [tilespmem:v51+s3+$0x0], $0xffff;
	_ =	sdelay $0x1  }
0x4b: {  	v52 =	vadd.s32 $0x5000, v2  }
0x4c: {  	v1 =	vadd.s32 $0x7800, v1;
	_ =	sdelay $0x1  }
0x4d: {  	v4 =	vmul.f32 v4, v3;
	_ =	sdelay $0x1  }
0x4e: {  	[tilespmem:v52+s14+$0x0] =	vst.idx.add.f32.msk $0xffff, v4  }
0x4f: {  	v1 =	vld.idx.msk [tilespmem:v1+s3+$0x0], $0xffff;
	_ =	sdelay $0x1  }
0x50: {  	v53 =	vadd.s32 $0x7800, v2;
	_ =	sdelay $0x2  }
0x51: {  	v1 =	vmul.f32 v1, v3;
	_ =	sdelay $0x1  }
0x52: {  	[tilespmem:v53+s14+$0x0] =	vst.idx.add.f32.msk $0xffff, v1  }
0x53: {  	[tilespmem:v2+s19+$0x0] =	vst.idx.add.f32.msk @!p0 $0xffff, v3  }
0x54: {  	v1 =	vld [tilespmem:s18+$0x16820];
	_ =	sdelay $0x5  }
0x55: {  	v2 =	vld [tilespmem:s18+$0x187A0]  }
0x56: {  	v3 =	vld [tilespmem:s18+$0x1A720]  }
0x57: {  	v4 =	vld.idx.msk [tilespmem:v1+s3+$0x0], $0xffff;
	_ =	sdelay $0x2  }
0x58: {  	v54 =	vadd.s32 $0x2800, v1;
	_ =	sdelay $0x1  }
0x59: {  	v4 =	vmul.f32 v4, v3;
	_ =	sdelay $0x1  }
0x5a: {  	[tilespmem:v2+s14+$0x0] =	vst.idx.add.f32.msk $0xffff, v4  }
0x5b: {  	v4 =	vld.idx.msk [tilespmem:v54+s3+$0x0], $0xffff;
	_ =	sdelay $0x1  }
0x5c: {  	v55 =	vadd.s32 $0x2800, v2  }
0x5d: {  	v56 =	vadd.s32 $0x5000, v1;
	_ =	sdelay $0x1  }
0x5e: {  	v4 =	vmul.f32 v4, v3;
	_ =	sdelay $0x1  }
0x5f: {  	[tilespmem:v55+s14+$0x0] =	vst.idx.add.f32.msk $0xffff, v4  }
0x60: {  	v4 =	vld.idx.msk [tilespmem:v56+s3+$0x0], $0xffff;
	_ =	sdelay $0x1  }
0x61: {  	v57 =	vadd.s32 $0x5000, v2  }
0x62: {  	v1 =	vadd.s32 $0x7800, v1;
	_ =	sdelay $0x1  }
0x63: {  	v4 =	vmul.f32 v4, v3;
	_ =	sdelay $0x1  }
0x64: {  	[tilespmem:v57+s14+$0x0] =	vst.idx.add.f32.msk $0xffff, v4  }
0x65: {  	v1 =	vld.idx.msk [tilespmem:v1+s3+$0x0], $0xffff;
	_ =	sdelay $0x1  }
0x66: {  	v58 =	vadd.s32 $0x7800, v2;
	_ =	sdelay $0x2  }
0x67: {  	v1 =	vmul.f32 v1, v3;
	_ =	sdelay $0x1  }
0x68: {  	[tilespmem:v58+s14+$0x0] =	vst.idx.add.f32.msk $0xffff, v1  }
0x69: {  	[tilespmem:v2+s19+$0x0] =	vst.idx.add.f32.msk @!p0 $0xffff, v3  }
0x6a: {  	v1 =	vld [tilespmem:s18+$0x16830];
	_ =	sdelay $0x5  }
0x6b: {  	v2 =	vld [tilespmem:s18+$0x187B0]  }
0x6c: {  	v3 =	vld [tilespmem:s18+$0x1A730]  }
0x6d: {  	v4 =	vld.idx.msk [tilespmem:v1+s3+$0x0], $0xffff;
	_ =	sdelay $0x2  }
0x6e: {  	v59 =	vadd.s32 $0x2800, v1;
	_ =	sdelay $0x1  }
0x6f: {  	v4 =	vmul.f32 v4, v3;
	_ =	sdelay $0x1  }
0x70: {  	[tilespmem:v2+s14+$0x0] =	vst.idx.add.f32.msk $0xffff, v4  }
0x71: {  	v4 =	vld.idx.msk [tilespmem:v59+s3+$0x0], $0xffff;
	_ =	sdelay $0x1  }
0x72: {  	v60 =	vadd.s32 $0x2800, v2  }
0x73: {  	v61 =	vadd.s32 $0x5000, v1;
	_ =	sdelay $0x1  }
0x74: {  	v4 =	vmul.f32 v4, v3;
	_ =	sdelay $0x1  }
0x75: {  	[tilespmem:v60+s14+$0x0] =	vst.idx.add.f32.msk $0xffff, v4  }
0x76: {  	v4 =	vld.idx.msk [tilespmem:v61+s3+$0x0], $0xffff;
	_ =	sdelay $0x1  }
0x77: {  	v62 =	vadd.s32 $0x5000, v2  }
0x78: {  	v1 =	vadd.s32 $0x7800, v1;
	_ =	sdelay $0x1  }
0x79: {  	v4 =	vmul.f32 v4, v3;
	_ =	sdelay $0x1  }
0x7a: {  	[tilespmem:v62+s14+$0x0] =	vst.idx.add.f32.msk $0xffff, v4  }
0x7b: {  	v1 =	vld.idx.msk [tilespmem:v1+s3+$0x0], $0xffff;
	_ =	sdelay $0x1  }
0x7c: {  	s17 =	sadd.s32 $0x100, s17;
	v63 =	vadd.s32 $0x7800, v2  }
0x7d: {  	p1 =	sne.s32 s17, $0x7D00  }
.Ltmp2:
0x7e: {  	_ = 	snop;
	(pc) =	sbr.rel @p1 .LBB2_7-.Ltmp2, $3  }
0x7f: {  	v1 =	vmul.f32 v1, v3;
	_ =	sdelay $0x1  }
0x80: {  	[tilespmem:v63+s14+$0x0] =	vst.idx.add.f32.msk $0xffff, v1  }
0x81: {  	[tilespmem:v2+s19+$0x0] =	vst.idx.add.f32.msk @!p0 $0xffff, v3  }
0x82: {  	s16 =	sadd.s32 $0x1, s16  }
0x83: {  	p1 =	sne.s32 s16, $0x28  }
.Ltmp3:
0x84: {  	_ = 	snop;
	(pc) =	sbr.rel @p1 .LBB2_6-.Ltmp3, $1  }
0x85: {  	_ =	sdelay $0x3  }
0x86: {  	[hbm4b:s8+s3] =	stream.linear.scatter [tilespmem:s14], [sflag:$0x1], $0xA000, $0x38;
	[tilespmem:$0x1C680] =	vst v63  }
0x87: {  	_ =	swait.ge [sflag:s10], $0xA000  }
0x88: {  	s16 =	simm.s32 @!p0 $0x0;
	s15 =	sadd.s32 $0x1, s15;
	[sflag:s10] =	ssyncset.done $0x0  }
0x89: {  	s17 =	simm.s32 @!p0 $0x14000;
	p1 =	sne.s32 s15, s9;
	[sflag:s10] =	ssyncadd.s32 $0xFFFF6000  }
0x8a: {  	[hbm4b:s6+s16] =	stream.linear.scatter @!p0 [tilespmem:s17], [sflag:$0x1], $0x2800, $0x38;
	[tilespmem:$0x1C680] =	vst v63  }
.Ltmp4:
0x8b: {  	_ = 	snop;
	(pc) =	sbr.rel @p1 .LBB2_1-.Ltmp4, $4  }
0x8c: {  	s16 =	simm.s32 @!p0 $0x1  }
0x8d: {  	_ =	swait.ge @!p0 [sflag:s16], $0x2800  }
0x8e: {  	[sflag:s16] =	ssyncset.done @!p0 $0x0  }
0x8f: {  	[sflag:s16] =	ssyncadd.s32 @!p0 $0xFFFFD800  }
0x90: {  	_ =	sfence.sel $0x180000  }
0x91: {  	[bflag:$0x0] =	sbarrier.arrive $0xFFFF  }
0x92: {  	p0 =	sne.s32 s0, $0x0;
	_ =	strace $0x90000056  }
0x93: {  	s0 =	sadd.s32 @!p0 $0x100000, s1;
	[bflag:$0x2] =	sbarrier.arrive $0xFFFF  }
0x94: {  	[sflag:s0] =	ssyncadd.tile.s32 @!p0 $0x1;
	_ =	shalt  }
.Lfunc_end2:
_tile_overlayer_lowered:
.L_overlay_start_2:
0x95: {  	(tag) =	ssettag $0x2  }
0x96: {  	s0 =	rddreg [dreg:$0x0];
	s2 =	stileid.u32  }
0x97: {  	s1 =	rddreg [dreg:$0x1];
	p0 =	sne.s32 s2, $0x0  }
0x98: {  	s3 =	rddreg [dreg:$0x2];
	[bflag:$0x3] =	sbarrier.arrive $0xFFFF;
	s2 =	simm.s32 @!p0 $0x1C01  }
0x99: {  	[timem:s3], [sflag:s2] =	dma.local @!p0 [hbm:s0], s1  }
0x9a: {  	s0 =	simm.s32 @!p0 $0x1  }
0x9b: {  	_ =	swait.ge @!p0 [sflag:s0], s1  }
0x9c: {  	s1 =	ssub.s32 @!p0 $0x0, s1;
	[sflag:s0] =	ssyncset.done @!p0 $0x0  }
0x9d: {  	[sflag:s0] =	ssyncadd.s32 @!p0 s1  }
0x9e: {  	[bflag:$0x3] =	sbarrier.arrive $0xFFFF  }
0x9f: {  	_ =	shalt  }

</sc_bundles>
